<compile_context>
chip_gen: v7x
topology: tpu7x:2x2x1
jax: 0.10.2.dev20260603
libtpu: 0.0.44.dev20260713+nightly
codegen_flags: <defaults>
</compile_context>

<pallas_src>
import functools

import jax
import jax.numpy as jnp
from jax import lax
from jax.experimental import pallas as pl
from jax.experimental.pallas import tpu as pltpu
from jax.experimental.pallas import tpu_sc as plsc

_MAXLEN = 200
_EMBED = 64
_BATCH = 4096
_NC = 2
_NS = 16
_NW = _NC * _NS
_SEQ_PER_W = _BATCH // _NW
_HA = 96
_HB = _MAXLEN - _HA
_NCHUNK = 2 * _SEQ_PER_W
_NGB = 4
_NSB = 2
_VL = 16
_RU = 8


def _chunk_rows(b):
    return _HA if b % 2 == 0 else _HB


def _make_sc_kernel():
    mesh = plsc.VectorSubcoreMesh(core_axis_name="c", subcore_axis_name="s")

    @functools.partial(
        pl.kernel,
        mesh=mesh,
        compiler_params=pltpu.CompilerParams(use_tc_tiling_on_sc=True),
        out_type=jax.ShapeDtypeStruct((_BATCH, _MAXLEN, _EMBED), jnp.float32),
        scratch_types=[
            pltpu.VMEM_SHARED((_MAXLEN, 2 * _EMBED), jnp.float32),
            pltpu.VMEM((_SEQ_PER_W * _MAXLEN,), jnp.int32),
            pltpu.VMEM((_NGB, _HB, 2 * _EMBED), jnp.float32),
            pltpu.VMEM((_NSB, _HB, _EMBED), jnp.float32),
        ]
        + [pltpu.SemaphoreType.DMA] * (2 * _NGB + _NSB),
    )
    def k(x_hbm, tok_hbm, pos_hbm, out_hbm, pos_sh, idx_v, gbuf, sbuf, *sems):
        isems = sems[:_NGB]
        gsems = sems[_NGB:2 * _NGB]
        osems = sems[2 * _NGB:]
        sid = lax.axis_index("s")
        wid = sid * _NC + lax.axis_index("c")
        seq0 = wid * _SEQ_PER_W

        @pl.when(sid == 0)
        def _():
            pltpu.sync_copy(pos_hbm, pos_sh)
        plsc.subcore_barrier()
        pltpu.sync_copy(x_hbm.at[pl.ds(seq0 * _MAXLEN, _SEQ_PER_W * _MAXLEN)],
                        idx_v)


        def fire_init(b):
            rows = _chunk_rows(b)
            pltpu.async_copy(pos_sh.at[pl.ds((b % 2) * _HA, rows)],
                             gbuf.at[b, pl.ds(0, rows)], isems[b])

        def wait_init(b):
            rows = _chunk_rows(b)
            pltpu.make_async_copy(pos_sh.at[pl.ds((b % 2) * _HA, rows)],
                                  gbuf.at[b, pl.ds(0, rows)], isems[b]).wait()

        def fire_gather(k, b):
            rows = _chunk_rows(b)
            i0 = (k // 2) * _MAXLEN + (b % 2) * _HA
            pltpu.async_copy(tok_hbm.at[idx_v.at[pl.ds(i0, rows)]],
                             gbuf.at[b, pl.ds(0, rows)], gsems[b],
                             add=True)

        def wait_gather(b):
            rows = _chunk_rows(b)
            pltpu.make_async_copy(tok_hbm.at[idx_v.at[pl.ds(0, rows)]],
                                  gbuf.at[b, pl.ds(0, rows)],
                                  gsems[b]).wait()

        def depad(b, s):
            rows = _chunk_rows(b)

            def body(t, carry):
                for r in range(_RU):
                    for j in range(_EMBED // _VL):
                        sbuf[s, t * _RU + r, pl.ds(j * _VL, _VL)] = (
                            gbuf[b, t * _RU + r, pl.ds(j * _VL, _VL)])
                return carry

            lax.fori_loop(0, rows // _RU, body, 0)

        def fire_store(k, s):
            rows = _chunk_rows(s)
            pltpu.async_copy(
                sbuf.at[s, pl.ds(0, rows)],
                out_hbm.at[seq0 + k // 2, pl.ds((s % 2) * _HA, rows)],
                osems[s])

        def wait_store(k, s):
            rows = _chunk_rows(s)
            pltpu.make_async_copy(
                sbuf.at[s, pl.ds(0, rows)],
                out_hbm.at[seq0 + k // 2, pl.ds((s % 2) * _HA, rows)],
                osems[s]).wait()

        for b in range(_NGB):
            fire_init(b)
        for b in range(2):
            wait_init(b)
            fire_gather(b, b)

        def outer(g, carry):
            k0 = g * _NGB
            for b in range(_NGB):
                k = k0 + b
                s = b % _NSB
                c = (b + 2) % _NGB
                @pl.when(k + 2 < _NCHUNK)
                def _():
                    wait_init(c)
                    fire_gather(k + 2, c)
                wait_gather(b)
                @pl.when(k >= _NSB)
                def _():
                    wait_store(k - _NSB, s)
                depad(b, s)
                @pl.when(k + _NGB < _NCHUNK)
                def _():
                    fire_init(b)
                fire_store(k, s)
            return carry

        lax.fori_loop(0, _NCHUNK // _NGB, outer, 0)

        for s in range(_NSB):
            wait_store(_NCHUNK - _NSB + s, s)

    return k


def kernel(x, token_table, pos_table):
    x_flat = x.astype(jnp.int32).reshape(-1)
    tok_p = jnp.pad(token_table, ((0, 0), (0, _EMBED)))
    pos_p = jnp.pad(pos_table, ((0, 0), (0, _EMBED)))
    return _make_sc_kernel()(x_flat, tok_p, pos_p)

# --- scband reference (transcript-rebuilt; emitter-appended) ---
"""Pipeline reference for scband-token-and-position-embedding-64158221468042 (READ-ONLY COPY).

The authoritative reference and input builder live on the scoring server;
editing this copy changes nothing except your own understanding.
"""

import jax, jax.numpy as jnp
import numpy as np

VOCAB = 100000
MAXLEN = 200
EMBED = 64
BATCH = 4096

def setup_inputs(seed: int = 0) -> dict:
    key = jax.random.key(seed)
    k1, k2, k3 = jax.random.split(key, 3)
    x = jax.random.randint(k1, (BATCH, MAXLEN), 0, VOCAB, dtype=jnp.int64) if jax.config.jax_enable_x64 else jax.random.randint(k1, (BATCH, MAXLEN), 0, VOCAB, dtype=jnp.int32)
    token_table = jax.random.normal(k2, (VOCAB, EMBED), dtype=jnp.float32) * 0.05
    pos_table = jax.random.normal(k3, (MAXLEN, EMBED), dtype=jnp.float32) * 0.05
    return {"x": x, "token_table": token_table, "pos_table": pos_table}

def reference(x, token_table, pos_table):
    # positions = range(0, seq_len); pos embedding lookup
    seq_len = x.shape[-1]
    positions = jnp.arange(seq_len)
    pos_emb = jnp.take(pos_table, positions, axis=0)          # [seq_len, embed]
    tok_emb = jnp.take(token_table, x, axis=0)                # [batch, seq_len, embed]
    return tok_emb + pos_emb[None, :, :]

if __name__ == "__main__":
    import jax
    _d = setup_inputs()
    print(jax.jit(kernel)(*tuple(_d.values())))

</pallas_src>

<mosaic_0001>
#map = affine_map<(d0, d1) -> (0)>
#map1 = affine_map<(d0, d1) -> (0, 0)>
#map2 = affine_map<(d0, d1) -> (0, 0, 0)>
module attributes {stable_mosaic.version = 14 : i64} {
  func.func @k(%arg0: i32, %arg1: i32, %arg2: memref<819200xi32, #tpu.memory_space<hbm>>, %arg3: memref<100000x128xf32, #tpu.memory_space<hbm>>, %arg4: memref<200x128xf32, #tpu.memory_space<hbm>>, %arg5: memref<4096x200x64xf32, #tpu.memory_space<hbm>>, %arg6: memref<200x128xf32, #tpu.memory_space<vmem_shared>>, %arg7: memref<25600xi32, #tpu.memory_space<vmem>>, %arg8: memref<4x104x128xf32, #tpu.memory_space<vmem>>, %arg9: memref<2x104x64xf32, #tpu.memory_space<vmem>>, %arg10: memref<!tpu.dma_semaphore, #tpu.memory_space<semaphore_mem>>, %arg11: memref<!tpu.dma_semaphore, #tpu.memory_space<semaphore_mem>>, %arg12: memref<!tpu.dma_semaphore, #tpu.memory_space<semaphore_mem>>, %arg13: memref<!tpu.dma_semaphore, #tpu.memory_space<semaphore_mem>>, %arg14: memref<!tpu.dma_semaphore, #tpu.memory_space<semaphore_mem>>, %arg15: memref<!tpu.dma_semaphore, #tpu.memory_space<semaphore_mem>>, %arg16: memref<!tpu.dma_semaphore, #tpu.memory_space<semaphore_mem>>, %arg17: memref<!tpu.dma_semaphore, #tpu.memory_space<semaphore_mem>>, %arg18: memref<!tpu.dma_semaphore, #tpu.memory_space<semaphore_mem>>, %arg19: memref<!tpu.dma_semaphore, #tpu.memory_space<semaphore_mem>>) attributes {dimension_semantics = [#tpu.dimension_semantics<core_parallel>, #tpu.dimension_semantics<subcore_parallel>], iteration_bounds = array<i64: 2, 16>, scalar_prefetch = 0 : i64, scratch_operands = 14 : i64, tpu.core_type = #tpu.core_type<sc_vector_subcore>, window_params = [{transform_indices = #map}, {transform_indices = #map1}, {transform_indices = #map1}, {transform_indices = #map2}]} {
    %mul3A = arith.constant 2 : i32
    %mul3A_0 = arith.muli %arg1, %mul3A : i32
    %add3A = arith.addi %mul3A_0, %arg0 : i32
    %mul3A_1 = arith.constant 128 : i32
    %mul3A_2 = arith.muli %add3A, %mul3A_1 : i32
    %eq3A = arith.constant 0 : i32
    %eq3A_3 = arith.cmpi eq, %arg1, %eq3A : i32
    %convert_element_type3A = arith.extui %eq3A_3 : i1 to i32
    %cond3A = arith.constant 0 : i32
    %cond3A_4 = arith.cmpi ne, %convert_element_type3A, %cond3A : i32
    scf.if %cond3A_4 {
      "tpu.region"() ({
        %run_scoped3A = tpu.sem_alloc : memref<!tpu.dma_semaphore, #tpu.memory_space<semaphore_mem>>
        tpu.enqueue_dma source(%arg4 : memref<200x128xf32, #tpu.memory_space<hbm>>) target(%arg6 : memref<200x128xf32, #tpu.memory_space<vmem_shared>>) target_semaphore(%run_scoped3A : memref<!tpu.dma_semaphore, #tpu.memory_space<semaphore_mem>>)
        tpu.wait_dma2 semaphore(%run_scoped3A : memref<!tpu.dma_semaphore, #tpu.memory_space<semaphore_mem>>) src(%arg4 : memref<200x128xf32, #tpu.memory_space<hbm>>) dst(%arg6 : memref<200x128xf32, #tpu.memory_space<vmem_shared>>)
        tpu.yield
      }) : () -> ()
    } else {
    }
    %barrier3A = arith.constant 0 : index
    tpu.barrier barrier_id(%barrier3A)
    %mul3A_5 = arith.constant 200 : i32
    %mul3A_6 = arith.muli %mul3A_2, %mul3A_5 : i32
    "tpu.region"() ({
      %run_scoped3A = tpu.sem_alloc : memref<!tpu.dma_semaphore, #tpu.memory_space<semaphore_mem>>
      %dma_start3A_158 = tpu.memref_slice %arg2[%mul3A_6] : memref<819200xi32, #tpu.memory_space<hbm>> -> memref<25600xi32, #tpu.memory_space<hbm>>
      %dma_start3A_159 = tpu.memref_slice %arg2[%mul3A_6] : memref<819200xi32, #tpu.memory_space<hbm>> -> memref<25600xi32, #tpu.memory_space<hbm>>
      tpu.enqueue_dma source(%dma_start3A_159 : memref<25600xi32, #tpu.memory_space<hbm>>) target(%arg7 : memref<25600xi32, #tpu.memory_space<vmem>>) target_semaphore(%run_scoped3A : memref<!tpu.dma_semaphore, #tpu.memory_space<semaphore_mem>>)
      %dma_wait3A_160 = tpu.memref_slice %arg2[%mul3A_6] : memref<819200xi32, #tpu.memory_space<hbm>> -> memref<25600xi32, #tpu.memory_space<hbm>>
      %dma_wait3A_161 = tpu.memref_slice %arg2[%mul3A_6] : memref<819200xi32, #tpu.memory_space<hbm>> -> memref<25600xi32, #tpu.memory_space<hbm>>
      tpu.wait_dma2 semaphore(%run_scoped3A : memref<!tpu.dma_semaphore, #tpu.memory_space<semaphore_mem>>) src(%dma_wait3A_161 : memref<25600xi32, #tpu.memory_space<hbm>>) dst(%arg7 : memref<25600xi32, #tpu.memory_space<vmem>>)
      tpu.yield
    }) : () -> ()
    %dma_start3A = arith.constant 0 : i32
    %dma_start3A_7 = arith.constant 0 : i32
    %dma_start3A_8 = arith.constant 0 : i32
    %dma_start3A_9 = tpu.memref_slice %arg8[%dma_start3A, %dma_start3A_7, %dma_start3A_8] : memref<4x104x128xf32, #tpu.memory_space<vmem>> -> memref<1x96x128xf32, #tpu.memory_space<vmem>>
    %dma_start3A_10 = tpu.memref_squeeze %dma_start3A_9 : memref<1x96x128xf32, #tpu.memory_space<vmem>> -> memref<96x128xf32, #tpu.memory_space<vmem>>
    %dma_start3A_11 = arith.constant 0 : i32
    %dma_start3A_12 = arith.constant 0 : i32
    %dma_start3A_13 = tpu.memref_slice %arg6[%dma_start3A_11, %dma_start3A_12] : memref<200x128xf32, #tpu.memory_space<vmem_shared>> -> memref<96x128xf32, #tpu.memory_space<vmem_shared>>
    %dma_start3A_14 = arith.constant 0 : i32
    %dma_start3A_15 = arith.constant 0 : i32
    %dma_start3A_16 = tpu.memref_slice %arg8[%dma_start3A, %dma_start3A_14, %dma_start3A_15] : memref<4x104x128xf32, #tpu.memory_space<vmem>> -> memref<1x96x128xf32, #tpu.memory_space<vmem>>
    %dma_start3A_17 = tpu.memref_squeeze %dma_start3A_16 : memref<1x96x128xf32, #tpu.memory_space<vmem>> -> memref<96x128xf32, #tpu.memory_space<vmem>>
    %dma_start3A_18 = arith.constant 0 : i32
    %dma_start3A_19 = arith.constant 0 : i32
    %dma_start3A_20 = tpu.memref_slice %arg6[%dma_start3A_18, %dma_start3A_19] : memref<200x128xf32, #tpu.memory_space<vmem_shared>> -> memref<96x128xf32, #tpu.memory_space<vmem_shared>>
    tpu.enqueue_dma source(%dma_start3A_20 : memref<96x128xf32, #tpu.memory_space<vmem_shared>>) target(%dma_start3A_17 : memref<96x128xf32, #tpu.memory_space<vmem>>) target_semaphore(%arg10 : memref<!tpu.dma_semaphore, #tpu.memory_space<semaphore_mem>>)
    %dma_start3A_21 = arith.constant 1 : i32
    %dma_start3A_22 = arith.constant 0 : i32
    %dma_start3A_23 = arith.constant 0 : i32
    %dma_start3A_24 = tpu.memref_slice %arg8[%dma_start3A_21, %dma_start3A_22, %dma_start3A_23] : memref<4x104x128xf32, #tpu.memory_space<vmem>> -> memref<1x104x128xf32, #tpu.memory_space<vmem>>
    %dma_start3A_25 = tpu.memref_squeeze %dma_start3A_24 : memref<1x104x128xf32, #tpu.memory_space<vmem>> -> memref<104x128xf32, #tpu.memory_space<vmem>>
    %dma_start3A_26 = arith.constant 96 : i32
    %dma_start3A_27 = arith.constant 0 : i32
    %dma_start3A_28 = tpu.memref_slice %arg6[%dma_start3A_26, %dma_start3A_27] : memref<200x128xf32, #tpu.memory_space<vmem_shared>> -> memref<104x128xf32, #tpu.memory_space<vmem_shared>>
    %dma_start3A_29 = arith.constant 0 : i32
    %dma_start3A_30 = arith.constant 0 : i32
    %dma_start3A_31 = tpu.memref_slice %arg8[%dma_start3A_21, %dma_start3A_29, %dma_start3A_30] : memref<4x104x128xf32, #tpu.memory_space<vmem>> -> memref<1x104x128xf32, #tpu.memory_space<vmem>>
    %dma_start3A_32 = tpu.memref_squeeze %dma_start3A_31 : memref<1x104x128xf32, #tpu.memory_space<vmem>> -> memref<104x128xf32, #tpu.memory_space<vmem>>
    %dma_start3A_33 = arith.constant 96 : i32
    %dma_start3A_34 = arith.constant 0 : i32
    %dma_start3A_35 = tpu.memref_slice %arg6[%dma_start3A_33, %dma_start3A_34] : memref<200x128xf32, #tpu.memory_space<vmem_shared>> -> memref<104x128xf32, #tpu.memory_space<vmem_shared>>
    tpu.enqueue_dma source(%dma_start3A_35 : memref<104x128xf32, #tpu.memory_space<vmem_shared>>) target(%dma_start3A_32 : memref<104x128xf32, #tpu.memory_space<vmem>>) target_semaphore(%arg11 : memref<!tpu.dma_semaphore, #tpu.memory_space<semaphore_mem>>)
    %dma_start3A_36 = arith.constant 2 : i32
    %dma_start3A_37 = arith.constant 0 : i32
    %dma_start3A_38 = arith.constant 0 : i32
    %dma_start3A_39 = tpu.memref_slice %arg8[%dma_start3A_36, %dma_start3A_37, %dma_start3A_38] : memref<4x104x128xf32, #tpu.memory_space<vmem>> -> memref<1x96x128xf32, #tpu.memory_space<vmem>>
    %dma_start3A_40 = tpu.memref_squeeze %dma_start3A_39 : memref<1x96x128xf32, #tpu.memory_space<vmem>> -> memref<96x128xf32, #tpu.memory_space<vmem>>
    %dma_start3A_41 = arith.constant 0 : i32
    %dma_start3A_42 = arith.constant 0 : i32
    %dma_start3A_43 = tpu.memref_slice %arg6[%dma_start3A_41, %dma_start3A_42] : memref<200x128xf32, #tpu.memory_space<vmem_shared>> -> memref<96x128xf32, #tpu.memory_space<vmem_shared>>
    %dma_start3A_44 = arith.constant 0 : i32
    %dma_start3A_45 = arith.constant 0 : i32
    %dma_start3A_46 = tpu.memref_slice %arg8[%dma_start3A_36, %dma_start3A_44, %dma_start3A_45] : memref<4x104x128xf32, #tpu.memory_space<vmem>> -> memref<1x96x128xf32, #tpu.memory_space<vmem>>
    %dma_start3A_47 = tpu.memref_squeeze %dma_start3A_46 : memref<1x96x128xf32, #tpu.memory_space<vmem>> -> memref<96x128xf32, #tpu.memory_space<vmem>>
    %dma_start3A_48 = arith.constant 0 : i32
    %dma_start3A_49 = arith.constant 0 : i32
    %dma_start3A_50 = tpu.memref_slice %arg6[%dma_start3A_48, %dma_start3A_49] : memref<200x128xf32, #tpu.memory_space<vmem_shared>> -> memref<96x128xf32, #tpu.memory_space<vmem_shared>>
    tpu.enqueue_dma source(%dma_start3A_50 : memref<96x128xf32, #tpu.memory_space<vmem_shared>>) target(%dma_start3A_47 : memref<96x128xf32, #tpu.memory_space<vmem>>) target_semaphore(%arg12 : memref<!tpu.dma_semaphore, #tpu.memory_space<semaphore_mem>>)
    %dma_start3A_51 = arith.constant 3 : i32
    %dma_start3A_52 = arith.constant 0 : i32
    %dma_start3A_53 = arith.constant 0 : i32
    %dma_start3A_54 = tpu.memref_slice %arg8[%dma_start3A_51, %dma_start3A_52, %dma_start3A_53] : memref<4x104x128xf32, #tpu.memory_space<vmem>> -> memref<1x104x128xf32, #tpu.memory_space<vmem>>
    %dma_start3A_55 = tpu.memref_squeeze %dma_start3A_54 : memref<1x104x128xf32, #tpu.memory_space<vmem>> -> memref<104x128xf32, #tpu.memory_space<vmem>>
    %dma_start3A_56 = arith.constant 96 : i32
    %dma_start3A_57 = arith.constant 0 : i32
    %dma_start3A_58 = tpu.memref_slice %arg6[%dma_start3A_56, %dma_start3A_57] : memref<200x128xf32, #tpu.memory_space<vmem_shared>> -> memref<104x128xf32, #tpu.memory_space<vmem_shared>>
    %dma_start3A_59 = arith.constant 0 : i32
    %dma_start3A_60 = arith.constant 0 : i32
    %dma_start3A_61 = tpu.memref_slice %arg8[%dma_start3A_51, %dma_start3A_59, %dma_start3A_60] : memref<4x104x128xf32, #tpu.memory_space<vmem>> -> memref<1x104x128xf32, #tpu.memory_space<vmem>>
    %dma_start3A_62 = tpu.memref_squeeze %dma_start3A_61 : memref<1x104x128xf32, #tpu.memory_space<vmem>> -> memref<104x128xf32, #tpu.memory_space<vmem>>
    %dma_start3A_63 = arith.constant 96 : i32
    %dma_start3A_64 = arith.constant 0 : i32
    %dma_start3A_65 = tpu.memref_slice %arg6[%dma_start3A_63, %dma_start3A_64] : memref<200x128xf32, #tpu.memory_space<vmem_shared>> -> memref<104x128xf32, #tpu.memory_space<vmem_shared>>
    tpu.enqueue_dma source(%dma_start3A_65 : memref<104x128xf32, #tpu.memory_space<vmem_shared>>) target(%dma_start3A_62 : memref<104x128xf32, #tpu.memory_space<vmem>>) target_semaphore(%arg13 : memref<!tpu.dma_semaphore, #tpu.memory_space<semaphore_mem>>)
    %dma_wait3A = arith.constant 0 : i32
    %dma_wait3A_66 = arith.constant 0 : i32
    %dma_wait3A_67 = arith.constant 0 : i32
    %dma_wait3A_68 = tpu.memref_slice %arg8[%dma_wait3A, %dma_wait3A_66, %dma_wait3A_67] : memref<4x104x128xf32, #tpu.memory_space<vmem>> -> memref<1x96x128xf32, #tpu.memory_space<vmem>>
    %dma_wait3A_69 = tpu.memref_squeeze %dma_wait3A_68 : memref<1x96x128xf32, #tpu.memory_space<vmem>> -> memref<96x128xf32, #tpu.memory_space<vmem>>
    %dma_wait3A_70 = arith.constant 0 : i32
    %dma_wait3A_71 = arith.constant 0 : i32
    %dma_wait3A_72 = tpu.memref_slice %arg6[%dma_wait3A_70, %dma_wait3A_71] : memref<200x128xf32, #tpu.memory_space<vmem_shared>> -> memref<96x128xf32, #tpu.memory_space<vmem_shared>>
    %dma_wait3A_73 = arith.constant 0 : i32
    %dma_wait3A_74 = arith.constant 0 : i32
    %dma_wait3A_75 = tpu.memref_slice %arg8[%dma_wait3A, %dma_wait3A_73, %dma_wait3A_74] : memref<4x104x128xf32, #tpu.memory_space<vmem>> -> memref<1x96x128xf32, #tpu.memory_space<vmem>>
    %dma_wait3A_76 = tpu.memref_squeeze %dma_wait3A_75 : memref<1x96x128xf32, #tpu.memory_space<vmem>> -> memref<96x128xf32, #tpu.memory_space<vmem>>
    %dma_wait3A_77 = arith.constant 0 : i32
    %dma_wait3A_78 = arith.constant 0 : i32
    %dma_wait3A_79 = tpu.memref_slice %arg6[%dma_wait3A_77, %dma_wait3A_78] : memref<200x128xf32, #tpu.memory_space<vmem_shared>> -> memref<96x128xf32, #tpu.memory_space<vmem_shared>>
    tpu.wait_dma2 semaphore(%arg10 : memref<!tpu.dma_semaphore, #tpu.memory_space<semaphore_mem>>) src(%dma_wait3A_79 : memref<96x128xf32, #tpu.memory_space<vmem_shared>>) dst(%dma_wait3A_76 : memref<96x128xf32, #tpu.memory_space<vmem>>)
    %dma_start3A_80 = arith.constant 0 : i32
    %dma_start3A_81 = arith.constant 0 : i32
    %dma_start3A_82 = arith.constant 0 : i32
    %dma_start3A_83 = tpu.memref_slice %arg8[%dma_start3A_80, %dma_start3A_81, %dma_start3A_82] : memref<4x104x128xf32, #tpu.memory_space<vmem>> -> memref<1x96x128xf32, #tpu.memory_space<vmem>>
    %dma_start3A_84 = tpu.memref_squeeze %dma_start3A_83 : memref<1x96x128xf32, #tpu.memory_space<vmem>> -> memref<96x128xf32, #tpu.memory_space<vmem>>
    %dma_start3A_85 = arith.constant 0 : i32
    %dma_start3A_86 = tpu.memref_slice %arg7[%dma_start3A_85] : memref<25600xi32, #tpu.memory_space<vmem>> -> memref<96xi32, #tpu.memory_space<vmem>>
    %dma_start3A_87 = arith.constant 0 : i32
    %dma_start3A_88 = arith.constant 0 : i32
    %dma_start3A_89 = tpu.memref_slice %arg3[%dma_start3A_87, %dma_start3A_88] : memref<100000x128xf32, #tpu.memory_space<hbm>> -> memref<100000x128xf32, #tpu.memory_space<hbm>>
    tpu.enqueue_indirect_dma source(%dma_start3A_89 : memref<100000x128xf32, #tpu.memory_space<hbm>>) target(%dma_start3A_84 : memref<96x128xf32, #tpu.memory_space<vmem>>) offsets(%dma_start3A_86 : memref<96xi32, #tpu.memory_space<vmem>>) semaphore(%arg14 : memref<!tpu.dma_semaphore, #tpu.memory_space<semaphore_mem>>) {add = true}
    %dma_wait3A_90 = arith.constant 1 : i32
    %dma_wait3A_91 = arith.constant 0 : i32
    %dma_wait3A_92 = arith.constant 0 : i32
    %dma_wait3A_93 = tpu.memref_slice %arg8[%dma_wait3A_90, %dma_wait3A_91, %dma_wait3A_92] : memref<4x104x128xf32, #tpu.memory_space<vmem>> -> memref<1x104x128xf32, #tpu.memory_space<vmem>>
    %dma_wait3A_94 = tpu.memref_squeeze %dma_wait3A_93 : memref<1x104x128xf32, #tpu.memory_space<vmem>> -> memref<104x128xf32, #tpu.memory_space<vmem>>
    %dma_wait3A_95 = arith.constant 96 : i32
    %dma_wait3A_96 = arith.constant 0 : i32
    %dma_wait3A_97 = tpu.memref_slice %arg6[%dma_wait3A_95, %dma_wait3A_96] : memref<200x128xf32, #tpu.memory_space<vmem_shared>> -> memref<104x128xf32, #tpu.memory_space<vmem_shared>>
    %dma_wait3A_98 = arith.constant 0 : i32
    %dma_wait3A_99 = arith.constant 0 : i32
    %dma_wait3A_100 = tpu.memref_slice %arg8[%dma_wait3A_90, %dma_wait3A_98, %dma_wait3A_99] : memref<4x104x128xf32, #tpu.memory_space<vmem>> -> memref<1x104x128xf32, #tpu.memory_space<vmem>>
    %dma_wait3A_101 = tpu.memref_squeeze %dma_wait3A_100 : memref<1x104x128xf32, #tpu.memory_space<vmem>> -> memref<104x128xf32, #tpu.memory_space<vmem>>
    %dma_wait3A_102 = arith.constant 96 : i32
    %dma_wait3A_103 = arith.constant 0 : i32
    %dma_wait3A_104 = tpu.memref_slice %arg6[%dma_wait3A_102, %dma_wait3A_103] : memref<200x128xf32, #tpu.memory_space<vmem_shared>> -> memref<104x128xf32, #tpu.memory_space<vmem_shared>>
    tpu.wait_dma2 semaphore(%arg11 : memref<!tpu.dma_semaphore, #tpu.memory_space<semaphore_mem>>) src(%dma_wait3A_104 : memref<104x128xf32, #tpu.memory_space<vmem_shared>>) dst(%dma_wait3A_101 : memref<104x128xf32, #tpu.memory_space<vmem>>)
    %dma_start3A_105 = arith.constant 1 : i32
    %dma_start3A_106 = arith.constant 0 : i32
    %dma_start3A_107 = arith.constant 0 : i32
    %dma_start3A_108 = tpu.memref_slice %arg8[%dma_start3A_105, %dma_start3A_106, %dma_start3A_107] : memref<4x104x128xf32, #tpu.memory_space<vmem>> -> memref<1x104x128xf32, #tpu.memory_space<vmem>>
    %dma_start3A_109 = tpu.memref_squeeze %dma_start3A_108 : memref<1x104x128xf32, #tpu.memory_space<vmem>> -> memref<104x128xf32, #tpu.memory_space<vmem>>
    %dma_start3A_110 = arith.constant 96 : i32
    %dma_start3A_111 = tpu.memref_slice %arg7[%dma_start3A_110] : memref<25600xi32, #tpu.memory_space<vmem>> -> memref<104xi32, #tpu.memory_space<vmem>>
    %dma_start3A_112 = arith.constant 0 : i32
    %dma_start3A_113 = arith.constant 0 : i32
    %dma_start3A_114 = tpu.memref_slice %arg3[%dma_start3A_112, %dma_start3A_113] : memref<100000x128xf32, #tpu.memory_space<hbm>> -> memref<100000x128xf32, #tpu.memory_space<hbm>>
    tpu.enqueue_indirect_dma source(%dma_start3A_114 : memref<100000x128xf32, #tpu.memory_space<hbm>>) target(%dma_start3A_109 : memref<104x128xf32, #tpu.memory_space<vmem>>) offsets(%dma_start3A_111 : memref<104xi32, #tpu.memory_space<vmem>>) semaphore(%arg15 : memref<!tpu.dma_semaphore, #tpu.memory_space<semaphore_mem>>) {add = true}
    %scan3A = arith.constant 0 : i32
    %scan3A_115 = arith.constant 0 : i32
    %scan3A_116 = arith.constant 64 : i32
    %scan3A_117 = arith.addi %scan3A_115, %scan3A_116 : i32
    %scan3A_118 = arith.constant 1 : i32
    scf.for %scan3A_158 = %scan3A_115 to %scan3A_117 step %scan3A_118  : i32 {
      %mul3A_159 = arith.constant 4 : i32
      %mul3A_160 = arith.muli %scan3A_158, %mul3A_159 : i32
      %add3A_161 = arith.constant 0 : i32
      %add3A_162 = arith.addi %mul3A_160, %add3A_161 : i32
      %add3A_163 = arith.constant 2 : i32
      %add3A_164 = arith.addi %add3A_162, %add3A_163 : i32
      %lt3A = arith.constant 256 : i32
      %lt3A_165 = arith.cmpi slt, %add3A_164, %lt3A : i32
      %convert_element_type3A_166 = arith.extui %lt3A_165 : i1 to i32
      %cond3A_167 = arith.constant 0 : i32
      %cond3A_168 = arith.cmpi ne, %convert_element_type3A_166, %cond3A_167 : i32
      scf.if %cond3A_168 {
        %dma_wait3A_467 = arith.constant 2 : i32
        %dma_wait3A_468 = arith.constant 0 : i32
        %dma_wait3A_469 = arith.constant 0 : i32
        %dma_wait3A_470 = tpu.memref_slice %arg8[%dma_wait3A_467, %dma_wait3A_468, %dma_wait3A_469] : memref<4x104x128xf32, #tpu.memory_space<vmem>> -> memref<1x96x128xf32, #tpu.memory_space<vmem>>
        %dma_wait3A_471 = tpu.memref_squeeze %dma_wait3A_470 : memref<1x96x128xf32, #tpu.memory_space<vmem>> -> memref<96x128xf32, #tpu.memory_space<vmem>>
        %dma_wait3A_472 = arith.constant 0 : i32
        %dma_wait3A_473 = arith.constant 0 : i32
        %dma_wait3A_474 = tpu.memref_slice %arg6[%dma_wait3A_472, %dma_wait3A_473] : memref<200x128xf32, #tpu.memory_space<vmem_shared>> -> memref<96x128xf32, #tpu.memory_space<vmem_shared>>
        %dma_wait3A_475 = arith.constant 0 : i32
        %dma_wait3A_476 = arith.constant 0 : i32
        %dma_wait3A_477 = tpu.memref_slice %arg8[%dma_wait3A_467, %dma_wait3A_475, %dma_wait3A_476] : memref<4x104x128xf32, #tpu.memory_space<vmem>> -> memref<1x96x128xf32, #tpu.memory_space<vmem>>
        %dma_wait3A_478 = tpu.memref_squeeze %dma_wait3A_477 : memref<1x96x128xf32, #tpu.memory_space<vmem>> -> memref<96x128xf32, #tpu.memory_space<vmem>>
        %dma_wait3A_479 = arith.constant 0 : i32
        %dma_wait3A_480 = arith.constant 0 : i32
        %dma_wait3A_481 = tpu.memref_slice %arg6[%dma_wait3A_479, %dma_wait3A_480] : memref<200x128xf32, #tpu.memory_space<vmem_shared>> -> memref<96x128xf32, #tpu.memory_space<vmem_shared>>
        tpu.wait_dma2 semaphore(%arg12 : memref<!tpu.dma_semaphore, #tpu.memory_space<semaphore_mem>>) src(%dma_wait3A_481 : memref<96x128xf32, #tpu.memory_space<vmem_shared>>) dst(%dma_wait3A_478 : memref<96x128xf32, #tpu.memory_space<vmem>>)
        %add3A_482 = arith.constant 2 : i32
        %add3A_483 = arith.addi %add3A_162, %add3A_482 : i32
        %jit3A_484 = arith.constant 2 : i32
        %div3A_485 = arith.divsi %add3A_483, %jit3A_484 : i32
        %sign3A_486 = arith.constant 0 : i32
        %sign3A_487 = arith.cmpi sgt, %add3A_483, %sign3A_486 : i32
        %sign3A_488 = arith.extui %sign3A_487 : i1 to i32
        %sign3A_489 = arith.constant 0 : i32
        %sign3A_490 = arith.cmpi slt, %add3A_483, %sign3A_489 : i32
        %sign3A_491 = arith.extui %sign3A_490 : i1 to i32
        %sign3A_492 = arith.subi %sign3A_488, %sign3A_491 : i32
        %sign3A_493 = arith.constant 0 : i32
        %sign3A_494 = arith.cmpi sgt, %jit3A_484, %sign3A_493 : i32
        %sign3A_495 = arith.extui %sign3A_494 : i1 to i32
        %sign3A_496 = arith.constant 0 : i32
        %sign3A_497 = arith.cmpi slt, %jit3A_484, %sign3A_496 : i32
        %sign3A_498 = arith.extui %sign3A_497 : i1 to i32
        %sign3A_499 = arith.subi %sign3A_495, %sign3A_498 : i32
        %ne3A_500 = arith.cmpi ne, %sign3A_492, %sign3A_499 : i32
        %rem3A_501 = arith.remsi %add3A_483, %jit3A_484 : i32
        %ne3A_502 = arith.constant 0 : i32
        %ne3A_503 = arith.cmpi ne, %rem3A_501, %ne3A_502 : i32
        %and3A_504 = arith.andi %ne3A_500, %ne3A_503 : i1
        %sub3A_505 = arith.constant 1 : i32
        %sub3A_506 = arith.subi %div3A_485, %sub3A_505 : i32
        %select_n3A_507 = arith.select %and3A_504, %sub3A_506, %div3A_485 : i32
        %mul3A_508 = arith.constant 200 : i32
        %mul3A_509 = arith.muli %select_n3A_507, %mul3A_508 : i32
        %add3A_510 = arith.constant 0 : i32
        %add3A_511 = arith.addi %mul3A_509, %add3A_510 : i32
        %dma_start3A_512 = arith.constant 2 : i32
        %dma_start3A_513 = arith.constant 0 : i32
        %dma_start3A_514 = arith.constant 0 : i32
        %dma_start3A_515 = tpu.memref_slice %arg8[%dma_start3A_512, %dma_start3A_513, %dma_start3A_514] : memref<4x104x128xf32, #tpu.memory_space<vmem>> -> memref<1x96x128xf32, #tpu.memory_space<vmem>>
        %dma_start3A_516 = tpu.memref_squeeze %dma_start3A_515 : memref<1x96x128xf32, #tpu.memory_space<vmem>> -> memref<96x128xf32, #tpu.memory_space<vmem>>
        %dma_start3A_517 = tpu.memref_slice %arg7[%add3A_511] : memref<25600xi32, #tpu.memory_space<vmem>> -> memref<96xi32, #tpu.memory_space<vmem>>
        %dma_start3A_518 = arith.constant 0 : i32
        %dma_start3A_519 = arith.constant 0 : i32
        %dma_start3A_520 = tpu.memref_slice %arg3[%dma_start3A_518, %dma_start3A_519] : memref<100000x128xf32, #tpu.memory_space<hbm>> -> memref<100000x128xf32, #tpu.memory_space<hbm>>
        tpu.enqueue_indirect_dma source(%dma_start3A_520 : memref<100000x128xf32, #tpu.memory_space<hbm>>) target(%dma_start3A_516 : memref<96x128xf32, #tpu.memory_space<vmem>>) offsets(%dma_start3A_517 : memref<96xi32, #tpu.memory_space<vmem>>) semaphore(%arg16 : memref<!tpu.dma_semaphore, #tpu.memory_space<semaphore_mem>>) {add = true}
      } else {
      }
      %dma_wait3A_169 = arith.constant 0 : i32
      %dma_wait3A_170 = arith.constant 0 : i32
      %dma_wait3A_171 = arith.constant 0 : i32
      %dma_wait3A_172 = tpu.memref_slice %arg8[%dma_wait3A_169, %dma_wait3A_170, %dma_wait3A_171] : memref<4x104x128xf32, #tpu.memory_space<vmem>> -> memref<1x96x128xf32, #tpu.memory_space<vmem>>
      %dma_wait3A_173 = tpu.memref_squeeze %dma_wait3A_172 : memref<1x96x128xf32, #tpu.memory_space<vmem>> -> memref<96x128xf32, #tpu.memory_space<vmem>>
      %dma_wait3A_174 = arith.constant 0 : i32
      %dma_wait3A_175 = tpu.memref_slice %arg7[%dma_wait3A_174] : memref<25600xi32, #tpu.memory_space<vmem>> -> memref<96xi32, #tpu.memory_space<vmem>>
      %dma_wait3A_176 = arith.constant 0 : i32
      %dma_wait3A_177 = arith.constant 0 : i32
      %dma_wait3A_178 = tpu.memref_slice %arg3[%dma_wait3A_176, %dma_wait3A_177] : memref<100000x128xf32, #tpu.memory_space<hbm>> -> memref<100000x128xf32, #tpu.memory_space<hbm>>
      tpu.wait_indirect_dma semaphore(%arg14 : memref<!tpu.dma_semaphore, #tpu.memory_space<semaphore_mem>>) src(%dma_wait3A_178 : memref<100000x128xf32, #tpu.memory_space<hbm>>) dst(%dma_wait3A_173 : memref<96x128xf32, #tpu.memory_space<vmem>>)
      %ge3A = arith.constant 2 : i32
      %ge3A_179 = arith.cmpi sge, %add3A_162, %ge3A : i32
      %convert_element_type3A_180 = arith.extui %ge3A_179 : i1 to i32
      %cond3A_181 = arith.constant 0 : i32
      %cond3A_182 = arith.cmpi ne, %convert_element_type3A_180, %cond3A_181 : i32
      scf.if %cond3A_182 {
        %sub3A_467 = arith.constant 2 : i32
        %sub3A_468 = arith.subi %add3A_162, %sub3A_467 : i32
        %jit3A_469 = arith.constant 2 : i32
        %div3A_470 = arith.divsi %sub3A_468, %jit3A_469 : i32
        %sign3A_471 = arith.constant 0 : i32
        %sign3A_472 = arith.cmpi sgt, %sub3A_468, %sign3A_471 : i32
        %sign3A_473 = arith.extui %sign3A_472 : i1 to i32
        %sign3A_474 = arith.constant 0 : i32
        %sign3A_475 = arith.cmpi slt, %sub3A_468, %sign3A_474 : i32
        %sign3A_476 = arith.extui %sign3A_475 : i1 to i32
        %sign3A_477 = arith.subi %sign3A_473, %sign3A_476 : i32
        %sign3A_478 = arith.constant 0 : i32
        %sign3A_479 = arith.cmpi sgt, %jit3A_469, %sign3A_478 : i32
        %sign3A_480 = arith.extui %sign3A_479 : i1 to i32
        %sign3A_481 = arith.constant 0 : i32
        %sign3A_482 = arith.cmpi slt, %jit3A_469, %sign3A_481 : i32
        %sign3A_483 = arith.extui %sign3A_482 : i1 to i32
        %sign3A_484 = arith.subi %sign3A_480, %sign3A_483 : i32
        %ne3A_485 = arith.cmpi ne, %sign3A_477, %sign3A_484 : i32
        %rem3A_486 = arith.remsi %sub3A_468, %jit3A_469 : i32
        %ne3A_487 = arith.constant 0 : i32
        %ne3A_488 = arith.cmpi ne, %rem3A_486, %ne3A_487 : i32
        %and3A_489 = arith.andi %ne3A_485, %ne3A_488 : i1
        %sub3A_490 = arith.constant 1 : i32
        %sub3A_491 = arith.subi %div3A_470, %sub3A_490 : i32
        %select_n3A_492 = arith.select %and3A_489, %sub3A_491, %div3A_470 : i32
        %add3A_493 = arith.addi %mul3A_2, %select_n3A_492 : i32
        %dma_wait3A_494 = arith.constant 0 : i32
        %dma_wait3A_495 = arith.constant 0 : i32
        %dma_wait3A_496 = arith.constant 0 : i32
        %dma_wait3A_497 = tpu.memref_slice %arg9[%dma_wait3A_494, %dma_wait3A_495, %dma_wait3A_496] : memref<2x104x64xf32, #tpu.memory_space<vmem>> -> memref<1x96x64xf32, #tpu.memory_space<vmem>>
        %dma_wait3A_498 = tpu.memref_squeeze %dma_wait3A_497 : memref<1x96x64xf32, #tpu.memory_space<vmem>> -> memref<96x64xf32, #tpu.memory_space<vmem>>
        %dma_wait3A_499 = arith.constant 0 : i32
        %dma_wait3A_500 = arith.constant 0 : i32
        %dma_wait3A_501 = tpu.memref_slice %arg5[%add3A_493, %dma_wait3A_499, %dma_wait3A_500] : memref<4096x200x64xf32, #tpu.memory_space<hbm>> -> memref<1x96x64xf32, #tpu.memory_space<hbm>>
        %dma_wait3A_502 = tpu.memref_squeeze %dma_wait3A_501 : memref<1x96x64xf32, #tpu.memory_space<hbm>> -> memref<96x64xf32, #tpu.memory_space<hbm>>
        %dma_wait3A_503 = arith.constant 0 : i32
        %dma_wait3A_504 = arith.constant 0 : i32
        %dma_wait3A_505 = tpu.memref_slice %arg5[%add3A_493, %dma_wait3A_503, %dma_wait3A_504] : memref<4096x200x64xf32, #tpu.memory_space<hbm>> -> memref<1x96x64xf32, #tpu.memory_space<hbm>>
        %dma_wait3A_506 = tpu.memref_squeeze %dma_wait3A_505 : memref<1x96x64xf32, #tpu.memory_space<hbm>> -> memref<96x64xf32, #tpu.memory_space<hbm>>
        %dma_wait3A_507 = arith.constant 0 : i32
        %dma_wait3A_508 = arith.constant 0 : i32
        %dma_wait3A_509 = tpu.memref_slice %arg9[%dma_wait3A_494, %dma_wait3A_507, %dma_wait3A_508] : memref<2x104x64xf32, #tpu.memory_space<vmem>> -> memref<1x96x64xf32, #tpu.memory_space<vmem>>
        %dma_wait3A_510 = tpu.memref_squeeze %dma_wait3A_509 : memref<1x96x64xf32, #tpu.memory_space<vmem>> -> memref<96x64xf32, #tpu.memory_space<vmem>>
        tpu.wait_dma2 semaphore(%arg18 : memref<!tpu.dma_semaphore, #tpu.memory_space<semaphore_mem>>) src(%dma_wait3A_510 : memref<96x64xf32, #tpu.memory_space<vmem>>) dst(%dma_wait3A_506 : memref<96x64xf32, #tpu.memory_space<hbm>>)
      } else {
      }
      %scan3A_183 = arith.constant 0 : i32
      %scan3A_184 = arith.constant 0 : i32
      %scan3A_185 = arith.constant 12 : i32
      %scan3A_186 = arith.addi %scan3A_184, %scan3A_185 : i32
      %scan3A_187 = arith.constant 1 : i32
      scf.for %scan3A_467 = %scan3A_184 to %scan3A_186 step %scan3A_187  : i32 {
        %mul3A_468 = arith.constant 8 : i32
        %mul3A_469 = arith.muli %scan3A_467, %mul3A_468 : i32
        %add3A_470 = arith.constant 0 : i32
        %add3A_471 = arith.addi %mul3A_469, %add3A_470 : i32
        %get3A = arith.constant 0 : i32
        %get3A_472 = arith.index_cast %get3A : i32 to index
        %get3A_473 = arith.index_cast %add3A_471 : i32 to index
        %get3A_474 = arith.constant 0 : index
        %get3A_475 = tpu.vector_load %arg8[%get3A_472, %get3A_473, %get3A_474] {strides = array<i32>} : memref<4x104x128xf32, #tpu.memory_space<vmem>>, vector<1x1x16xf32>,
        %get3A_476 = vector.shape_cast %get3A_475 : vector<1x1x16xf32> to vector<16xf32>
        %mul3A_477 = arith.constant 8 : i32
        %mul3A_478 = arith.muli %scan3A_467, %mul3A_477 : i32
        %add3A_479 = arith.constant 0 : i32
        %add3A_480 = arith.addi %mul3A_478, %add3A_479 : i32
        %swap3A = arith.constant 0 : i32
        %swap3A_481 = arith.index_cast %swap3A : i32 to index
        %swap3A_482 = arith.index_cast %add3A_480 : i32 to index
        %swap3A_483 = arith.constant 0 : index
        %swap3A_484 = tpu.vector_load %arg9[%swap3A_481, %swap3A_482, %swap3A_483] {strides = array<i32>} : memref<2x104x64xf32, #tpu.memory_space<vmem>>, vector<1x1x16xf32>,
        %swap3A_485 = vector.shape_cast %swap3A_484 : vector<1x1x16xf32> to vector<16xf32>
        %swap3A_486 = vector.shape_cast %get3A_476 : vector<16xf32> to vector<1x1x16xf32>
        tpu.vector_store %arg9[%swap3A_481, %swap3A_482, %swap3A_483], %swap3A_486 {strides = array<i32>} : memref<2x104x64xf32, #tpu.memory_space<vmem>>, vector<1x1x16xf32>,
        %mul3A_487 = arith.constant 8 : i32
        %mul3A_488 = arith.muli %scan3A_467, %mul3A_487 : i32
        %add3A_489 = arith.constant 0 : i32
        %add3A_490 = arith.addi %mul3A_488, %add3A_489 : i32
        %get3A_491 = arith.constant 0 : i32
        %get3A_492 = arith.index_cast %get3A_491 : i32 to index
        %get3A_493 = arith.index_cast %add3A_490 : i32 to index
        %get3A_494 = arith.constant 16 : index
        %get3A_495 = tpu.vector_load %arg8[%get3A_492, %get3A_493, %get3A_494] {strides = array<i32>} : memref<4x104x128xf32, #tpu.memory_space<vmem>>, vector<1x1x16xf32>,
        %get3A_496 = vector.shape_cast %get3A_495 : vector<1x1x16xf32> to vector<16xf32>
        %mul3A_497 = arith.constant 8 : i32
        %mul3A_498 = arith.muli %scan3A_467, %mul3A_497 : i32
        %add3A_499 = arith.constant 0 : i32
        %add3A_500 = arith.addi %mul3A_498, %add3A_499 : i32
        %swap3A_501 = arith.constant 0 : i32
        %swap3A_502 = arith.index_cast %swap3A_501 : i32 to index
        %swap3A_503 = arith.index_cast %add3A_500 : i32 to index
        %swap3A_504 = arith.constant 16 : index
        %swap3A_505 = tpu.vector_load %arg9[%swap3A_502, %swap3A_503, %swap3A_504] {strides = array<i32>} : memref<2x104x64xf32, #tpu.memory_space<vmem>>, vector<1x1x16xf32>,
        %swap3A_506 = vector.shape_cast %swap3A_505 : vector<1x1x16xf32> to vector<16xf32>
        %swap3A_507 = vector.shape_cast %get3A_496 : vector<16xf32> to vector<1x1x16xf32>
        tpu.vector_store %arg9[%swap3A_502, %swap3A_503, %swap3A_504], %swap3A_507 {strides = array<i32>} : memref<2x104x64xf32, #tpu.memory_space<vmem>>, vector<1x1x16xf32>,
        %mul3A_508 = arith.constant 8 : i32
        %mul3A_509 = arith.muli %scan3A_467, %mul3A_508 : i32
        %add3A_510 = arith.constant 0 : i32
        %add3A_511 = arith.addi %mul3A_509, %add3A_510 : i32
        %get3A_512 = arith.constant 0 : i32
        %get3A_513 = arith.index_cast %get3A_512 : i32 to index
        %get3A_514 = arith.index_cast %add3A_511 : i32 to index
        %get3A_515 = arith.constant 32 : index
        %get3A_516 = tpu.vector_load %arg8[%get3A_513, %get3A_514, %get3A_515] {strides = array<i32>} : memref<4x104x128xf32, #tpu.memory_space<vmem>>, vector<1x1x16xf32>,
        %get3A_517 = vector.shape_cast %get3A_516 : vector<1x1x16xf32> to vector<16xf32>
        %mul3A_518 = arith.constant 8 : i32
        %mul3A_519 = arith.muli %scan3A_467, %mul3A_518 : i32
        %add3A_520 = arith.constant 0 : i32
        %add3A_521 = arith.addi %mul3A_519, %add3A_520 : i32
        %swap3A_522 = arith.constant 0 : i32
        %swap3A_523 = arith.index_cast %swap3A_522 : i32 to index
        %swap3A_524 = arith.index_cast %add3A_521 : i32 to index
        %swap3A_525 = arith.constant 32 : index
        %swap3A_526 = tpu.vector_load %arg9[%swap3A_523, %swap3A_524, %swap3A_525] {strides = array<i32>} : memref<2x104x64xf32, #tpu.memory_space<vmem>>, vector<1x1x16xf32>,
        %swap3A_527 = vector.shape_cast %swap3A_526 : vector<1x1x16xf32> to vector<16xf32>
        %swap3A_528 = vector.shape_cast %get3A_517 : vector<16xf32> to vector<1x1x16xf32>
        tpu.vector_store %arg9[%swap3A_523, %swap3A_524, %swap3A_525], %swap3A_528 {strides = array<i32>} : memref<2x104x64xf32, #tpu.memory_space<vmem>>, vector<1x1x16xf32>,
        %mul3A_529 = arith.constant 8 : i32
        %mul3A_530 = arith.muli %scan3A_467, %mul3A_529 : i32
        %add3A_531 = arith.constant 0 : i32
        %add3A_532 = arith.addi %mul3A_530, %add3A_531 : i32
        %get3A_533 = arith.constant 0 : i32
        %get3A_534 = arith.index_cast %get3A_533 : i32 to index
        %get3A_535 = arith.index_cast %add3A_532 : i32 to index
        %get3A_536 = arith.constant 48 : index
        %get3A_537 = tpu.vector_load %arg8[%get3A_534, %get3A_535, %get3A_536] {strides = array<i32>} : memref<4x104x128xf32, #tpu.memory_space<vmem>>, vector<1x1x16xf32>,
        %get3A_538 = vector.shape_cast %get3A_537 : vector<1x1x16xf32> to vector<16xf32>
        %mul3A_539 = arith.constant 8 : i32
        %mul3A_540 = arith.muli %scan3A_467, %mul3A_539 : i32
        %add3A_541 = arith.constant 0 : i32
        %add3A_542 = arith.addi %mul3A_540, %add3A_541 : i32
        %swap3A_543 = arith.constant 0 : i32
        %swap3A_544 = arith.index_cast %swap3A_543 : i32 to index
        %swap3A_545 = arith.index_cast %add3A_542 : i32 to index
        %swap3A_546 = arith.constant 48 : index
        %swap3A_547 = tpu.vector_load %arg9[%swap3A_544, %swap3A_545, %swap3A_546] {strides = array<i32>} : memref<2x104x64xf32, #tpu.memory_space<vmem>>, vector<1x1x16xf32>,
        %swap3A_548 = vector.shape_cast %swap3A_547 : vector<1x1x16xf32> to vector<16xf32>
        %swap3A_549 = vector.shape_cast %get3A_538 : vector<16xf32> to vector<1x1x16xf32>
        tpu.vector_store %arg9[%swap3A_544, %swap3A_545, %swap3A_546], %swap3A_549 {strides = array<i32>} : memref<2x104x64xf32, #tpu.memory_space<vmem>>, vector<1x1x16xf32>,
        %mul3A_550 = arith.constant 8 : i32
        %mul3A_551 = arith.muli %scan3A_467, %mul3A_550 : i32
        %add3A_552 = arith.constant 1 : i32
        %add3A_553 = arith.addi %mul3A_551, %add3A_552 : i32
        %get3A_554 = arith.constant 0 : i32
        %get3A_555 = arith.index_cast %get3A_554 : i32 to index
        %get3A_556 = arith.index_cast %add3A_553 : i32 to index
        %get3A_557 = arith.constant 0 : index
        %get3A_558 = tpu.vector_load %arg8[%get3A_555, %get3A_556, %get3A_557] {strides = array<i32>} : memref<4x104x128xf32, #tpu.memory_space<vmem>>, vector<1x1x16xf32>,
        %get3A_559 = vector.shape_cast %get3A_558 : vector<1x1x16xf32> to vector<16xf32>
        %mul3A_560 = arith.constant 8 : i32
        %mul3A_561 = arith.muli %scan3A_467, %mul3A_560 : i32
        %add3A_562 = arith.constant 1 : i32
        %add3A_563 = arith.addi %mul3A_561, %add3A_562 : i32
        %swap3A_564 = arith.constant 0 : i32
        %swap3A_565 = arith.index_cast %swap3A_564 : i32 to index
        %swap3A_566 = arith.index_cast %add3A_563 : i32 to index
        %swap3A_567 = arith.constant 0 : index
        %swap3A_568 = tpu.vector_load %arg9[%swap3A_565, %swap3A_566, %swap3A_567] {strides = array<i32>} : memref<2x104x64xf32, #tpu.memory_space<vmem>>, vector<1x1x16xf32>,
        %swap3A_569 = vector.shape_cast %swap3A_568 : vector<1x1x16xf32> to vector<16xf32>
        %swap3A_570 = vector.shape_cast %get3A_559 : vector<16xf32> to vector<1x1x16xf32>
        tpu.vector_store %arg9[%swap3A_565, %swap3A_566, %swap3A_567], %swap3A_570 {strides = array<i32>} : memref<2x104x64xf32, #tpu.memory_space<vmem>>, vector<1x1x16xf32>,
        %mul3A_571 = arith.constant 8 : i32
        %mul3A_572 = arith.muli %scan3A_467, %mul3A_571 : i32
        %add3A_573 = arith.constant 1 : i32
        %add3A_574 = arith.addi %mul3A_572, %add3A_573 : i32
        %get3A_575 = arith.constant 0 : i32
        %get3A_576 = arith.index_cast %get3A_575 : i32 to index
        %get3A_577 = arith.index_cast %add3A_574 : i32 to index
        %get3A_578 = arith.constant 16 : index
        %get3A_579 = tpu.vector_load %arg8[%get3A_576, %get3A_577, %get3A_578] {strides = array<i32>} : memref<4x104x128xf32, #tpu.memory_space<vmem>>, vector<1x1x16xf32>,
        %get3A_580 = vector.shape_cast %get3A_579 : vector<1x1x16xf32> to vector<16xf32>
        %mul3A_581 = arith.constant 8 : i32
        %mul3A_582 = arith.muli %scan3A_467, %mul3A_581 : i32
        %add3A_583 = arith.constant 1 : i32
        %add3A_584 = arith.addi %mul3A_582, %add3A_583 : i32
        %swap3A_585 = arith.constant 0 : i32
        %swap3A_586 = arith.index_cast %swap3A_585 : i32 to index
        %swap3A_587 = arith.index_cast %add3A_584 : i32 to index
        %swap3A_588 = arith.constant 16 : index
        %swap3A_589 = tpu.vector_load %arg9[%swap3A_586, %swap3A_587, %swap3A_588] {strides = array<i32>} : memref<2x104x64xf32, #tpu.memory_space<vmem>>, vector<1x1x16xf32>,
        %swap3A_590 = vector.shape_cast %swap3A_589 : vector<1x1x16xf32> to vector<16xf32>
        %swap3A_591 = vector.shape_cast %get3A_580 : vector<16xf32> to vector<1x1x16xf32>
        tpu.vector_store %arg9[%swap3A_586, %swap3A_587, %swap3A_588], %swap3A_591 {strides = array<i32>} : memref<2x104x64xf32, #tpu.memory_space<vmem>>, vector<1x1x16xf32>,
        %mul3A_592 = arith.constant 8 : i32
        %mul3A_593 = arith.muli %scan3A_467, %mul3A_592 : i32
        %add3A_594 = arith.constant 1 : i32
        %add3A_595 = arith.addi %mul3A_593, %add3A_594 : i32
        %get3A_596 = arith.constant 0 : i32
        %get3A_597 = arith.index_cast %get3A_596 : i32 to index
        %get3A_598 = arith.index_cast %add3A_595 : i32 to index
        %get3A_599 = arith.constant 32 : index
        %get3A_600 = tpu.vector_load %arg8[%get3A_597, %get3A_598, %get3A_599] {strides = array<i32>} : memref<4x104x128xf32, #tpu.memory_space<vmem>>, vector<1x1x16xf32>,
        %get3A_601 = vector.shape_cast %get3A_600 : vector<1x1x16xf32> to vector<16xf32>
        %mul3A_602 = arith.constant 8 : i32
        %mul3A_603 = arith.muli %scan3A_467, %mul3A_602 : i32
        %add3A_604 = arith.constant 1 : i32
        %add3A_605 = arith.addi %mul3A_603, %add3A_604 : i32
        %swap3A_606 = arith.constant 0 : i32
        %swap3A_607 = arith.index_cast %swap3A_606 : i32 to index
        %swap3A_608 = arith.index_cast %add3A_605 : i32 to index
        %swap3A_609 = arith.constant 32 : index
        %swap3A_610 = tpu.vector_load %arg9[%swap3A_607, %swap3A_608, %swap3A_609] {strides = array<i32>} : memref<2x104x64xf32, #tpu.memory_space<vmem>>, vector<1x1x16xf32>,
        %swap3A_611 = vector.shape_cast %swap3A_610 : vector<1x1x16xf32> to vector<16xf32>
        %swap3A_612 = vector.shape_cast %get3A_601 : vector<16xf32> to vector<1x1x16xf32>
        tpu.vector_store %arg9[%swap3A_607, %swap3A_608, %swap3A_609], %swap3A_612 {strides = array<i32>} : memref<2x104x64xf32, #tpu.memory_space<vmem>>, vector<1x1x16xf32>,
        %mul3A_613 = arith.constant 8 : i32
        %mul3A_614 = arith.muli %scan3A_467, %mul3A_613 : i32
        %add3A_615 = arith.constant 1 : i32
        %add3A_616 = arith.addi %mul3A_614, %add3A_615 : i32
        %get3A_617 = arith.constant 0 : i32
        %get3A_618 = arith.index_cast %get3A_617 : i32 to index
        %get3A_619 = arith.index_cast %add3A_616 : i32 to index
        %get3A_620 = arith.constant 48 : index
        %get3A_621 = tpu.vector_load %arg8[%get3A_618, %get3A_619, %get3A_620] {strides = array<i32>} : memref<4x104x128xf32, #tpu.memory_space<vmem>>, vector<1x1x16xf32>,
        %get3A_622 = vector.shape_cast %get3A_621 : vector<1x1x16xf32> to vector<16xf32>
        %mul3A_623 = arith.constant 8 : i32
        %mul3A_624 = arith.muli %scan3A_467, %mul3A_623 : i32
        %add3A_625 = arith.constant 1 : i32
        %add3A_626 = arith.addi %mul3A_624, %add3A_625 : i32
        %swap3A_627 = arith.constant 0 : i32
        %swap3A_628 = arith.index_cast %swap3A_627 : i32 to index
        %swap3A_629 = arith.index_cast %add3A_626 : i32 to index
        %swap3A_630 = arith.constant 48 : index
        %swap3A_631 = tpu.vector_load %arg9[%swap3A_628, %swap3A_629, %swap3A_630] {strides = array<i32>} : memref<2x104x64xf32, #tpu.memory_space<vmem>>, vector<1x1x16xf32>,
        %swap3A_632 = vector.shape_cast %swap3A_631 : vector<1x1x16xf32> to vector<16xf32>
        %swap3A_633 = vector.shape_cast %get3A_622 : vector<16xf32> to vector<1x1x16xf32>
        tpu.vector_store %arg9[%swap3A_628, %swap3A_629, %swap3A_630], %swap3A_633 {strides = array<i32>} : memref<2x104x64xf32, #tpu.memory_space<vmem>>, vector<1x1x16xf32>,
        %mul3A_634 = arith.constant 8 : i32
        %mul3A_635 = arith.muli %scan3A_467, %mul3A_634 : i32
        %add3A_636 = arith.constant 2 : i32
        %add3A_637 = arith.addi %mul3A_635, %add3A_636 : i32
        %get3A_638 = arith.constant 0 : i32
        %get3A_639 = arith.index_cast %get3A_638 : i32 to index
        %get3A_640 = arith.index_cast %add3A_637 : i32 to index
        %get3A_641 = arith.constant 0 : index
        %get3A_642 = tpu.vector_load %arg8[%get3A_639, %get3A_640, %get3A_641] {strides = array<i32>} : memref<4x104x128xf32, #tpu.memory_space<vmem>>, vector<1x1x16xf32>,
        %get3A_643 = vector.shape_cast %get3A_642 : vector<1x1x16xf32> to vector<16xf32>
        %mul3A_644 = arith.constant 8 : i32
        %mul3A_645 = arith.muli %scan3A_467, %mul3A_644 : i32
        %add3A_646 = arith.constant 2 : i32
        %add3A_647 = arith.addi %mul3A_645, %add3A_646 : i32
        %swap3A_648 = arith.constant 0 : i32
        %swap3A_649 = arith.index_cast %swap3A_648 : i32 to index
        %swap3A_650 = arith.index_cast %add3A_647 : i32 to index
        %swap3A_651 = arith.constant 0 : index
        %swap3A_652 = tpu.vector_load %arg9[%swap3A_649, %swap3A_650, %swap3A_651] {strides = array<i32>} : memref<2x104x64xf32, #tpu.memory_space<vmem>>, vector<1x1x16xf32>,
        %swap3A_653 = vector.shape_cast %swap3A_652 : vector<1x1x16xf32> to vector<16xf32>
        %swap3A_654 = vector.shape_cast %get3A_643 : vector<16xf32> to vector<1x1x16xf32>
        tpu.vector_store %arg9[%swap3A_649, %swap3A_650, %swap3A_651], %swap3A_654 {strides = array<i32>} : memref<2x104x64xf32, #tpu.memory_space<vmem>>, vector<1x1x16xf32>,
        %mul3A_655 = arith.constant 8 : i32
        %mul3A_656 = arith.muli %scan3A_467, %mul3A_655 : i32
        %add3A_657 = arith.constant 2 : i32
        %add3A_658 = arith.addi %mul3A_656, %add3A_657 : i32
        %get3A_659 = arith.constant 0 : i32
        %get3A_660 = arith.index_cast %get3A_659 : i32 to index
        %get3A_661 = arith.index_cast %add3A_658 : i32 to index
        %get3A_662 = arith.constant 16 : index
        %get3A_663 = tpu.vector_load %arg8[%get3A_660, %get3A_661, %get3A_662] {strides = array<i32>} : memref<4x104x128xf32, #tpu.memory_space<vmem>>, vector<1x1x16xf32>,
        %get3A_664 = vector.shape_cast %get3A_663 : vector<1x1x16xf32> to vector<16xf32>
        %mul3A_665 = arith.constant 8 : i32
        %mul3A_666 = arith.muli %scan3A_467, %mul3A_665 : i32
        %add3A_667 = arith.constant 2 : i32
        %add3A_668 = arith.addi %mul3A_666, %add3A_667 : i32
        %swap3A_669 = arith.constant 0 : i32
        %swap3A_670 = arith.index_cast %swap3A_669 : i32 to index
        %swap3A_671 = arith.index_cast %add3A_668 : i32 to index
        %swap3A_672 = arith.constant 16 : index
        %swap3A_673 = tpu.vector_load %arg9[%swap3A_670, %swap3A_671, %swap3A_672] {strides = array<i32>} : memref<2x104x64xf32, #tpu.memory_space<vmem>>, vector<1x1x16xf32>,
        %swap3A_674 = vector.shape_cast %swap3A_673 : vector<1x1x16xf32> to vector<16xf32>
        %swap3A_675 = vector.shape_cast %get3A_664 : vector<16xf32> to vector<1x1x16xf32>
        tpu.vector_store %arg9[%swap3A_670, %swap3A_671, %swap3A_672], %swap3A_675 {strides = array<i32>} : memref<2x104x64xf32, #tpu.memory_space<vmem>>, vector<1x1x16xf32>,
        %mul3A_676 = arith.constant 8 : i32
        %mul3A_677 = arith.muli %scan3A_467, %mul3A_676 : i32
        %add3A_678 = arith.constant 2 : i32
        %add3A_679 = arith.addi %mul3A_677, %add3A_678 : i32
        %get3A_680 = arith.constant 0 : i32
        %get3A_681 = arith.index_cast %get3A_680 : i32 to index
        %get3A_682 = arith.index_cast %add3A_679 : i32 to index
        %get3A_683 = arith.constant 32 : index
        %get3A_684 = tpu.vector_load %arg8[%get3A_681, %get3A_682, %get3A_683] {strides = array<i32>} : memref<4x104x128xf32, #tpu.memory_space<vmem>>, vector<1x1x16xf32>,
        %get3A_685 = vector.shape_cast %get3A_684 : vector<1x1x16xf32> to vector<16xf32>
        %mul3A_686 = arith.constant 8 : i32
        %mul3A_687 = arith.muli %scan3A_467, %mul3A_686 : i32
        %add3A_688 = arith.constant 2 : i32
        %add3A_689 = arith.addi %mul3A_687, %add3A_688 : i32
        %swap3A_690 = arith.constant 0 : i32
        %swap3A_691 = arith.index_cast %swap3A_690 : i32 to index
        %swap3A_692 = arith.index_cast %add3A_689 : i32 to index
        %swap3A_693 = arith.constant 32 : index
        %swap3A_694 = tpu.vector_load %arg9[%swap3A_691, %swap3A_692, %swap3A_693] {strides = array<i32>} : memref<2x104x64xf32, #tpu.memory_space<vmem>>, vector<1x1x16xf32>,
        %swap3A_695 = vector.shape_cast %swap3A_694 : vector<1x1x16xf32> to vector<16xf32>
        %swap3A_696 = vector.shape_cast %get3A_685 : vector<16xf32> to vector<1x1x16xf32>
        tpu.vector_store %arg9[%swap3A_691, %swap3A_692, %swap3A_693], %swap3A_696 {strides = array<i32>} : memref<2x104x64xf32, #tpu.memory_space<vmem>>, vector<1x1x16xf32>,
        %mul3A_697 = arith.constant 8 : i32
        %mul3A_698 = arith.muli %scan3A_467, %mul3A_697 : i32
        %add3A_699 = arith.constant 2 : i32
        %add3A_700 = arith.addi %mul3A_698, %add3A_699 : i32
        %get3A_701 = arith.constant 0 : i32
        %get3A_702 = arith.index_cast %get3A_701 : i32 to index
        %get3A_703 = arith.index_cast %add3A_700 : i32 to index
        %get3A_704 = arith.constant 48 : index
        %get3A_705 = tpu.vector_load %arg8[%get3A_702, %get3A_703, %get3A_704] {strides = array<i32>} : memref<4x104x128xf32, #tpu.memory_space<vmem>>, vector<1x1x16xf32>,
        %get3A_706 = vector.shape_cast %get3A_705 : vector<1x1x16xf32> to vector<16xf32>
        %mul3A_707 = arith.constant 8 : i32
        %mul3A_708 = arith.muli %scan3A_467, %mul3A_707 : i32
        %add3A_709 = arith.constant 2 : i32
        %add3A_710 = arith.addi %mul3A_708, %add3A_709 : i32
        %swap3A_711 = arith.constant 0 : i32
        %swap3A_712 = arith.index_cast %swap3A_711 : i32 to index
        %swap3A_713 = arith.index_cast %add3A_710 : i32 to index
        %swap3A_714 = arith.constant 48 : index
        %swap3A_715 = tpu.vector_load %arg9[%swap3A_712, %swap3A_713, %swap3A_714] {strides = array<i32>} : memref<2x104x64xf32, #tpu.memory_space<vmem>>, vector<1x1x16xf32>,
        %swap3A_716 = vector.shape_cast %swap3A_715 : vector<1x1x16xf32> to vector<16xf32>
        %swap3A_717 = vector.shape_cast %get3A_706 : vector<16xf32> to vector<1x1x16xf32>
        tpu.vector_store %arg9[%swap3A_712, %swap3A_713, %swap3A_714], %swap3A_717 {strides = array<i32>} : memref<2x104x64xf32, #tpu.memory_space<vmem>>, vector<1x1x16xf32>,
        %mul3A_718 = arith.constant 8 : i32
        %mul3A_719 = arith.muli %scan3A_467, %mul3A_718 : i32
        %add3A_720 = arith.constant 3 : i32
        %add3A_721 = arith.addi %mul3A_719, %add3A_720 : i32
        %get3A_722 = arith.constant 0 : i32
        %get3A_723 = arith.index_cast %get3A_722 : i32 to index
        %get3A_724 = arith.index_cast %add3A_721 : i32 to index
        %get3A_725 = arith.constant 0 : index
        %get3A_726 = tpu.vector_load %arg8[%get3A_723, %get3A_724, %get3A_725] {strides = array<i32>} : memref<4x104x128xf32, #tpu.memory_space<vmem>>, vector<1x1x16xf32>,
        %get3A_727 = vector.shape_cast %get3A_726 : vector<1x1x16xf32> to vector<16xf32>
        %mul3A_728 = arith.constant 8 : i32
        %mul3A_729 = arith.muli %scan3A_467, %mul3A_728 : i32
        %add3A_730 = arith.constant 3 : i32
        %add3A_731 = arith.addi %mul3A_729, %add3A_730 : i32
        %swap3A_732 = arith.constant 0 : i32
        %swap3A_733 = arith.index_cast %swap3A_732 : i32 to index
        %swap3A_734 = arith.index_cast %add3A_731 : i32 to index
        %swap3A_735 = arith.constant 0 : index
        %swap3A_736 = tpu.vector_load %arg9[%swap3A_733, %swap3A_734, %swap3A_735] {strides = array<i32>} : memref<2x104x64xf32, #tpu.memory_space<vmem>>, vector<1x1x16xf32>,
        %swap3A_737 = vector.shape_cast %swap3A_736 : vector<1x1x16xf32> to vector<16xf32>
        %swap3A_738 = vector.shape_cast %get3A_727 : vector<16xf32> to vector<1x1x16xf32>
        tpu.vector_store %arg9[%swap3A_733, %swap3A_734, %swap3A_735], %swap3A_738 {strides = array<i32>} : memref<2x104x64xf32, #tpu.memory_space<vmem>>, vector<1x1x16xf32>,
        %mul3A_739 = arith.constant 8 : i32
        %mul3A_740 = arith.muli %scan3A_467, %mul3A_739 : i32
        %add3A_741 = arith.constant 3 : i32
        %add3A_742 = arith.addi %mul3A_740, %add3A_741 : i32
        %get3A_743 = arith.constant 0 : i32
        %get3A_744 = arith.index_cast %get3A_743 : i32 to index
        %get3A_745 = arith.index_cast %add3A_742 : i32 to index
        %get3A_746 = arith.constant 16 : index
        %get3A_747 = tpu.vector_load %arg8[%get3A_744, %get3A_745, %get3A_746] {strides = array<i32>} : memref<4x104x128xf32, #tpu.memory_space<vmem>>, vector<1x1x16xf32>,
        %get3A_748 = vector.shape_cast %get3A_747 : vector<1x1x16xf32> to vector<16xf32>
        %mul3A_749 = arith.constant 8 : i32
        %mul3A_750 = arith.muli %scan3A_467, %mul3A_749 : i32
        %add3A_751 = arith.constant 3 : i32
        %add3A_752 = arith.addi %mul3A_750, %add3A_751 : i32
        %swap3A_753 = arith.constant 0 : i32
        %swap3A_754 = arith.index_cast %swap3A_753 : i32 to index
        %swap3A_755 = arith.index_cast %add3A_752 : i32 to index
        %swap3A_756 = arith.constant 16 : index
        %swap3A_757 = tpu.vector_load %arg9[%swap3A_754, %swap3A_755, %swap3A_756] {strides = array<i32>} : memref<2x104x64xf32, #tpu.memory_space<vmem>>, vector<1x1x16xf32>,
        %swap3A_758 = vector.shape_cast %swap3A_757 : vector<1x1x16xf32> to vector<16xf32>
        %swap3A_759 = vector.shape_cast %get3A_748 : vector<16xf32> to vector<1x1x16xf32>
        tpu.vector_store %arg9[%swap3A_754, %swap3A_755, %swap3A_756], %swap3A_759 {strides = array<i32>} : memref<2x104x64xf32, #tpu.memory_space<vmem>>, vector<1x1x16xf32>,
        %mul3A_760 = arith.constant 8 : i32
        %mul3A_761 = arith.muli %scan3A_467, %mul3A_760 : i32
        %add3A_762 = arith.constant 3 : i32
        %add3A_763 = arith.addi %mul3A_761, %add3A_762 : i32
        %get3A_764 = arith.constant 0 : i32
        %get3A_765 = arith.index_cast %get3A_764 : i32 to index
        %get3A_766 = arith.index_cast %add3A_763 : i32 to index
        %get3A_767 = arith.constant 32 : index
        %get3A_768 = tpu.vector_load %arg8[%get3A_765, %get3A_766, %get3A_767] {strides = array<i32>} : memref<4x104x128xf32, #tpu.memory_space<vmem>>, vector<1x1x16xf32>,
        %get3A_769 = vector.shape_cast %get3A_768 : vector<1x1x16xf32> to vector<16xf32>
        %mul3A_770 = arith.constant 8 : i32
        %mul3A_771 = arith.muli %scan3A_467, %mul3A_770 : i32
        %add3A_772 = arith.constant 3 : i32
        %add3A_773 = arith.addi %mul3A_771, %add3A_772 : i32
        %swap3A_774 = arith.constant 0 : i32
        %swap3A_775 = arith.index_cast %swap3A_774 : i32 to index
        %swap3A_776 = arith.index_cast %add3A_773 : i32 to index
        %swap3A_777 = arith.constant 32 : index
        %swap3A_778 = tpu.vector_load %arg9[%swap3A_775, %swap3A_776, %swap3A_777] {strides = array<i32>} : memref<2x104x64xf32, #tpu.memory_space<vmem>>, vector<1x1x16xf32>,
        %swap3A_779 = vector.shape_cast %swap3A_778 : vector<1x1x16xf32> to vector<16xf32>
        %swap3A_780 = vector.shape_cast %get3A_769 : vector<16xf32> to vector<1x1x16xf32>
        tpu.vector_store %arg9[%swap3A_775, %swap3A_776, %swap3A_777], %swap3A_780 {strides = array<i32>} : memref<2x104x64xf32, #tpu.memory_space<vmem>>, vector<1x1x16xf32>,
        %mul3A_781 = arith.constant 8 : i32
        %mul3A_782 = arith.muli %scan3A_467, %mul3A_781 : i32
        %add3A_783 = arith.constant 3 : i32
        %add3A_784 = arith.addi %mul3A_782, %add3A_783 : i32
        %get3A_785 = arith.constant 0 : i32
        %get3A_786 = arith.index_cast %get3A_785 : i32 to index
        %get3A_787 = arith.index_cast %add3A_784 : i32 to index
        %get3A_788 = arith.constant 48 : index
        %get3A_789 = tpu.vector_load %arg8[%get3A_786, %get3A_787, %get3A_788] {strides = array<i32>} : memref<4x104x128xf32, #tpu.memory_space<vmem>>, vector<1x1x16xf32>,
        %get3A_790 = vector.shape_cast %get3A_789 : vector<1x1x16xf32> to vector<16xf32>
        %mul3A_791 = arith.constant 8 : i32
        %mul3A_792 = arith.muli %scan3A_467, %mul3A_791 : i32
        %add3A_793 = arith.constant 3 : i32
        %add3A_794 = arith.addi %mul3A_792, %add3A_793 : i32
        %swap3A_795 = arith.constant 0 : i32
        %swap3A_796 = arith.index_cast %swap3A_795 : i32 to index
        %swap3A_797 = arith.index_cast %add3A_794 : i32 to index
        %swap3A_798 = arith.constant 48 : index
        %swap3A_799 = tpu.vector_load %arg9[%swap3A_796, %swap3A_797, %swap3A_798] {strides = array<i32>} : memref<2x104x64xf32, #tpu.memory_space<vmem>>, vector<1x1x16xf32>,
        %swap3A_800 = vector.shape_cast %swap3A_799 : vector<1x1x16xf32> to vector<16xf32>
        %swap3A_801 = vector.shape_cast %get3A_790 : vector<16xf32> to vector<1x1x16xf32>
        tpu.vector_store %arg9[%swap3A_796, %swap3A_797, %swap3A_798], %swap3A_801 {strides = array<i32>} : memref<2x104x64xf32, #tpu.memory_space<vmem>>, vector<1x1x16xf32>,
        %mul3A_802 = arith.constant 8 : i32
        %mul3A_803 = arith.muli %scan3A_467, %mul3A_802 : i32
        %add3A_804 = arith.constant 4 : i32
        %add3A_805 = arith.addi %mul3A_803, %add3A_804 : i32
        %get3A_806 = arith.constant 0 : i32
        %get3A_807 = arith.index_cast %get3A_806 : i32 to index
        %get3A_808 = arith.index_cast %add3A_805 : i32 to index
        %get3A_809 = arith.constant 0 : index
        %get3A_810 = tpu.vector_load %arg8[%get3A_807, %get3A_808, %get3A_809] {strides = array<i32>} : memref<4x104x128xf32, #tpu.memory_space<vmem>>, vector<1x1x16xf32>,
        %get3A_811 = vector.shape_cast %get3A_810 : vector<1x1x16xf32> to vector<16xf32>
        %mul3A_812 = arith.constant 8 : i32
        %mul3A_813 = arith.muli %scan3A_467, %mul3A_812 : i32
        %add3A_814 = arith.constant 4 : i32
        %add3A_815 = arith.addi %mul3A_813, %add3A_814 : i32
        %swap3A_816 = arith.constant 0 : i32
        %swap3A_817 = arith.index_cast %swap3A_816 : i32 to index
        %swap3A_818 = arith.index_cast %add3A_815 : i32 to index
        %swap3A_819 = arith.constant 0 : index
        %swap3A_820 = tpu.vector_load %arg9[%swap3A_817, %swap3A_818, %swap3A_819] {strides = array<i32>} : memref<2x104x64xf32, #tpu.memory_space<vmem>>, vector<1x1x16xf32>,
        %swap3A_821 = vector.shape_cast %swap3A_820 : vector<1x1x16xf32> to vector<16xf32>
        %swap3A_822 = vector.shape_cast %get3A_811 : vector<16xf32> to vector<1x1x16xf32>
        tpu.vector_store %arg9[%swap3A_817, %swap3A_818, %swap3A_819], %swap3A_822 {strides = array<i32>} : memref<2x104x64xf32, #tpu.memory_space<vmem>>, vector<1x1x16xf32>,
        %mul3A_823 = arith.constant 8 : i32
        %mul3A_824 = arith.muli %scan3A_467, %mul3A_823 : i32
        %add3A_825 = arith.constant 4 : i32
        %add3A_826 = arith.addi %mul3A_824, %add3A_825 : i32
        %get3A_827 = arith.constant 0 : i32
        %get3A_828 = arith.index_cast %get3A_827 : i32 to index
        %get3A_829 = arith.index_cast %add3A_826 : i32 to index
        %get3A_830 = arith.constant 16 : index
        %get3A_831 = tpu.vector_load %arg8[%get3A_828, %get3A_829, %get3A_830] {strides = array<i32>} : memref<4x104x128xf32, #tpu.memory_space<vmem>>, vector<1x1x16xf32>,
        %get3A_832 = vector.shape_cast %get3A_831 : vector<1x1x16xf32> to vector<16xf32>
        %mul3A_833 = arith.constant 8 : i32
        %mul3A_834 = arith.muli %scan3A_467, %mul3A_833 : i32
        %add3A_835 = arith.constant 4 : i32
        %add3A_836 = arith.addi %mul3A_834, %add3A_835 : i32
        %swap3A_837 = arith.constant 0 : i32
        %swap3A_838 = arith.index_cast %swap3A_837 : i32 to index
        %swap3A_839 = arith.index_cast %add3A_836 : i32 to index
        %swap3A_840 = arith.constant 16 : index
        %swap3A_841 = tpu.vector_load %arg9[%swap3A_838, %swap3A_839, %swap3A_840] {strides = array<i32>} : memref<2x104x64xf32, #tpu.memory_space<vmem>>, vector<1x1x16xf32>,
        %swap3A_842 = vector.shape_cast %swap3A_841 : vector<1x1x16xf32> to vector<16xf32>
        %swap3A_843 = vector.shape_cast %get3A_832 : vector<16xf32> to vector<1x1x16xf32>
        tpu.vector_store %arg9[%swap3A_838, %swap3A_839, %swap3A_840], %swap3A_843 {strides = array<i32>} : memref<2x104x64xf32, #tpu.memory_space<vmem>>, vector<1x1x16xf32>,
        %mul3A_844 = arith.constant 8 : i32
        %mul3A_845 = arith.muli %scan3A_467, %mul3A_844 : i32
        %add3A_846 = arith.constant 4 : i32
        %add3A_847 = arith.addi %mul3A_845, %add3A_846 : i32
        %get3A_848 = arith.constant 0 : i32
        %get3A_849 = arith.index_cast %get3A_848 : i32 to index
        %get3A_850 = arith.index_cast %add3A_847 : i32 to index
        %get3A_851 = arith.constant 32 : index
        %get3A_852 = tpu.vector_load %arg8[%get3A_849, %get3A_850, %get3A_851] {strides = array<i32>} : memref<4x104x128xf32, #tpu.memory_space<vmem>>, vector<1x1x16xf32>,
        %get3A_853 = vector.shape_cast %get3A_852 : vector<1x1x16xf32> to vector<16xf32>
        %mul3A_854 = arith.constant 8 : i32
        %mul3A_855 = arith.muli %scan3A_467, %mul3A_854 : i32
        %add3A_856 = arith.constant 4 : i32
        %add3A_857 = arith.addi %mul3A_855, %add3A_856 : i32
        %swap3A_858 = arith.constant 0 : i32
        %swap3A_859 = arith.index_cast %swap3A_858 : i32 to index
        %swap3A_860 = arith.index_cast %add3A_857 : i32 to index
        %swap3A_861 = arith.constant 32 : index
        %swap3A_862 = tpu.vector_load %arg9[%swap3A_859, %swap3A_860, %swap3A_861] {strides = array<i32>} : memref<2x104x64xf32, #tpu.memory_space<vmem>>, vector<1x1x16xf32>,
        %swap3A_863 = vector.shape_cast %swap3A_862 : vector<1x1x16xf32> to vector<16xf32>
        %swap3A_864 = vector.shape_cast %get3A_853 : vector<16xf32> to vector<1x1x16xf32>
        tpu.vector_store %arg9[%swap3A_859, %swap3A_860, %swap3A_861], %swap3A_864 {strides = array<i32>} : memref<2x104x64xf32, #tpu.memory_space<vmem>>, vector<1x1x16xf32>,
        %mul3A_865 = arith.constant 8 : i32
        %mul3A_866 = arith.muli %scan3A_467, %mul3A_865 : i32
        %add3A_867 = arith.constant 4 : i32
        %add3A_868 = arith.addi %mul3A_866, %add3A_867 : i32
        %get3A_869 = arith.constant 0 : i32
        %get3A_870 = arith.index_cast %get3A_869 : i32 to index
        %get3A_871 = arith.index_cast %add3A_868 : i32 to index
        %get3A_872 = arith.constant 48 : index
        %get3A_873 = tpu.vector_load %arg8[%get3A_870, %get3A_871, %get3A_872] {strides = array<i32>} : memref<4x104x128xf32, #tpu.memory_space<vmem>>, vector<1x1x16xf32>,
        %get3A_874 = vector.shape_cast %get3A_873 : vector<1x1x16xf32> to vector<16xf32>
        %mul3A_875 = arith.constant 8 : i32
        %mul3A_876 = arith.muli %scan3A_467, %mul3A_875 : i32
        %add3A_877 = arith.constant 4 : i32
        %add3A_878 = arith.addi %mul3A_876, %add3A_877 : i32
        %swap3A_879 = arith.constant 0 : i32
        %swap3A_880 = arith.index_cast %swap3A_879 : i32 to index
        %swap3A_881 = arith.index_cast %add3A_878 : i32 to index
        %swap3A_882 = arith.constant 48 : index
        %swap3A_883 = tpu.vector_load %arg9[%swap3A_880, %swap3A_881, %swap3A_882] {strides = array<i32>} : memref<2x104x64xf32, #tpu.memory_space<vmem>>, vector<1x1x16xf32>,
        %swap3A_884 = vector.shape_cast %swap3A_883 : vector<1x1x16xf32> to vector<16xf32>
        %swap3A_885 = vector.shape_cast %get3A_874 : vector<16xf32> to vector<1x1x16xf32>
        tpu.vector_store %arg9[%swap3A_880, %swap3A_881, %swap3A_882], %swap3A_885 {strides = array<i32>} : memref<2x104x64xf32, #tpu.memory_space<vmem>>, vector<1x1x16xf32>,
        %mul3A_886 = arith.constant 8 : i32
        %mul3A_887 = arith.muli %scan3A_467, %mul3A_886 : i32
        %add3A_888 = arith.constant 5 : i32
        %add3A_889 = arith.addi %mul3A_887, %add3A_888 : i32
        %get3A_890 = arith.constant 0 : i32
        %get3A_891 = arith.index_cast %get3A_890 : i32 to index
        %get3A_892 = arith.index_cast %add3A_889 : i32 to index
        %get3A_893 = arith.constant 0 : index
        %get3A_894 = tpu.vector_load %arg8[%get3A_891, %get3A_892, %get3A_893] {strides = array<i32>} : memref<4x104x128xf32, #tpu.memory_space<vmem>>, vector<1x1x16xf32>,
        %get3A_895 = vector.shape_cast %get3A_894 : vector<1x1x16xf32> to vector<16xf32>
        %mul3A_896 = arith.constant 8 : i32
        %mul3A_897 = arith.muli %scan3A_467, %mul3A_896 : i32
        %add3A_898 = arith.constant 5 : i32
        %add3A_899 = arith.addi %mul3A_897, %add3A_898 : i32
        %swap3A_900 = arith.constant 0 : i32
        %swap3A_901 = arith.index_cast %swap3A_900 : i32 to index
        %swap3A_902 = arith.index_cast %add3A_899 : i32 to index
        %swap3A_903 = arith.constant 0 : index
        %swap3A_904 = tpu.vector_load %arg9[%swap3A_901, %swap3A_902, %swap3A_903] {strides = array<i32>} : memref<2x104x64xf32, #tpu.memory_space<vmem>>, vector<1x1x16xf32>,
        %swap3A_905 = vector.shape_cast %swap3A_904 : vector<1x1x16xf32> to vector<16xf32>
        %swap3A_906 = vector.shape_cast %get3A_895 : vector<16xf32> to vector<1x1x16xf32>
        tpu.vector_store %arg9[%swap3A_901, %swap3A_902, %swap3A_903], %swap3A_906 {strides = array<i32>} : memref<2x104x64xf32, #tpu.memory_space<vmem>>, vector<1x1x16xf32>,
        %mul3A_907 = arith.constant 8 : i32
        %mul3A_908 = arith.muli %scan3A_467, %mul3A_907 : i32
        %add3A_909 = arith.constant 5 : i32
        %add3A_910 = arith.addi %mul3A_908, %add3A_909 : i32
        %get3A_911 = arith.constant 0 : i32
        %get3A_912 = arith.index_cast %get3A_911 : i32 to index
        %get3A_913 = arith.index_cast %add3A_910 : i32 to index
        %get3A_914 = arith.constant 16 : index
        %get3A_915 = tpu.vector_load %arg8[%get3A_912, %get3A_913, %get3A_914] {strides = array<i32>} : memref<4x104x128xf32, #tpu.memory_space<vmem>>, vector<1x1x16xf32>,
        %get3A_916 = vector.shape_cast %get3A_915 : vector<1x1x16xf32> to vector<16xf32>
        %mul3A_917 = arith.constant 8 : i32
        %mul3A_918 = arith.muli %scan3A_467, %mul3A_917 : i32
        %add3A_919 = arith.constant 5 : i32
        %add3A_920 = arith.addi %mul3A_918, %add3A_919 : i32
        %swap3A_921 = arith.constant 0 : i32
        %swap3A_922 = arith.index_cast %swap3A_921 : i32 to index
        %swap3A_923 = arith.index_cast %add3A_920 : i32 to index
        %swap3A_924 = arith.constant 16 : index
        %swap3A_925 = tpu.vector_load %arg9[%swap3A_922, %swap3A_923, %swap3A_924] {strides = array<i32>} : memref<2x104x64xf32, #tpu.memory_space<vmem>>, vector<1x1x16xf32>,
        %swap3A_926 = vector.shape_cast %swap3A_925 : vector<1x1x16xf32> to vector<16xf32>
        %swap3A_927 = vector.shape_cast %get3A_916 : vector<16xf32> to vector<1x1x16xf32>
        tpu.vector_store %arg9[%swap3A_922, %swap3A_923, %swap3A_924], %swap3A_927 {strides = array<i32>} : memref<2x104x64xf32, #tpu.memory_space<vmem>>, vector<1x1x16xf32>,
        %mul3A_928 = arith.constant 8 : i32
        %mul3A_929 = arith.muli %scan3A_467, %mul3A_928 : i32
        %add3A_930 = arith.constant 5 : i32
        %add3A_931 = arith.addi %mul3A_929, %add3A_930 : i32
        %get3A_932 = arith.constant 0 : i32
        %get3A_933 = arith.index_cast %get3A_932 : i32 to index
        %get3A_934 = arith.index_cast %add3A_931 : i32 to index
        %get3A_935 = arith.constant 32 : index
        %get3A_936 = tpu.vector_load %arg8[%get3A_933, %get3A_934, %get3A_935] {strides = array<i32>} : memref<4x104x128xf32, #tpu.memory_space<vmem>>, vector<1x1x16xf32>,
        %get3A_937 = vector.shape_cast %get3A_936 : vector<1x1x16xf32> to vector<16xf32>
        %mul3A_938 = arith.constant 8 : i32
        %mul3A_939 = arith.muli %scan3A_467, %mul3A_938 : i32
        %add3A_940 = arith.constant 5 : i32
        %add3A_941 = arith.addi %mul3A_939, %add3A_940 : i32
        %swap3A_942 = arith.constant 0 : i32
        %swap3A_943 = arith.index_cast %swap3A_942 : i32 to index
        %swap3A_944 = arith.index_cast %add3A_941 : i32 to index
        %swap3A_945 = arith.constant 32 : index
        %swap3A_946 = tpu.vector_load %arg9[%swap3A_943, %swap3A_944, %swap3A_945] {strides = array<i32>} : memref<2x104x64xf32, #tpu.memory_space<vmem>>, vector<1x1x16xf32>,
        %swap3A_947 = vector.shape_cast %swap3A_946 : vector<1x1x16xf32> to vector<16xf32>
        %swap3A_948 = vector.shape_cast %get3A_937 : vector<16xf32> to vector<1x1x16xf32>
        tpu.vector_store %arg9[%swap3A_943, %swap3A_944, %swap3A_945], %swap3A_948 {strides = array<i32>} : memref<2x104x64xf32, #tpu.memory_space<vmem>>, vector<1x1x16xf32>,
        %mul3A_949 = arith.constant 8 : i32
        %mul3A_950 = arith.muli %scan3A_467, %mul3A_949 : i32
        %add3A_951 = arith.constant 5 : i32
        %add3A_952 = arith.addi %mul3A_950, %add3A_951 : i32
        %get3A_953 = arith.constant 0 : i32
        %get3A_954 = arith.index_cast %get3A_953 : i32 to index
        %get3A_955 = arith.index_cast %add3A_952 : i32 to index
        %get3A_956 = arith.constant 48 : index
        %get3A_957 = tpu.vector_load %arg8[%get3A_954, %get3A_955, %get3A_956] {strides = array<i32>} : memref<4x104x128xf32, #tpu.memory_space<vmem>>, vector<1x1x16xf32>,
        %get3A_958 = vector.shape_cast %get3A_957 : vector<1x1x16xf32> to vector<16xf32>
        %mul3A_959 = arith.constant 8 : i32
        %mul3A_960 = arith.muli %scan3A_467, %mul3A_959 : i32
        %add3A_961 = arith.constant 5 : i32
        %add3A_962 = arith.addi %mul3A_960, %add3A_961 : i32
        %swap3A_963 = arith.constant 0 : i32
        %swap3A_964 = arith.index_cast %swap3A_963 : i32 to index
        %swap3A_965 = arith.index_cast %add3A_962 : i32 to index
        %swap3A_966 = arith.constant 48 : index
        %swap3A_967 = tpu.vector_load %arg9[%swap3A_964, %swap3A_965, %swap3A_966] {strides = array<i32>} : memref<2x104x64xf32, #tpu.memory_space<vmem>>, vector<1x1x16xf32>,
        %swap3A_968 = vector.shape_cast %swap3A_967 : vector<1x1x16xf32> to vector<16xf32>
        %swap3A_969 = vector.shape_cast %get3A_958 : vector<16xf32> to vector<1x1x16xf32>
        tpu.vector_store %arg9[%swap3A_964, %swap3A_965, %swap3A_966], %swap3A_969 {strides = array<i32>} : memref<2x104x64xf32, #tpu.memory_space<vmem>>, vector<1x1x16xf32>,
        %mul3A_970 = arith.constant 8 : i32
        %mul3A_971 = arith.muli %scan3A_467, %mul3A_970 : i32
        %add3A_972 = arith.constant 6 : i32
        %add3A_973 = arith.addi %mul3A_971, %add3A_972 : i32
        %get3A_974 = arith.constant 0 : i32
        %get3A_975 = arith.index_cast %get3A_974 : i32 to index
        %get3A_976 = arith.index_cast %add3A_973 : i32 to index
        %get3A_977 = arith.constant 0 : index
        %get3A_978 = tpu.vector_load %arg8[%get3A_975, %get3A_976, %get3A_977] {strides = array<i32>} : memref<4x104x128xf32, #tpu.memory_space<vmem>>, vector<1x1x16xf32>,
        %get3A_979 = vector.shape_cast %get3A_978 : vector<1x1x16xf32> to vector<16xf32>
        %mul3A_980 = arith.constant 8 : i32
        %mul3A_981 = arith.muli %scan3A_467, %mul3A_980 : i32
        %add3A_982 = arith.constant 6 : i32
        %add3A_983 = arith.addi %mul3A_981, %add3A_982 : i32
        %swap3A_984 = arith.constant 0 : i32
        %swap3A_985 = arith.index_cast %swap3A_984 : i32 to index
        %swap3A_986 = arith.index_cast %add3A_983 : i32 to index
        %swap3A_987 = arith.constant 0 : index
        %swap3A_988 = tpu.vector_load %arg9[%swap3A_985, %swap3A_986, %swap3A_987] {strides = array<i32>} : memref<2x104x64xf32, #tpu.memory_space<vmem>>, vector<1x1x16xf32>,
        %swap3A_989 = vector.shape_cast %swap3A_988 : vector<1x1x16xf32> to vector<16xf32>
        %swap3A_990 = vector.shape_cast %get3A_979 : vector<16xf32> to vector<1x1x16xf32>
        tpu.vector_store %arg9[%swap3A_985, %swap3A_986, %swap3A_987], %swap3A_990 {strides = array<i32>} : memref<2x104x64xf32, #tpu.memory_space<vmem>>, vector<1x1x16xf32>,
        %mul3A_991 = arith.constant 8 : i32
        %mul3A_992 = arith.muli %scan3A_467, %mul3A_991 : i32
        %add3A_993 = arith.constant 6 : i32
        %add3A_994 = arith.addi %mul3A_992, %add3A_993 : i32
        %get3A_995 = arith.constant 0 : i32
        %get3A_996 = arith.index_cast %get3A_995 : i32 to index
        %get3A_997 = arith.index_cast %add3A_994 : i32 to index
        %get3A_998 = arith.constant 16 : index
        %get3A_999 = tpu.vector_load %arg8[%get3A_996, %get3A_997, %get3A_998] {strides = array<i32>} : memref<4x104x128xf32, #tpu.memory_space<vmem>>, vector<1x1x16xf32>,
        %get3A_1000 = vector.shape_cast %get3A_999 : vector<1x1x16xf32> to vector<16xf32>
        %mul3A_1001 = arith.constant 8 : i32
        %mul3A_1002 = arith.muli %scan3A_467, %mul3A_1001 : i32
        %add3A_1003 = arith.constant 6 : i32
        %add3A_1004 = arith.addi %mul3A_1002, %add3A_1003 : i32
        %swap3A_1005 = arith.constant 0 : i32
        %swap3A_1006 = arith.index_cast %swap3A_1005 : i32 to index
        %swap3A_1007 = arith.index_cast %add3A_1004 : i32 to index
        %swap3A_1008 = arith.constant 16 : index
        %swap3A_1009 = tpu.vector_load %arg9[%swap3A_1006, %swap3A_1007, %swap3A_1008] {strides = array<i32>} : memref<2x104x64xf32, #tpu.memory_space<vmem>>, vector<1x1x16xf32>,
        %swap3A_1010 = vector.shape_cast %swap3A_1009 : vector<1x1x16xf32> to vector<16xf32>
        %swap3A_1011 = vector.shape_cast %get3A_1000 : vector<16xf32> to vector<1x1x16xf32>
        tpu.vector_store %arg9[%swap3A_1006, %swap3A_1007, %swap3A_1008], %swap3A_1011 {strides = array<i32>} : memref<2x104x64xf32, #tpu.memory_space<vmem>>, vector<1x1x16xf32>,
        %mul3A_1012 = arith.constant 8 : i32
        %mul3A_1013 = arith.muli %scan3A_467, %mul3A_1012 : i32
        %add3A_1014 = arith.constant 6 : i32
        %add3A_1015 = arith.addi %mul3A_1013, %add3A_1014 : i32
        %get3A_1016 = arith.constant 0 : i32
        %get3A_1017 = arith.index_cast %get3A_1016 : i32 to index
        %get3A_1018 = arith.index_cast %add3A_1015 : i32 to index
        %get3A_1019 = arith.constant 32 : index
        %get3A_1020 = tpu.vector_load %arg8[%get3A_1017, %get3A_1018, %get3A_1019] {strides = array<i32>} : memref<4x104x128xf32, #tpu.memory_space<vmem>>, vector<1x1x16xf32>,
        %get3A_1021 = vector.shape_cast %get3A_1020 : vector<1x1x16xf32> to vector<16xf32>
        %mul3A_1022 = arith.constant 8 : i32
        %mul3A_1023 = arith.muli %scan3A_467, %mul3A_1022 : i32
        %add3A_1024 = arith.constant 6 : i32
        %add3A_1025 = arith.addi %mul3A_1023, %add3A_1024 : i32
        %swap3A_1026 = arith.constant 0 : i32
        %swap3A_1027 = arith.index_cast %swap3A_1026 : i32 to index
        %swap3A_1028 = arith.index_cast %add3A_1025 : i32 to index
        %swap3A_1029 = arith.constant 32 : index
        %swap3A_1030 = tpu.vector_load %arg9[%swap3A_1027, %swap3A_1028, %swap3A_1029] {strides = array<i32>} : memref<2x104x64xf32, #tpu.memory_space<vmem>>, vector<1x1x16xf32>,
        %swap3A_1031 = vector.shape_cast %swap3A_1030 : vector<1x1x16xf32> to vector<16xf32>
        %swap3A_1032 = vector.shape_cast %get3A_1021 : vector<16xf32> to vector<1x1x16xf32>
        tpu.vector_store %arg9[%swap3A_1027, %swap3A_1028, %swap3A_1029], %swap3A_1032 {strides = array<i32>} : memref<2x104x64xf32, #tpu.memory_space<vmem>>, vector<1x1x16xf32>,
        %mul3A_1033 = arith.constant 8 : i32
        %mul3A_1034 = arith.muli %scan3A_467, %mul3A_1033 : i32
        %add3A_1035 = arith.constant 6 : i32
        %add3A_1036 = arith.addi %mul3A_1034, %add3A_1035 : i32
        %get3A_1037 = arith.constant 0 : i32
        %get3A_1038 = arith.index_cast %get3A_1037 : i32 to index
        %get3A_1039 = arith.index_cast %add3A_1036 : i32 to index
        %get3A_1040 = arith.constant 48 : index
        %get3A_1041 = tpu.vector_load %arg8[%get3A_1038, %get3A_1039, %get3A_1040] {strides = array<i32>} : memref<4x104x128xf32, #tpu.memory_space<vmem>>, vector<1x1x16xf32>,
        %get3A_1042 = vector.shape_cast %get3A_1041 : vector<1x1x16xf32> to vector<16xf32>
        %mul3A_1043 = arith.constant 8 : i32
        %mul3A_1044 = arith.muli %scan3A_467, %mul3A_1043 : i32
        %add3A_1045 = arith.constant 6 : i32
        %add3A_1046 = arith.addi %mul3A_1044, %add3A_1045 : i32
        %swap3A_1047 = arith.constant 0 : i32
        %swap3A_1048 = arith.index_cast %swap3A_1047 : i32 to index
        %swap3A_1049 = arith.index_cast %add3A_1046 : i32 to index
        %swap3A_1050 = arith.constant 48 : index
        %swap3A_1051 = tpu.vector_load %arg9[%swap3A_1048, %swap3A_1049, %swap3A_1050] {strides = array<i32>} : memref<2x104x64xf32, #tpu.memory_space<vmem>>, vector<1x1x16xf32>,
        %swap3A_1052 = vector.shape_cast %swap3A_1051 : vector<1x1x16xf32> to vector<16xf32>
        %swap3A_1053 = vector.shape_cast %get3A_1042 : vector<16xf32> to vector<1x1x16xf32>
        tpu.vector_store %arg9[%swap3A_1048, %swap3A_1049, %swap3A_1050], %swap3A_1053 {strides = array<i32>} : memref<2x104x64xf32, #tpu.memory_space<vmem>>, vector<1x1x16xf32>,
        %mul3A_1054 = arith.constant 8 : i32
        %mul3A_1055 = arith.muli %scan3A_467, %mul3A_1054 : i32
        %add3A_1056 = arith.constant 7 : i32
        %add3A_1057 = arith.addi %mul3A_1055, %add3A_1056 : i32
        %get3A_1058 = arith.constant 0 : i32
        %get3A_1059 = arith.index_cast %get3A_1058 : i32 to index
        %get3A_1060 = arith.index_cast %add3A_1057 : i32 to index
        %get3A_1061 = arith.constant 0 : index
        %get3A_1062 = tpu.vector_load %arg8[%get3A_1059, %get3A_1060, %get3A_1061] {strides = array<i32>} : memref<4x104x128xf32, #tpu.memory_space<vmem>>, vector<1x1x16xf32>,
        %get3A_1063 = vector.shape_cast %get3A_1062 : vector<1x1x16xf32> to vector<16xf32>
        %mul3A_1064 = arith.constant 8 : i32
        %mul3A_1065 = arith.muli %scan3A_467, %mul3A_1064 : i32
        %add3A_1066 = arith.constant 7 : i32
        %add3A_1067 = arith.addi %mul3A_1065, %add3A_1066 : i32
        %swap3A_1068 = arith.constant 0 : i32
        %swap3A_1069 = arith.index_cast %swap3A_1068 : i32 to index
        %swap3A_1070 = arith.index_cast %add3A_1067 : i32 to index
        %swap3A_1071 = arith.constant 0 : index
        %swap3A_1072 = tpu.vector_load %arg9[%swap3A_1069, %swap3A_1070, %swap3A_1071] {strides = array<i32>} : memref<2x104x64xf32, #tpu.memory_space<vmem>>, vector<1x1x16xf32>,
        %swap3A_1073 = vector.shape_cast %swap3A_1072 : vector<1x1x16xf32> to vector<16xf32>
        %swap3A_1074 = vector.shape_cast %get3A_1063 : vector<16xf32> to vector<1x1x16xf32>
        tpu.vector_store %arg9[%swap3A_1069, %swap3A_1070, %swap3A_1071], %swap3A_1074 {strides = array<i32>} : memref<2x104x64xf32, #tpu.memory_space<vmem>>, vector<1x1x16xf32>,
        %mul3A_1075 = arith.constant 8 : i32
        %mul3A_1076 = arith.muli %scan3A_467, %mul3A_1075 : i32
        %add3A_1077 = arith.constant 7 : i32
        %add3A_1078 = arith.addi %mul3A_1076, %add3A_1077 : i32
        %get3A_1079 = arith.constant 0 : i32
        %get3A_1080 = arith.index_cast %get3A_1079 : i32 to index
        %get3A_1081 = arith.index_cast %add3A_1078 : i32 to index
        %get3A_1082 = arith.constant 16 : index
        %get3A_1083 = tpu.vector_load %arg8[%get3A_1080, %get3A_1081, %get3A_1082] {strides = array<i32>} : memref<4x104x128xf32, #tpu.memory_space<vmem>>, vector<1x1x16xf32>,
        %get3A_1084 = vector.shape_cast %get3A_1083 : vector<1x1x16xf32> to vector<16xf32>
        %mul3A_1085 = arith.constant 8 : i32
        %mul3A_1086 = arith.muli %scan3A_467, %mul3A_1085 : i32
        %add3A_1087 = arith.constant 7 : i32
        %add3A_1088 = arith.addi %mul3A_1086, %add3A_1087 : i32
        %swap3A_1089 = arith.constant 0 : i32
        %swap3A_1090 = arith.index_cast %swap3A_1089 : i32 to index
        %swap3A_1091 = arith.index_cast %add3A_1088 : i32 to index
        %swap3A_1092 = arith.constant 16 : index
        %swap3A_1093 = tpu.vector_load %arg9[%swap3A_1090, %swap3A_1091, %swap3A_1092] {strides = array<i32>} : memref<2x104x64xf32, #tpu.memory_space<vmem>>, vector<1x1x16xf32>,
        %swap3A_1094 = vector.shape_cast %swap3A_1093 : vector<1x1x16xf32> to vector<16xf32>
        %swap3A_1095 = vector.shape_cast %get3A_1084 : vector<16xf32> to vector<1x1x16xf32>
        tpu.vector_store %arg9[%swap3A_1090, %swap3A_1091, %swap3A_1092], %swap3A_1095 {strides = array<i32>} : memref<2x104x64xf32, #tpu.memory_space<vmem>>, vector<1x1x16xf32>,
        %mul3A_1096 = arith.constant 8 : i32
        %mul3A_1097 = arith.muli %scan3A_467, %mul3A_1096 : i32
        %add3A_1098 = arith.constant 7 : i32
        %add3A_1099 = arith.addi %mul3A_1097, %add3A_1098 : i32
        %get3A_1100 = arith.constant 0 : i32
        %get3A_1101 = arith.index_cast %get3A_1100 : i32 to index
        %get3A_1102 = arith.index_cast %add3A_1099 : i32 to index
        %get3A_1103 = arith.constant 32 : index
        %get3A_1104 = tpu.vector_load %arg8[%get3A_1101, %get3A_1102, %get3A_1103] {strides = array<i32>} : memref<4x104x128xf32, #tpu.memory_space<vmem>>, vector<1x1x16xf32>,
        %get3A_1105 = vector.shape_cast %get3A_1104 : vector<1x1x16xf32> to vector<16xf32>
        %mul3A_1106 = arith.constant 8 : i32
        %mul3A_1107 = arith.muli %scan3A_467, %mul3A_1106 : i32
        %add3A_1108 = arith.constant 7 : i32
        %add3A_1109 = arith.addi %mul3A_1107, %add3A_1108 : i32
        %swap3A_1110 = arith.constant 0 : i32
        %swap3A_1111 = arith.index_cast %swap3A_1110 : i32 to index
        %swap3A_1112 = arith.index_cast %add3A_1109 : i32 to index
        %swap3A_1113 = arith.constant 32 : index
        %swap3A_1114 = tpu.vector_load %arg9[%swap3A_1111, %swap3A_1112, %swap3A_1113] {strides = array<i32>} : memref<2x104x64xf32, #tpu.memory_space<vmem>>, vector<1x1x16xf32>,
        %swap3A_1115 = vector.shape_cast %swap3A_1114 : vector<1x1x16xf32> to vector<16xf32>
        %swap3A_1116 = vector.shape_cast %get3A_1105 : vector<16xf32> to vector<1x1x16xf32>
        tpu.vector_store %arg9[%swap3A_1111, %swap3A_1112, %swap3A_1113], %swap3A_1116 {strides = array<i32>} : memref<2x104x64xf32, #tpu.memory_space<vmem>>, vector<1x1x16xf32>,
        %mul3A_1117 = arith.constant 8 : i32
        %mul3A_1118 = arith.muli %scan3A_467, %mul3A_1117 : i32
        %add3A_1119 = arith.constant 7 : i32
        %add3A_1120 = arith.addi %mul3A_1118, %add3A_1119 : i32
        %get3A_1121 = arith.constant 0 : i32
        %get3A_1122 = arith.index_cast %get3A_1121 : i32 to index
        %get3A_1123 = arith.index_cast %add3A_1120 : i32 to index
        %get3A_1124 = arith.constant 48 : index
        %get3A_1125 = tpu.vector_load %arg8[%get3A_1122, %get3A_1123, %get3A_1124] {strides = array<i32>} : memref<4x104x128xf32, #tpu.memory_space<vmem>>, vector<1x1x16xf32>,
        %get3A_1126 = vector.shape_cast %get3A_1125 : vector<1x1x16xf32> to vector<16xf32>
        %mul3A_1127 = arith.constant 8 : i32
        %mul3A_1128 = arith.muli %scan3A_467, %mul3A_1127 : i32
        %add3A_1129 = arith.constant 7 : i32
        %add3A_1130 = arith.addi %mul3A_1128, %add3A_1129 : i32
        %swap3A_1131 = arith.constant 0 : i32
        %swap3A_1132 = arith.index_cast %swap3A_1131 : i32 to index
        %swap3A_1133 = arith.index_cast %add3A_1130 : i32 to index
        %swap3A_1134 = arith.constant 48 : index
        %swap3A_1135 = tpu.vector_load %arg9[%swap3A_1132, %swap3A_1133, %swap3A_1134] {strides = array<i32>} : memref<2x104x64xf32, #tpu.memory_space<vmem>>, vector<1x1x16xf32>,
        %swap3A_1136 = vector.shape_cast %swap3A_1135 : vector<1x1x16xf32> to vector<16xf32>
        %swap3A_1137 = vector.shape_cast %get3A_1126 : vector<16xf32> to vector<1x1x16xf32>
        tpu.vector_store %arg9[%swap3A_1132, %swap3A_1133, %swap3A_1134], %swap3A_1137 {strides = array<i32>} : memref<2x104x64xf32, #tpu.memory_space<vmem>>, vector<1x1x16xf32>,
      }
      %scan3A_188 = arith.constant 12 : i32
      %add3A_189 = arith.constant 4 : i32
      %add3A_190 = arith.addi %add3A_162, %add3A_189 : i32
      %lt3A_191 = arith.constant 256 : i32
      %lt3A_192 = arith.cmpi slt, %add3A_190, %lt3A_191 : i32
      %convert_element_type3A_193 = arith.extui %lt3A_192 : i1 to i32
      %cond3A_194 = arith.constant 0 : i32
      %cond3A_195 = arith.cmpi ne, %convert_element_type3A_193, %cond3A_194 : i32
      scf.if %cond3A_195 {
        %dma_start3A_467 = arith.constant 0 : i32
        %dma_start3A_468 = arith.constant 0 : i32
        %dma_start3A_469 = arith.constant 0 : i32
        %dma_start3A_470 = tpu.memref_slice %arg8[%dma_start3A_467, %dma_start3A_468, %dma_start3A_469] : memref<4x104x128xf32, #tpu.memory_space<vmem>> -> memref<1x96x128xf32, #tpu.memory_space<vmem>>
        %dma_start3A_471 = tpu.memref_squeeze %dma_start3A_470 : memref<1x96x128xf32, #tpu.memory_space<vmem>> -> memref<96x128xf32, #tpu.memory_space<vmem>>
        %dma_start3A_472 = arith.constant 0 : i32
        %dma_start3A_473 = arith.constant 0 : i32
        %dma_start3A_474 = tpu.memref_slice %arg6[%dma_start3A_472, %dma_start3A_473] : memref<200x128xf32, #tpu.memory_space<vmem_shared>> -> memref<96x128xf32, #tpu.memory_space<vmem_shared>>
        %dma_start3A_475 = arith.constant 0 : i32
        %dma_start3A_476 = arith.constant 0 : i32
        %dma_start3A_477 = tpu.memref_slice %arg8[%dma_start3A_467, %dma_start3A_475, %dma_start3A_476] : memref<4x104x128xf32, #tpu.memory_space<vmem>> -> memref<1x96x128xf32, #tpu.memory_space<vmem>>
        %dma_start3A_478 = tpu.memref_squeeze %dma_start3A_477 : memref<1x96x128xf32, #tpu.memory_space<vmem>> -> memref<96x128xf32, #tpu.memory_space<vmem>>
        %dma_start3A_479 = arith.constant 0 : i32
        %dma_start3A_480 = arith.constant 0 : i32
        %dma_start3A_481 = tpu.memref_slice %arg6[%dma_start3A_479, %dma_start3A_480] : memref<200x128xf32, #tpu.memory_space<vmem_shared>> -> memref<96x128xf32, #tpu.memory_space<vmem_shared>>
        tpu.enqueue_dma source(%dma_start3A_481 : memref<96x128xf32, #tpu.memory_space<vmem_shared>>) target(%dma_start3A_478 : memref<96x128xf32, #tpu.memory_space<vmem>>) target_semaphore(%arg10 : memref<!tpu.dma_semaphore, #tpu.memory_space<semaphore_mem>>)
      } else {
      }
      %jit3A = arith.constant 2 : i32
      %div3A = arith.divsi %add3A_162, %jit3A : i32
      %sign3A = arith.constant 0 : i32
      %sign3A_196 = arith.cmpi sgt, %add3A_162, %sign3A : i32
      %sign3A_197 = arith.extui %sign3A_196 : i1 to i32
      %sign3A_198 = arith.constant 0 : i32
      %sign3A_199 = arith.cmpi slt, %add3A_162, %sign3A_198 : i32
      %sign3A_200 = arith.extui %sign3A_199 : i1 to i32
      %sign3A_201 = arith.subi %sign3A_197, %sign3A_200 : i32
      %sign3A_202 = arith.constant 0 : i32
      %sign3A_203 = arith.cmpi sgt, %jit3A, %sign3A_202 : i32
      %sign3A_204 = arith.extui %sign3A_203 : i1 to i32
      %sign3A_205 = arith.constant 0 : i32
      %sign3A_206 = arith.cmpi slt, %jit3A, %sign3A_205 : i32
      %sign3A_207 = arith.extui %sign3A_206 : i1 to i32
      %sign3A_208 = arith.subi %sign3A_204, %sign3A_207 : i32
      %ne3A = arith.cmpi ne, %sign3A_201, %sign3A_208 : i32
      %rem3A = arith.remsi %add3A_162, %jit3A : i32
      %ne3A_209 = arith.constant 0 : i32
      %ne3A_210 = arith.cmpi ne, %rem3A, %ne3A_209 : i32
      %and3A = arith.andi %ne3A, %ne3A_210 : i1
      %sub3A = arith.constant 1 : i32
      %sub3A_211 = arith.subi %div3A, %sub3A : i32
      %select_n3A = arith.select %and3A, %sub3A_211, %div3A : i32
      %add3A_212 = arith.addi %mul3A_2, %select_n3A : i32
      %dma_start3A_213 = arith.constant 0 : i32
      %dma_start3A_214 = arith.constant 0 : i32
      %dma_start3A_215 = arith.constant 0 : i32
      %dma_start3A_216 = tpu.memref_slice %arg9[%dma_start3A_213, %dma_start3A_214, %dma_start3A_215] : memref<2x104x64xf32, #tpu.memory_space<vmem>> -> memref<1x96x64xf32, #tpu.memory_space<vmem>>
      %dma_start3A_217 = tpu.memref_squeeze %dma_start3A_216 : memref<1x96x64xf32, #tpu.memory_space<vmem>> -> memref<96x64xf32, #tpu.memory_space<vmem>>
      %dma_start3A_218 = arith.constant 0 : i32
      %dma_start3A_219 = arith.constant 0 : i32
      %dma_start3A_220 = tpu.memref_slice %arg5[%add3A_212, %dma_start3A_218, %dma_start3A_219] : memref<4096x200x64xf32, #tpu.memory_space<hbm>> -> memref<1x96x64xf32, #tpu.memory_space<hbm>>
      %dma_start3A_221 = tpu.memref_squeeze %dma_start3A_220 : memref<1x96x64xf32, #tpu.memory_space<hbm>> -> memref<96x64xf32, #tpu.memory_space<hbm>>
      %dma_start3A_222 = arith.constant 0 : i32
      %dma_start3A_223 = arith.constant 0 : i32
      %dma_start3A_224 = tpu.memref_slice %arg5[%add3A_212, %dma_start3A_222, %dma_start3A_223] : memref<4096x200x64xf32, #tpu.memory_space<hbm>> -> memref<1x96x64xf32, #tpu.memory_space<hbm>>
      %dma_start3A_225 = tpu.memref_squeeze %dma_start3A_224 : memref<1x96x64xf32, #tpu.memory_space<hbm>> -> memref<96x64xf32, #tpu.memory_space<hbm>>
      %dma_start3A_226 = arith.constant 0 : i32
      %dma_start3A_227 = arith.constant 0 : i32
      %dma_start3A_228 = tpu.memref_slice %arg9[%dma_start3A_213, %dma_start3A_226, %dma_start3A_227] : memref<2x104x64xf32, #tpu.memory_space<vmem>> -> memref<1x96x64xf32, #tpu.memory_space<vmem>>
      %dma_start3A_229 = tpu.memref_squeeze %dma_start3A_228 : memref<1x96x64xf32, #tpu.memory_space<vmem>> -> memref<96x64xf32, #tpu.memory_space<vmem>>
      tpu.enqueue_dma source(%dma_start3A_229 : memref<96x64xf32, #tpu.memory_space<vmem>>) target(%dma_start3A_225 : memref<96x64xf32, #tpu.memory_space<hbm>>) target_semaphore(%arg18 : memref<!tpu.dma_semaphore, #tpu.memory_space<semaphore_mem>>)
      %add3A_230 = arith.constant 1 : i32
      %add3A_231 = arith.addi %mul3A_160, %add3A_230 : i32
      %add3A_232 = arith.constant 2 : i32
      %add3A_233 = arith.addi %add3A_231, %add3A_232 : i32
      %lt3A_234 = arith.constant 256 : i32
      %lt3A_235 = arith.cmpi slt, %add3A_233, %lt3A_234 : i32
      %convert_element_type3A_236 = arith.extui %lt3A_235 : i1 to i32
      %cond3A_237 = arith.constant 0 : i32
      %cond3A_238 = arith.cmpi ne, %convert_element_type3A_236, %cond3A_237 : i32
      scf.if %cond3A_238 {
        %dma_wait3A_467 = arith.constant 3 : i32
        %dma_wait3A_468 = arith.constant 0 : i32
        %dma_wait3A_469 = arith.constant 0 : i32
        %dma_wait3A_470 = tpu.memref_slice %arg8[%dma_wait3A_467, %dma_wait3A_468, %dma_wait3A_469] : memref<4x104x128xf32, #tpu.memory_space<vmem>> -> memref<1x104x128xf32, #tpu.memory_space<vmem>>
        %dma_wait3A_471 = tpu.memref_squeeze %dma_wait3A_470 : memref<1x104x128xf32, #tpu.memory_space<vmem>> -> memref<104x128xf32, #tpu.memory_space<vmem>>
        %dma_wait3A_472 = arith.constant 96 : i32
        %dma_wait3A_473 = arith.constant 0 : i32
        %dma_wait3A_474 = tpu.memref_slice %arg6[%dma_wait3A_472, %dma_wait3A_473] : memref<200x128xf32, #tpu.memory_space<vmem_shared>> -> memref<104x128xf32, #tpu.memory_space<vmem_shared>>
        %dma_wait3A_475 = arith.constant 0 : i32
        %dma_wait3A_476 = arith.constant 0 : i32
        %dma_wait3A_477 = tpu.memref_slice %arg8[%dma_wait3A_467, %dma_wait3A_475, %dma_wait3A_476] : memref<4x104x128xf32, #tpu.memory_space<vmem>> -> memref<1x104x128xf32, #tpu.memory_space<vmem>>
        %dma_wait3A_478 = tpu.memref_squeeze %dma_wait3A_477 : memref<1x104x128xf32, #tpu.memory_space<vmem>> -> memref<104x128xf32, #tpu.memory_space<vmem>>
        %dma_wait3A_479 = arith.constant 96 : i32
        %dma_wait3A_480 = arith.constant 0 : i32
        %dma_wait3A_481 = tpu.memref_slice %arg6[%dma_wait3A_479, %dma_wait3A_480] : memref<200x128xf32, #tpu.memory_space<vmem_shared>> -> memref<104x128xf32, #tpu.memory_space<vmem_shared>>
        tpu.wait_dma2 semaphore(%arg13 : memref<!tpu.dma_semaphore, #tpu.memory_space<semaphore_mem>>) src(%dma_wait3A_481 : memref<104x128xf32, #tpu.memory_space<vmem_shared>>) dst(%dma_wait3A_478 : memref<104x128xf32, #tpu.memory_space<vmem>>)
        %add3A_482 = arith.constant 2 : i32
        %add3A_483 = arith.addi %add3A_231, %add3A_482 : i32
        %jit3A_484 = arith.constant 2 : i32
        %div3A_485 = arith.divsi %add3A_483, %jit3A_484 : i32
        %sign3A_486 = arith.constant 0 : i32
        %sign3A_487 = arith.cmpi sgt, %add3A_483, %sign3A_486 : i32
        %sign3A_488 = arith.extui %sign3A_487 : i1 to i32
        %sign3A_489 = arith.constant 0 : i32
        %sign3A_490 = arith.cmpi slt, %add3A_483, %sign3A_489 : i32
        %sign3A_491 = arith.extui %sign3A_490 : i1 to i32
        %sign3A_492 = arith.subi %sign3A_488, %sign3A_491 : i32
        %sign3A_493 = arith.constant 0 : i32
        %sign3A_494 = arith.cmpi sgt, %jit3A_484, %sign3A_493 : i32
        %sign3A_495 = arith.extui %sign3A_494 : i1 to i32
        %sign3A_496 = arith.constant 0 : i32
        %sign3A_497 = arith.cmpi slt, %jit3A_484, %sign3A_496 : i32
        %sign3A_498 = arith.extui %sign3A_497 : i1 to i32
        %sign3A_499 = arith.subi %sign3A_495, %sign3A_498 : i32
        %ne3A_500 = arith.cmpi ne, %sign3A_492, %sign3A_499 : i32
        %rem3A_501 = arith.remsi %add3A_483, %jit3A_484 : i32
        %ne3A_502 = arith.constant 0 : i32
        %ne3A_503 = arith.cmpi ne, %rem3A_501, %ne3A_502 : i32
        %and3A_504 = arith.andi %ne3A_500, %ne3A_503 : i1
        %sub3A_505 = arith.constant 1 : i32
        %sub3A_506 = arith.subi %div3A_485, %sub3A_505 : i32
        %select_n3A_507 = arith.select %and3A_504, %sub3A_506, %div3A_485 : i32
        %mul3A_508 = arith.constant 200 : i32
        %mul3A_509 = arith.muli %select_n3A_507, %mul3A_508 : i32
        %add3A_510 = arith.constant 96 : i32
        %add3A_511 = arith.addi %mul3A_509, %add3A_510 : i32
        %dma_start3A_512 = arith.constant 3 : i32
        %dma_start3A_513 = arith.constant 0 : i32
        %dma_start3A_514 = arith.constant 0 : i32
        %dma_start3A_515 = tpu.memref_slice %arg8[%dma_start3A_512, %dma_start3A_513, %dma_start3A_514] : memref<4x104x128xf32, #tpu.memory_space<vmem>> -> memref<1x104x128xf32, #tpu.memory_space<vmem>>
        %dma_start3A_516 = tpu.memref_squeeze %dma_start3A_515 : memref<1x104x128xf32, #tpu.memory_space<vmem>> -> memref<104x128xf32, #tpu.memory_space<vmem>>
        %dma_start3A_517 = tpu.memref_slice %arg7[%add3A_511] : memref<25600xi32, #tpu.memory_space<vmem>> -> memref<104xi32, #tpu.memory_space<vmem>>
        %dma_start3A_518 = arith.constant 0 : i32
        %dma_start3A_519 = arith.constant 0 : i32
        %dma_start3A_520 = tpu.memref_slice %arg3[%dma_start3A_518, %dma_start3A_519] : memref<100000x128xf32, #tpu.memory_space<hbm>> -> memref<100000x128xf32, #tpu.memory_space<hbm>>
        tpu.enqueue_indirect_dma source(%dma_start3A_520 : memref<100000x128xf32, #tpu.memory_space<hbm>>) target(%dma_start3A_516 : memref<104x128xf32, #tpu.memory_space<vmem>>) offsets(%dma_start3A_517 : memref<104xi32, #tpu.memory_space<vmem>>) semaphore(%arg17 : memref<!tpu.dma_semaphore, #tpu.memory_space<semaphore_mem>>) {add = true}
      } else {
      }
      %dma_wait3A_239 = arith.constant 1 : i32
      %dma_wait3A_240 = arith.constant 0 : i32
      %dma_wait3A_241 = arith.constant 0 : i32
      %dma_wait3A_242 = tpu.memref_slice %arg8[%dma_wait3A_239, %dma_wait3A_240, %dma_wait3A_241] : memref<4x104x128xf32, #tpu.memory_space<vmem>> -> memref<1x104x128xf32, #tpu.memory_space<vmem>>
      %dma_wait3A_243 = tpu.memref_squeeze %dma_wait3A_242 : memref<1x104x128xf32, #tpu.memory_space<vmem>> -> memref<104x128xf32, #tpu.memory_space<vmem>>
      %dma_wait3A_244 = arith.constant 0 : i32
      %dma_wait3A_245 = tpu.memref_slice %arg7[%dma_wait3A_244] : memref<25600xi32, #tpu.memory_space<vmem>> -> memref<104xi32, #tpu.memory_space<vmem>>
      %dma_wait3A_246 = arith.constant 0 : i32
      %dma_wait3A_247 = arith.constant 0 : i32
      %dma_wait3A_248 = tpu.memref_slice %arg3[%dma_wait3A_246, %dma_wait3A_247] : memref<100000x128xf32, #tpu.memory_space<hbm>> -> memref<100000x128xf32, #tpu.memory_space<hbm>>
      tpu.wait_indirect_dma semaphore(%arg15 : memref<!tpu.dma_semaphore, #tpu.memory_space<semaphore_mem>>) src(%dma_wait3A_248 : memref<100000x128xf32, #tpu.memory_space<hbm>>) dst(%dma_wait3A_243 : memref<104x128xf32, #tpu.memory_space<vmem>>)
      %ge3A_249 = arith.constant 2 : i32
      %ge3A_250 = arith.cmpi sge, %add3A_231, %ge3A_249 : i32
      %convert_element_type3A_251 = arith.extui %ge3A_250 : i1 to i32
      %cond3A_252 = arith.constant 0 : i32
      %cond3A_253 = arith.cmpi ne, %convert_element_type3A_251, %cond3A_252 : i32
      scf.if %cond3A_253 {
        %sub3A_467 = arith.constant 2 : i32
        %sub3A_468 = arith.subi %add3A_231, %sub3A_467 : i32
        %jit3A_469 = arith.constant 2 : i32
        %div3A_470 = arith.divsi %sub3A_468, %jit3A_469 : i32
        %sign3A_471 = arith.constant 0 : i32
        %sign3A_472 = arith.cmpi sgt, %sub3A_468, %sign3A_471 : i32
        %sign3A_473 = arith.extui %sign3A_472 : i1 to i32
        %sign3A_474 = arith.constant 0 : i32
        %sign3A_475 = arith.cmpi slt, %sub3A_468, %sign3A_474 : i32
        %sign3A_476 = arith.extui %sign3A_475 : i1 to i32
        %sign3A_477 = arith.subi %sign3A_473, %sign3A_476 : i32
        %sign3A_478 = arith.constant 0 : i32
        %sign3A_479 = arith.cmpi sgt, %jit3A_469, %sign3A_478 : i32
        %sign3A_480 = arith.extui %sign3A_479 : i1 to i32
        %sign3A_481 = arith.constant 0 : i32
        %sign3A_482 = arith.cmpi slt, %jit3A_469, %sign3A_481 : i32
        %sign3A_483 = arith.extui %sign3A_482 : i1 to i32
        %sign3A_484 = arith.subi %sign3A_480, %sign3A_483 : i32
        %ne3A_485 = arith.cmpi ne, %sign3A_477, %sign3A_484 : i32
        %rem3A_486 = arith.remsi %sub3A_468, %jit3A_469 : i32
        %ne3A_487 = arith.constant 0 : i32
        %ne3A_488 = arith.cmpi ne, %rem3A_486, %ne3A_487 : i32
        %and3A_489 = arith.andi %ne3A_485, %ne3A_488 : i1
        %sub3A_490 = arith.constant 1 : i32
        %sub3A_491 = arith.subi %div3A_470, %sub3A_490 : i32
        %select_n3A_492 = arith.select %and3A_489, %sub3A_491, %div3A_470 : i32
        %add3A_493 = arith.addi %mul3A_2, %select_n3A_492 : i32
        %dma_wait3A_494 = arith.constant 1 : i32
        %dma_wait3A_495 = arith.constant 0 : i32
        %dma_wait3A_496 = arith.constant 0 : i32
        %dma_wait3A_497 = tpu.memref_slice %arg9[%dma_wait3A_494, %dma_wait3A_495, %dma_wait3A_496] : memref<2x104x64xf32, #tpu.memory_space<vmem>> -> memref<1x104x64xf32, #tpu.memory_space<vmem>>
        %dma_wait3A_498 = tpu.memref_squeeze %dma_wait3A_497 : memref<1x104x64xf32, #tpu.memory_space<vmem>> -> memref<104x64xf32, #tpu.memory_space<vmem>>
        %dma_wait3A_499 = arith.constant 96 : i32
        %dma_wait3A_500 = arith.constant 0 : i32
        %dma_wait3A_501 = tpu.memref_slice %arg5[%add3A_493, %dma_wait3A_499, %dma_wait3A_500] : memref<4096x200x64xf32, #tpu.memory_space<hbm>> -> memref<1x104x64xf32, #tpu.memory_space<hbm>>
        %dma_wait3A_502 = tpu.memref_squeeze %dma_wait3A_501 : memref<1x104x64xf32, #tpu.memory_space<hbm>> -> memref<104x64xf32, #tpu.memory_space<hbm>>
        %dma_wait3A_503 = arith.constant 96 : i32
        %dma_wait3A_504 = arith.constant 0 : i32
        %dma_wait3A_505 = tpu.memref_slice %arg5[%add3A_493, %dma_wait3A_503, %dma_wait3A_504] : memref<4096x200x64xf32, #tpu.memory_space<hbm>> -> memref<1x104x64xf32, #tpu.memory_space<hbm>>
        %dma_wait3A_506 = tpu.memref_squeeze %dma_wait3A_505 : memref<1x104x64xf32, #tpu.memory_space<hbm>> -> memref<104x64xf32, #tpu.memory_space<hbm>>
        %dma_wait3A_507 = arith.constant 0 : i32
        %dma_wait3A_508 = arith.constant 0 : i32
        %dma_wait3A_509 = tpu.memref_slice %arg9[%dma_wait3A_494, %dma_wait3A_507, %dma_wait3A_508] : memref<2x104x64xf32, #tpu.memory_space<vmem>> -> memref<1x104x64xf32, #tpu.memory_space<vmem>>
        %dma_wait3A_510 = tpu.memref_squeeze %dma_wait3A_509 : memref<1x104x64xf32, #tpu.memory_space<vmem>> -> memref<104x64xf32, #tpu.memory_space<vmem>>
        tpu.wait_dma2 semaphore(%arg19 : memref<!tpu.dma_semaphore, #tpu.memory_space<semaphore_mem>>) src(%dma_wait3A_510 : memref<104x64xf32, #tpu.memory_space<vmem>>) dst(%dma_wait3A_506 : memref<104x64xf32, #tpu.memory_space<hbm>>)
      } else {
      }
      %scan3A_254 = arith.constant 0 : i32
      %scan3A_255 = arith.constant 0 : i32
      %scan3A_256 = arith.constant 13 : i32
      %scan3A_257 = arith.addi %scan3A_255, %scan3A_256 : i32
      %scan3A_258 = arith.constant 1 : i32
      scf.for %scan3A_467 = %scan3A_255 to %scan3A_257 step %scan3A_258  : i32 {
        %mul3A_468 = arith.constant 8 : i32
        %mul3A_469 = arith.muli %scan3A_467, %mul3A_468 : i32
        %add3A_470 = arith.constant 0 : i32
        %add3A_471 = arith.addi %mul3A_469, %add3A_470 : i32
        %get3A = arith.constant 1 : i32
        %get3A_472 = arith.index_cast %get3A : i32 to index
        %get3A_473 = arith.index_cast %add3A_471 : i32 to index
        %get3A_474 = arith.constant 0 : index
        %get3A_475 = tpu.vector_load %arg8[%get3A_472, %get3A_473, %get3A_474] {strides = array<i32>} : memref<4x104x128xf32, #tpu.memory_space<vmem>>, vector<1x1x16xf32>,
        %get3A_476 = vector.shape_cast %get3A_475 : vector<1x1x16xf32> to vector<16xf32>
        %mul3A_477 = arith.constant 8 : i32
        %mul3A_478 = arith.muli %scan3A_467, %mul3A_477 : i32
        %add3A_479 = arith.constant 0 : i32
        %add3A_480 = arith.addi %mul3A_478, %add3A_479 : i32
        %swap3A = arith.constant 1 : i32
        %swap3A_481 = arith.index_cast %swap3A : i32 to index
        %swap3A_482 = arith.index_cast %add3A_480 : i32 to index
        %swap3A_483 = arith.constant 0 : index
        %swap3A_484 = tpu.vector_load %arg9[%swap3A_481, %swap3A_482, %swap3A_483] {strides = array<i32>} : memref<2x104x64xf32, #tpu.memory_space<vmem>>, vector<1x1x16xf32>,
        %swap3A_485 = vector.shape_cast %swap3A_484 : vector<1x1x16xf32> to vector<16xf32>
        %swap3A_486 = vector.shape_cast %get3A_476 : vector<16xf32> to vector<1x1x16xf32>
        tpu.vector_store %arg9[%swap3A_481, %swap3A_482, %swap3A_483], %swap3A_486 {strides = array<i32>} : memref<2x104x64xf32, #tpu.memory_space<vmem>>, vector<1x1x16xf32>,
        %mul3A_487 = arith.constant 8 : i32
        %mul3A_488 = arith.muli %scan3A_467, %mul3A_487 : i32
        %add3A_489 = arith.constant 0 : i32
        %add3A_490 = arith.addi %mul3A_488, %add3A_489 : i32
        %get3A_491 = arith.constant 1 : i32
        %get3A_492 = arith.index_cast %get3A_491 : i32 to index
        %get3A_493 = arith.index_cast %add3A_490 : i32 to index
        %get3A_494 = arith.constant 16 : index
        %get3A_495 = tpu.vector_load %arg8[%get3A_492, %get3A_493, %get3A_494] {strides = array<i32>} : memref<4x104x128xf32, #tpu.memory_space<vmem>>, vector<1x1x16xf32>,
        %get3A_496 = vector.shape_cast %get3A_495 : vector<1x1x16xf32> to vector<16xf32>
        %mul3A_497 = arith.constant 8 : i32
        %mul3A_498 = arith.muli %scan3A_467, %mul3A_497 : i32
        %add3A_499 = arith.constant 0 : i32
        %add3A_500 = arith.addi %mul3A_498, %add3A_499 : i32
        %swap3A_501 = arith.constant 1 : i32
        %swap3A_502 = arith.index_cast %swap3A_501 : i32 to index
        %swap3A_503 = arith.index_cast %add3A_500 : i32 to index
        %swap3A_504 = arith.constant 16 : index
        %swap3A_505 = tpu.vector_load %arg9[%swap3A_502, %swap3A_503, %swap3A_504] {strides = array<i32>} : memref<2x104x64xf32, #tpu.memory_space<vmem>>, vector<1x1x16xf32>,
        %swap3A_506 = vector.shape_cast %swap3A_505 : vector<1x1x16xf32> to vector<16xf32>
        %swap3A_507 = vector.shape_cast %get3A_496 : vector<16xf32> to vector<1x1x16xf32>
        tpu.vector_store %arg9[%swap3A_502, %swap3A_503, %swap3A_504], %swap3A_507 {strides = array<i32>} : memref<2x104x64xf32, #tpu.memory_space<vmem>>, vector<1x1x16xf32>,
        %mul3A_508 = arith.constant 8 : i32
        %mul3A_509 = arith.muli %scan3A_467, %mul3A_508 : i32
        %add3A_510 = arith.constant 0 : i32
        %add3A_511 = arith.addi %mul3A_509, %add3A_510 : i32
        %get3A_512 = arith.constant 1 : i32
        %get3A_513 = arith.index_cast %get3A_512 : i32 to index
        %get3A_514 = arith.index_cast %add3A_511 : i32 to index
        %get3A_515 = arith.constant 32 : index
        %get3A_516 = tpu.vector_load %arg8[%get3A_513, %get3A_514, %get3A_515] {strides = array<i32>} : memref<4x104x128xf32, #tpu.memory_space<vmem>>, vector<1x1x16xf32>,
        %get3A_517 = vector.shape_cast %get3A_516 : vector<1x1x16xf32> to vector<16xf32>
        %mul3A_518 = arith.constant 8 : i32
        %mul3A_519 = arith.muli %scan3A_467, %mul3A_518 : i32
        %add3A_520 = arith.constant 0 : i32
        %add3A_521 = arith.addi %mul3A_519, %add3A_520 : i32
        %swap3A_522 = arith.constant 1 : i32
        %swap3A_523 = arith.index_cast %swap3A_522 : i32 to index
        %swap3A_524 = arith.index_cast %add3A_521 : i32 to index
        %swap3A_525 = arith.constant 32 : index
        %swap3A_526 = tpu.vector_load %arg9[%swap3A_523, %swap3A_524, %swap3A_525] {strides = array<i32>} : memref<2x104x64xf32, #tpu.memory_space<vmem>>, vector<1x1x16xf32>,
        %swap3A_527 = vector.shape_cast %swap3A_526 : vector<1x1x16xf32> to vector<16xf32>
        %swap3A_528 = vector.shape_cast %get3A_517 : vector<16xf32> to vector<1x1x16xf32>
        tpu.vector_store %arg9[%swap3A_523, %swap3A_524, %swap3A_525], %swap3A_528 {strides = array<i32>} : memref<2x104x64xf32, #tpu.memory_space<vmem>>, vector<1x1x16xf32>,
        %mul3A_529 = arith.constant 8 : i32
        %mul3A_530 = arith.muli %scan3A_467, %mul3A_529 : i32
        %add3A_531 = arith.constant 0 : i32
        %add3A_532 = arith.addi %mul3A_530, %add3A_531 : i32
        %get3A_533 = arith.constant 1 : i32
        %get3A_534 = arith.index_cast %get3A_533 : i32 to index
        %get3A_535 = arith.index_cast %add3A_532 : i32 to index
        %get3A_536 = arith.constant 48 : index
        %get3A_537 = tpu.vector_load %arg8[%get3A_534, %get3A_535, %get3A_536] {strides = array<i32>} : memref<4x104x128xf32, #tpu.memory_space<vmem>>, vector<1x1x16xf32>,
        %get3A_538 = vector.shape_cast %get3A_537 : vector<1x1x16xf32> to vector<16xf32>
        %mul3A_539 = arith.constant 8 : i32
        %mul3A_540 = arith.muli %scan3A_467, %mul3A_539 : i32
        %add3A_541 = arith.constant 0 : i32
        %add3A_542 = arith.addi %mul3A_540, %add3A_541 : i32
        %swap3A_543 = arith.constant 1 : i32
        %swap3A_544 = arith.index_cast %swap3A_543 : i32 to index
        %swap3A_545 = arith.index_cast %add3A_542 : i32 to index
        %swap3A_546 = arith.constant 48 : index
        %swap3A_547 = tpu.vector_load %arg9[%swap3A_544, %swap3A_545, %swap3A_546] {strides = array<i32>} : memref<2x104x64xf32, #tpu.memory_space<vmem>>, vector<1x1x16xf32>,
        %swap3A_548 = vector.shape_cast %swap3A_547 : vector<1x1x16xf32> to vector<16xf32>
        %swap3A_549 = vector.shape_cast %get3A_538 : vector<16xf32> to vector<1x1x16xf32>
        tpu.vector_store %arg9[%swap3A_544, %swap3A_545, %swap3A_546], %swap3A_549 {strides = array<i32>} : memref<2x104x64xf32, #tpu.memory_space<vmem>>, vector<1x1x16xf32>,
        %mul3A_550 = arith.constant 8 : i32
        %mul3A_551 = arith.muli %scan3A_467, %mul3A_550 : i32
        %add3A_552 = arith.constant 1 : i32
        %add3A_553 = arith.addi %mul3A_551, %add3A_552 : i32
        %get3A_554 = arith.constant 1 : i32
        %get3A_555 = arith.index_cast %get3A_554 : i32 to index
        %get3A_556 = arith.index_cast %add3A_553 : i32 to index
        %get3A_557 = arith.constant 0 : index
        %get3A_558 = tpu.vector_load %arg8[%get3A_555, %get3A_556, %get3A_557] {strides = array<i32>} : memref<4x104x128xf32, #tpu.memory_space<vmem>>, vector<1x1x16xf32>,
        %get3A_559 = vector.shape_cast %get3A_558 : vector<1x1x16xf32> to vector<16xf32>
        %mul3A_560 = arith.constant 8 : i32
        %mul3A_561 = arith.muli %scan3A_467, %mul3A_560 : i32
        %add3A_562 = arith.constant 1 : i32
        %add3A_563 = arith.addi %mul3A_561, %add3A_562 : i32
        %swap3A_564 = arith.constant 1 : i32
        %swap3A_565 = arith.index_cast %swap3A_564 : i32 to index
        %swap3A_566 = arith.index_cast %add3A_563 : i32 to index
        %swap3A_567 = arith.constant 0 : index
        %swap3A_568 = tpu.vector_load %arg9[%swap3A_565, %swap3A_566, %swap3A_567] {strides = array<i32>} : memref<2x104x64xf32, #tpu.memory_space<vmem>>, vector<1x1x16xf32>,
        %swap3A_569 = vector.shape_cast %swap3A_568 : vector<1x1x16xf32> to vector<16xf32>
        %swap3A_570 = vector.shape_cast %get3A_559 : vector<16xf32> to vector<1x1x16xf32>
        tpu.vector_store %arg9[%swap3A_565, %swap3A_566, %swap3A_567], %swap3A_570 {strides = array<i32>} : memref<2x104x64xf32, #tpu.memory_space<vmem>>, vector<1x1x16xf32>,
        %mul3A_571 = arith.constant 8 : i32
        %mul3A_572 = arith.muli %scan3A_467, %mul3A_571 : i32
        %add3A_573 = arith.constant 1 : i32
        %add3A_574 = arith.addi %mul3A_572, %add3A_573 : i32
        %get3A_575 = arith.constant 1 : i32
        %get3A_576 = arith.index_cast %get3A_575 : i32 to index
        %get3A_577 = arith.index_cast %add3A_574 : i32 to index
        %get3A_578 = arith.constant 16 : index
        %get3A_579 = tpu.vector_load %arg8[%get3A_576, %get3A_577, %get3A_578] {strides = array<i32>} : memref<4x104x128xf32, #tpu.memory_space<vmem>>, vector<1x1x16xf32>,
        %get3A_580 = vector.shape_cast %get3A_579 : vector<1x1x16xf32> to vector<16xf32>
        %mul3A_581 = arith.constant 8 : i32
        %mul3A_582 = arith.muli %scan3A_467, %mul3A_581 : i32
        %add3A_583 = arith.constant 1 : i32
        %add3A_584 = arith.addi %mul3A_582, %add3A_583 : i32
        %swap3A_585 = arith.constant 1 : i32
        %swap3A_586 = arith.index_cast %swap3A_585 : i32 to index
        %swap3A_587 = arith.index_cast %add3A_584 : i32 to index
        %swap3A_588 = arith.constant 16 : index
        %swap3A_589 = tpu.vector_load %arg9[%swap3A_586, %swap3A_587, %swap3A_588] {strides = array<i32>} : memref<2x104x64xf32, #tpu.memory_space<vmem>>, vector<1x1x16xf32>,
        %swap3A_590 = vector.shape_cast %swap3A_589 : vector<1x1x16xf32> to vector<16xf32>
        %swap3A_591 = vector.shape_cast %get3A_580 : vector<16xf32> to vector<1x1x16xf32>
        tpu.vector_store %arg9[%swap3A_586, %swap3A_587, %swap3A_588], %swap3A_591 {strides = array<i32>} : memref<2x104x64xf32, #tpu.memory_space<vmem>>, vector<1x1x16xf32>,
        %mul3A_592 = arith.constant 8 : i32
        %mul3A_593 = arith.muli %scan3A_467, %mul3A_592 : i32
        %add3A_594 = arith.constant 1 : i32
        %add3A_595 = arith.addi %mul3A_593, %add3A_594 : i32
        %get3A_596 = arith.constant 1 : i32
        %get3A_597 = arith.index_cast %get3A_596 : i32 to index
        %get3A_598 = arith.index_cast %add3A_595 : i32 to index
        %get3A_599 = arith.constant 32 : index
        %get3A_600 = tpu.vector_load %arg8[%get3A_597, %get3A_598, %get3A_599] {strides = array<i32>} : memref<4x104x128xf32, #tpu.memory_space<vmem>>, vector<1x1x16xf32>,
        %get3A_601 = vector.shape_cast %get3A_600 : vector<1x1x16xf32> to vector<16xf32>
        %mul3A_602 = arith.constant 8 : i32
        %mul3A_603 = arith.muli %scan3A_467, %mul3A_602 : i32
        %add3A_604 = arith.constant 1 : i32
        %add3A_605 = arith.addi %mul3A_603, %add3A_604 : i32
        %swap3A_606 = arith.constant 1 : i32
        %swap3A_607 = arith.index_cast %swap3A_606 : i32 to index
        %swap3A_608 = arith.index_cast %add3A_605 : i32 to index
        %swap3A_609 = arith.constant 32 : index
        %swap3A_610 = tpu.vector_load %arg9[%swap3A_607, %swap3A_608, %swap3A_609] {strides = array<i32>} : memref<2x104x64xf32, #tpu.memory_space<vmem>>, vector<1x1x16xf32>,
        %swap3A_611 = vector.shape_cast %swap3A_610 : vector<1x1x16xf32> to vector<16xf32>
        %swap3A_612 = vector.shape_cast %get3A_601 : vector<16xf32> to vector<1x1x16xf32>
        tpu.vector_store %arg9[%swap3A_607, %swap3A_608, %swap3A_609], %swap3A_612 {strides = array<i32>} : memref<2x104x64xf32, #tpu.memory_space<vmem>>, vector<1x1x16xf32>,
        %mul3A_613 = arith.constant 8 : i32
        %mul3A_614 = arith.muli %scan3A_467, %mul3A_613 : i32
        %add3A_615 = arith.constant 1 : i32
        %add3A_616 = arith.addi %mul3A_614, %add3A_615 : i32
        %get3A_617 = arith.constant 1 : i32
        %get3A_618 = arith.index_cast %get3A_617 : i32 to index
        %get3A_619 = arith.index_cast %add3A_616 : i32 to index
        %get3A_620 = arith.constant 48 : index
        %get3A_621 = tpu.vector_load %arg8[%get3A_618, %get3A_619, %get3A_620] {strides = array<i32>} : memref<4x104x128xf32, #tpu.memory_space<vmem>>, vector<1x1x16xf32>,
        %get3A_622 = vector.shape_cast %get3A_621 : vector<1x1x16xf32> to vector<16xf32>
        %mul3A_623 = arith.constant 8 : i32
        %mul3A_624 = arith.muli %scan3A_467, %mul3A_623 : i32
        %add3A_625 = arith.constant 1 : i32
        %add3A_626 = arith.addi %mul3A_624, %add3A_625 : i32
        %swap3A_627 = arith.constant 1 : i32
        %swap3A_628 = arith.index_cast %swap3A_627 : i32 to index
        %swap3A_629 = arith.index_cast %add3A_626 : i32 to index
        %swap3A_630 = arith.constant 48 : index
        %swap3A_631 = tpu.vector_load %arg9[%swap3A_628, %swap3A_629, %swap3A_630] {strides = array<i32>} : memref<2x104x64xf32, #tpu.memory_space<vmem>>, vector<1x1x16xf32>,
        %swap3A_632 = vector.shape_cast %swap3A_631 : vector<1x1x16xf32> to vector<16xf32>
        %swap3A_633 = vector.shape_cast %get3A_622 : vector<16xf32> to vector<1x1x16xf32>
        tpu.vector_store %arg9[%swap3A_628, %swap3A_629, %swap3A_630], %swap3A_633 {strides = array<i32>} : memref<2x104x64xf32, #tpu.memory_space<vmem>>, vector<1x1x16xf32>,
        %mul3A_634 = arith.constant 8 : i32
        %mul3A_635 = arith.muli %scan3A_467, %mul3A_634 : i32
        %add3A_636 = arith.constant 2 : i32
        %add3A_637 = arith.addi %mul3A_635, %add3A_636 : i32
        %get3A_638 = arith.constant 1 : i32
        %get3A_639 = arith.index_cast %get3A_638 : i32 to index
        %get3A_640 = arith.index_cast %add3A_637 : i32 to index
        %get3A_641 = arith.constant 0 : index
        %get3A_642 = tpu.vector_load %arg8[%get3A_639, %get3A_640, %get3A_641] {strides = array<i32>} : memref<4x104x128xf32, #tpu.memory_space<vmem>>, vector<1x1x16xf32>,
        %get3A_643 = vector.shape_cast %get3A_642 : vector<1x1x16xf32> to vector<16xf32>
        %mul3A_644 = arith.constant 8 : i32
        %mul3A_645 = arith.muli %scan3A_467, %mul3A_644 : i32
        %add3A_646 = arith.constant 2 : i32
        %add3A_647 = arith.addi %mul3A_645, %add3A_646 : i32
        %swap3A_648 = arith.constant 1 : i32
        %swap3A_649 = arith.index_cast %swap3A_648 : i32 to index
        %swap3A_650 = arith.index_cast %add3A_647 : i32 to index
        %swap3A_651 = arith.constant 0 : index
        %swap3A_652 = tpu.vector_load %arg9[%swap3A_649, %swap3A_650, %swap3A_651] {strides = array<i32>} : memref<2x104x64xf32, #tpu.memory_space<vmem>>, vector<1x1x16xf32>,
        %swap3A_653 = vector.shape_cast %swap3A_652 : vector<1x1x16xf32> to vector<16xf32>
        %swap3A_654 = vector.shape_cast %get3A_643 : vector<16xf32> to vector<1x1x16xf32>
        tpu.vector_store %arg9[%swap3A_649, %swap3A_650, %swap3A_651], %swap3A_654 {strides = array<i32>} : memref<2x104x64xf32, #tpu.memory_space<vmem>>, vector<1x1x16xf32>,
        %mul3A_655 = arith.constant 8 : i32
        %mul3A_656 = arith.muli %scan3A_467, %mul3A_655 : i32
        %add3A_657 = arith.constant 2 : i32
        %add3A_658 = arith.addi %mul3A_656, %add3A_657 : i32
        %get3A_659 = arith.constant 1 : i32
        %get3A_660 = arith.index_cast %get3A_659 : i32 to index
        %get3A_661 = arith.index_cast %add3A_658 : i32 to index
        %get3A_662 = arith.constant 16 : index
        %get3A_663 = tpu.vector_load %arg8[%get3A_660, %get3A_661, %get3A_662] {strides = array<i32>} : memref<4x104x128xf32, #tpu.memory_space<vmem>>, vector<1x1x16xf32>,
        %get3A_664 = vector.shape_cast %get3A_663 : vector<1x1x16xf32> to vector<16xf32>
        %mul3A_665 = arith.constant 8 : i32
        %mul3A_666 = arith.muli %scan3A_467, %mul3A_665 : i32
        %add3A_667 = arith.constant 2 : i32
        %add3A_668 = arith.addi %mul3A_666, %add3A_667 : i32
        %swap3A_669 = arith.constant 1 : i32
        %swap3A_670 = arith.index_cast %swap3A_669 : i32 to index
        %swap3A_671 = arith.index_cast %add3A_668 : i32 to index
        %swap3A_672 = arith.constant 16 : index
        %swap3A_673 = tpu.vector_load %arg9[%swap3A_670, %swap3A_671, %swap3A_672] {strides = array<i32>} : memref<2x104x64xf32, #tpu.memory_space<vmem>>, vector<1x1x16xf32>,
        %swap3A_674 = vector.shape_cast %swap3A_673 : vector<1x1x16xf32> to vector<16xf32>
        %swap3A_675 = vector.shape_cast %get3A_664 : vector<16xf32> to vector<1x1x16xf32>
        tpu.vector_store %arg9[%swap3A_670, %swap3A_671, %swap3A_672], %swap3A_675 {strides = array<i32>} : memref<2x104x64xf32, #tpu.memory_space<vmem>>, vector<1x1x16xf32>,
        %mul3A_676 = arith.constant 8 : i32
        %mul3A_677 = arith.muli %scan3A_467, %mul3A_676 : i32
        %add3A_678 = arith.constant 2 : i32
        %add3A_679 = arith.addi %mul3A_677, %add3A_678 : i32
        %get3A_680 = arith.constant 1 : i32
        %get3A_681 = arith.index_cast %get3A_680 : i32 to index
        %get3A_682 = arith.index_cast %add3A_679 : i32 to index
        %get3A_683 = arith.constant 32 : index
        %get3A_684 = tpu.vector_load %arg8[%get3A_681, %get3A_682, %get3A_683] {strides = array<i32>} : memref<4x104x128xf32, #tpu.memory_space<vmem>>, vector<1x1x16xf32>,
        %get3A_685 = vector.shape_cast %get3A_684 : vector<1x1x16xf32> to vector<16xf32>
        %mul3A_686 = arith.constant 8 : i32
        %mul3A_687 = arith.muli %scan3A_467, %mul3A_686 : i32
        %add3A_688 = arith.constant 2 : i32
        %add3A_689 = arith.addi %mul3A_687, %add3A_688 : i32
        %swap3A_690 = arith.constant 1 : i32
        %swap3A_691 = arith.index_cast %swap3A_690 : i32 to index
        %swap3A_692 = arith.index_cast %add3A_689 : i32 to index
        %swap3A_693 = arith.constant 32 : index
        %swap3A_694 = tpu.vector_load %arg9[%swap3A_691, %swap3A_692, %swap3A_693] {strides = array<i32>} : memref<2x104x64xf32, #tpu.memory_space<vmem>>, vector<1x1x16xf32>,
        %swap3A_695 = vector.shape_cast %swap3A_694 : vector<1x1x16xf32> to vector<16xf32>
        %swap3A_696 = vector.shape_cast %get3A_685 : vector<16xf32> to vector<1x1x16xf32>
        tpu.vector_store %arg9[%swap3A_691, %swap3A_692, %swap3A_693], %swap3A_696 {strides = array<i32>} : memref<2x104x64xf32, #tpu.memory_space<vmem>>, vector<1x1x16xf32>,
        %mul3A_697 = arith.constant 8 : i32
        %mul3A_698 = arith.muli %scan3A_467, %mul3A_697 : i32
        %add3A_699 = arith.constant 2 : i32
        %add3A_700 = arith.addi %mul3A_698, %add3A_699 : i32
        %get3A_701 = arith.constant 1 : i32
        %get3A_702 = arith.index_cast %get3A_701 : i32 to index
        %get3A_703 = arith.index_cast %add3A_700 : i32 to index
        %get3A_704 = arith.constant 48 : index
        %get3A_705 = tpu.vector_load %arg8[%get3A_702, %get3A_703, %get3A_704] {strides = array<i32>} : memref<4x104x128xf32, #tpu.memory_space<vmem>>, vector<1x1x16xf32>,
        %get3A_706 = vector.shape_cast %get3A_705 : vector<1x1x16xf32> to vector<16xf32>
        %mul3A_707 = arith.constant 8 : i32
        %mul3A_708 = arith.muli %scan3A_467, %mul3A_707 : i32
        %add3A_709 = arith.constant 2 : i32
        %add3A_710 = arith.addi %mul3A_708, %add3A_709 : i32
        %swap3A_711 = arith.constant 1 : i32
        %swap3A_712 = arith.index_cast %swap3A_711 : i32 to index
        %swap3A_713 = arith.index_cast %add3A_710 : i32 to index
        %swap3A_714 = arith.constant 48 : index
        %swap3A_715 = tpu.vector_load %arg9[%swap3A_712, %swap3A_713, %swap3A_714] {strides = array<i32>} : memref<2x104x64xf32, #tpu.memory_space<vmem>>, vector<1x1x16xf32>,
        %swap3A_716 = vector.shape_cast %swap3A_715 : vector<1x1x16xf32> to vector<16xf32>
        %swap3A_717 = vector.shape_cast %get3A_706 : vector<16xf32> to vector<1x1x16xf32>
        tpu.vector_store %arg9[%swap3A_712, %swap3A_713, %swap3A_714], %swap3A_717 {strides = array<i32>} : memref<2x104x64xf32, #tpu.memory_space<vmem>>, vector<1x1x16xf32>,
        %mul3A_718 = arith.constant 8 : i32
        %mul3A_719 = arith.muli %scan3A_467, %mul3A_718 : i32
        %add3A_720 = arith.constant 3 : i32
        %add3A_721 = arith.addi %mul3A_719, %add3A_720 : i32
        %get3A_722 = arith.constant 1 : i32
        %get3A_723 = arith.index_cast %get3A_722 : i32 to index
        %get3A_724 = arith.index_cast %add3A_721 : i32 to index
        %get3A_725 = arith.constant 0 : index
        %get3A_726 = tpu.vector_load %arg8[%get3A_723, %get3A_724, %get3A_725] {strides = array<i32>} : memref<4x104x128xf32, #tpu.memory_space<vmem>>, vector<1x1x16xf32>,
        %get3A_727 = vector.shape_cast %get3A_726 : vector<1x1x16xf32> to vector<16xf32>
        %mul3A_728 = arith.constant 8 : i32
        %mul3A_729 = arith.muli %scan3A_467, %mul3A_728 : i32
        %add3A_730 = arith.constant 3 : i32
        %add3A_731 = arith.addi %mul3A_729, %add3A_730 : i32
        %swap3A_732 = arith.constant 1 : i32
        %swap3A_733 = arith.index_cast %swap3A_732 : i32 to index
        %swap3A_734 = arith.index_cast %add3A_731 : i32 to index
        %swap3A_735 = arith.constant 0 : index
        %swap3A_736 = tpu.vector_load %arg9[%swap3A_733, %swap3A_734, %swap3A_735] {strides = array<i32>} : memref<2x104x64xf32, #tpu.memory_space<vmem>>, vector<1x1x16xf32>,
        %swap3A_737 = vector.shape_cast %swap3A_736 : vector<1x1x16xf32> to vector<16xf32>
        %swap3A_738 = vector.shape_cast %get3A_727 : vector<16xf32> to vector<1x1x16xf32>
        tpu.vector_store %arg9[%swap3A_733, %swap3A_734, %swap3A_735], %swap3A_738 {strides = array<i32>} : memref<2x104x64xf32, #tpu.memory_space<vmem>>, vector<1x1x16xf32>,
        %mul3A_739 = arith.constant 8 : i32
        %mul3A_740 = arith.muli %scan3A_467, %mul3A_739 : i32
        %add3A_741 = arith.constant 3 : i32
        %add3A_742 = arith.addi %mul3A_740, %add3A_741 : i32
        %get3A_743 = arith.constant 1 : i32
        %get3A_744 = arith.index_cast %get3A_743 : i32 to index
        %get3A_745 = arith.index_cast %add3A_742 : i32 to index
        %get3A_746 = arith.constant 16 : index
        %get3A_747 = tpu.vector_load %arg8[%get3A_744, %get3A_745, %get3A_746] {strides = array<i32>} : memref<4x104x128xf32, #tpu.memory_space<vmem>>, vector<1x1x16xf32>,
        %get3A_748 = vector.shape_cast %get3A_747 : vector<1x1x16xf32> to vector<16xf32>
        %mul3A_749 = arith.constant 8 : i32
        %mul3A_750 = arith.muli %scan3A_467, %mul3A_749 : i32
        %add3A_751 = arith.constant 3 : i32
        %add3A_752 = arith.addi %mul3A_750, %add3A_751 : i32
        %swap3A_753 = arith.constant 1 : i32
        %swap3A_754 = arith.index_cast %swap3A_753 : i32 to index
        %swap3A_755 = arith.index_cast %add3A_752 : i32 to index
        %swap3A_756 = arith.constant 16 : index
        %swap3A_757 = tpu.vector_load %arg9[%swap3A_754, %swap3A_755, %swap3A_756] {strides = array<i32>} : memref<2x104x64xf32, #tpu.memory_space<vmem>>, vector<1x1x16xf32>,
        %swap3A_758 = vector.shape_cast %swap3A_757 : vector<1x1x16xf32> to vector<16xf32>
        %swap3A_759 = vector.shape_cast %get3A_748 : vector<16xf32> to vector<1x1x16xf32>
        tpu.vector_store %arg9[%swap3A_754, %swap3A_755, %swap3A_756], %swap3A_759 {strides = array<i32>} : memref<2x104x64xf32, #tpu.memory_space<vmem>>, vector<1x1x16xf32>,
        %mul3A_760 = arith.constant 8 : i32
        %mul3A_761 = arith.muli %scan3A_467, %mul3A_760 : i32
        %add3A_762 = arith.constant 3 : i32
        %add3A_763 = arith.addi %mul3A_761, %add3A_762 : i32
        %get3A_764 = arith.constant 1 : i32
        %get3A_765 = arith.index_cast %get3A_764 : i32 to index
        %get3A_766 = arith.index_cast %add3A_763 : i32 to index
        %get3A_767 = arith.constant 32 : index
        %get3A_768 = tpu.vector_load %arg8[%get3A_765, %get3A_766, %get3A_767] {strides = array<i32>} : memref<4x104x128xf32, #tpu.memory_space<vmem>>, vector<1x1x16xf32>,
        %get3A_769 = vector.shape_cast %get3A_768 : vector<1x1x16xf32> to vector<16xf32>
        %mul3A_770 = arith.constant 8 : i32
        %mul3A_771 = arith.muli %scan3A_467, %mul3A_770 : i32
        %add3A_772 = arith.constant 3 : i32
        %add3A_773 = arith.addi %mul3A_771, %add3A_772 : i32
        %swap3A_774 = arith.constant 1 : i32
        %swap3A_775 = arith.index_cast %swap3A_774 : i32 to index
        %swap3A_776 = arith.index_cast %add3A_773 : i32 to index
        %swap3A_777 = arith.constant 32 : index
        %swap3A_778 = tpu.vector_load %arg9[%swap3A_775, %swap3A_776, %swap3A_777] {strides = array<i32>} : memref<2x104x64xf32, #tpu.memory_space<vmem>>, vector<1x1x16xf32>,
        %swap3A_779 = vector.shape_cast %swap3A_778 : vector<1x1x16xf32> to vector<16xf32>
        %swap3A_780 = vector.shape_cast %get3A_769 : vector<16xf32> to vector<1x1x16xf32>
        tpu.vector_store %arg9[%swap3A_775, %swap3A_776, %swap3A_777], %swap3A_780 {strides = array<i32>} : memref<2x104x64xf32, #tpu.memory_space<vmem>>, vector<1x1x16xf32>,
        %mul3A_781 = arith.constant 8 : i32
        %mul3A_782 = arith.muli %scan3A_467, %mul3A_781 : i32
        %add3A_783 = arith.constant 3 : i32
        %add3A_784 = arith.addi %mul3A_782, %add3A_783 : i32
        %get3A_785 = arith.constant 1 : i32
        %get3A_786 = arith.index_cast %get3A_785 : i32 to index
        %get3A_787 = arith.index_cast %add3A_784 : i32 to index
        %get3A_788 = arith.constant 48 : index
        %get3A_789 = tpu.vector_load %arg8[%get3A_786, %get3A_787, %get3A_788] {strides = array<i32>} : memref<4x104x128xf32, #tpu.memory_space<vmem>>, vector<1x1x16xf32>,
        %get3A_790 = vector.shape_cast %get3A_789 : vector<1x1x16xf32> to vector<16xf32>
        %mul3A_791 = arith.constant 8 : i32
        %mul3A_792 = arith.muli %scan3A_467, %mul3A_791 : i32
        %add3A_793 = arith.constant 3 : i32
        %add3A_794 = arith.addi %mul3A_792, %add3A_793 : i32
        %swap3A_795 = arith.constant 1 : i32
        %swap3A_796 = arith.index_cast %swap3A_795 : i32 to index
        %swap3A_797 = arith.index_cast %add3A_794 : i32 to index
        %swap3A_798 = arith.constant 48 : index
        %swap3A_799 = tpu.vector_load %arg9[%swap3A_796, %swap3A_797, %swap3A_798] {strides = array<i32>} : memref<2x104x64xf32, #tpu.memory_space<vmem>>, vector<1x1x16xf32>,
        %swap3A_800 = vector.shape_cast %swap3A_799 : vector<1x1x16xf32> to vector<16xf32>
        %swap3A_801 = vector.shape_cast %get3A_790 : vector<16xf32> to vector<1x1x16xf32>
        tpu.vector_store %arg9[%swap3A_796, %swap3A_797, %swap3A_798], %swap3A_801 {strides = array<i32>} : memref<2x104x64xf32, #tpu.memory_space<vmem>>, vector<1x1x16xf32>,
        %mul3A_802 = arith.constant 8 : i32
        %mul3A_803 = arith.muli %scan3A_467, %mul3A_802 : i32
        %add3A_804 = arith.constant 4 : i32
        %add3A_805 = arith.addi %mul3A_803, %add3A_804 : i32
        %get3A_806 = arith.constant 1 : i32
        %get3A_807 = arith.index_cast %get3A_806 : i32 to index
        %get3A_808 = arith.index_cast %add3A_805 : i32 to index
        %get3A_809 = arith.constant 0 : index
        %get3A_810 = tpu.vector_load %arg8[%get3A_807, %get3A_808, %get3A_809] {strides = array<i32>} : memref<4x104x128xf32, #tpu.memory_space<vmem>>, vector<1x1x16xf32>,
        %get3A_811 = vector.shape_cast %get3A_810 : vector<1x1x16xf32> to vector<16xf32>
        %mul3A_812 = arith.constant 8 : i32
        %mul3A_813 = arith.muli %scan3A_467, %mul3A_812 : i32
        %add3A_814 = arith.constant 4 : i32
        %add3A_815 = arith.addi %mul3A_813, %add3A_814 : i32
        %swap3A_816 = arith.constant 1 : i32
        %swap3A_817 = arith.index_cast %swap3A_816 : i32 to index
        %swap3A_818 = arith.index_cast %add3A_815 : i32 to index
        %swap3A_819 = arith.constant 0 : index
        %swap3A_820 = tpu.vector_load %arg9[%swap3A_817, %swap3A_818, %swap3A_819] {strides = array<i32>} : memref<2x104x64xf32, #tpu.memory_space<vmem>>, vector<1x1x16xf32>,
        %swap3A_821 = vector.shape_cast %swap3A_820 : vector<1x1x16xf32> to vector<16xf32>
        %swap3A_822 = vector.shape_cast %get3A_811 : vector<16xf32> to vector<1x1x16xf32>
        tpu.vector_store %arg9[%swap3A_817, %swap3A_818, %swap3A_819], %swap3A_822 {strides = array<i32>} : memref<2x104x64xf32, #tpu.memory_space<vmem>>, vector<1x1x16xf32>,
        %mul3A_823 = arith.constant 8 : i32
        %mul3A_824 = arith.muli %scan3A_467, %mul3A_823 : i32
        %add3A_825 = arith.constant 4 : i32
        %add3A_826 = arith.addi %mul3A_824, %add3A_825 : i32
        %get3A_827 = arith.constant 1 : i32
        %get3A_828 = arith.index_cast %get3A_827 : i32 to index
        %get3A_829 = arith.index_cast %add3A_826 : i32 to index
        %get3A_830 = arith.constant 16 : index
        %get3A_831 = tpu.vector_load %arg8[%get3A_828, %get3A_829, %get3A_830] {strides = array<i32>} : memref<4x104x128xf32, #tpu.memory_space<vmem>>, vector<1x1x16xf32>,
        %get3A_832 = vector.shape_cast %get3A_831 : vector<1x1x16xf32> to vector<16xf32>
        %mul3A_833 = arith.constant 8 : i32
        %mul3A_834 = arith.muli %scan3A_467, %mul3A_833 : i32
        %add3A_835 = arith.constant 4 : i32
        %add3A_836 = arith.addi %mul3A_834, %add3A_835 : i32
        %swap3A_837 = arith.constant 1 : i32
        %swap3A_838 = arith.index_cast %swap3A_837 : i32 to index
        %swap3A_839 = arith.index_cast %add3A_836 : i32 to index
        %swap3A_840 = arith.constant 16 : index
        %swap3A_841 = tpu.vector_load %arg9[%swap3A_838, %swap3A_839, %swap3A_840] {strides = array<i32>} : memref<2x104x64xf32, #tpu.memory_space<vmem>>, vector<1x1x16xf32>,
        %swap3A_842 = vector.shape_cast %swap3A_841 : vector<1x1x16xf32> to vector<16xf32>
        %swap3A_843 = vector.shape_cast %get3A_832 : vector<16xf32> to vector<1x1x16xf32>
        tpu.vector_store %arg9[%swap3A_838, %swap3A_839, %swap3A_840], %swap3A_843 {strides = array<i32>} : memref<2x104x64xf32, #tpu.memory_space<vmem>>, vector<1x1x16xf32>,
        %mul3A_844 = arith.constant 8 : i32
        %mul3A_845 = arith.muli %scan3A_467, %mul3A_844 : i32
        %add3A_846 = arith.constant 4 : i32
        %add3A_847 = arith.addi %mul3A_845, %add3A_846 : i32
        %get3A_848 = arith.constant 1 : i32
        %get3A_849 = arith.index_cast %get3A_848 : i32 to index
        %get3A_850 = arith.index_cast %add3A_847 : i32 to index
        %get3A_851 = arith.constant 32 : index
        %get3A_852 = tpu.vector_load %arg8[%get3A_849, %get3A_850, %get3A_851] {strides = array<i32>} : memref<4x104x128xf32, #tpu.memory_space<vmem>>, vector<1x1x16xf32>,
        %get3A_853 = vector.shape_cast %get3A_852 : vector<1x1x16xf32> to vector<16xf32>
        %mul3A_854 = arith.constant 8 : i32
        %mul3A_855 = arith.muli %scan3A_467, %mul3A_854 : i32
        %add3A_856 = arith.constant 4 : i32
        %add3A_857 = arith.addi %mul3A_855, %add3A_856 : i32
        %swap3A_858 = arith.constant 1 : i32
        %swap3A_859 = arith.index_cast %swap3A_858 : i32 to index
        %swap3A_860 = arith.index_cast %add3A_857 : i32 to index
        %swap3A_861 = arith.constant 32 : index
        %swap3A_862 = tpu.vector_load %arg9[%swap3A_859, %swap3A_860, %swap3A_861] {strides = array<i32>} : memref<2x104x64xf32, #tpu.memory_space<vmem>>, vector<1x1x16xf32>,
        %swap3A_863 = vector.shape_cast %swap3A_862 : vector<1x1x16xf32> to vector<16xf32>
        %swap3A_864 = vector.shape_cast %get3A_853 : vector<16xf32> to vector<1x1x16xf32>
        tpu.vector_store %arg9[%swap3A_859, %swap3A_860, %swap3A_861], %swap3A_864 {strides = array<i32>} : memref<2x104x64xf32, #tpu.memory_space<vmem>>, vector<1x1x16xf32>,
        %mul3A_865 = arith.constant 8 : i32
        %mul3A_866 = arith.muli %scan3A_467, %mul3A_865 : i32
        %add3A_867 = arith.constant 4 : i32
        %add3A_868 = arith.addi %mul3A_866, %add3A_867 : i32
        %get3A_869 = arith.constant 1 : i32
        %get3A_870 = arith.index_cast %get3A_869 : i32 to index
        %get3A_871 = arith.index_cast %add3A_868 : i32 to index
        %get3A_872 = arith.constant 48 : index
        %get3A_873 = tpu.vector_load %arg8[%get3A_870, %get3A_871, %get3A_872] {strides = array<i32>} : memref<4x104x128xf32, #tpu.memory_space<vmem>>, vector<1x1x16xf32>,
        %get3A_874 = vector.shape_cast %get3A_873 : vector<1x1x16xf32> to vector<16xf32>
        %mul3A_875 = arith.constant 8 : i32
        %mul3A_876 = arith.muli %scan3A_467, %mul3A_875 : i32
        %add3A_877 = arith.constant 4 : i32
        %add3A_878 = arith.addi %mul3A_876, %add3A_877 : i32
        %swap3A_879 = arith.constant 1 : i32
        %swap3A_880 = arith.index_cast %swap3A_879 : i32 to index
        %swap3A_881 = arith.index_cast %add3A_878 : i32 to index
        %swap3A_882 = arith.constant 48 : index
        %swap3A_883 = tpu.vector_load %arg9[%swap3A_880, %swap3A_881, %swap3A_882] {strides = array<i32>} : memref<2x104x64xf32, #tpu.memory_space<vmem>>, vector<1x1x16xf32>,
        %swap3A_884 = vector.shape_cast %swap3A_883 : vector<1x1x16xf32> to vector<16xf32>
        %swap3A_885 = vector.shape_cast %get3A_874 : vector<16xf32> to vector<1x1x16xf32>
        tpu.vector_store %arg9[%swap3A_880, %swap3A_881, %swap3A_882], %swap3A_885 {strides = array<i32>} : memref<2x104x64xf32, #tpu.memory_space<vmem>>, vector<1x1x16xf32>,
        %mul3A_886 = arith.constant 8 : i32
        %mul3A_887 = arith.muli %scan3A_467, %mul3A_886 : i32
        %add3A_888 = arith.constant 5 : i32
        %add3A_889 = arith.addi %mul3A_887, %add3A_888 : i32
        %get3A_890 = arith.constant 1 : i32
        %get3A_891 = arith.index_cast %get3A_890 : i32 to index
        %get3A_892 = arith.index_cast %add3A_889 : i32 to index
        %get3A_893 = arith.constant 0 : index
        %get3A_894 = tpu.vector_load %arg8[%get3A_891, %get3A_892, %get3A_893] {strides = array<i32>} : memref<4x104x128xf32, #tpu.memory_space<vmem>>, vector<1x1x16xf32>,
        %get3A_895 = vector.shape_cast %get3A_894 : vector<1x1x16xf32> to vector<16xf32>
        %mul3A_896 = arith.constant 8 : i32
        %mul3A_897 = arith.muli %scan3A_467, %mul3A_896 : i32
        %add3A_898 = arith.constant 5 : i32
        %add3A_899 = arith.addi %mul3A_897, %add3A_898 : i32
        %swap3A_900 = arith.constant 1 : i32
        %swap3A_901 = arith.index_cast %swap3A_900 : i32 to index
        %swap3A_902 = arith.index_cast %add3A_899 : i32 to index
        %swap3A_903 = arith.constant 0 : index
        %swap3A_904 = tpu.vector_load %arg9[%swap3A_901, %swap3A_902, %swap3A_903] {strides = array<i32>} : memref<2x104x64xf32, #tpu.memory_space<vmem>>, vector<1x1x16xf32>,
        %swap3A_905 = vector.shape_cast %swap3A_904 : vector<1x1x16xf32> to vector<16xf32>
        %swap3A_906 = vector.shape_cast %get3A_895 : vector<16xf32> to vector<1x1x16xf32>
        tpu.vector_store %arg9[%swap3A_901, %swap3A_902, %swap3A_903], %swap3A_906 {strides = array<i32>} : memref<2x104x64xf32, #tpu.memory_space<vmem>>, vector<1x1x16xf32>,
        %mul3A_907 = arith.constant 8 : i32
        %mul3A_908 = arith.muli %scan3A_467, %mul3A_907 : i32
        %add3A_909 = arith.constant 5 : i32
        %add3A_910 = arith.addi %mul3A_908, %add3A_909 : i32
        %get3A_911 = arith.constant 1 : i32
        %get3A_912 = arith.index_cast %get3A_911 : i32 to index
        %get3A_913 = arith.index_cast %add3A_910 : i32 to index
        %get3A_914 = arith.constant 16 : index
        %get3A_915 = tpu.vector_load %arg8[%get3A_912, %get3A_913, %get3A_914] {strides = array<i32>} : memref<4x104x128xf32, #tpu.memory_space<vmem>>, vector<1x1x16xf32>,
        %get3A_916 = vector.shape_cast %get3A_915 : vector<1x1x16xf32> to vector<16xf32>
        %mul3A_917 = arith.constant 8 : i32
        %mul3A_918 = arith.muli %scan3A_467, %mul3A_917 : i32
        %add3A_919 = arith.constant 5 : i32
        %add3A_920 = arith.addi %mul3A_918, %add3A_919 : i32
        %swap3A_921 = arith.constant 1 : i32
        %swap3A_922 = arith.index_cast %swap3A_921 : i32 to index
        %swap3A_923 = arith.index_cast %add3A_920 : i32 to index
        %swap3A_924 = arith.constant 16 : index
        %swap3A_925 = tpu.vector_load %arg9[%swap3A_922, %swap3A_923, %swap3A_924] {strides = array<i32>} : memref<2x104x64xf32, #tpu.memory_space<vmem>>, vector<1x1x16xf32>,
        %swap3A_926 = vector.shape_cast %swap3A_925 : vector<1x1x16xf32> to vector<16xf32>
        %swap3A_927 = vector.shape_cast %get3A_916 : vector<16xf32> to vector<1x1x16xf32>
        tpu.vector_store %arg9[%swap3A_922, %swap3A_923, %swap3A_924], %swap3A_927 {strides = array<i32>} : memref<2x104x64xf32, #tpu.memory_space<vmem>>, vector<1x1x16xf32>,
        %mul3A_928 = arith.constant 8 : i32
        %mul3A_929 = arith.muli %scan3A_467, %mul3A_928 : i32
        %add3A_930 = arith.constant 5 : i32
        %add3A_931 = arith.addi %mul3A_929, %add3A_930 : i32
        %get3A_932 = arith.constant 1 : i32
        %get3A_933 = arith.index_cast %get3A_932 : i32 to index
        %get3A_934 = arith.index_cast %add3A_931 : i32 to index
        %get3A_935 = arith.constant 32 : index
        %get3A_936 = tpu.vector_load %arg8[%get3A_933, %get3A_934, %get3A_935] {strides = array<i32>} : memref<4x104x128xf32, #tpu.memory_space<vmem>>, vector<1x1x16xf32>,
        %get3A_937 = vector.shape_cast %get3A_936 : vector<1x1x16xf32> to vector<16xf32>
        %mul3A_938 = arith.constant 8 : i32
        %mul3A_939 = arith.muli %scan3A_467, %mul3A_938 : i32
        %add3A_940 = arith.constant 5 : i32
        %add3A_941 = arith.addi %mul3A_939, %add3A_940 : i32
        %swap3A_942 = arith.constant 1 : i32
        %swap3A_943 = arith.index_cast %swap3A_942 : i32 to index
        %swap3A_944 = arith.index_cast %add3A_941 : i32 to index
        %swap3A_945 = arith.constant 32 : index
        %swap3A_946 = tpu.vector_load %arg9[%swap3A_943, %swap3A_944, %swap3A_945] {strides = array<i32>} : memref<2x104x64xf32, #tpu.memory_space<vmem>>, vector<1x1x16xf32>,
        %swap3A_947 = vector.shape_cast %swap3A_946 : vector<1x1x16xf32> to vector<16xf32>
        %swap3A_948 = vector.shape_cast %get3A_937 : vector<16xf32> to vector<1x1x16xf32>
        tpu.vector_store %arg9[%swap3A_943, %swap3A_944, %swap3A_945], %swap3A_948 {strides = array<i32>} : memref<2x104x64xf32, #tpu.memory_space<vmem>>, vector<1x1x16xf32>,
        %mul3A_949 = arith.constant 8 : i32
        %mul3A_950 = arith.muli %scan3A_467, %mul3A_949 : i32
        %add3A_951 = arith.constant 5 : i32
        %add3A_952 = arith.addi %mul3A_950, %add3A_951 : i32
        %get3A_953 = arith.constant 1 : i32
        %get3A_954 = arith.index_cast %get3A_953 : i32 to index
        %get3A_955 = arith.index_cast %add3A_952 : i32 to index
        %get3A_956 = arith.constant 48 : index
        %get3A_957 = tpu.vector_load %arg8[%get3A_954, %get3A_955, %get3A_956] {strides = array<i32>} : memref<4x104x128xf32, #tpu.memory_space<vmem>>, vector<1x1x16xf32>,
        %get3A_958 = vector.shape_cast %get3A_957 : vector<1x1x16xf32> to vector<16xf32>
        %mul3A_959 = arith.constant 8 : i32
        %mul3A_960 = arith.muli %scan3A_467, %mul3A_959 : i32
        %add3A_961 = arith.constant 5 : i32
        %add3A_962 = arith.addi %mul3A_960, %add3A_961 : i32
        %swap3A_963 = arith.constant 1 : i32
        %swap3A_964 = arith.index_cast %swap3A_963 : i32 to index
        %swap3A_965 = arith.index_cast %add3A_962 : i32 to index
        %swap3A_966 = arith.constant 48 : index
        %swap3A_967 = tpu.vector_load %arg9[%swap3A_964, %swap3A_965, %swap3A_966] {strides = array<i32>} : memref<2x104x64xf32, #tpu.memory_space<vmem>>, vector<1x1x16xf32>,
        %swap3A_968 = vector.shape_cast %swap3A_967 : vector<1x1x16xf32> to vector<16xf32>
        %swap3A_969 = vector.shape_cast %get3A_958 : vector<16xf32> to vector<1x1x16xf32>
        tpu.vector_store %arg9[%swap3A_964, %swap3A_965, %swap3A_966], %swap3A_969 {strides = array<i32>} : memref<2x104x64xf32, #tpu.memory_space<vmem>>, vector<1x1x16xf32>,
        %mul3A_970 = arith.constant 8 : i32
        %mul3A_971 = arith.muli %scan3A_467, %mul3A_970 : i32
        %add3A_972 = arith.constant 6 : i32
        %add3A_973 = arith.addi %mul3A_971, %add3A_972 : i32
        %get3A_974 = arith.constant 1 : i32
        %get3A_975 = arith.index_cast %get3A_974 : i32 to index
        %get3A_976 = arith.index_cast %add3A_973 : i32 to index
        %get3A_977 = arith.constant 0 : index
        %get3A_978 = tpu.vector_load %arg8[%get3A_975, %get3A_976, %get3A_977] {strides = array<i32>} : memref<4x104x128xf32, #tpu.memory_space<vmem>>, vector<1x1x16xf32>,
        %get3A_979 = vector.shape_cast %get3A_978 : vector<1x1x16xf32> to vector<16xf32>
        %mul3A_980 = arith.constant 8 : i32
        %mul3A_981 = arith.muli %scan3A_467, %mul3A_980 : i32
        %add3A_982 = arith.constant 6 : i32
        %add3A_983 = arith.addi %mul3A_981, %add3A_982 : i32
        %swap3A_984 = arith.constant 1 : i32
        %swap3A_985 = arith.index_cast %swap3A_984 : i32 to index
        %swap3A_986 = arith.index_cast %add3A_983 : i32 to index
        %swap3A_987 = arith.constant 0 : index
        %swap3A_988 = tpu.vector_load %arg9[%swap3A_985, %swap3A_986, %swap3A_987] {strides = array<i32>} : memref<2x104x64xf32, #tpu.memory_space<vmem>>, vector<1x1x16xf32>,
        %swap3A_989 = vector.shape_cast %swap3A_988 : vector<1x1x16xf32> to vector<16xf32>
        %swap3A_990 = vector.shape_cast %get3A_979 : vector<16xf32> to vector<1x1x16xf32>
        tpu.vector_store %arg9[%swap3A_985, %swap3A_986, %swap3A_987], %swap3A_990 {strides = array<i32>} : memref<2x104x64xf32, #tpu.memory_space<vmem>>, vector<1x1x16xf32>,
        %mul3A_991 = arith.constant 8 : i32
        %mul3A_992 = arith.muli %scan3A_467, %mul3A_991 : i32
        %add3A_993 = arith.constant 6 : i32
        %add3A_994 = arith.addi %mul3A_992, %add3A_993 : i32
        %get3A_995 = arith.constant 1 : i32
        %get3A_996 = arith.index_cast %get3A_995 : i32 to index
        %get3A_997 = arith.index_cast %add3A_994 : i32 to index
        %get3A_998 = arith.constant 16 : index
        %get3A_999 = tpu.vector_load %arg8[%get3A_996, %get3A_997, %get3A_998] {strides = array<i32>} : memref<4x104x128xf32, #tpu.memory_space<vmem>>, vector<1x1x16xf32>,
        %get3A_1000 = vector.shape_cast %get3A_999 : vector<1x1x16xf32> to vector<16xf32>
        %mul3A_1001 = arith.constant 8 : i32
        %mul3A_1002 = arith.muli %scan3A_467, %mul3A_1001 : i32
        %add3A_1003 = arith.constant 6 : i32
        %add3A_1004 = arith.addi %mul3A_1002, %add3A_1003 : i32
        %swap3A_1005 = arith.constant 1 : i32
        %swap3A_1006 = arith.index_cast %swap3A_1005 : i32 to index
        %swap3A_1007 = arith.index_cast %add3A_1004 : i32 to index
        %swap3A_1008 = arith.constant 16 : index
        %swap3A_1009 = tpu.vector_load %arg9[%swap3A_1006, %swap3A_1007, %swap3A_1008] {strides = array<i32>} : memref<2x104x64xf32, #tpu.memory_space<vmem>>, vector<1x1x16xf32>,
        %swap3A_1010 = vector.shape_cast %swap3A_1009 : vector<1x1x16xf32> to vector<16xf32>
        %swap3A_1011 = vector.shape_cast %get3A_1000 : vector<16xf32> to vector<1x1x16xf32>
        tpu.vector_store %arg9[%swap3A_1006, %swap3A_1007, %swap3A_1008], %swap3A_1011 {strides = array<i32>} : memref<2x104x64xf32, #tpu.memory_space<vmem>>, vector<1x1x16xf32>,
        %mul3A_1012 = arith.constant 8 : i32
        %mul3A_1013 = arith.muli %scan3A_467, %mul3A_1012 : i32
        %add3A_1014 = arith.constant 6 : i32
        %add3A_1015 = arith.addi %mul3A_1013, %add3A_1014 : i32
        %get3A_1016 = arith.constant 1 : i32
        %get3A_1017 = arith.index_cast %get3A_1016 : i32 to index
        %get3A_1018 = arith.index_cast %add3A_1015 : i32 to index
        %get3A_1019 = arith.constant 32 : index
        %get3A_1020 = tpu.vector_load %arg8[%get3A_1017, %get3A_1018, %get3A_1019] {strides = array<i32>} : memref<4x104x128xf32, #tpu.memory_space<vmem>>, vector<1x1x16xf32>,
        %get3A_1021 = vector.shape_cast %get3A_1020 : vector<1x1x16xf32> to vector<16xf32>
        %mul3A_1022 = arith.constant 8 : i32
        %mul3A_1023 = arith.muli %scan3A_467, %mul3A_1022 : i32
        %add3A_1024 = arith.constant 6 : i32
        %add3A_1025 = arith.addi %mul3A_1023, %add3A_1024 : i32
        %swap3A_1026 = arith.constant 1 : i32
        %swap3A_1027 = arith.index_cast %swap3A_1026 : i32 to index
        %swap3A_1028 = arith.index_cast %add3A_1025 : i32 to index
        %swap3A_1029 = arith.constant 32 : index
        %swap3A_1030 = tpu.vector_load %arg9[%swap3A_1027, %swap3A_1028, %swap3A_1029] {strides = array<i32>} : memref<2x104x64xf32, #tpu.memory_space<vmem>>, vector<1x1x16xf32>,
        %swap3A_1031 = vector.shape_cast %swap3A_1030 : vector<1x1x16xf32> to vector<16xf32>
        %swap3A_1032 = vector.shape_cast %get3A_1021 : vector<16xf32> to vector<1x1x16xf32>
        tpu.vector_store %arg9[%swap3A_1027, %swap3A_1028, %swap3A_1029], %swap3A_1032 {strides = array<i32>} : memref<2x104x64xf32, #tpu.memory_space<vmem>>, vector<1x1x16xf32>,
        %mul3A_1033 = arith.constant 8 : i32
        %mul3A_1034 = arith.muli %scan3A_467, %mul3A_1033 : i32
        %add3A_1035 = arith.constant 6 : i32
        %add3A_1036 = arith.addi %mul3A_1034, %add3A_1035 : i32
        %get3A_1037 = arith.constant 1 : i32
        %get3A_1038 = arith.index_cast %get3A_1037 : i32 to index
        %get3A_1039 = arith.index_cast %add3A_1036 : i32 to index
        %get3A_1040 = arith.constant 48 : index
        %get3A_1041 = tpu.vector_load %arg8[%get3A_1038, %get3A_1039, %get3A_1040] {strides = array<i32>} : memref<4x104x128xf32, #tpu.memory_space<vmem>>, vector<1x1x16xf32>,
        %get3A_1042 = vector.shape_cast %get3A_1041 : vector<1x1x16xf32> to vector<16xf32>
        %mul3A_1043 = arith.constant 8 : i32
        %mul3A_1044 = arith.muli %scan3A_467, %mul3A_1043 : i32
        %add3A_1045 = arith.constant 6 : i32
        %add3A_1046 = arith.addi %mul3A_1044, %add3A_1045 : i32
        %swap3A_1047 = arith.constant 1 : i32
        %swap3A_1048 = arith.index_cast %swap3A_1047 : i32 to index
        %swap3A_1049 = arith.index_cast %add3A_1046 : i32 to index
        %swap3A_1050 = arith.constant 48 : index
        %swap3A_1051 = tpu.vector_load %arg9[%swap3A_1048, %swap3A_1049, %swap3A_1050] {strides = array<i32>} : memref<2x104x64xf32, #tpu.memory_space<vmem>>, vector<1x1x16xf32>,
        %swap3A_1052 = vector.shape_cast %swap3A_1051 : vector<1x1x16xf32> to vector<16xf32>
        %swap3A_1053 = vector.shape_cast %get3A_1042 : vector<16xf32> to vector<1x1x16xf32>
        tpu.vector_store %arg9[%swap3A_1048, %swap3A_1049, %swap3A_1050], %swap3A_1053 {strides = array<i32>} : memref<2x104x64xf32, #tpu.memory_space<vmem>>, vector<1x1x16xf32>,
        %mul3A_1054 = arith.constant 8 : i32
        %mul3A_1055 = arith.muli %scan3A_467, %mul3A_1054 : i32
        %add3A_1056 = arith.constant 7 : i32
        %add3A_1057 = arith.addi %mul3A_1055, %add3A_1056 : i32
        %get3A_1058 = arith.constant 1 : i32
        %get3A_1059 = arith.index_cast %get3A_1058 : i32 to index
        %get3A_1060 = arith.index_cast %add3A_1057 : i32 to index
        %get3A_1061 = arith.constant 0 : index
        %get3A_1062 = tpu.vector_load %arg8[%get3A_1059, %get3A_1060, %get3A_1061] {strides = array<i32>} : memref<4x104x128xf32, #tpu.memory_space<vmem>>, vector<1x1x16xf32>,
        %get3A_1063 = vector.shape_cast %get3A_1062 : vector<1x1x16xf32> to vector<16xf32>
        %mul3A_1064 = arith.constant 8 : i32
        %mul3A_1065 = arith.muli %scan3A_467, %mul3A_1064 : i32
        %add3A_1066 = arith.constant 7 : i32
        %add3A_1067 = arith.addi %mul3A_1065, %add3A_1066 : i32
        %swap3A_1068 = arith.constant 1 : i32
        %swap3A_1069 = arith.index_cast %swap3A_1068 : i32 to index
        %swap3A_1070 = arith.index_cast %add3A_1067 : i32 to index
        %swap3A_1071 = arith.constant 0 : index
        %swap3A_1072 = tpu.vector_load %arg9[%swap3A_1069, %swap3A_1070, %swap3A_1071] {strides = array<i32>} : memref<2x104x64xf32, #tpu.memory_space<vmem>>, vector<1x1x16xf32>,
        %swap3A_1073 = vector.shape_cast %swap3A_1072 : vector<1x1x16xf32> to vector<16xf32>
        %swap3A_1074 = vector.shape_cast %get3A_1063 : vector<16xf32> to vector<1x1x16xf32>
        tpu.vector_store %arg9[%swap3A_1069, %swap3A_1070, %swap3A_1071], %swap3A_1074 {strides = array<i32>} : memref<2x104x64xf32, #tpu.memory_space<vmem>>, vector<1x1x16xf32>,
        %mul3A_1075 = arith.constant 8 : i32
        %mul3A_1076 = arith.muli %scan3A_467, %mul3A_1075 : i32
        %add3A_1077 = arith.constant 7 : i32
        %add3A_1078 = arith.addi %mul3A_1076, %add3A_1077 : i32
        %get3A_1079 = arith.constant 1 : i32
        %get3A_1080 = arith.index_cast %get3A_1079 : i32 to index
        %get3A_1081 = arith.index_cast %add3A_1078 : i32 to index
        %get3A_1082 = arith.constant 16 : index
        %get3A_1083 = tpu.vector_load %arg8[%get3A_1080, %get3A_1081, %get3A_1082] {strides = array<i32>} : memref<4x104x128xf32, #tpu.memory_space<vmem>>, vector<1x1x16xf32>,
        %get3A_1084 = vector.shape_cast %get3A_1083 : vector<1x1x16xf32> to vector<16xf32>
        %mul3A_1085 = arith.constant 8 : i32
        %mul3A_1086 = arith.muli %scan3A_467, %mul3A_1085 : i32
        %add3A_1087 = arith.constant 7 : i32
        %add3A_1088 = arith.addi %mul3A_1086, %add3A_1087 : i32
        %swap3A_1089 = arith.constant 1 : i32
        %swap3A_1090 = arith.index_cast %swap3A_1089 : i32 to index
        %swap3A_1091 = arith.index_cast %add3A_1088 : i32 to index
        %swap3A_1092 = arith.constant 16 : index
        %swap3A_1093 = tpu.vector_load %arg9[%swap3A_1090, %swap3A_1091, %swap3A_1092] {strides = array<i32>} : memref<2x104x64xf32, #tpu.memory_space<vmem>>, vector<1x1x16xf32>,
        %swap3A_1094 = vector.shape_cast %swap3A_1093 : vector<1x1x16xf32> to vector<16xf32>
        %swap3A_1095 = vector.shape_cast %get3A_1084 : vector<16xf32> to vector<1x1x16xf32>
        tpu.vector_store %arg9[%swap3A_1090, %swap3A_1091, %swap3A_1092], %swap3A_1095 {strides = array<i32>} : memref<2x104x64xf32, #tpu.memory_space<vmem>>, vector<1x1x16xf32>,
        %mul3A_1096 = arith.constant 8 : i32
        %mul3A_1097 = arith.muli %scan3A_467, %mul3A_1096 : i32
        %add3A_1098 = arith.constant 7 : i32
        %add3A_1099 = arith.addi %mul3A_1097, %add3A_1098 : i32
        %get3A_1100 = arith.constant 1 : i32
        %get3A_1101 = arith.index_cast %get3A_1100 : i32 to index
        %get3A_1102 = arith.index_cast %add3A_1099 : i32 to index
        %get3A_1103 = arith.constant 32 : index
        %get3A_1104 = tpu.vector_load %arg8[%get3A_1101, %get3A_1102, %get3A_1103] {strides = array<i32>} : memref<4x104x128xf32, #tpu.memory_space<vmem>>, vector<1x1x16xf32>,
        %get3A_1105 = vector.shape_cast %get3A_1104 : vector<1x1x16xf32> to vector<16xf32>
        %mul3A_1106 = arith.constant 8 : i32
        %mul3A_1107 = arith.muli %scan3A_467, %mul3A_1106 : i32
        %add3A_1108 = arith.constant 7 : i32
        %add3A_1109 = arith.addi %mul3A_1107, %add3A_1108 : i32
        %swap3A_1110 = arith.constant 1 : i32
        %swap3A_1111 = arith.index_cast %swap3A_1110 : i32 to index
        %swap3A_1112 = arith.index_cast %add3A_1109 : i32 to index
        %swap3A_1113 = arith.constant 32 : index
        %swap3A_1114 = tpu.vector_load %arg9[%swap3A_1111, %swap3A_1112, %swap3A_1113] {strides = array<i32>} : memref<2x104x64xf32, #tpu.memory_space<vmem>>, vector<1x1x16xf32>,
        %swap3A_1115 = vector.shape_cast %swap3A_1114 : vector<1x1x16xf32> to vector<16xf32>
        %swap3A_1116 = vector.shape_cast %get3A_1105 : vector<16xf32> to vector<1x1x16xf32>
        tpu.vector_store %arg9[%swap3A_1111, %swap3A_1112, %swap3A_1113], %swap3A_1116 {strides = array<i32>} : memref<2x104x64xf32, #tpu.memory_space<vmem>>, vector<1x1x16xf32>,
        %mul3A_1117 = arith.constant 8 : i32
        %mul3A_1118 = arith.muli %scan3A_467, %mul3A_1117 : i32
        %add3A_1119 = arith.constant 7 : i32
        %add3A_1120 = arith.addi %mul3A_1118, %add3A_1119 : i32
        %get3A_1121 = arith.constant 1 : i32
        %get3A_1122 = arith.index_cast %get3A_1121 : i32 to index
        %get3A_1123 = arith.index_cast %add3A_1120 : i32 to index
        %get3A_1124 = arith.constant 48 : index
        %get3A_1125 = tpu.vector_load %arg8[%get3A_1122, %get3A_1123, %get3A_1124] {strides = array<i32>} : memref<4x104x128xf32, #tpu.memory_space<vmem>>, vector<1x1x16xf32>,
        %get3A_1126 = vector.shape_cast %get3A_1125 : vector<1x1x16xf32> to vector<16xf32>
        %mul3A_1127 = arith.constant 8 : i32
        %mul3A_1128 = arith.muli %scan3A_467, %mul3A_1127 : i32
        %add3A_1129 = arith.constant 7 : i32
        %add3A_1130 = arith.addi %mul3A_1128, %add3A_1129 : i32
        %swap3A_1131 = arith.constant 1 : i32
        %swap3A_1132 = arith.index_cast %swap3A_1131 : i32 to index
        %swap3A_1133 = arith.index_cast %add3A_1130 : i32 to index
        %swap3A_1134 = arith.constant 48 : index
        %swap3A_1135 = tpu.vector_load %arg9[%swap3A_1132, %swap3A_1133, %swap3A_1134] {strides = array<i32>} : memref<2x104x64xf32, #tpu.memory_space<vmem>>, vector<1x1x16xf32>,
        %swap3A_1136 = vector.shape_cast %swap3A_1135 : vector<1x1x16xf32> to vector<16xf32>
        %swap3A_1137 = vector.shape_cast %get3A_1126 : vector<16xf32> to vector<1x1x16xf32>
        tpu.vector_store %arg9[%swap3A_1132, %swap3A_1133, %swap3A_1134], %swap3A_1137 {strides = array<i32>} : memref<2x104x64xf32, #tpu.memory_space<vmem>>, vector<1x1x16xf32>,
      }
      %scan3A_259 = arith.constant 13 : i32
      %add3A_260 = arith.constant 4 : i32
      %add3A_261 = arith.addi %add3A_231, %add3A_260 : i32
      %lt3A_262 = arith.constant 256 : i32
      %lt3A_263 = arith.cmpi slt, %add3A_261, %lt3A_262 : i32
      %convert_element_type3A_264 = arith.extui %lt3A_263 : i1 to i32
      %cond3A_265 = arith.constant 0 : i32
      %cond3A_266 = arith.cmpi ne, %convert_element_type3A_264, %cond3A_265 : i32
      scf.if %cond3A_266 {
        %dma_start3A_467 = arith.constant 1 : i32
        %dma_start3A_468 = arith.constant 0 : i32
        %dma_start3A_469 = arith.constant 0 : i32
        %dma_start3A_470 = tpu.memref_slice %arg8[%dma_start3A_467, %dma_start3A_468, %dma_start3A_469] : memref<4x104x128xf32, #tpu.memory_space<vmem>> -> memref<1x104x128xf32, #tpu.memory_space<vmem>>
        %dma_start3A_471 = tpu.memref_squeeze %dma_start3A_470 : memref<1x104x128xf32, #tpu.memory_space<vmem>> -> memref<104x128xf32, #tpu.memory_space<vmem>>
        %dma_start3A_472 = arith.constant 96 : i32
        %dma_start3A_473 = arith.constant 0 : i32
        %dma_start3A_474 = tpu.memref_slice %arg6[%dma_start3A_472, %dma_start3A_473] : memref<200x128xf32, #tpu.memory_space<vmem_shared>> -> memref<104x128xf32, #tpu.memory_space<vmem_shared>>
        %dma_start3A_475 = arith.constant 0 : i32
        %dma_start3A_476 = arith.constant 0 : i32
        %dma_start3A_477 = tpu.memref_slice %arg8[%dma_start3A_467, %dma_start3A_475, %dma_start3A_476] : memref<4x104x128xf32, #tpu.memory_space<vmem>> -> memref<1x104x128xf32, #tpu.memory_space<vmem>>
        %dma_start3A_478 = tpu.memref_squeeze %dma_start3A_477 : memref<1x104x128xf32, #tpu.memory_space<vmem>> -> memref<104x128xf32, #tpu.memory_space<vmem>>
        %dma_start3A_479 = arith.constant 96 : i32
        %dma_start3A_480 = arith.constant 0 : i32
        %dma_start3A_481 = tpu.memref_slice %arg6[%dma_start3A_479, %dma_start3A_480] : memref<200x128xf32, #tpu.memory_space<vmem_shared>> -> memref<104x128xf32, #tpu.memory_space<vmem_shared>>
        tpu.enqueue_dma source(%dma_start3A_481 : memref<104x128xf32, #tpu.memory_space<vmem_shared>>) target(%dma_start3A_478 : memref<104x128xf32, #tpu.memory_space<vmem>>) target_semaphore(%arg11 : memref<!tpu.dma_semaphore, #tpu.memory_space<semaphore_mem>>)
      } else {
      }
      %jit3A_267 = arith.constant 2 : i32
      %div3A_268 = arith.divsi %add3A_231, %jit3A_267 : i32
      %sign3A_269 = arith.constant 0 : i32
      %sign3A_270 = arith.cmpi sgt, %add3A_231, %sign3A_269 : i32
      %sign3A_271 = arith.extui %sign3A_270 : i1 to i32
      %sign3A_272 = arith.constant 0 : i32
      %sign3A_273 = arith.cmpi slt, %add3A_231, %sign3A_272 : i32
      %sign3A_274 = arith.extui %sign3A_273 : i1 to i32
      %sign3A_275 = arith.subi %sign3A_271, %sign3A_274 : i32
      %sign3A_276 = arith.constant 0 : i32
      %sign3A_277 = arith.cmpi sgt, %jit3A_267, %sign3A_276 : i32
      %sign3A_278 = arith.extui %sign3A_277 : i1 to i32
      %sign3A_279 = arith.constant 0 : i32
      %sign3A_280 = arith.cmpi slt, %jit3A_267, %sign3A_279 : i32
      %sign3A_281 = arith.extui %sign3A_280 : i1 to i32
      %sign3A_282 = arith.subi %sign3A_278, %sign3A_281 : i32
      %ne3A_283 = arith.cmpi ne, %sign3A_275, %sign3A_282 : i32
      %rem3A_284 = arith.remsi %add3A_231, %jit3A_267 : i32
      %ne3A_285 = arith.constant 0 : i32
      %ne3A_286 = arith.cmpi ne, %rem3A_284, %ne3A_285 : i32
      %and3A_287 = arith.andi %ne3A_283, %ne3A_286 : i1
      %sub3A_288 = arith.constant 1 : i32
      %sub3A_289 = arith.subi %div3A_268, %sub3A_288 : i32
      %select_n3A_290 = arith.select %and3A_287, %sub3A_289, %div3A_268 : i32
      %add3A_291 = arith.addi %mul3A_2, %select_n3A_290 : i32
      %dma_start3A_292 = arith.constant 1 : i32
      %dma_start3A_293 = arith.constant 0 : i32
      %dma_start3A_294 = arith.constant 0 : i32
      %dma_start3A_295 = tpu.memref_slice %arg9[%dma_start3A_292, %dma_start3A_293, %dma_start3A_294] : memref<2x104x64xf32, #tpu.memory_space<vmem>> -> memref<1x104x64xf32, #tpu.memory_space<vmem>>
      %dma_start3A_296 = tpu.memref_squeeze %dma_start3A_295 : memref<1x104x64xf32, #tpu.memory_space<vmem>> -> memref<104x64xf32, #tpu.memory_space<vmem>>
      %dma_start3A_297 = arith.constant 96 : i32
      %dma_start3A_298 = arith.constant 0 : i32
      %dma_start3A_299 = tpu.memref_slice %arg5[%add3A_291, %dma_start3A_297, %dma_start3A_298] : memref<4096x200x64xf32, #tpu.memory_space<hbm>> -> memref<1x104x64xf32, #tpu.memory_space<hbm>>
      %dma_start3A_300 = tpu.memref_squeeze %dma_start3A_299 : memref<1x104x64xf32, #tpu.memory_space<hbm>> -> memref<104x64xf32, #tpu.memory_space<hbm>>
      %dma_start3A_301 = arith.constant 96 : i32
      %dma_start3A_302 = arith.constant 0 : i32
      %dma_start3A_303 = tpu.memref_slice %arg5[%add3A_291, %dma_start3A_301, %dma_start3A_302] : memref<4096x200x64xf32, #tpu.memory_space<hbm>> -> memref<1x104x64xf32, #tpu.memory_space<hbm>>
      %dma_start3A_304 = tpu.memref_squeeze %dma_start3A_303 : memref<1x104x64xf32, #tpu.memory_space<hbm>> -> memref<104x64xf32, #tpu.memory_space<hbm>>
      %dma_start3A_305 = arith.constant 0 : i32
      %dma_start3A_306 = arith.constant 0 : i32
      %dma_start3A_307 = tpu.memref_slice %arg9[%dma_start3A_292, %dma_start3A_305, %dma_start3A_306] : memref<2x104x64xf32, #tpu.memory_space<vmem>> -> memref<1x104x64xf32, #tpu.memory_space<vmem>>
      %dma_start3A_308 = tpu.memref_squeeze %dma_start3A_307 : memref<1x104x64xf32, #tpu.memory_space<vmem>> -> memref<104x64xf32, #tpu.memory_space<vmem>>
      tpu.enqueue_dma source(%dma_start3A_308 : memref<104x64xf32, #tpu.memory_space<vmem>>) target(%dma_start3A_304 : memref<104x64xf32, #tpu.memory_space<hbm>>) target_semaphore(%arg19 : memref<!tpu.dma_semaphore, #tpu.memory_space<semaphore_mem>>)
      %add3A_309 = arith.constant 2 : i32
      %add3A_310 = arith.addi %mul3A_160, %add3A_309 : i32
      %add3A_311 = arith.constant 2 : i32
      %add3A_312 = arith.addi %add3A_310, %add3A_311 : i32
      %lt3A_313 = arith.constant 256 : i32
      %lt3A_314 = arith.cmpi slt, %add3A_312, %lt3A_313 : i32
      %convert_element_type3A_315 = arith.extui %lt3A_314 : i1 to i32
      %cond3A_316 = arith.constant 0 : i32
      %cond3A_317 = arith.cmpi ne, %convert_element_type3A_315, %cond3A_316 : i32
      scf.if %cond3A_317 {
        %dma_wait3A_467 = arith.constant 0 : i32
        %dma_wait3A_468 = arith.constant 0 : i32
        %dma_wait3A_469 = arith.constant 0 : i32
        %dma_wait3A_470 = tpu.memref_slice %arg8[%dma_wait3A_467, %dma_wait3A_468, %dma_wait3A_469] : memref<4x104x128xf32, #tpu.memory_space<vmem>> -> memref<1x96x128xf32, #tpu.memory_space<vmem>>
        %dma_wait3A_471 = tpu.memref_squeeze %dma_wait3A_470 : memref<1x96x128xf32, #tpu.memory_space<vmem>> -> memref<96x128xf32, #tpu.memory_space<vmem>>
        %dma_wait3A_472 = arith.constant 0 : i32
        %dma_wait3A_473 = arith.constant 0 : i32
        %dma_wait3A_474 = tpu.memref_slice %arg6[%dma_wait3A_472, %dma_wait3A_473] : memref<200x128xf32, #tpu.memory_space<vmem_shared>> -> memref<96x128xf32, #tpu.memory_space<vmem_shared>>
        %dma_wait3A_475 = arith.constant 0 : i32
        %dma_wait3A_476 = arith.constant 0 : i32
        %dma_wait3A_477 = tpu.memref_slice %arg8[%dma_wait3A_467, %dma_wait3A_475, %dma_wait3A_476] : memref<4x104x128xf32, #tpu.memory_space<vmem>> -> memref<1x96x128xf32, #tpu.memory_space<vmem>>
        %dma_wait3A_478 = tpu.memref_squeeze %dma_wait3A_477 : memref<1x96x128xf32, #tpu.memory_space<vmem>> -> memref<96x128xf32, #tpu.memory_space<vmem>>
        %dma_wait3A_479 = arith.constant 0 : i32
        %dma_wait3A_480 = arith.constant 0 : i32
        %dma_wait3A_481 = tpu.memref_slice %arg6[%dma_wait3A_479, %dma_wait3A_480] : memref<200x128xf32, #tpu.memory_space<vmem_shared>> -> memref<96x128xf32, #tpu.memory_space<vmem_shared>>
        tpu.wait_dma2 semaphore(%arg10 : memref<!tpu.dma_semaphore, #tpu.memory_space<semaphore_mem>>) src(%dma_wait3A_481 : memref<96x128xf32, #tpu.memory_space<vmem_shared>>) dst(%dma_wait3A_478 : memref<96x128xf32, #tpu.memory_space<vmem>>)
        %add3A_482 = arith.constant 2 : i32
        %add3A_483 = arith.addi %add3A_310, %add3A_482 : i32
        %jit3A_484 = arith.constant 2 : i32
        %div3A_485 = arith.divsi %add3A_483, %jit3A_484 : i32
        %sign3A_486 = arith.constant 0 : i32
        %sign3A_487 = arith.cmpi sgt, %add3A_483, %sign3A_486 : i32
        %sign3A_488 = arith.extui %sign3A_487 : i1 to i32
        %sign3A_489 = arith.constant 0 : i32
        %sign3A_490 = arith.cmpi slt, %add3A_483, %sign3A_489 : i32
        %sign3A_491 = arith.extui %sign3A_490 : i1 to i32
        %sign3A_492 = arith.subi %sign3A_488, %sign3A_491 : i32
        %sign3A_493 = arith.constant 0 : i32
        %sign3A_494 = arith.cmpi sgt, %jit3A_484, %sign3A_493 : i32
        %sign3A_495 = arith.extui %sign3A_494 : i1 to i32
        %sign3A_496 = arith.constant 0 : i32
        %sign3A_497 = arith.cmpi slt, %jit3A_484, %sign3A_496 : i32
        %sign3A_498 = arith.extui %sign3A_497 : i1 to i32
        %sign3A_499 = arith.subi %sign3A_495, %sign3A_498 : i32
        %ne3A_500 = arith.cmpi ne, %sign3A_492, %sign3A_499 : i32
        %rem3A_501 = arith.remsi %add3A_483, %jit3A_484 : i32
        %ne3A_502 = arith.constant 0 : i32
        %ne3A_503 = arith.cmpi ne, %rem3A_501, %ne3A_502 : i32
        %and3A_504 = arith.andi %ne3A_500, %ne3A_503 : i1
        %sub3A_505 = arith.constant 1 : i32
        %sub3A_506 = arith.subi %div3A_485, %sub3A_505 : i32
        %select_n3A_507 = arith.select %and3A_504, %sub3A_506, %div3A_485 : i32
        %mul3A_508 = arith.constant 200 : i32
        %mul3A_509 = arith.muli %select_n3A_507, %mul3A_508 : i32
        %add3A_510 = arith.constant 0 : i32
        %add3A_511 = arith.addi %mul3A_509, %add3A_510 : i32
        %dma_start3A_512 = arith.constant 0 : i32
        %dma_start3A_513 = arith.constant 0 : i32
        %dma_start3A_514 = arith.constant 0 : i32
        %dma_start3A_515 = tpu.memref_slice %arg8[%dma_start3A_512, %dma_start3A_513, %dma_start3A_514] : memref<4x104x128xf32, #tpu.memory_space<vmem>> -> memref<1x96x128xf32, #tpu.memory_space<vmem>>
        %dma_start3A_516 = tpu.memref_squeeze %dma_start3A_515 : memref<1x96x128xf32, #tpu.memory_space<vmem>> -> memref<96x128xf32, #tpu.memory_space<vmem>>
        %dma_start3A_517 = tpu.memref_slice %arg7[%add3A_511] : memref<25600xi32, #tpu.memory_space<vmem>> -> memref<96xi32, #tpu.memory_space<vmem>>
        %dma_start3A_518 = arith.constant 0 : i32
        %dma_start3A_519 = arith.constant 0 : i32
        %dma_start3A_520 = tpu.memref_slice %arg3[%dma_start3A_518, %dma_start3A_519] : memref<100000x128xf32, #tpu.memory_space<hbm>> -> memref<100000x128xf32, #tpu.memory_space<hbm>>
        tpu.enqueue_indirect_dma source(%dma_start3A_520 : memref<100000x128xf32, #tpu.memory_space<hbm>>) target(%dma_start3A_516 : memref<96x128xf32, #tpu.memory_space<vmem>>) offsets(%dma_start3A_517 : memref<96xi32, #tpu.memory_space<vmem>>) semaphore(%arg14 : memref<!tpu.dma_semaphore, #tpu.memory_space<semaphore_mem>>) {add = true}
      } else {
      }
      %dma_wait3A_318 = arith.constant 2 : i32
      %dma_wait3A_319 = arith.constant 0 : i32
      %dma_wait3A_320 = arith.constant 0 : i32
      %dma_wait3A_321 = tpu.memref_slice %arg8[%dma_wait3A_318, %dma_wait3A_319, %dma_wait3A_320] : memref<4x104x128xf32, #tpu.memory_space<vmem>> -> memref<1x96x128xf32, #tpu.memory_space<vmem>>
      %dma_wait3A_322 = tpu.memref_squeeze %dma_wait3A_321 : memref<1x96x128xf32, #tpu.memory_space<vmem>> -> memref<96x128xf32, #tpu.memory_space<vmem>>
      %dma_wait3A_323 = arith.constant 0 : i32
      %dma_wait3A_324 = tpu.memref_slice %arg7[%dma_wait3A_323] : memref<25600xi32, #tpu.memory_space<vmem>> -> memref<96xi32, #tpu.memory_space<vmem>>
      %dma_wait3A_325 = arith.constant 0 : i32
      %dma_wait3A_326 = arith.constant 0 : i32
      %dma_wait3A_327 = tpu.memref_slice %arg3[%dma_wait3A_325, %dma_wait3A_326] : memref<100000x128xf32, #tpu.memory_space<hbm>> -> memref<100000x128xf32, #tpu.memory_space<hbm>>
      tpu.wait_indirect_dma semaphore(%arg16 : memref<!tpu.dma_semaphore, #tpu.memory_space<semaphore_mem>>) src(%dma_wait3A_327 : memref<100000x128xf32, #tpu.memory_space<hbm>>) dst(%dma_wait3A_322 : memref<96x128xf32, #tpu.memory_space<vmem>>)
      %ge3A_328 = arith.constant 2 : i32
      %ge3A_329 = arith.cmpi sge, %add3A_310, %ge3A_328 : i32
      %convert_element_type3A_330 = arith.extui %ge3A_329 : i1 to i32
      %cond3A_331 = arith.constant 0 : i32
      %cond3A_332 = arith.cmpi ne, %convert_element_type3A_330, %cond3A_331 : i32
      scf.if %cond3A_332 {
        %sub3A_467 = arith.constant 2 : i32
        %sub3A_468 = arith.subi %add3A_310, %sub3A_467 : i32
        %jit3A_469 = arith.constant 2 : i32
        %div3A_470 = arith.divsi %sub3A_468, %jit3A_469 : i32
        %sign3A_471 = arith.constant 0 : i32
        %sign3A_472 = arith.cmpi sgt, %sub3A_468, %sign3A_471 : i32
        %sign3A_473 = arith.extui %sign3A_472 : i1 to i32
        %sign3A_474 = arith.constant 0 : i32
        %sign3A_475 = arith.cmpi slt, %sub3A_468, %sign3A_474 : i32
        %sign3A_476 = arith.extui %sign3A_475 : i1 to i32
        %sign3A_477 = arith.subi %sign3A_473, %sign3A_476 : i32
        %sign3A_478 = arith.constant 0 : i32
        %sign3A_479 = arith.cmpi sgt, %jit3A_469, %sign3A_478 : i32
        %sign3A_480 = arith.extui %sign3A_479 : i1 to i32
        %sign3A_481 = arith.constant 0 : i32
        %sign3A_482 = arith.cmpi slt, %jit3A_469, %sign3A_481 : i32
        %sign3A_483 = arith.extui %sign3A_482 : i1 to i32
        %sign3A_484 = arith.subi %sign3A_480, %sign3A_483 : i32
        %ne3A_485 = arith.cmpi ne, %sign3A_477, %sign3A_484 : i32
        %rem3A_486 = arith.remsi %sub3A_468, %jit3A_469 : i32
        %ne3A_487 = arith.constant 0 : i32
        %ne3A_488 = arith.cmpi ne, %rem3A_486, %ne3A_487 : i32
        %and3A_489 = arith.andi %ne3A_485, %ne3A_488 : i1
        %sub3A_490 = arith.constant 1 : i32
        %sub3A_491 = arith.subi %div3A_470, %sub3A_490 : i32
        %select_n3A_492 = arith.select %and3A_489, %sub3A_491, %div3A_470 : i32
        %add3A_493 = arith.addi %mul3A_2, %select_n3A_492 : i32
        %dma_wait3A_494 = arith.constant 0 : i32
        %dma_wait3A_495 = arith.constant 0 : i32
        %dma_wait3A_496 = arith.constant 0 : i32
        %dma_wait3A_497 = tpu.memref_slice %arg9[%dma_wait3A_494, %dma_wait3A_495, %dma_wait3A_496] : memref<2x104x64xf32, #tpu.memory_space<vmem>> -> memref<1x96x64xf32, #tpu.memory_space<vmem>>
        %dma_wait3A_498 = tpu.memref_squeeze %dma_wait3A_497 : memref<1x96x64xf32, #tpu.memory_space<vmem>> -> memref<96x64xf32, #tpu.memory_space<vmem>>
        %dma_wait3A_499 = arith.constant 0 : i32
        %dma_wait3A_500 = arith.constant 0 : i32
        %dma_wait3A_501 = tpu.memref_slice %arg5[%add3A_493, %dma_wait3A_499, %dma_wait3A_500] : memref<4096x200x64xf32, #tpu.memory_space<hbm>> -> memref<1x96x64xf32, #tpu.memory_space<hbm>>
        %dma_wait3A_502 = tpu.memref_squeeze %dma_wait3A_501 : memref<1x96x64xf32, #tpu.memory_space<hbm>> -> memref<96x64xf32, #tpu.memory_space<hbm>>
        %dma_wait3A_503 = arith.constant 0 : i32
        %dma_wait3A_504 = arith.constant 0 : i32
        %dma_wait3A_505 = tpu.memref_slice %arg5[%add3A_493, %dma_wait3A_503, %dma_wait3A_504] : memref<4096x200x64xf32, #tpu.memory_space<hbm>> -> memref<1x96x64xf32, #tpu.memory_space<hbm>>
        %dma_wait3A_506 = tpu.memref_squeeze %dma_wait3A_505 : memref<1x96x64xf32, #tpu.memory_space<hbm>> -> memref<96x64xf32, #tpu.memory_space<hbm>>
        %dma_wait3A_507 = arith.constant 0 : i32
        %dma_wait3A_508 = arith.constant 0 : i32
        %dma_wait3A_509 = tpu.memref_slice %arg9[%dma_wait3A_494, %dma_wait3A_507, %dma_wait3A_508] : memref<2x104x64xf32, #tpu.memory_space<vmem>> -> memref<1x96x64xf32, #tpu.memory_space<vmem>>
        %dma_wait3A_510 = tpu.memref_squeeze %dma_wait3A_509 : memref<1x96x64xf32, #tpu.memory_space<vmem>> -> memref<96x64xf32, #tpu.memory_space<vmem>>
        tpu.wait_dma2 semaphore(%arg18 : memref<!tpu.dma_semaphore, #tpu.memory_space<semaphore_mem>>) src(%dma_wait3A_510 : memref<96x64xf32, #tpu.memory_space<vmem>>) dst(%dma_wait3A_506 : memref<96x64xf32, #tpu.memory_space<hbm>>)
      } else {
      }
      %scan3A_333 = arith.constant 0 : i32
      %scan3A_334 = arith.constant 0 : i32
      %scan3A_335 = arith.constant 12 : i32
      %scan3A_336 = arith.addi %scan3A_334, %scan3A_335 : i32
      %scan3A_337 = arith.constant 1 : i32
      scf.for %scan3A_467 = %scan3A_334 to %scan3A_336 step %scan3A_337  : i32 {
        %mul3A_468 = arith.constant 8 : i32
        %mul3A_469 = arith.muli %scan3A_467, %mul3A_468 : i32
        %add3A_470 = arith.constant 0 : i32
        %add3A_471 = arith.addi %mul3A_469, %add3A_470 : i32
        %get3A = arith.constant 2 : i32
        %get3A_472 = arith.index_cast %get3A : i32 to index
        %get3A_473 = arith.index_cast %add3A_471 : i32 to index
        %get3A_474 = arith.constant 0 : index
        %get3A_475 = tpu.vector_load %arg8[%get3A_472, %get3A_473, %get3A_474] {strides = array<i32>} : memref<4x104x128xf32, #tpu.memory_space<vmem>>, vector<1x1x16xf32>,
        %get3A_476 = vector.shape_cast %get3A_475 : vector<1x1x16xf32> to vector<16xf32>
        %mul3A_477 = arith.constant 8 : i32
        %mul3A_478 = arith.muli %scan3A_467, %mul3A_477 : i32
        %add3A_479 = arith.constant 0 : i32
        %add3A_480 = arith.addi %mul3A_478, %add3A_479 : i32
        %swap3A = arith.constant 0 : i32
        %swap3A_481 = arith.index_cast %swap3A : i32 to index
        %swap3A_482 = arith.index_cast %add3A_480 : i32 to index
        %swap3A_483 = arith.constant 0 : index
        %swap3A_484 = tpu.vector_load %arg9[%swap3A_481, %swap3A_482, %swap3A_483] {strides = array<i32>} : memref<2x104x64xf32, #tpu.memory_space<vmem>>, vector<1x1x16xf32>,
        %swap3A_485 = vector.shape_cast %swap3A_484 : vector<1x1x16xf32> to vector<16xf32>
        %swap3A_486 = vector.shape_cast %get3A_476 : vector<16xf32> to vector<1x1x16xf32>
        tpu.vector_store %arg9[%swap3A_481, %swap3A_482, %swap3A_483], %swap3A_486 {strides = array<i32>} : memref<2x104x64xf32, #tpu.memory_space<vmem>>, vector<1x1x16xf32>,
        %mul3A_487 = arith.constant 8 : i32
        %mul3A_488 = arith.muli %scan3A_467, %mul3A_487 : i32
        %add3A_489 = arith.constant 0 : i32
        %add3A_490 = arith.addi %mul3A_488, %add3A_489 : i32
        %get3A_491 = arith.constant 2 : i32
        %get3A_492 = arith.index_cast %get3A_491 : i32 to index
        %get3A_493 = arith.index_cast %add3A_490 : i32 to index
        %get3A_494 = arith.constant 16 : index
        %get3A_495 = tpu.vector_load %arg8[%get3A_492, %get3A_493, %get3A_494] {strides = array<i32>} : memref<4x104x128xf32, #tpu.memory_space<vmem>>, vector<1x1x16xf32>,
        %get3A_496 = vector.shape_cast %get3A_495 : vector<1x1x16xf32> to vector<16xf32>
        %mul3A_497 = arith.constant 8 : i32
        %mul3A_498 = arith.muli %scan3A_467, %mul3A_497 : i32
        %add3A_499 = arith.constant 0 : i32
        %add3A_500 = arith.addi %mul3A_498, %add3A_499 : i32
        %swap3A_501 = arith.constant 0 : i32
        %swap3A_502 = arith.index_cast %swap3A_501 : i32 to index
        %swap3A_503 = arith.index_cast %add3A_500 : i32 to index
        %swap3A_504 = arith.constant 16 : index
        %swap3A_505 = tpu.vector_load %arg9[%swap3A_502, %swap3A_503, %swap3A_504] {strides = array<i32>} : memref<2x104x64xf32, #tpu.memory_space<vmem>>, vector<1x1x16xf32>,
        %swap3A_506 = vector.shape_cast %swap3A_505 : vector<1x1x16xf32> to vector<16xf32>
        %swap3A_507 = vector.shape_cast %get3A_496 : vector<16xf32> to vector<1x1x16xf32>
        tpu.vector_store %arg9[%swap3A_502, %swap3A_503, %swap3A_504], %swap3A_507 {strides = array<i32>} : memref<2x104x64xf32, #tpu.memory_space<vmem>>, vector<1x1x16xf32>,
        %mul3A_508 = arith.constant 8 : i32
        %mul3A_509 = arith.muli %scan3A_467, %mul3A_508 : i32
        %add3A_510 = arith.constant 0 : i32
        %add3A_511 = arith.addi %mul3A_509, %add3A_510 : i32
        %get3A_512 = arith.constant 2 : i32
        %get3A_513 = arith.index_cast %get3A_512 : i32 to index
        %get3A_514 = arith.index_cast %add3A_511 : i32 to index
        %get3A_515 = arith.constant 32 : index
        %get3A_516 = tpu.vector_load %arg8[%get3A_513, %get3A_514, %get3A_515] {strides = array<i32>} : memref<4x104x128xf32, #tpu.memory_space<vmem>>, vector<1x1x16xf32>,
        %get3A_517 = vector.shape_cast %get3A_516 : vector<1x1x16xf32> to vector<16xf32>
        %mul3A_518 = arith.constant 8 : i32
        %mul3A_519 = arith.muli %scan3A_467, %mul3A_518 : i32
        %add3A_520 = arith.constant 0 : i32
        %add3A_521 = arith.addi %mul3A_519, %add3A_520 : i32
        %swap3A_522 = arith.constant 0 : i32
        %swap3A_523 = arith.index_cast %swap3A_522 : i32 to index
        %swap3A_524 = arith.index_cast %add3A_521 : i32 to index
        %swap3A_525 = arith.constant 32 : index
        %swap3A_526 = tpu.vector_load %arg9[%swap3A_523, %swap3A_524, %swap3A_525] {strides = array<i32>} : memref<2x104x64xf32, #tpu.memory_space<vmem>>, vector<1x1x16xf32>,
        %swap3A_527 = vector.shape_cast %swap3A_526 : vector<1x1x16xf32> to vector<16xf32>
        %swap3A_528 = vector.shape_cast %get3A_517 : vector<16xf32> to vector<1x1x16xf32>
        tpu.vector_store %arg9[%swap3A_523, %swap3A_524, %swap3A_525], %swap3A_528 {strides = array<i32>} : memref<2x104x64xf32, #tpu.memory_space<vmem>>, vector<1x1x16xf32>,
        %mul3A_529 = arith.constant 8 : i32
        %mul3A_530 = arith.muli %scan3A_467, %mul3A_529 : i32
        %add3A_531 = arith.constant 0 : i32
        %add3A_532 = arith.addi %mul3A_530, %add3A_531 : i32
        %get3A_533 = arith.constant 2 : i32
        %get3A_534 = arith.index_cast %get3A_533 : i32 to index
        %get3A_535 = arith.index_cast %add3A_532 : i32 to index
        %get3A_536 = arith.constant 48 : index
        %get3A_537 = tpu.vector_load %arg8[%get3A_534, %get3A_535, %get3A_536] {strides = array<i32>} : memref<4x104x128xf32, #tpu.memory_space<vmem>>, vector<1x1x16xf32>,
        %get3A_538 = vector.shape_cast %get3A_537 : vector<1x1x16xf32> to vector<16xf32>
        %mul3A_539 = arith.constant 8 : i32
        %mul3A_540 = arith.muli %scan3A_467, %mul3A_539 : i32
        %add3A_541 = arith.constant 0 : i32
        %add3A_542 = arith.addi %mul3A_540, %add3A_541 : i32
        %swap3A_543 = arith.constant 0 : i32
        %swap3A_544 = arith.index_cast %swap3A_543 : i32 to index
        %swap3A_545 = arith.index_cast %add3A_542 : i32 to index
        %swap3A_546 = arith.constant 48 : index
        %swap3A_547 = tpu.vector_load %arg9[%swap3A_544, %swap3A_545, %swap3A_546] {strides = array<i32>} : memref<2x104x64xf32, #tpu.memory_space<vmem>>, vector<1x1x16xf32>,
        %swap3A_548 = vector.shape_cast %swap3A_547 : vector<1x1x16xf32> to vector<16xf32>
        %swap3A_549 = vector.shape_cast %get3A_538 : vector<16xf32> to vector<1x1x16xf32>
        tpu.vector_store %arg9[%swap3A_544, %swap3A_545, %swap3A_546], %swap3A_549 {strides = array<i32>} : memref<2x104x64xf32, #tpu.memory_space<vmem>>, vector<1x1x16xf32>,
        %mul3A_550 = arith.constant 8 : i32
        %mul3A_551 = arith.muli %scan3A_467, %mul3A_550 : i32
        %add3A_552 = arith.constant 1 : i32
        %add3A_553 = arith.addi %mul3A_551, %add3A_552 : i32
        %get3A_554 = arith.constant 2 : i32
        %get3A_555 = arith.index_cast %get3A_554 : i32 to index
        %get3A_556 = arith.index_cast %add3A_553 : i32 to index
        %get3A_557 = arith.constant 0 : index
        %get3A_558 = tpu.vector_load %arg8[%get3A_555, %get3A_556, %get3A_557] {strides = array<i32>} : memref<4x104x128xf32, #tpu.memory_space<vmem>>, vector<1x1x16xf32>,
        %get3A_559 = vector.shape_cast %get3A_558 : vector<1x1x16xf32> to vector<16xf32>
        %mul3A_560 = arith.constant 8 : i32
        %mul3A_561 = arith.muli %scan3A_467, %mul3A_560 : i32
        %add3A_562 = arith.constant 1 : i32
        %add3A_563 = arith.addi %mul3A_561, %add3A_562 : i32
        %swap3A_564 = arith.constant 0 : i32
        %swap3A_565 = arith.index_cast %swap3A_564 : i32 to index
        %swap3A_566 = arith.index_cast %add3A_563 : i32 to index
        %swap3A_567 = arith.constant 0 : index
        %swap3A_568 = tpu.vector_load %arg9[%swap3A_565, %swap3A_566, %swap3A_567] {strides = array<i32>} : memref<2x104x64xf32, #tpu.memory_space<vmem>>, vector<1x1x16xf32>,
        %swap3A_569 = vector.shape_cast %swap3A_568 : vector<1x1x16xf32> to vector<16xf32>
        %swap3A_570 = vector.shape_cast %get3A_559 : vector<16xf32> to vector<1x1x16xf32>
        tpu.vector_store %arg9[%swap3A_565, %swap3A_566, %swap3A_567], %swap3A_570 {strides = array<i32>} : memref<2x104x64xf32, #tpu.memory_space<vmem>>, vector<1x1x16xf32>,
        %mul3A_571 = arith.constant 8 : i32
        %mul3A_572 = arith.muli %scan3A_467, %mul3A_571 : i32
        %add3A_573 = arith.constant 1 : i32
        %add3A_574 = arith.addi %mul3A_572, %add3A_573 : i32
        %get3A_575 = arith.constant 2 : i32
        %get3A_576 = arith.index_cast %get3A_575 : i32 to index
        %get3A_577 = arith.index_cast %add3A_574 : i32 to index
        %get3A_578 = arith.constant 16 : index
        %get3A_579 = tpu.vector_load %arg8[%get3A_576, %get3A_577, %get3A_578] {strides = array<i32>} : memref<4x104x128xf32, #tpu.memory_space<vmem>>, vector<1x1x16xf32>,
        %get3A_580 = vector.shape_cast %get3A_579 : vector<1x1x16xf32> to vector<16xf32>
        %mul3A_581 = arith.constant 8 : i32
        %mul3A_582 = arith.muli %scan3A_467, %mul3A_581 : i32
        %add3A_583 = arith.constant 1 : i32
        %add3A_584 = arith.addi %mul3A_582, %add3A_583 : i32
        %swap3A_585 = arith.constant 0 : i32
        %swap3A_586 = arith.index_cast %swap3A_585 : i32 to index
        %swap3A_587 = arith.index_cast %add3A_584 : i32 to index
        %swap3A_588 = arith.constant 16 : index
        %swap3A_589 = tpu.vector_load %arg9[%swap3A_586, %swap3A_587, %swap3A_588] {strides = array<i32>} : memref<2x104x64xf32, #tpu.memory_space<vmem>>, vector<1x1x16xf32>,
        %swap3A_590 = vector.shape_cast %swap3A_589 : vector<1x1x16xf32> to vector<16xf32>
        %swap3A_591 = vector.shape_cast %get3A_580 : vector<16xf32> to vector<1x1x16xf32>
        tpu.vector_store %arg9[%swap3A_586, %swap3A_587, %swap3A_588], %swap3A_591 {strides = array<i32>} : memref<2x104x64xf32, #tpu.memory_space<vmem>>, vector<1x1x16xf32>,
        %mul3A_592 = arith.constant 8 : i32
        %mul3A_593 = arith.muli %scan3A_467, %mul3A_592 : i32
        %add3A_594 = arith.constant 1 : i32
        %add3A_595 = arith.addi %mul3A_593, %add3A_594 : i32
        %get3A_596 = arith.constant 2 : i32
        %get3A_597 = arith.index_cast %get3A_596 : i32 to index
        %get3A_598 = arith.index_cast %add3A_595 : i32 to index
        %get3A_599 = arith.constant 32 : index
        %get3A_600 = tpu.vector_load %arg8[%get3A_597, %get3A_598, %get3A_599] {strides = array<i32>} : memref<4x104x128xf32, #tpu.memory_space<vmem>>, vector<1x1x16xf32>,
        %get3A_601 = vector.shape_cast %get3A_600 : vector<1x1x16xf32> to vector<16xf32>
        %mul3A_602 = arith.constant 8 : i32
        %mul3A_603 = arith.muli %scan3A_467, %mul3A_602 : i32
        %add3A_604 = arith.constant 1 : i32
        %add3A_605 = arith.addi %mul3A_603, %add3A_604 : i32
        %swap3A_606 = arith.constant 0 : i32
        %swap3A_607 = arith.index_cast %swap3A_606 : i32 to index
        %swap3A_608 = arith.index_cast %add3A_605 : i32 to index
        %swap3A_609 = arith.constant 32 : index
        %swap3A_610 = tpu.vector_load %arg9[%swap3A_607, %swap3A_608, %swap3A_609] {strides = array<i32>} : memref<2x104x64xf32, #tpu.memory_space<vmem>>, vector<1x1x16xf32>,
        %swap3A_611 = vector.shape_cast %swap3A_610 : vector<1x1x16xf32> to vector<16xf32>
        %swap3A_612 = vector.shape_cast %get3A_601 : vector<16xf32> to vector<1x1x16xf32>
        tpu.vector_store %arg9[%swap3A_607, %swap3A_608, %swap3A_609], %swap3A_612 {strides = array<i32>} : memref<2x104x64xf32, #tpu.memory_space<vmem>>, vector<1x1x16xf32>,
        %mul3A_613 = arith.constant 8 : i32
        %mul3A_614 = arith.muli %scan3A_467, %mul3A_613 : i32
        %add3A_615 = arith.constant 1 : i32
        %add3A_616 = arith.addi %mul3A_614, %add3A_615 : i32
        %get3A_617 = arith.constant 2 : i32
        %get3A_618 = arith.index_cast %get3A_617 : i32 to index
        %get3A_619 = arith.index_cast %add3A_616 : i32 to index
        %get3A_620 = arith.constant 48 : index
        %get3A_621 = tpu.vector_load %arg8[%get3A_618, %get3A_619, %get3A_620] {strides = array<i32>} : memref<4x104x128xf32, #tpu.memory_space<vmem>>, vector<1x1x16xf32>,
        %get3A_622 = vector.shape_cast %get3A_621 : vector<1x1x16xf32> to vector<16xf32>
        %mul3A_623 = arith.constant 8 : i32
        %mul3A_624 = arith.muli %scan3A_467, %mul3A_623 : i32
        %add3A_625 = arith.constant 1 : i32
        %add3A_626 = arith.addi %mul3A_624, %add3A_625 : i32
        %swap3A_627 = arith.constant 0 : i32
        %swap3A_628 = arith.index_cast %swap3A_627 : i32 to index
        %swap3A_629 = arith.index_cast %add3A_626 : i32 to index
        %swap3A_630 = arith.constant 48 : index
        %swap3A_631 = tpu.vector_load %arg9[%swap3A_628, %swap3A_629, %swap3A_630] {strides = array<i32>} : memref<2x104x64xf32, #tpu.memory_space<vmem>>, vector<1x1x16xf32>,
        %swap3A_632 = vector.shape_cast %swap3A_631 : vector<1x1x16xf32> to vector<16xf32>
        %swap3A_633 = vector.shape_cast %get3A_622 : vector<16xf32> to vector<1x1x16xf32>
        tpu.vector_store %arg9[%swap3A_628, %swap3A_629, %swap3A_630], %swap3A_633 {strides = array<i32>} : memref<2x104x64xf32, #tpu.memory_space<vmem>>, vector<1x1x16xf32>,
        %mul3A_634 = arith.constant 8 : i32
        %mul3A_635 = arith.muli %scan3A_467, %mul3A_634 : i32
        %add3A_636 = arith.constant 2 : i32
        %add3A_637 = arith.addi %mul3A_635, %add3A_636 : i32
        %get3A_638 = arith.constant 2 : i32
        %get3A_639 = arith.index_cast %get3A_638 : i32 to index
        %get3A_640 = arith.index_cast %add3A_637 : i32 to index
        %get3A_641 = arith.constant 0 : index
        %get3A_642 = tpu.vector_load %arg8[%get3A_639, %get3A_640, %get3A_641] {strides = array<i32>} : memref<4x104x128xf32, #tpu.memory_space<vmem>>, vector<1x1x16xf32>,
        %get3A_643 = vector.shape_cast %get3A_642 : vector<1x1x16xf32> to vector<16xf32>
        %mul3A_644 = arith.constant 8 : i32
        %mul3A_645 = arith.muli %scan3A_467, %mul3A_644 : i32
        %add3A_646 = arith.constant 2 : i32
        %add3A_647 = arith.addi %mul3A_645, %add3A_646 : i32
        %swap3A_648 = arith.constant 0 : i32
        %swap3A_649 = arith.index_cast %swap3A_648 : i32 to index
        %swap3A_650 = arith.index_cast %add3A_647 : i32 to index
        %swap3A_651 = arith.constant 0 : index
        %swap3A_652 = tpu.vector_load %arg9[%swap3A_649, %swap3A_650, %swap3A_651] {strides = array<i32>} : memref<2x104x64xf32, #tpu.memory_space<vmem>>, vector<1x1x16xf32>,
        %swap3A_653 = vector.shape_cast %swap3A_652 : vector<1x1x16xf32> to vector<16xf32>
        %swap3A_654 = vector.shape_cast %get3A_643 : vector<16xf32> to vector<1x1x16xf32>
        tpu.vector_store %arg9[%swap3A_649, %swap3A_650, %swap3A_651], %swap3A_654 {strides = array<i32>} : memref<2x104x64xf32, #tpu.memory_space<vmem>>, vector<1x1x16xf32>,
        %mul3A_655 = arith.constant 8 : i32
        %mul3A_656 = arith.muli %scan3A_467, %mul3A_655 : i32
        %add3A_657 = arith.constant 2 : i32
        %add3A_658 = arith.addi %mul3A_656, %add3A_657 : i32
        %get3A_659 = arith.constant 2 : i32
        %get3A_660 = arith.index_cast %get3A_659 : i32 to index
        %get3A_661 = arith.index_cast %add3A_658 : i32 to index
        %get3A_662 = arith.constant 16 : index
        %get3A_663 = tpu.vector_load %arg8[%get3A_660, %get3A_661, %get3A_662] {strides = array<i32>} : memref<4x104x128xf32, #tpu.memory_space<vmem>>, vector<1x1x16xf32>,
        %get3A_664 = vector.shape_cast %get3A_663 : vector<1x1x16xf32> to vector<16xf32>
        %mul3A_665 = arith.constant 8 : i32
        %mul3A_666 = arith.muli %scan3A_467, %mul3A_665 : i32
        %add3A_667 = arith.constant 2 : i32
        %add3A_668 = arith.addi %mul3A_666, %add3A_667 : i32
        %swap3A_669 = arith.constant 0 : i32
        %swap3A_670 = arith.index_cast %swap3A_669 : i32 to index
        %swap3A_671 = arith.index_cast %add3A_668 : i32 to index
        %swap3A_672 = arith.constant 16 : index
        %swap3A_673 = tpu.vector_load %arg9[%swap3A_670, %swap3A_671, %swap3A_672] {strides = array<i32>} : memref<2x104x64xf32, #tpu.memory_space<vmem>>, vector<1x1x16xf32>,
        %swap3A_674 = vector.shape_cast %swap3A_673 : vector<1x1x16xf32> to vector<16xf32>
        %swap3A_675 = vector.shape_cast %get3A_664 : vector<16xf32> to vector<1x1x16xf32>
        tpu.vector_store %arg9[%swap3A_670, %swap3A_671, %swap3A_672], %swap3A_675 {strides = array<i32>} : memref<2x104x64xf32, #tpu.memory_space<vmem>>, vector<1x1x16xf32>,
        %mul3A_676 = arith.constant 8 : i32
        %mul3A_677 = arith.muli %scan3A_467, %mul3A_676 : i32
        %add3A_678 = arith.constant 2 : i32
        %add3A_679 = arith.addi %mul3A_677, %add3A_678 : i32
        %get3A_680 = arith.constant 2 : i32
        %get3A_681 = arith.index_cast %get3A_680 : i32 to index
        %get3A_682 = arith.index_cast %add3A_679 : i32 to index
        %get3A_683 = arith.constant 32 : index
        %get3A_684 = tpu.vector_load %arg8[%get3A_681, %get3A_682, %get3A_683] {strides = array<i32>} : memref<4x104x128xf32, #tpu.memory_space<vmem>>, vector<1x1x16xf32>,
        %get3A_685 = vector.shape_cast %get3A_684 : vector<1x1x16xf32> to vector<16xf32>
        %mul3A_686 = arith.constant 8 : i32
        %mul3A_687 = arith.muli %scan3A_467, %mul3A_686 : i32
        %add3A_688 = arith.constant 2 : i32
        %add3A_689 = arith.addi %mul3A_687, %add3A_688 : i32
        %swap3A_690 = arith.constant 0 : i32
        %swap3A_691 = arith.index_cast %swap3A_690 : i32 to index
        %swap3A_692 = arith.index_cast %add3A_689 : i32 to index
        %swap3A_693 = arith.constant 32 : index
        %swap3A_694 = tpu.vector_load %arg9[%swap3A_691, %swap3A_692, %swap3A_693] {strides = array<i32>} : memref<2x104x64xf32, #tpu.memory_space<vmem>>, vector<1x1x16xf32>,
        %swap3A_695 = vector.shape_cast %swap3A_694 : vector<1x1x16xf32> to vector<16xf32>
        %swap3A_696 = vector.shape_cast %get3A_685 : vector<16xf32> to vector<1x1x16xf32>
        tpu.vector_store %arg9[%swap3A_691, %swap3A_692, %swap3A_693], %swap3A_696 {strides = array<i32>} : memref<2x104x64xf32, #tpu.memory_space<vmem>>, vector<1x1x16xf32>,
        %mul3A_697 = arith.constant 8 : i32
        %mul3A_698 = arith.muli %scan3A_467, %mul3A_697 : i32
        %add3A_699 = arith.constant 2 : i32
        %add3A_700 = arith.addi %mul3A_698, %add3A_699 : i32
        %get3A_701 = arith.constant 2 : i32
        %get3A_702 = arith.index_cast %get3A_701 : i32 to index
        %get3A_703 = arith.index_cast %add3A_700 : i32 to index
        %get3A_704 = arith.constant 48 : index
        %get3A_705 = tpu.vector_load %arg8[%get3A_702, %get3A_703, %get3A_704] {strides = array<i32>} : memref<4x104x128xf32, #tpu.memory_space<vmem>>, vector<1x1x16xf32>,
        %get3A_706 = vector.shape_cast %get3A_705 : vector<1x1x16xf32> to vector<16xf32>
        %mul3A_707 = arith.constant 8 : i32
        %mul3A_708 = arith.muli %scan3A_467, %mul3A_707 : i32
        %add3A_709 = arith.constant 2 : i32
        %add3A_710 = arith.addi %mul3A_708, %add3A_709 : i32
        %swap3A_711 = arith.constant 0 : i32
        %swap3A_712 = arith.index_cast %swap3A_711 : i32 to index
        %swap3A_713 = arith.index_cast %add3A_710 : i32 to index
        %swap3A_714 = arith.constant 48 : index
        %swap3A_715 = tpu.vector_load %arg9[%swap3A_712, %swap3A_713, %swap3A_714] {strides = array<i32>} : memref<2x104x64xf32, #tpu.memory_space<vmem>>, vector<1x1x16xf32>,
        %swap3A_716 = vector.shape_cast %swap3A_715 : vector<1x1x16xf32> to vector<16xf32>
        %swap3A_717 = vector.shape_cast %get3A_706 : vector<16xf32> to vector<1x1x16xf32>
        tpu.vector_store %arg9[%swap3A_712, %swap3A_713, %swap3A_714], %swap3A_717 {strides = array<i32>} : memref<2x104x64xf32, #tpu.memory_space<vmem>>, vector<1x1x16xf32>,
        %mul3A_718 = arith.constant 8 : i32
        %mul3A_719 = arith.muli %scan3A_467, %mul3A_718 : i32
        %add3A_720 = arith.constant 3 : i32
        %add3A_721 = arith.addi %mul3A_719, %add3A_720 : i32
        %get3A_722 = arith.constant 2 : i32
        %get3A_723 = arith.index_cast %get3A_722 : i32 to index
        %get3A_724 = arith.index_cast %add3A_721 : i32 to index
        %get3A_725 = arith.constant 0 : index
        %get3A_726 = tpu.vector_load %arg8[%get3A_723, %get3A_724, %get3A_725] {strides = array<i32>} : memref<4x104x128xf32, #tpu.memory_space<vmem>>, vector<1x1x16xf32>,
        %get3A_727 = vector.shape_cast %get3A_726 : vector<1x1x16xf32> to vector<16xf32>
        %mul3A_728 = arith.constant 8 : i32
        %mul3A_729 = arith.muli %scan3A_467, %mul3A_728 : i32
        %add3A_730 = arith.constant 3 : i32
        %add3A_731 = arith.addi %mul3A_729, %add3A_730 : i32
        %swap3A_732 = arith.constant 0 : i32
        %swap3A_733 = arith.index_cast %swap3A_732 : i32 to index
        %swap3A_734 = arith.index_cast %add3A_731 : i32 to index
        %swap3A_735 = arith.constant 0 : index
        %swap3A_736 = tpu.vector_load %arg9[%swap3A_733, %swap3A_734, %swap3A_735] {strides = array<i32>} : memref<2x104x64xf32, #tpu.memory_space<vmem>>, vector<1x1x16xf32>,
        %swap3A_737 = vector.shape_cast %swap3A_736 : vector<1x1x16xf32> to vector<16xf32>
        %swap3A_738 = vector.shape_cast %get3A_727 : vector<16xf32> to vector<1x1x16xf32>
        tpu.vector_store %arg9[%swap3A_733, %swap3A_734, %swap3A_735], %swap3A_738 {strides = array<i32>} : memref<2x104x64xf32, #tpu.memory_space<vmem>>, vector<1x1x16xf32>,
        %mul3A_739 = arith.constant 8 : i32
        %mul3A_740 = arith.muli %scan3A_467, %mul3A_739 : i32
        %add3A_741 = arith.constant 3 : i32
        %add3A_742 = arith.addi %mul3A_740, %add3A_741 : i32
        %get3A_743 = arith.constant 2 : i32
        %get3A_744 = arith.index_cast %get3A_743 : i32 to index
        %get3A_745 = arith.index_cast %add3A_742 : i32 to index
        %get3A_746 = arith.constant 16 : index
        %get3A_747 = tpu.vector_load %arg8[%get3A_744, %get3A_745, %get3A_746] {strides = array<i32>} : memref<4x104x128xf32, #tpu.memory_space<vmem>>, vector<1x1x16xf32>,
        %get3A_748 = vector.shape_cast %get3A_747 : vector<1x1x16xf32> to vector<16xf32>
        %mul3A_749 = arith.constant 8 : i32
        %mul3A_750 = arith.muli %scan3A_467, %mul3A_749 : i32
        %add3A_751 = arith.constant 3 : i32
        %add3A_752 = arith.addi %mul3A_750, %add3A_751 : i32
        %swap3A_753 = arith.constant 0 : i32
        %swap3A_754 = arith.index_cast %swap3A_753 : i32 to index
        %swap3A_755 = arith.index_cast %add3A_752 : i32 to index
        %swap3A_756 = arith.constant 16 : index
        %swap3A_757 = tpu.vector_load %arg9[%swap3A_754, %swap3A_755, %swap3A_756] {strides = array<i32>} : memref<2x104x64xf32, #tpu.memory_space<vmem>>, vector<1x1x16xf32>,
        %swap3A_758 = vector.shape_cast %swap3A_757 : vector<1x1x16xf32> to vector<16xf32>
        %swap3A_759 = vector.shape_cast %get3A_748 : vector<16xf32> to vector<1x1x16xf32>
        tpu.vector_store %arg9[%swap3A_754, %swap3A_755, %swap3A_756], %swap3A_759 {strides = array<i32>} : memref<2x104x64xf32, #tpu.memory_space<vmem>>, vector<1x1x16xf32>,
        %mul3A_760 = arith.constant 8 : i32
        %mul3A_761 = arith.muli %scan3A_467, %mul3A_760 : i32
        %add3A_762 = arith.constant 3 : i32
        %add3A_763 = arith.addi %mul3A_761, %add3A_762 : i32
        %get3A_764 = arith.constant 2 : i32
        %get3A_765 = arith.index_cast %get3A_764 : i32 to index
        %get3A_766 = arith.index_cast %add3A_763 : i32 to index
        %get3A_767 = arith.constant 32 : index
        %get3A_768 = tpu.vector_load %arg8[%get3A_765, %get3A_766, %get3A_767] {strides = array<i32>} : memref<4x104x128xf32, #tpu.memory_space<vmem>>, vector<1x1x16xf32>,
        %get3A_769 = vector.shape_cast %get3A_768 : vector<1x1x16xf32> to vector<16xf32>
        %mul3A_770 = arith.constant 8 : i32
        %mul3A_771 = arith.muli %scan3A_467, %mul3A_770 : i32
        %add3A_772 = arith.constant 3 : i32
        %add3A_773 = arith.addi %mul3A_771, %add3A_772 : i32
        %swap3A_774 = arith.constant 0 : i32
        %swap3A_775 = arith.index_cast %swap3A_774 : i32 to index
        %swap3A_776 = arith.index_cast %add3A_773 : i32 to index
        %swap3A_777 = arith.constant 32 : index
        %swap3A_778 = tpu.vector_load %arg9[%swap3A_775, %swap3A_776, %swap3A_777] {strides = array<i32>} : memref<2x104x64xf32, #tpu.memory_space<vmem>>, vector<1x1x16xf32>,
        %swap3A_779 = vector.shape_cast %swap3A_778 : vector<1x1x16xf32> to vector<16xf32>
        %swap3A_780 = vector.shape_cast %get3A_769 : vector<16xf32> to vector<1x1x16xf32>
        tpu.vector_store %arg9[%swap3A_775, %swap3A_776, %swap3A_777], %swap3A_780 {strides = array<i32>} : memref<2x104x64xf32, #tpu.memory_space<vmem>>, vector<1x1x16xf32>,
        %mul3A_781 = arith.constant 8 : i32
        %mul3A_782 = arith.muli %scan3A_467, %mul3A_781 : i32
        %add3A_783 = arith.constant 3 : i32
        %add3A_784 = arith.addi %mul3A_782, %add3A_783 : i32
        %get3A_785 = arith.constant 2 : i32
        %get3A_786 = arith.index_cast %get3A_785 : i32 to index
        %get3A_787 = arith.index_cast %add3A_784 : i32 to index
        %get3A_788 = arith.constant 48 : index
        %get3A_789 = tpu.vector_load %arg8[%get3A_786, %get3A_787, %get3A_788] {strides = array<i32>} : memref<4x104x128xf32, #tpu.memory_space<vmem>>, vector<1x1x16xf32>,
        %get3A_790 = vector.shape_cast %get3A_789 : vector<1x1x16xf32> to vector<16xf32>
        %mul3A_791 = arith.constant 8 : i32
        %mul3A_792 = arith.muli %scan3A_467, %mul3A_791 : i32
        %add3A_793 = arith.constant 3 : i32
        %add3A_794 = arith.addi %mul3A_792, %add3A_793 : i32
        %swap3A_795 = arith.constant 0 : i32
        %swap3A_796 = arith.index_cast %swap3A_795 : i32 to index
        %swap3A_797 = arith.index_cast %add3A_794 : i32 to index
        %swap3A_798 = arith.constant 48 : index
        %swap3A_799 = tpu.vector_load %arg9[%swap3A_796, %swap3A_797, %swap3A_798] {strides = array<i32>} : memref<2x104x64xf32, #tpu.memory_space<vmem>>, vector<1x1x16xf32>,
        %swap3A_800 = vector.shape_cast %swap3A_799 : vector<1x1x16xf32> to vector<16xf32>
        %swap3A_801 = vector.shape_cast %get3A_790 : vector<16xf32> to vector<1x1x16xf32>
        tpu.vector_store %arg9[%swap3A_796, %swap3A_797, %swap3A_798], %swap3A_801 {strides = array<i32>} : memref<2x104x64xf32, #tpu.memory_space<vmem>>, vector<1x1x16xf32>,
        %mul3A_802 = arith.constant 8 : i32
        %mul3A_803 = arith.muli %scan3A_467, %mul3A_802 : i32
        %add3A_804 = arith.constant 4 : i32
        %add3A_805 = arith.addi %mul3A_803, %add3A_804 : i32
        %get3A_806 = arith.constant 2 : i32
        %get3A_807 = arith.index_cast %get3A_806 : i32 to index
        %get3A_808 = arith.index_cast %add3A_805 : i32 to index
        %get3A_809 = arith.constant 0 : index
        %get3A_810 = tpu.vector_load %arg8[%get3A_807, %get3A_808, %get3A_809] {strides = array<i32>} : memref<4x104x128xf32, #tpu.memory_space<vmem>>, vector<1x1x16xf32>,
        %get3A_811 = vector.shape_cast %get3A_810 : vector<1x1x16xf32> to vector<16xf32>
        %mul3A_812 = arith.constant 8 : i32
        %mul3A_813 = arith.muli %scan3A_467, %mul3A_812 : i32
        %add3A_814 = arith.constant 4 : i32
        %add3A_815 = arith.addi %mul3A_813, %add3A_814 : i32
        %swap3A_816 = arith.constant 0 : i32
        %swap3A_817 = arith.index_cast %swap3A_816 : i32 to index
        %swap3A_818 = arith.index_cast %add3A_815 : i32 to index
        %swap3A_819 = arith.constant 0 : index
        %swap3A_820 = tpu.vector_load %arg9[%swap3A_817, %swap3A_818, %swap3A_819] {strides = array<i32>} : memref<2x104x64xf32, #tpu.memory_space<vmem>>, vector<1x1x16xf32>,
        %swap3A_821 = vector.shape_cast %swap3A_820 : vector<1x1x16xf32> to vector<16xf32>
        %swap3A_822 = vector.shape_cast %get3A_811 : vector<16xf32> to vector<1x1x16xf32>
        tpu.vector_store %arg9[%swap3A_817, %swap3A_818, %swap3A_819], %swap3A_822 {strides = array<i32>} : memref<2x104x64xf32, #tpu.memory_space<vmem>>, vector<1x1x16xf32>,
        %mul3A_823 = arith.constant 8 : i32
        %mul3A_824 = arith.muli %scan3A_467, %mul3A_823 : i32
        %add3A_825 = arith.constant 4 : i32
        %add3A_826 = arith.addi %mul3A_824, %add3A_825 : i32
        %get3A_827 = arith.constant 2 : i32
        %get3A_828 = arith.index_cast %get3A_827 : i32 to index
        %get3A_829 = arith.index_cast %add3A_826 : i32 to index
        %get3A_830 = arith.constant 16 : index
        %get3A_831 = tpu.vector_load %arg8[%get3A_828, %get3A_829, %get3A_830] {strides = array<i32>} : memref<4x104x128xf32, #tpu.memory_space<vmem>>, vector<1x1x16xf32>,
        %get3A_832 = vector.shape_cast %get3A_831 : vector<1x1x16xf32> to vector<16xf32>
        %mul3A_833 = arith.constant 8 : i32
        %mul3A_834 = arith.muli %scan3A_467, %mul3A_833 : i32
        %add3A_835 = arith.constant 4 : i32
        %add3A_836 = arith.addi %mul3A_834, %add3A_835 : i32
        %swap3A_837 = arith.constant 0 : i32
        %swap3A_838 = arith.index_cast %swap3A_837 : i32 to index
        %swap3A_839 = arith.index_cast %add3A_836 : i32 to index
        %swap3A_840 = arith.constant 16 : index
        %swap3A_841 = tpu.vector_load %arg9[%swap3A_838, %swap3A_839, %swap3A_840] {strides = array<i32>} : memref<2x104x64xf32, #tpu.memory_space<vmem>>, vector<1x1x16xf32>,
        %swap3A_842 = vector.shape_cast %swap3A_841 : vector<1x1x16xf32> to vector<16xf32>
        %swap3A_843 = vector.shape_cast %get3A_832 : vector<16xf32> to vector<1x1x16xf32>
        tpu.vector_store %arg9[%swap3A_838, %swap3A_839, %swap3A_840], %swap3A_843 {strides = array<i32>} : memref<2x104x64xf32, #tpu.memory_space<vmem>>, vector<1x1x16xf32>,
        %mul3A_844 = arith.constant 8 : i32
        %mul3A_845 = arith.muli %scan3A_467, %mul3A_844 : i32
        %add3A_846 = arith.constant 4 : i32
        %add3A_847 = arith.addi %mul3A_845, %add3A_846 : i32
        %get3A_848 = arith.constant 2 : i32
        %get3A_849 = arith.index_cast %get3A_848 : i32 to index
        %get3A_850 = arith.index_cast %add3A_847 : i32 to index
        %get3A_851 = arith.constant 32 : index
        %get3A_852 = tpu.vector_load %arg8[%get3A_849, %get3A_850, %get3A_851] {strides = array<i32>} : memref<4x104x128xf32, #tpu.memory_space<vmem>>, vector<1x1x16xf32>,
        %get3A_853 = vector.shape_cast %get3A_852 : vector<1x1x16xf32> to vector<16xf32>
        %mul3A_854 = arith.constant 8 : i32
        %mul3A_855 = arith.muli %scan3A_467, %mul3A_854 : i32
        %add3A_856 = arith.constant 4 : i32
        %add3A_857 = arith.addi %mul3A_855, %add3A_856 : i32
        %swap3A_858 = arith.constant 0 : i32
        %swap3A_859 = arith.index_cast %swap3A_858 : i32 to index
        %swap3A_860 = arith.index_cast %add3A_857 : i32 to index
        %swap3A_861 = arith.constant 32 : index
        %swap3A_862 = tpu.vector_load %arg9[%swap3A_859, %swap3A_860, %swap3A_861] {strides = array<i32>} : memref<2x104x64xf32, #tpu.memory_space<vmem>>, vector<1x1x16xf32>,
        %swap3A_863 = vector.shape_cast %swap3A_862 : vector<1x1x16xf32> to vector<16xf32>
        %swap3A_864 = vector.shape_cast %get3A_853 : vector<16xf32> to vector<1x1x16xf32>
        tpu.vector_store %arg9[%swap3A_859, %swap3A_860, %swap3A_861], %swap3A_864 {strides = array<i32>} : memref<2x104x64xf32, #tpu.memory_space<vmem>>, vector<1x1x16xf32>,
        %mul3A_865 = arith.constant 8 : i32
        %mul3A_866 = arith.muli %scan3A_467, %mul3A_865 : i32
        %add3A_867 = arith.constant 4 : i32
        %add3A_868 = arith.addi %mul3A_866, %add3A_867 : i32
        %get3A_869 = arith.constant 2 : i32
        %get3A_870 = arith.index_cast %get3A_869 : i32 to index
        %get3A_871 = arith.index_cast %add3A_868 : i32 to index
        %get3A_872 = arith.constant 48 : index
        %get3A_873 = tpu.vector_load %arg8[%get3A_870, %get3A_871, %get3A_872] {strides = array<i32>} : memref<4x104x128xf32, #tpu.memory_space<vmem>>, vector<1x1x16xf32>,
        %get3A_874 = vector.shape_cast %get3A_873 : vector<1x1x16xf32> to vector<16xf32>
        %mul3A_875 = arith.constant 8 : i32
        %mul3A_876 = arith.muli %scan3A_467, %mul3A_875 : i32
        %add3A_877 = arith.constant 4 : i32
        %add3A_878 = arith.addi %mul3A_876, %add3A_877 : i32
        %swap3A_879 = arith.constant 0 : i32
        %swap3A_880 = arith.index_cast %swap3A_879 : i32 to index
        %swap3A_881 = arith.index_cast %add3A_878 : i32 to index
        %swap3A_882 = arith.constant 48 : index
        %swap3A_883 = tpu.vector_load %arg9[%swap3A_880, %swap3A_881, %swap3A_882] {strides = array<i32>} : memref<2x104x64xf32, #tpu.memory_space<vmem>>, vector<1x1x16xf32>,
        %swap3A_884 = vector.shape_cast %swap3A_883 : vector<1x1x16xf32> to vector<16xf32>
        %swap3A_885 = vector.shape_cast %get3A_874 : vector<16xf32> to vector<1x1x16xf32>
        tpu.vector_store %arg9[%swap3A_880, %swap3A_881, %swap3A_882], %swap3A_885 {strides = array<i32>} : memref<2x104x64xf32, #tpu.memory_space<vmem>>, vector<1x1x16xf32>,
        %mul3A_886 = arith.constant 8 : i32
        %mul3A_887 = arith.muli %scan3A_467, %mul3A_886 : i32
        %add3A_888 = arith.constant 5 : i32
        %add3A_889 = arith.addi %mul3A_887, %add3A_888 : i32
        %get3A_890 = arith.constant 2 : i32
        %get3A_891 = arith.index_cast %get3A_890 : i32 to index
        %get3A_892 = arith.index_cast %add3A_889 : i32 to index
        %get3A_893 = arith.constant 0 : index
        %get3A_894 = tpu.vector_load %arg8[%get3A_891, %get3A_892, %get3A_893] {strides = array<i32>} : memref<4x104x128xf32, #tpu.memory_space<vmem>>, vector<1x1x16xf32>,
        %get3A_895 = vector.shape_cast %get3A_894 : vector<1x1x16xf32> to vector<16xf32>
        %mul3A_896 = arith.constant 8 : i32
        %mul3A_897 = arith.muli %scan3A_467, %mul3A_896 : i32
        %add3A_898 = arith.constant 5 : i32
        %add3A_899 = arith.addi %mul3A_897, %add3A_898 : i32
        %swap3A_900 = arith.constant 0 : i32
        %swap3A_901 = arith.index_cast %swap3A_900 : i32 to index
        %swap3A_902 = arith.index_cast %add3A_899 : i32 to index
        %swap3A_903 = arith.constant 0 : index
        %swap3A_904 = tpu.vector_load %arg9[%swap3A_901, %swap3A_902, %swap3A_903] {strides = array<i32>} : memref<2x104x64xf32, #tpu.memory_space<vmem>>, vector<1x1x16xf32>,
        %swap3A_905 = vector.shape_cast %swap3A_904 : vector<1x1x16xf32> to vector<16xf32>
        %swap3A_906 = vector.shape_cast %get3A_895 : vector<16xf32> to vector<1x1x16xf32>
        tpu.vector_store %arg9[%swap3A_901, %swap3A_902, %swap3A_903], %swap3A_906 {strides = array<i32>} : memref<2x104x64xf32, #tpu.memory_space<vmem>>, vector<1x1x16xf32>,
        %mul3A_907 = arith.constant 8 : i32
        %mul3A_908 = arith.muli %scan3A_467, %mul3A_907 : i32
        %add3A_909 = arith.constant 5 : i32
        %add3A_910 = arith.addi %mul3A_908, %add3A_909 : i32
        %get3A_911 = arith.constant 2 : i32
        %get3A_912 = arith.index_cast %get3A_911 : i32 to index
        %get3A_913 = arith.index_cast %add3A_910 : i32 to index
        %get3A_914 = arith.constant 16 : index
        %get3A_915 = tpu.vector_load %arg8[%get3A_912, %get3A_913, %get3A_914] {strides = array<i32>} : memref<4x104x128xf32, #tpu.memory_space<vmem>>, vector<1x1x16xf32>,
        %get3A_916 = vector.shape_cast %get3A_915 : vector<1x1x16xf32> to vector<16xf32>
        %mul3A_917 = arith.constant 8 : i32
        %mul3A_918 = arith.muli %scan3A_467, %mul3A_917 : i32
        %add3A_919 = arith.constant 5 : i32
        %add3A_920 = arith.addi %mul3A_918, %add3A_919 : i32
        %swap3A_921 = arith.constant 0 : i32
        %swap3A_922 = arith.index_cast %swap3A_921 : i32 to index
        %swap3A_923 = arith.index_cast %add3A_920 : i32 to index
        %swap3A_924 = arith.constant 16 : index
        %swap3A_925 = tpu.vector_load %arg9[%swap3A_922, %swap3A_923, %swap3A_924] {strides = array<i32>} : memref<2x104x64xf32, #tpu.memory_space<vmem>>, vector<1x1x16xf32>,
        %swap3A_926 = vector.shape_cast %swap3A_925 : vector<1x1x16xf32> to vector<16xf32>
        %swap3A_927 = vector.shape_cast %get3A_916 : vector<16xf32> to vector<1x1x16xf32>
        tpu.vector_store %arg9[%swap3A_922, %swap3A_923, %swap3A_924], %swap3A_927 {strides = array<i32>} : memref<2x104x64xf32, #tpu.memory_space<vmem>>, vector<1x1x16xf32>,
        %mul3A_928 = arith.constant 8 : i32
        %mul3A_929 = arith.muli %scan3A_467, %mul3A_928 : i32
        %add3A_930 = arith.constant 5 : i32
        %add3A_931 = arith.addi %mul3A_929, %add3A_930 : i32
        %get3A_932 = arith.constant 2 : i32
        %get3A_933 = arith.index_cast %get3A_932 : i32 to index
        %get3A_934 = arith.index_cast %add3A_931 : i32 to index
        %get3A_935 = arith.constant 32 : index
        %get3A_936 = tpu.vector_load %arg8[%get3A_933, %get3A_934, %get3A_935] {strides = array<i32>} : memref<4x104x128xf32, #tpu.memory_space<vmem>>, vector<1x1x16xf32>,
        %get3A_937 = vector.shape_cast %get3A_936 : vector<1x1x16xf32> to vector<16xf32>
        %mul3A_938 = arith.constant 8 : i32
        %mul3A_939 = arith.muli %scan3A_467, %mul3A_938 : i32
        %add3A_940 = arith.constant 5 : i32
        %add3A_941 = arith.addi %mul3A_939, %add3A_940 : i32
        %swap3A_942 = arith.constant 0 : i32
        %swap3A_943 = arith.index_cast %swap3A_942 : i32 to index
        %swap3A_944 = arith.index_cast %add3A_941 : i32 to index
        %swap3A_945 = arith.constant 32 : index
        %swap3A_946 = tpu.vector_load %arg9[%swap3A_943, %swap3A_944, %swap3A_945] {strides = array<i32>} : memref<2x104x64xf32, #tpu.memory_space<vmem>>, vector<1x1x16xf32>,
        %swap3A_947 = vector.shape_cast %swap3A_946 : vector<1x1x16xf32> to vector<16xf32>
        %swap3A_948 = vector.shape_cast %get3A_937 : vector<16xf32> to vector<1x1x16xf32>
        tpu.vector_store %arg9[%swap3A_943, %swap3A_944, %swap3A_945], %swap3A_948 {strides = array<i32>} : memref<2x104x64xf32, #tpu.memory_space<vmem>>, vector<1x1x16xf32>,
        %mul3A_949 = arith.constant 8 : i32
        %mul3A_950 = arith.muli %scan3A_467, %mul3A_949 : i32
        %add3A_951 = arith.constant 5 : i32
        %add3A_952 = arith.addi %mul3A_950, %add3A_951 : i32
        %get3A_953 = arith.constant 2 : i32
        %get3A_954 = arith.index_cast %get3A_953 : i32 to index
        %get3A_955 = arith.index_cast %add3A_952 : i32 to index
        %get3A_956 = arith.constant 48 : index
        %get3A_957 = tpu.vector_load %arg8[%get3A_954, %get3A_955, %get3A_956] {strides = array<i32>} : memref<4x104x128xf32, #tpu.memory_space<vmem>>, vector<1x1x16xf32>,
        %get3A_958 = vector.shape_cast %get3A_957 : vector<1x1x16xf32> to vector<16xf32>
        %mul3A_959 = arith.constant 8 : i32
        %mul3A_960 = arith.muli %scan3A_467, %mul3A_959 : i32
        %add3A_961 = arith.constant 5 : i32
        %add3A_962 = arith.addi %mul3A_960, %add3A_961 : i32
        %swap3A_963 = arith.constant 0 : i32
        %swap3A_964 = arith.index_cast %swap3A_963 : i32 to index
        %swap3A_965 = arith.index_cast %add3A_962 : i32 to index
        %swap3A_966 = arith.constant 48 : index
        %swap3A_967 = tpu.vector_load %arg9[%swap3A_964, %swap3A_965, %swap3A_966] {strides = array<i32>} : memref<2x104x64xf32, #tpu.memory_space<vmem>>, vector<1x1x16xf32>,
        %swap3A_968 = vector.shape_cast %swap3A_967 : vector<1x1x16xf32> to vector<16xf32>
        %swap3A_969 = vector.shape_cast %get3A_958 : vector<16xf32> to vector<1x1x16xf32>
        tpu.vector_store %arg9[%swap3A_964, %swap3A_965, %swap3A_966], %swap3A_969 {strides = array<i32>} : memref<2x104x64xf32, #tpu.memory_space<vmem>>, vector<1x1x16xf32>,
        %mul3A_970 = arith.constant 8 : i32
        %mul3A_971 = arith.muli %scan3A_467, %mul3A_970 : i32
        %add3A_972 = arith.constant 6 : i32
        %add3A_973 = arith.addi %mul3A_971, %add3A_972 : i32
        %get3A_974 = arith.constant 2 : i32
        %get3A_975 = arith.index_cast %get3A_974 : i32 to index
        %get3A_976 = arith.index_cast %add3A_973 : i32 to index
        %get3A_977 = arith.constant 0 : index
        %get3A_978 = tpu.vector_load %arg8[%get3A_975, %get3A_976, %get3A_977] {strides = array<i32>} : memref<4x104x128xf32, #tpu.memory_space<vmem>>, vector<1x1x16xf32>,
        %get3A_979 = vector.shape_cast %get3A_978 : vector<1x1x16xf32> to vector<16xf32>
        %mul3A_980 = arith.constant 8 : i32
        %mul3A_981 = arith.muli %scan3A_467, %mul3A_980 : i32
        %add3A_982 = arith.constant 6 : i32
        %add3A_983 = arith.addi %mul3A_981, %add3A_982 : i32
        %swap3A_984 = arith.constant 0 : i32
        %swap3A_985 = arith.index_cast %swap3A_984 : i32 to index
        %swap3A_986 = arith.index_cast %add3A_983 : i32 to index
        %swap3A_987 = arith.constant 0 : index
        %swap3A_988 = tpu.vector_load %arg9[%swap3A_985, %swap3A_986, %swap3A_987] {strides = array<i32>} : memref<2x104x64xf32, #tpu.memory_space<vmem>>, vector<1x1x16xf32>,
        %swap3A_989 = vector.shape_cast %swap3A_988 : vector<1x1x16xf32> to vector<16xf32>
        %swap3A_990 = vector.shape_cast %get3A_979 : vector<16xf32> to vector<1x1x16xf32>
        tpu.vector_store %arg9[%swap3A_985, %swap3A_986, %swap3A_987], %swap3A_990 {strides = array<i32>} : memref<2x104x64xf32, #tpu.memory_space<vmem>>, vector<1x1x16xf32>,
        %mul3A_991 = arith.constant 8 : i32
        %mul3A_992 = arith.muli %scan3A_467, %mul3A_991 : i32
        %add3A_993 = arith.constant 6 : i32
        %add3A_994 = arith.addi %mul3A_992, %add3A_993 : i32
        %get3A_995 = arith.constant 2 : i32
        %get3A_996 = arith.index_cast %get3A_995 : i32 to index
        %get3A_997 = arith.index_cast %add3A_994 : i32 to index
        %get3A_998 = arith.constant 16 : index
        %get3A_999 = tpu.vector_load %arg8[%get3A_996, %get3A_997, %get3A_998] {strides = array<i32>} : memref<4x104x128xf32, #tpu.memory_space<vmem>>, vector<1x1x16xf32>,
        %get3A_1000 = vector.shape_cast %get3A_999 : vector<1x1x16xf32> to vector<16xf32>
        %mul3A_1001 = arith.constant 8 : i32
        %mul3A_1002 = arith.muli %scan3A_467, %mul3A_1001 : i32
        %add3A_1003 = arith.constant 6 : i32
        %add3A_1004 = arith.addi %mul3A_1002, %add3A_1003 : i32
        %swap3A_1005 = arith.constant 0 : i32
        %swap3A_1006 = arith.index_cast %swap3A_1005 : i32 to index
        %swap3A_1007 = arith.index_cast %add3A_1004 : i32 to index
        %swap3A_1008 = arith.constant 16 : index
        %swap3A_1009 = tpu.vector_load %arg9[%swap3A_1006, %swap3A_1007, %swap3A_1008] {strides = array<i32>} : memref<2x104x64xf32, #tpu.memory_space<vmem>>, vector<1x1x16xf32>,
        %swap3A_1010 = vector.shape_cast %swap3A_1009 : vector<1x1x16xf32> to vector<16xf32>
        %swap3A_1011 = vector.shape_cast %get3A_1000 : vector<16xf32> to vector<1x1x16xf32>
        tpu.vector_store %arg9[%swap3A_1006, %swap3A_1007, %swap3A_1008], %swap3A_1011 {strides = array<i32>} : memref<2x104x64xf32, #tpu.memory_space<vmem>>, vector<1x1x16xf32>,
        %mul3A_1012 = arith.constant 8 : i32
        %mul3A_1013 = arith.muli %scan3A_467, %mul3A_1012 : i32
        %add3A_1014 = arith.constant 6 : i32
        %add3A_1015 = arith.addi %mul3A_1013, %add3A_1014 : i32
        %get3A_1016 = arith.constant 2 : i32
        %get3A_1017 = arith.index_cast %get3A_1016 : i32 to index
        %get3A_1018 = arith.index_cast %add3A_1015 : i32 to index
        %get3A_1019 = arith.constant 32 : index
        %get3A_1020 = tpu.vector_load %arg8[%get3A_1017, %get3A_1018, %get3A_1019] {strides = array<i32>} : memref<4x104x128xf32, #tpu.memory_space<vmem>>, vector<1x1x16xf32>,
        %get3A_1021 = vector.shape_cast %get3A_1020 : vector<1x1x16xf32> to vector<16xf32>
        %mul3A_1022 = arith.constant 8 : i32
        %mul3A_1023 = arith.muli %scan3A_467, %mul3A_1022 : i32
        %add3A_1024 = arith.constant 6 : i32
        %add3A_1025 = arith.addi %mul3A_1023, %add3A_1024 : i32
        %swap3A_1026 = arith.constant 0 : i32
        %swap3A_1027 = arith.index_cast %swap3A_1026 : i32 to index
        %swap3A_1028 = arith.index_cast %add3A_1025 : i32 to index
        %swap3A_1029 = arith.constant 32 : index
        %swap3A_1030 = tpu.vector_load %arg9[%swap3A_1027, %swap3A_1028, %swap3A_1029] {strides = array<i32>} : memref<2x104x64xf32, #tpu.memory_space<vmem>>, vector<1x1x16xf32>,
        %swap3A_1031 = vector.shape_cast %swap3A_1030 : vector<1x1x16xf32> to vector<16xf32>
        %swap3A_1032 = vector.shape_cast %get3A_1021 : vector<16xf32> to vector<1x1x16xf32>
        tpu.vector_store %arg9[%swap3A_1027, %swap3A_1028, %swap3A_1029], %swap3A_1032 {strides = array<i32>} : memref<2x104x64xf32, #tpu.memory_space<vmem>>, vector<1x1x16xf32>,
        %mul3A_1033 = arith.constant 8 : i32
        %mul3A_1034 = arith.muli %scan3A_467, %mul3A_1033 : i32
        %add3A_1035 = arith.constant 6 : i32
        %add3A_1036 = arith.addi %mul3A_1034, %add3A_1035 : i32
        %get3A_1037 = arith.constant 2 : i32
        %get3A_1038 = arith.index_cast %get3A_1037 : i32 to index
        %get3A_1039 = arith.index_cast %add3A_1036 : i32 to index
        %get3A_1040 = arith.constant 48 : index
        %get3A_1041 = tpu.vector_load %arg8[%get3A_1038, %get3A_1039, %get3A_1040] {strides = array<i32>} : memref<4x104x128xf32, #tpu.memory_space<vmem>>, vector<1x1x16xf32>,
        %get3A_1042 = vector.shape_cast %get3A_1041 : vector<1x1x16xf32> to vector<16xf32>
        %mul3A_1043 = arith.constant 8 : i32
        %mul3A_1044 = arith.muli %scan3A_467, %mul3A_1043 : i32
        %add3A_1045 = arith.constant 6 : i32
        %add3A_1046 = arith.addi %mul3A_1044, %add3A_1045 : i32
        %swap3A_1047 = arith.constant 0 : i32
        %swap3A_1048 = arith.index_cast %swap3A_1047 : i32 to index
        %swap3A_1049 = arith.index_cast %add3A_1046 : i32 to index
        %swap3A_1050 = arith.constant 48 : index
        %swap3A_1051 = tpu.vector_load %arg9[%swap3A_1048, %swap3A_1049, %swap3A_1050] {strides = array<i32>} : memref<2x104x64xf32, #tpu.memory_space<vmem>>, vector<1x1x16xf32>,
        %swap3A_1052 = vector.shape_cast %swap3A_1051 : vector<1x1x16xf32> to vector<16xf32>
        %swap3A_1053 = vector.shape_cast %get3A_1042 : vector<16xf32> to vector<1x1x16xf32>
        tpu.vector_store %arg9[%swap3A_1048, %swap3A_1049, %swap3A_1050], %swap3A_1053 {strides = array<i32>} : memref<2x104x64xf32, #tpu.memory_space<vmem>>, vector<1x1x16xf32>,
        %mul3A_1054 = arith.constant 8 : i32
        %mul3A_1055 = arith.muli %scan3A_467, %mul3A_1054 : i32
        %add3A_1056 = arith.constant 7 : i32
        %add3A_1057 = arith.addi %mul3A_1055, %add3A_1056 : i32
        %get3A_1058 = arith.constant 2 : i32
        %get3A_1059 = arith.index_cast %get3A_1058 : i32 to index
        %get3A_1060 = arith.index_cast %add3A_1057 : i32 to index
        %get3A_1061 = arith.constant 0 : index
        %get3A_1062 = tpu.vector_load %arg8[%get3A_1059, %get3A_1060, %get3A_1061] {strides = array<i32>} : memref<4x104x128xf32, #tpu.memory_space<vmem>>, vector<1x1x16xf32>,
        %get3A_1063 = vector.shape_cast %get3A_1062 : vector<1x1x16xf32> to vector<16xf32>
        %mul3A_1064 = arith.constant 8 : i32
        %mul3A_1065 = arith.muli %scan3A_467, %mul3A_1064 : i32
        %add3A_1066 = arith.constant 7 : i32
        %add3A_1067 = arith.addi %mul3A_1065, %add3A_1066 : i32
        %swap3A_1068 = arith.constant 0 : i32
        %swap3A_1069 = arith.index_cast %swap3A_1068 : i32 to index
        %swap3A_1070 = arith.index_cast %add3A_1067 : i32 to index
        %swap3A_1071 = arith.constant 0 : index
        %swap3A_1072 = tpu.vector_load %arg9[%swap3A_1069, %swap3A_1070, %swap3A_1071] {strides = array<i32>} : memref<2x104x64xf32, #tpu.memory_space<vmem>>, vector<1x1x16xf32>,
        %swap3A_1073 = vector.shape_cast %swap3A_1072 : vector<1x1x16xf32> to vector<16xf32>
        %swap3A_1074 = vector.shape_cast %get3A_1063 : vector<16xf32> to vector<1x1x16xf32>
        tpu.vector_store %arg9[%swap3A_1069, %swap3A_1070, %swap3A_1071], %swap3A_1074 {strides = array<i32>} : memref<2x104x64xf32, #tpu.memory_space<vmem>>, vector<1x1x16xf32>,
        %mul3A_1075 = arith.constant 8 : i32
        %mul3A_1076 = arith.muli %scan3A_467, %mul3A_1075 : i32
        %add3A_1077 = arith.constant 7 : i32
        %add3A_1078 = arith.addi %mul3A_1076, %add3A_1077 : i32
        %get3A_1079 = arith.constant 2 : i32
        %get3A_1080 = arith.index_cast %get3A_1079 : i32 to index
        %get3A_1081 = arith.index_cast %add3A_1078 : i32 to index
        %get3A_1082 = arith.constant 16 : index
        %get3A_1083 = tpu.vector_load %arg8[%get3A_1080, %get3A_1081, %get3A_1082] {strides = array<i32>} : memref<4x104x128xf32, #tpu.memory_space<vmem>>, vector<1x1x16xf32>,
        %get3A_1084 = vector.shape_cast %get3A_1083 : vector<1x1x16xf32> to vector<16xf32>
        %mul3A_1085 = arith.constant 8 : i32
        %mul3A_1086 = arith.muli %scan3A_467, %mul3A_1085 : i32
        %add3A_1087 = arith.constant 7 : i32
        %add3A_1088 = arith.addi %mul3A_1086, %add3A_1087 : i32
        %swap3A_1089 = arith.constant 0 : i32
        %swap3A_1090 = arith.index_cast %swap3A_1089 : i32 to index
        %swap3A_1091 = arith.index_cast %add3A_1088 : i32 to index
        %swap3A_1092 = arith.constant 16 : index
        %swap3A_1093 = tpu.vector_load %arg9[%swap3A_1090, %swap3A_1091, %swap3A_1092] {strides = array<i32>} : memref<2x104x64xf32, #tpu.memory_space<vmem>>, vector<1x1x16xf32>,
        %swap3A_1094 = vector.shape_cast %swap3A_1093 : vector<1x1x16xf32> to vector<16xf32>
        %swap3A_1095 = vector.shape_cast %get3A_1084 : vector<16xf32> to vector<1x1x16xf32>
        tpu.vector_store %arg9[%swap3A_1090, %swap3A_1091, %swap3A_1092], %swap3A_1095 {strides = array<i32>} : memref<2x104x64xf32, #tpu.memory_space<vmem>>, vector<1x1x16xf32>,
        %mul3A_1096 = arith.constant 8 : i32
        %mul3A_1097 = arith.muli %scan3A_467, %mul3A_1096 : i32
        %add3A_1098 = arith.constant 7 : i32
        %add3A_1099 = arith.addi %mul3A_1097, %add3A_1098 : i32
        %get3A_1100 = arith.constant 2 : i32
        %get3A_1101 = arith.index_cast %get3A_1100 : i32 to index
        %get3A_1102 = arith.index_cast %add3A_1099 : i32 to index
        %get3A_1103 = arith.constant 32 : index
        %get3A_1104 = tpu.vector_load %arg8[%get3A_1101, %get3A_1102, %get3A_1103] {strides = array<i32>} : memref<4x104x128xf32, #tpu.memory_space<vmem>>, vector<1x1x16xf32>,
        %get3A_1105 = vector.shape_cast %get3A_1104 : vector<1x1x16xf32> to vector<16xf32>
        %mul3A_1106 = arith.constant 8 : i32
        %mul3A_1107 = arith.muli %scan3A_467, %mul3A_1106 : i32
        %add3A_1108 = arith.constant 7 : i32
        %add3A_1109 = arith.addi %mul3A_1107, %add3A_1108 : i32
        %swap3A_1110 = arith.constant 0 : i32
        %swap3A_1111 = arith.index_cast %swap3A_1110 : i32 to index
        %swap3A_1112 = arith.index_cast %add3A_1109 : i32 to index
        %swap3A_1113 = arith.constant 32 : index
        %swap3A_1114 = tpu.vector_load %arg9[%swap3A_1111, %swap3A_1112, %swap3A_1113] {strides = array<i32>} : memref<2x104x64xf32, #tpu.memory_space<vmem>>, vector<1x1x16xf32>,
        %swap3A_1115 = vector.shape_cast %swap3A_1114 : vector<1x1x16xf32> to vector<16xf32>
        %swap3A_1116 = vector.shape_cast %get3A_1105 : vector<16xf32> to vector<1x1x16xf32>
        tpu.vector_store %arg9[%swap3A_1111, %swap3A_1112, %swap3A_1113], %swap3A_1116 {strides = array<i32>} : memref<2x104x64xf32, #tpu.memory_space<vmem>>, vector<1x1x16xf32>,
        %mul3A_1117 = arith.constant 8 : i32
        %mul3A_1118 = arith.muli %scan3A_467, %mul3A_1117 : i32
        %add3A_1119 = arith.constant 7 : i32
        %add3A_1120 = arith.addi %mul3A_1118, %add3A_1119 : i32
        %get3A_1121 = arith.constant 2 : i32
        %get3A_1122 = arith.index_cast %get3A_1121 : i32 to index
        %get3A_1123 = arith.index_cast %add3A_1120 : i32 to index
        %get3A_1124 = arith.constant 48 : index
        %get3A_1125 = tpu.vector_load %arg8[%get3A_1122, %get3A_1123, %get3A_1124] {strides = array<i32>} : memref<4x104x128xf32, #tpu.memory_space<vmem>>, vector<1x1x16xf32>,
        %get3A_1126 = vector.shape_cast %get3A_1125 : vector<1x1x16xf32> to vector<16xf32>
        %mul3A_1127 = arith.constant 8 : i32
        %mul3A_1128 = arith.muli %scan3A_467, %mul3A_1127 : i32
        %add3A_1129 = arith.constant 7 : i32
        %add3A_1130 = arith.addi %mul3A_1128, %add3A_1129 : i32
        %swap3A_1131 = arith.constant 0 : i32
        %swap3A_1132 = arith.index_cast %swap3A_1131 : i32 to index
        %swap3A_1133 = arith.index_cast %add3A_1130 : i32 to index
        %swap3A_1134 = arith.constant 48 : index
        %swap3A_1135 = tpu.vector_load %arg9[%swap3A_1132, %swap3A_1133, %swap3A_1134] {strides = array<i32>} : memref<2x104x64xf32, #tpu.memory_space<vmem>>, vector<1x1x16xf32>,
        %swap3A_1136 = vector.shape_cast %swap3A_1135 : vector<1x1x16xf32> to vector<16xf32>
        %swap3A_1137 = vector.shape_cast %get3A_1126 : vector<16xf32> to vector<1x1x16xf32>
        tpu.vector_store %arg9[%swap3A_1132, %swap3A_1133, %swap3A_1134], %swap3A_1137 {strides = array<i32>} : memref<2x104x64xf32, #tpu.memory_space<vmem>>, vector<1x1x16xf32>,
      }
      %scan3A_338 = arith.constant 12 : i32
      %add3A_339 = arith.constant 4 : i32
      %add3A_340 = arith.addi %add3A_310, %add3A_339 : i32
      %lt3A_341 = arith.constant 256 : i32
      %lt3A_342 = arith.cmpi slt, %add3A_340, %lt3A_341 : i32
      %convert_element_type3A_343 = arith.extui %lt3A_342 : i1 to i32
      %cond3A_344 = arith.constant 0 : i32
      %cond3A_345 = arith.cmpi ne, %convert_element_type3A_343, %cond3A_344 : i32
      scf.if %cond3A_345 {
        %dma_start3A_467 = arith.constant 2 : i32
        %dma_start3A_468 = arith.constant 0 : i32
        %dma_start3A_469 = arith.constant 0 : i32
        %dma_start3A_470 = tpu.memref_slice %arg8[%dma_start3A_467, %dma_start3A_468, %dma_start3A_469] : memref<4x104x128xf32, #tpu.memory_space<vmem>> -> memref<1x96x128xf32, #tpu.memory_space<vmem>>
        %dma_start3A_471 = tpu.memref_squeeze %dma_start3A_470 : memref<1x96x128xf32, #tpu.memory_space<vmem>> -> memref<96x128xf32, #tpu.memory_space<vmem>>
        %dma_start3A_472 = arith.constant 0 : i32
        %dma_start3A_473 = arith.constant 0 : i32
        %dma_start3A_474 = tpu.memref_slice %arg6[%dma_start3A_472, %dma_start3A_473] : memref<200x128xf32, #tpu.memory_space<vmem_shared>> -> memref<96x128xf32, #tpu.memory_space<vmem_shared>>
        %dma_start3A_475 = arith.constant 0 : i32
        %dma_start3A_476 = arith.constant 0 : i32
        %dma_start3A_477 = tpu.memref_slice %arg8[%dma_start3A_467, %dma_start3A_475, %dma_start3A_476] : memref<4x104x128xf32, #tpu.memory_space<vmem>> -> memref<1x96x128xf32, #tpu.memory_space<vmem>>
        %dma_start3A_478 = tpu.memref_squeeze %dma_start3A_477 : memref<1x96x128xf32, #tpu.memory_space<vmem>> -> memref<96x128xf32, #tpu.memory_space<vmem>>
        %dma_start3A_479 = arith.constant 0 : i32
        %dma_start3A_480 = arith.constant 0 : i32
        %dma_start3A_481 = tpu.memref_slice %arg6[%dma_start3A_479, %dma_start3A_480] : memref<200x128xf32, #tpu.memory_space<vmem_shared>> -> memref<96x128xf32, #tpu.memory_space<vmem_shared>>
        tpu.enqueue_dma source(%dma_start3A_481 : memref<96x128xf32, #tpu.memory_space<vmem_shared>>) target(%dma_start3A_478 : memref<96x128xf32, #tpu.memory_space<vmem>>) target_semaphore(%arg12 : memref<!tpu.dma_semaphore, #tpu.memory_space<semaphore_mem>>)
      } else {
      }
      %jit3A_346 = arith.constant 2 : i32
      %div3A_347 = arith.divsi %add3A_310, %jit3A_346 : i32
      %sign3A_348 = arith.constant 0 : i32
      %sign3A_349 = arith.cmpi sgt, %add3A_310, %sign3A_348 : i32
      %sign3A_350 = arith.extui %sign3A_349 : i1 to i32
      %sign3A_351 = arith.constant 0 : i32
      %sign3A_352 = arith.cmpi slt, %add3A_310, %sign3A_351 : i32
      %sign3A_353 = arith.extui %sign3A_352 : i1 to i32
      %sign3A_354 = arith.subi %sign3A_350, %sign3A_353 : i32
      %sign3A_355 = arith.constant 0 : i32
      %sign3A_356 = arith.cmpi sgt, %jit3A_346, %sign3A_355 : i32
      %sign3A_357 = arith.extui %sign3A_356 : i1 to i32
      %sign3A_358 = arith.constant 0 : i32
      %sign3A_359 = arith.cmpi slt, %jit3A_346, %sign3A_358 : i32
      %sign3A_360 = arith.extui %sign3A_359 : i1 to i32
      %sign3A_361 = arith.subi %sign3A_357, %sign3A_360 : i32
      %ne3A_362 = arith.cmpi ne, %sign3A_354, %sign3A_361 : i32
      %rem3A_363 = arith.remsi %add3A_310, %jit3A_346 : i32
      %ne3A_364 = arith.constant 0 : i32
      %ne3A_365 = arith.cmpi ne, %rem3A_363, %ne3A_364 : i32
      %and3A_366 = arith.andi %ne3A_362, %ne3A_365 : i1
      %sub3A_367 = arith.constant 1 : i32
      %sub3A_368 = arith.subi %div3A_347, %sub3A_367 : i32
      %select_n3A_369 = arith.select %and3A_366, %sub3A_368, %div3A_347 : i32
      %add3A_370 = arith.addi %mul3A_2, %select_n3A_369 : i32
      %dma_start3A_371 = arith.constant 0 : i32
      %dma_start3A_372 = arith.constant 0 : i32
      %dma_start3A_373 = arith.constant 0 : i32
      %dma_start3A_374 = tpu.memref_slice %arg9[%dma_start3A_371, %dma_start3A_372, %dma_start3A_373] : memref<2x104x64xf32, #tpu.memory_space<vmem>> -> memref<1x96x64xf32, #tpu.memory_space<vmem>>
      %dma_start3A_375 = tpu.memref_squeeze %dma_start3A_374 : memref<1x96x64xf32, #tpu.memory_space<vmem>> -> memref<96x64xf32, #tpu.memory_space<vmem>>
      %dma_start3A_376 = arith.constant 0 : i32
      %dma_start3A_377 = arith.constant 0 : i32
      %dma_start3A_378 = tpu.memref_slice %arg5[%add3A_370, %dma_start3A_376, %dma_start3A_377] : memref<4096x200x64xf32, #tpu.memory_space<hbm>> -> memref<1x96x64xf32, #tpu.memory_space<hbm>>
      %dma_start3A_379 = tpu.memref_squeeze %dma_start3A_378 : memref<1x96x64xf32, #tpu.memory_space<hbm>> -> memref<96x64xf32, #tpu.memory_space<hbm>>
      %dma_start3A_380 = arith.constant 0 : i32
      %dma_start3A_381 = arith.constant 0 : i32
      %dma_start3A_382 = tpu.memref_slice %arg5[%add3A_370, %dma_start3A_380, %dma_start3A_381] : memref<4096x200x64xf32, #tpu.memory_space<hbm>> -> memref<1x96x64xf32, #tpu.memory_space<hbm>>
      %dma_start3A_383 = tpu.memref_squeeze %dma_start3A_382 : memref<1x96x64xf32, #tpu.memory_space<hbm>> -> memref<96x64xf32, #tpu.memory_space<hbm>>
      %dma_start3A_384 = arith.constant 0 : i32
      %dma_start3A_385 = arith.constant 0 : i32
      %dma_start3A_386 = tpu.memref_slice %arg9[%dma_start3A_371, %dma_start3A_384, %dma_start3A_385] : memref<2x104x64xf32, #tpu.memory_space<vmem>> -> memref<1x96x64xf32, #tpu.memory_space<vmem>>
      %dma_start3A_387 = tpu.memref_squeeze %dma_start3A_386 : memref<1x96x64xf32, #tpu.memory_space<vmem>> -> memref<96x64xf32, #tpu.memory_space<vmem>>
      tpu.enqueue_dma source(%dma_start3A_387 : memref<96x64xf32, #tpu.memory_space<vmem>>) target(%dma_start3A_383 : memref<96x64xf32, #tpu.memory_space<hbm>>) target_semaphore(%arg18 : memref<!tpu.dma_semaphore, #tpu.memory_space<semaphore_mem>>)
      %add3A_388 = arith.constant 3 : i32
      %add3A_389 = arith.addi %mul3A_160, %add3A_388 : i32
      %add3A_390 = arith.constant 2 : i32
      %add3A_391 = arith.addi %add3A_389, %add3A_390 : i32
      %lt3A_392 = arith.constant 256 : i32
      %lt3A_393 = arith.cmpi slt, %add3A_391, %lt3A_392 : i32
      %convert_element_type3A_394 = arith.extui %lt3A_393 : i1 to i32
      %cond3A_395 = arith.constant 0 : i32
      %cond3A_396 = arith.cmpi ne, %convert_element_type3A_394, %cond3A_395 : i32
      scf.if %cond3A_396 {
        %dma_wait3A_467 = arith.constant 1 : i32
        %dma_wait3A_468 = arith.constant 0 : i32
        %dma_wait3A_469 = arith.constant 0 : i32
        %dma_wait3A_470 = tpu.memref_slice %arg8[%dma_wait3A_467, %dma_wait3A_468, %dma_wait3A_469] : memref<4x104x128xf32, #tpu.memory_space<vmem>> -> memref<1x104x128xf32, #tpu.memory_space<vmem>>
        %dma_wait3A_471 = tpu.memref_squeeze %dma_wait3A_470 : memref<1x104x128xf32, #tpu.memory_space<vmem>> -> memref<104x128xf32, #tpu.memory_space<vmem>>
        %dma_wait3A_472 = arith.constant 96 : i32
        %dma_wait3A_473 = arith.constant 0 : i32
        %dma_wait3A_474 = tpu.memref_slice %arg6[%dma_wait3A_472, %dma_wait3A_473] : memref<200x128xf32, #tpu.memory_space<vmem_shared>> -> memref<104x128xf32, #tpu.memory_space<vmem_shared>>
        %dma_wait3A_475 = arith.constant 0 : i32
        %dma_wait3A_476 = arith.constant 0 : i32
        %dma_wait3A_477 = tpu.memref_slice %arg8[%dma_wait3A_467, %dma_wait3A_475, %dma_wait3A_476] : memref<4x104x128xf32, #tpu.memory_space<vmem>> -> memref<1x104x128xf32, #tpu.memory_space<vmem>>
        %dma_wait3A_478 = tpu.memref_squeeze %dma_wait3A_477 : memref<1x104x128xf32, #tpu.memory_space<vmem>> -> memref<104x128xf32, #tpu.memory_space<vmem>>
        %dma_wait3A_479 = arith.constant 96 : i32
        %dma_wait3A_480 = arith.constant 0 : i32
        %dma_wait3A_481 = tpu.memref_slice %arg6[%dma_wait3A_479, %dma_wait3A_480] : memref<200x128xf32, #tpu.memory_space<vmem_shared>> -> memref<104x128xf32, #tpu.memory_space<vmem_shared>>
        tpu.wait_dma2 semaphore(%arg11 : memref<!tpu.dma_semaphore, #tpu.memory_space<semaphore_mem>>) src(%dma_wait3A_481 : memref<104x128xf32, #tpu.memory_space<vmem_shared>>) dst(%dma_wait3A_478 : memref<104x128xf32, #tpu.memory_space<vmem>>)
        %add3A_482 = arith.constant 2 : i32
        %add3A_483 = arith.addi %add3A_389, %add3A_482 : i32
        %jit3A_484 = arith.constant 2 : i32
        %div3A_485 = arith.divsi %add3A_483, %jit3A_484 : i32
        %sign3A_486 = arith.constant 0 : i32
        %sign3A_487 = arith.cmpi sgt, %add3A_483, %sign3A_486 : i32
        %sign3A_488 = arith.extui %sign3A_487 : i1 to i32
        %sign3A_489 = arith.constant 0 : i32
        %sign3A_490 = arith.cmpi slt, %add3A_483, %sign3A_489 : i32
        %sign3A_491 = arith.extui %sign3A_490 : i1 to i32
        %sign3A_492 = arith.subi %sign3A_488, %sign3A_491 : i32
        %sign3A_493 = arith.constant 0 : i32
        %sign3A_494 = arith.cmpi sgt, %jit3A_484, %sign3A_493 : i32
        %sign3A_495 = arith.extui %sign3A_494 : i1 to i32
        %sign3A_496 = arith.constant 0 : i32
        %sign3A_497 = arith.cmpi slt, %jit3A_484, %sign3A_496 : i32
        %sign3A_498 = arith.extui %sign3A_497 : i1 to i32
        %sign3A_499 = arith.subi %sign3A_495, %sign3A_498 : i32
        %ne3A_500 = arith.cmpi ne, %sign3A_492, %sign3A_499 : i32
        %rem3A_501 = arith.remsi %add3A_483, %jit3A_484 : i32
        %ne3A_502 = arith.constant 0 : i32
        %ne3A_503 = arith.cmpi ne, %rem3A_501, %ne3A_502 : i32
        %and3A_504 = arith.andi %ne3A_500, %ne3A_503 : i1
        %sub3A_505 = arith.constant 1 : i32
        %sub3A_506 = arith.subi %div3A_485, %sub3A_505 : i32
        %select_n3A_507 = arith.select %and3A_504, %sub3A_506, %div3A_485 : i32
        %mul3A_508 = arith.constant 200 : i32
        %mul3A_509 = arith.muli %select_n3A_507, %mul3A_508 : i32
        %add3A_510 = arith.constant 96 : i32
        %add3A_511 = arith.addi %mul3A_509, %add3A_510 : i32
        %dma_start3A_512 = arith.constant 1 : i32
        %dma_start3A_513 = arith.constant 0 : i32
        %dma_start3A_514 = arith.constant 0 : i32
        %dma_start3A_515 = tpu.memref_slice %arg8[%dma_start3A_512, %dma_start3A_513, %dma_start3A_514] : memref<4x104x128xf32, #tpu.memory_space<vmem>> -> memref<1x104x128xf32, #tpu.memory_space<vmem>>
        %dma_start3A_516 = tpu.memref_squeeze %dma_start3A_515 : memref<1x104x128xf32, #tpu.memory_space<vmem>> -> memref<104x128xf32, #tpu.memory_space<vmem>>
        %dma_start3A_517 = tpu.memref_slice %arg7[%add3A_511] : memref<25600xi32, #tpu.memory_space<vmem>> -> memref<104xi32, #tpu.memory_space<vmem>>
        %dma_start3A_518 = arith.constant 0 : i32
        %dma_start3A_519 = arith.constant 0 : i32
        %dma_start3A_520 = tpu.memref_slice %arg3[%dma_start3A_518, %dma_start3A_519] : memref<100000x128xf32, #tpu.memory_space<hbm>> -> memref<100000x128xf32, #tpu.memory_space<hbm>>
        tpu.enqueue_indirect_dma source(%dma_start3A_520 : memref<100000x128xf32, #tpu.memory_space<hbm>>) target(%dma_start3A_516 : memref<104x128xf32, #tpu.memory_space<vmem>>) offsets(%dma_start3A_517 : memref<104xi32, #tpu.memory_space<vmem>>) semaphore(%arg15 : memref<!tpu.dma_semaphore, #tpu.memory_space<semaphore_mem>>) {add = true}
      } else {
      }
      %dma_wait3A_397 = arith.constant 3 : i32
      %dma_wait3A_398 = arith.constant 0 : i32
      %dma_wait3A_399 = arith.constant 0 : i32
      %dma_wait3A_400 = tpu.memref_slice %arg8[%dma_wait3A_397, %dma_wait3A_398, %dma_wait3A_399] : memref<4x104x128xf32, #tpu.memory_space<vmem>> -> memref<1x104x128xf32, #tpu.memory_space<vmem>>
      %dma_wait3A_401 = tpu.memref_squeeze %dma_wait3A_400 : memref<1x104x128xf32, #tpu.memory_space<vmem>> -> memref<104x128xf32, #tpu.memory_space<vmem>>
      %dma_wait3A_402 = arith.constant 0 : i32
      %dma_wait3A_403 = tpu.memref_slice %arg7[%dma_wait3A_402] : memref<25600xi32, #tpu.memory_space<vmem>> -> memref<104xi32, #tpu.memory_space<vmem>>
      %dma_wait3A_404 = arith.constant 0 : i32
      %dma_wait3A_405 = arith.constant 0 : i32
      %dma_wait3A_406 = tpu.memref_slice %arg3[%dma_wait3A_404, %dma_wait3A_405] : memref<100000x128xf32, #tpu.memory_space<hbm>> -> memref<100000x128xf32, #tpu.memory_space<hbm>>
      tpu.wait_indirect_dma semaphore(%arg17 : memref<!tpu.dma_semaphore, #tpu.memory_space<semaphore_mem>>) src(%dma_wait3A_406 : memref<100000x128xf32, #tpu.memory_space<hbm>>) dst(%dma_wait3A_401 : memref<104x128xf32, #tpu.memory_space<vmem>>)
      %ge3A_407 = arith.constant 2 : i32
      %ge3A_408 = arith.cmpi sge, %add3A_389, %ge3A_407 : i32
      %convert_element_type3A_409 = arith.extui %ge3A_408 : i1 to i32
      %cond3A_410 = arith.constant 0 : i32
      %cond3A_411 = arith.cmpi ne, %convert_element_type3A_409, %cond3A_410 : i32
      scf.if %cond3A_411 {
        %sub3A_467 = arith.constant 2 : i32
        %sub3A_468 = arith.subi %add3A_389, %sub3A_467 : i32
        %jit3A_469 = arith.constant 2 : i32
        %div3A_470 = arith.divsi %sub3A_468, %jit3A_469 : i32
        %sign3A_471 = arith.constant 0 : i32
        %sign3A_472 = arith.cmpi sgt, %sub3A_468, %sign3A_471 : i32
        %sign3A_473 = arith.extui %sign3A_472 : i1 to i32
        %sign3A_474 = arith.constant 0 : i32
        %sign3A_475 = arith.cmpi slt, %sub3A_468, %sign3A_474 : i32
        %sign3A_476 = arith.extui %sign3A_475 : i1 to i32
        %sign3A_477 = arith.subi %sign3A_473, %sign3A_476 : i32
        %sign3A_478 = arith.constant 0 : i32
        %sign3A_479 = arith.cmpi sgt, %jit3A_469, %sign3A_478 : i32
        %sign3A_480 = arith.extui %sign3A_479 : i1 to i32
        %sign3A_481 = arith.constant 0 : i32
        %sign3A_482 = arith.cmpi slt, %jit3A_469, %sign3A_481 : i32
        %sign3A_483 = arith.extui %sign3A_482 : i1 to i32
        %sign3A_484 = arith.subi %sign3A_480, %sign3A_483 : i32
        %ne3A_485 = arith.cmpi ne, %sign3A_477, %sign3A_484 : i32
        %rem3A_486 = arith.remsi %sub3A_468, %jit3A_469 : i32
        %ne3A_487 = arith.constant 0 : i32
        %ne3A_488 = arith.cmpi ne, %rem3A_486, %ne3A_487 : i32
        %and3A_489 = arith.andi %ne3A_485, %ne3A_488 : i1
        %sub3A_490 = arith.constant 1 : i32
        %sub3A_491 = arith.subi %div3A_470, %sub3A_490 : i32
        %select_n3A_492 = arith.select %and3A_489, %sub3A_491, %div3A_470 : i32
        %add3A_493 = arith.addi %mul3A_2, %select_n3A_492 : i32
        %dma_wait3A_494 = arith.constant 1 : i32
        %dma_wait3A_495 = arith.constant 0 : i32
        %dma_wait3A_496 = arith.constant 0 : i32
        %dma_wait3A_497 = tpu.memref_slice %arg9[%dma_wait3A_494, %dma_wait3A_495, %dma_wait3A_496] : memref<2x104x64xf32, #tpu.memory_space<vmem>> -> memref<1x104x64xf32, #tpu.memory_space<vmem>>
        %dma_wait3A_498 = tpu.memref_squeeze %dma_wait3A_497 : memref<1x104x64xf32, #tpu.memory_space<vmem>> -> memref<104x64xf32, #tpu.memory_space<vmem>>
        %dma_wait3A_499 = arith.constant 96 : i32
        %dma_wait3A_500 = arith.constant 0 : i32
        %dma_wait3A_501 = tpu.memref_slice %arg5[%add3A_493, %dma_wait3A_499, %dma_wait3A_500] : memref<4096x200x64xf32, #tpu.memory_space<hbm>> -> memref<1x104x64xf32, #tpu.memory_space<hbm>>
        %dma_wait3A_502 = tpu.memref_squeeze %dma_wait3A_501 : memref<1x104x64xf32, #tpu.memory_space<hbm>> -> memref<104x64xf32, #tpu.memory_space<hbm>>
        %dma_wait3A_503 = arith.constant 96 : i32
        %dma_wait3A_504 = arith.constant 0 : i32
        %dma_wait3A_505 = tpu.memref_slice %arg5[%add3A_493, %dma_wait3A_503, %dma_wait3A_504] : memref<4096x200x64xf32, #tpu.memory_space<hbm>> -> memref<1x104x64xf32, #tpu.memory_space<hbm>>
        %dma_wait3A_506 = tpu.memref_squeeze %dma_wait3A_505 : memref<1x104x64xf32, #tpu.memory_space<hbm>> -> memref<104x64xf32, #tpu.memory_space<hbm>>
        %dma_wait3A_507 = arith.constant 0 : i32
        %dma_wait3A_508 = arith.constant 0 : i32
        %dma_wait3A_509 = tpu.memref_slice %arg9[%dma_wait3A_494, %dma_wait3A_507, %dma_wait3A_508] : memref<2x104x64xf32, #tpu.memory_space<vmem>> -> memref<1x104x64xf32, #tpu.memory_space<vmem>>
        %dma_wait3A_510 = tpu.memref_squeeze %dma_wait3A_509 : memref<1x104x64xf32, #tpu.memory_space<vmem>> -> memref<104x64xf32, #tpu.memory_space<vmem>>
        tpu.wait_dma2 semaphore(%arg19 : memref<!tpu.dma_semaphore, #tpu.memory_space<semaphore_mem>>) src(%dma_wait3A_510 : memref<104x64xf32, #tpu.memory_space<vmem>>) dst(%dma_wait3A_506 : memref<104x64xf32, #tpu.memory_space<hbm>>)
      } else {
      }
      %scan3A_412 = arith.constant 0 : i32
      %scan3A_413 = arith.constant 0 : i32
      %scan3A_414 = arith.constant 13 : i32
      %scan3A_415 = arith.addi %scan3A_413, %scan3A_414 : i32
      %scan3A_416 = arith.constant 1 : i32
      scf.for %scan3A_467 = %scan3A_413 to %scan3A_415 step %scan3A_416  : i32 {
        %mul3A_468 = arith.constant 8 : i32
        %mul3A_469 = arith.muli %scan3A_467, %mul3A_468 : i32
        %add3A_470 = arith.constant 0 : i32
        %add3A_471 = arith.addi %mul3A_469, %add3A_470 : i32
        %get3A = arith.constant 3 : i32
        %get3A_472 = arith.index_cast %get3A : i32 to index
        %get3A_473 = arith.index_cast %add3A_471 : i32 to index
        %get3A_474 = arith.constant 0 : index
        %get3A_475 = tpu.vector_load %arg8[%get3A_472, %get3A_473, %get3A_474] {strides = array<i32>} : memref<4x104x128xf32, #tpu.memory_space<vmem>>, vector<1x1x16xf32>,
        %get3A_476 = vector.shape_cast %get3A_475 : vector<1x1x16xf32> to vector<16xf32>
        %mul3A_477 = arith.constant 8 : i32
        %mul3A_478 = arith.muli %scan3A_467, %mul3A_477 : i32
        %add3A_479 = arith.constant 0 : i32
        %add3A_480 = arith.addi %mul3A_478, %add3A_479 : i32
        %swap3A = arith.constant 1 : i32
        %swap3A_481 = arith.index_cast %swap3A : i32 to index
        %swap3A_482 = arith.index_cast %add3A_480 : i32 to index
        %swap3A_483 = arith.constant 0 : index
        %swap3A_484 = tpu.vector_load %arg9[%swap3A_481, %swap3A_482, %swap3A_483] {strides = array<i32>} : memref<2x104x64xf32, #tpu.memory_space<vmem>>, vector<1x1x16xf32>,
        %swap3A_485 = vector.shape_cast %swap3A_484 : vector<1x1x16xf32> to vector<16xf32>
        %swap3A_486 = vector.shape_cast %get3A_476 : vector<16xf32> to vector<1x1x16xf32>
        tpu.vector_store %arg9[%swap3A_481, %swap3A_482, %swap3A_483], %swap3A_486 {strides = array<i32>} : memref<2x104x64xf32, #tpu.memory_space<vmem>>, vector<1x1x16xf32>,
        %mul3A_487 = arith.constant 8 : i32
        %mul3A_488 = arith.muli %scan3A_467, %mul3A_487 : i32
        %add3A_489 = arith.constant 0 : i32
        %add3A_490 = arith.addi %mul3A_488, %add3A_489 : i32
        %get3A_491 = arith.constant 3 : i32
        %get3A_492 = arith.index_cast %get3A_491 : i32 to index
        %get3A_493 = arith.index_cast %add3A_490 : i32 to index
        %get3A_494 = arith.constant 16 : index
        %get3A_495 = tpu.vector_load %arg8[%get3A_492, %get3A_493, %get3A_494] {strides = array<i32>} : memref<4x104x128xf32, #tpu.memory_space<vmem>>, vector<1x1x16xf32>,
        %get3A_496 = vector.shape_cast %get3A_495 : vector<1x1x16xf32> to vector<16xf32>
        %mul3A_497 = arith.constant 8 : i32
        %mul3A_498 = arith.muli %scan3A_467, %mul3A_497 : i32
        %add3A_499 = arith.constant 0 : i32
        %add3A_500 = arith.addi %mul3A_498, %add3A_499 : i32
        %swap3A_501 = arith.constant 1 : i32
        %swap3A_502 = arith.index_cast %swap3A_501 : i32 to index
        %swap3A_503 = arith.index_cast %add3A_500 : i32 to index
        %swap3A_504 = arith.constant 16 : index
        %swap3A_505 = tpu.vector_load %arg9[%swap3A_502, %swap3A_503, %swap3A_504] {strides = array<i32>} : memref<2x104x64xf32, #tpu.memory_space<vmem>>, vector<1x1x16xf32>,
        %swap3A_506 = vector.shape_cast %swap3A_505 : vector<1x1x16xf32> to vector<16xf32>
        %swap3A_507 = vector.shape_cast %get3A_496 : vector<16xf32> to vector<1x1x16xf32>
        tpu.vector_store %arg9[%swap3A_502, %swap3A_503, %swap3A_504], %swap3A_507 {strides = array<i32>} : memref<2x104x64xf32, #tpu.memory_space<vmem>>, vector<1x1x16xf32>,
        %mul3A_508 = arith.constant 8 : i32
        %mul3A_509 = arith.muli %scan3A_467, %mul3A_508 : i32
        %add3A_510 = arith.constant 0 : i32
        %add3A_511 = arith.addi %mul3A_509, %add3A_510 : i32
        %get3A_512 = arith.constant 3 : i32
        %get3A_513 = arith.index_cast %get3A_512 : i32 to index
        %get3A_514 = arith.index_cast %add3A_511 : i32 to index
        %get3A_515 = arith.constant 32 : index
        %get3A_516 = tpu.vector_load %arg8[%get3A_513, %get3A_514, %get3A_515] {strides = array<i32>} : memref<4x104x128xf32, #tpu.memory_space<vmem>>, vector<1x1x16xf32>,
        %get3A_517 = vector.shape_cast %get3A_516 : vector<1x1x16xf32> to vector<16xf32>
        %mul3A_518 = arith.constant 8 : i32
        %mul3A_519 = arith.muli %scan3A_467, %mul3A_518 : i32
        %add3A_520 = arith.constant 0 : i32
        %add3A_521 = arith.addi %mul3A_519, %add3A_520 : i32
        %swap3A_522 = arith.constant 1 : i32
        %swap3A_523 = arith.index_cast %swap3A_522 : i32 to index
        %swap3A_524 = arith.index_cast %add3A_521 : i32 to index
        %swap3A_525 = arith.constant 32 : index
        %swap3A_526 = tpu.vector_load %arg9[%swap3A_523, %swap3A_524, %swap3A_525] {strides = array<i32>} : memref<2x104x64xf32, #tpu.memory_space<vmem>>, vector<1x1x16xf32>,
        %swap3A_527 = vector.shape_cast %swap3A_526 : vector<1x1x16xf32> to vector<16xf32>
        %swap3A_528 = vector.shape_cast %get3A_517 : vector<16xf32> to vector<1x1x16xf32>
        tpu.vector_store %arg9[%swap3A_523, %swap3A_524, %swap3A_525], %swap3A_528 {strides = array<i32>} : memref<2x104x64xf32, #tpu.memory_space<vmem>>, vector<1x1x16xf32>,
        %mul3A_529 = arith.constant 8 : i32
        %mul3A_530 = arith.muli %scan3A_467, %mul3A_529 : i32
        %add3A_531 = arith.constant 0 : i32
        %add3A_532 = arith.addi %mul3A_530, %add3A_531 : i32
        %get3A_533 = arith.constant 3 : i32
        %get3A_534 = arith.index_cast %get3A_533 : i32 to index
        %get3A_535 = arith.index_cast %add3A_532 : i32 to index
        %get3A_536 = arith.constant 48 : index
        %get3A_537 = tpu.vector_load %arg8[%get3A_534, %get3A_535, %get3A_536] {strides = array<i32>} : memref<4x104x128xf32, #tpu.memory_space<vmem>>, vector<1x1x16xf32>,
        %get3A_538 = vector.shape_cast %get3A_537 : vector<1x1x16xf32> to vector<16xf32>
        %mul3A_539 = arith.constant 8 : i32
        %mul3A_540 = arith.muli %scan3A_467, %mul3A_539 : i32
        %add3A_541 = arith.constant 0 : i32
        %add3A_542 = arith.addi %mul3A_540, %add3A_541 : i32
        %swap3A_543 = arith.constant 1 : i32
        %swap3A_544 = arith.index_cast %swap3A_543 : i32 to index
        %swap3A_545 = arith.index_cast %add3A_542 : i32 to index
        %swap3A_546 = arith.constant 48 : index
        %swap3A_547 = tpu.vector_load %arg9[%swap3A_544, %swap3A_545, %swap3A_546] {strides = array<i32>} : memref<2x104x64xf32, #tpu.memory_space<vmem>>, vector<1x1x16xf32>,
        %swap3A_548 = vector.shape_cast %swap3A_547 : vector<1x1x16xf32> to vector<16xf32>
        %swap3A_549 = vector.shape_cast %get3A_538 : vector<16xf32> to vector<1x1x16xf32>
        tpu.vector_store %arg9[%swap3A_544, %swap3A_545, %swap3A_546], %swap3A_549 {strides = array<i32>} : memref<2x104x64xf32, #tpu.memory_space<vmem>>, vector<1x1x16xf32>,
        %mul3A_550 = arith.constant 8 : i32
        %mul3A_551 = arith.muli %scan3A_467, %mul3A_550 : i32
        %add3A_552 = arith.constant 1 : i32
        %add3A_553 = arith.addi %mul3A_551, %add3A_552 : i32
        %get3A_554 = arith.constant 3 : i32
        %get3A_555 = arith.index_cast %get3A_554 : i32 to index
        %get3A_556 = arith.index_cast %add3A_553 : i32 to index
        %get3A_557 = arith.constant 0 : index
        %get3A_558 = tpu.vector_load %arg8[%get3A_555, %get3A_556, %get3A_557] {strides = array<i32>} : memref<4x104x128xf32, #tpu.memory_space<vmem>>, vector<1x1x16xf32>,
        %get3A_559 = vector.shape_cast %get3A_558 : vector<1x1x16xf32> to vector<16xf32>
        %mul3A_560 = arith.constant 8 : i32
        %mul3A_561 = arith.muli %scan3A_467, %mul3A_560 : i32
        %add3A_562 = arith.constant 1 : i32
        %add3A_563 = arith.addi %mul3A_561, %add3A_562 : i32
        %swap3A_564 = arith.constant 1 : i32
        %swap3A_565 = arith.index_cast %swap3A_564 : i32 to index
        %swap3A_566 = arith.index_cast %add3A_563 : i32 to index
        %swap3A_567 = arith.constant 0 : index
        %swap3A_568 = tpu.vector_load %arg9[%swap3A_565, %swap3A_566, %swap3A_567] {strides = array<i32>} : memref<2x104x64xf32, #tpu.memory_space<vmem>>, vector<1x1x16xf32>,
        %swap3A_569 = vector.shape_cast %swap3A_568 : vector<1x1x16xf32> to vector<16xf32>
        %swap3A_570 = vector.shape_cast %get3A_559 : vector<16xf32> to vector<1x1x16xf32>
        tpu.vector_store %arg9[%swap3A_565, %swap3A_566, %swap3A_567], %swap3A_570 {strides = array<i32>} : memref<2x104x64xf32, #tpu.memory_space<vmem>>, vector<1x1x16xf32>,
        %mul3A_571 = arith.constant 8 : i32
        %mul3A_572 = arith.muli %scan3A_467, %mul3A_571 : i32
        %add3A_573 = arith.constant 1 : i32
        %add3A_574 = arith.addi %mul3A_572, %add3A_573 : i32
        %get3A_575 = arith.constant 3 : i32
        %get3A_576 = arith.index_cast %get3A_575 : i32 to index
        %get3A_577 = arith.index_cast %add3A_574 : i32 to index
        %get3A_578 = arith.constant 16 : index
        %get3A_579 = tpu.vector_load %arg8[%get3A_576, %get3A_577, %get3A_578] {strides = array<i32>} : memref<4x104x128xf32, #tpu.memory_space<vmem>>, vector<1x1x16xf32>,
        %get3A_580 = vector.shape_cast %get3A_579 : vector<1x1x16xf32> to vector<16xf32>
        %mul3A_581 = arith.constant 8 : i32
        %mul3A_582 = arith.muli %scan3A_467, %mul3A_581 : i32
        %add3A_583 = arith.constant 1 : i32
        %add3A_584 = arith.addi %mul3A_582, %add3A_583 : i32
        %swap3A_585 = arith.constant 1 : i32
        %swap3A_586 = arith.index_cast %swap3A_585 : i32 to index
        %swap3A_587 = arith.index_cast %add3A_584 : i32 to index
        %swap3A_588 = arith.constant 16 : index
        %swap3A_589 = tpu.vector_load %arg9[%swap3A_586, %swap3A_587, %swap3A_588] {strides = array<i32>} : memref<2x104x64xf32, #tpu.memory_space<vmem>>, vector<1x1x16xf32>,
        %swap3A_590 = vector.shape_cast %swap3A_589 : vector<1x1x16xf32> to vector<16xf32>
        %swap3A_591 = vector.shape_cast %get3A_580 : vector<16xf32> to vector<1x1x16xf32>
        tpu.vector_store %arg9[%swap3A_586, %swap3A_587, %swap3A_588], %swap3A_591 {strides = array<i32>} : memref<2x104x64xf32, #tpu.memory_space<vmem>>, vector<1x1x16xf32>,
        %mul3A_592 = arith.constant 8 : i32
        %mul3A_593 = arith.muli %scan3A_467, %mul3A_592 : i32
        %add3A_594 = arith.constant 1 : i32
        %add3A_595 = arith.addi %mul3A_593, %add3A_594 : i32
        %get3A_596 = arith.constant 3 : i32
        %get3A_597 = arith.index_cast %get3A_596 : i32 to index
        %get3A_598 = arith.index_cast %add3A_595 : i32 to index
        %get3A_599 = arith.constant 32 : index
        %get3A_600 = tpu.vector_load %arg8[%get3A_597, %get3A_598, %get3A_599] {strides = array<i32>} : memref<4x104x128xf32, #tpu.memory_space<vmem>>, vector<1x1x16xf32>,
        %get3A_601 = vector.shape_cast %get3A_600 : vector<1x1x16xf32> to vector<16xf32>
        %mul3A_602 = arith.constant 8 : i32
        %mul3A_603 = arith.muli %scan3A_467, %mul3A_602 : i32
        %add3A_604 = arith.constant 1 : i32
        %add3A_605 = arith.addi %mul3A_603, %add3A_604 : i32
        %swap3A_606 = arith.constant 1 : i32
        %swap3A_607 = arith.index_cast %swap3A_606 : i32 to index
        %swap3A_608 = arith.index_cast %add3A_605 : i32 to index
        %swap3A_609 = arith.constant 32 : index
        %swap3A_610 = tpu.vector_load %arg9[%swap3A_607, %swap3A_608, %swap3A_609] {strides = array<i32>} : memref<2x104x64xf32, #tpu.memory_space<vmem>>, vector<1x1x16xf32>,
        %swap3A_611 = vector.shape_cast %swap3A_610 : vector<1x1x16xf32> to vector<16xf32>
        %swap3A_612 = vector.shape_cast %get3A_601 : vector<16xf32> to vector<1x1x16xf32>
        tpu.vector_store %arg9[%swap3A_607, %swap3A_608, %swap3A_609], %swap3A_612 {strides = array<i32>} : memref<2x104x64xf32, #tpu.memory_space<vmem>>, vector<1x1x16xf32>,
        %mul3A_613 = arith.constant 8 : i32
        %mul3A_614 = arith.muli %scan3A_467, %mul3A_613 : i32
        %add3A_615 = arith.constant 1 : i32
        %add3A_616 = arith.addi %mul3A_614, %add3A_615 : i32
        %get3A_617 = arith.constant 3 : i32
        %get3A_618 = arith.index_cast %get3A_617 : i32 to index
        %get3A_619 = arith.index_cast %add3A_616 : i32 to index
        %get3A_620 = arith.constant 48 : index
        %get3A_621 = tpu.vector_load %arg8[%get3A_618, %get3A_619, %get3A_620] {strides = array<i32>} : memref<4x104x128xf32, #tpu.memory_space<vmem>>, vector<1x1x16xf32>,
        %get3A_622 = vector.shape_cast %get3A_621 : vector<1x1x16xf32> to vector<16xf32>
        %mul3A_623 = arith.constant 8 : i32
        %mul3A_624 = arith.muli %scan3A_467, %mul3A_623 : i32
        %add3A_625 = arith.constant 1 : i32
        %add3A_626 = arith.addi %mul3A_624, %add3A_625 : i32
        %swap3A_627 = arith.constant 1 : i32
        %swap3A_628 = arith.index_cast %swap3A_627 : i32 to index
        %swap3A_629 = arith.index_cast %add3A_626 : i32 to index
        %swap3A_630 = arith.constant 48 : index
        %swap3A_631 = tpu.vector_load %arg9[%swap3A_628, %swap3A_629, %swap3A_630] {strides = array<i32>} : memref<2x104x64xf32, #tpu.memory_space<vmem>>, vector<1x1x16xf32>,
        %swap3A_632 = vector.shape_cast %swap3A_631 : vector<1x1x16xf32> to vector<16xf32>
        %swap3A_633 = vector.shape_cast %get3A_622 : vector<16xf32> to vector<1x1x16xf32>
        tpu.vector_store %arg9[%swap3A_628, %swap3A_629, %swap3A_630], %swap3A_633 {strides = array<i32>} : memref<2x104x64xf32, #tpu.memory_space<vmem>>, vector<1x1x16xf32>,
        %mul3A_634 = arith.constant 8 : i32
        %mul3A_635 = arith.muli %scan3A_467, %mul3A_634 : i32
        %add3A_636 = arith.constant 2 : i32
        %add3A_637 = arith.addi %mul3A_635, %add3A_636 : i32
        %get3A_638 = arith.constant 3 : i32
        %get3A_639 = arith.index_cast %get3A_638 : i32 to index
        %get3A_640 = arith.index_cast %add3A_637 : i32 to index
        %get3A_641 = arith.constant 0 : index
        %get3A_642 = tpu.vector_load %arg8[%get3A_639, %get3A_640, %get3A_641] {strides = array<i32>} : memref<4x104x128xf32, #tpu.memory_space<vmem>>, vector<1x1x16xf32>,
        %get3A_643 = vector.shape_cast %get3A_642 : vector<1x1x16xf32> to vector<16xf32>
        %mul3A_644 = arith.constant 8 : i32
        %mul3A_645 = arith.muli %scan3A_467, %mul3A_644 : i32
        %add3A_646 = arith.constant 2 : i32
        %add3A_647 = arith.addi %mul3A_645, %add3A_646 : i32
        %swap3A_648 = arith.constant 1 : i32
        %swap3A_649 = arith.index_cast %swap3A_648 : i32 to index
        %swap3A_650 = arith.index_cast %add3A_647 : i32 to index
        %swap3A_651 = arith.constant 0 : index
        %swap3A_652 = tpu.vector_load %arg9[%swap3A_649, %swap3A_650, %swap3A_651] {strides = array<i32>} : memref<2x104x64xf32, #tpu.memory_space<vmem>>, vector<1x1x16xf32>,
        %swap3A_653 = vector.shape_cast %swap3A_652 : vector<1x1x16xf32> to vector<16xf32>
        %swap3A_654 = vector.shape_cast %get3A_643 : vector<16xf32> to vector<1x1x16xf32>
        tpu.vector_store %arg9[%swap3A_649, %swap3A_650, %swap3A_651], %swap3A_654 {strides = array<i32>} : memref<2x104x64xf32, #tpu.memory_space<vmem>>, vector<1x1x16xf32>,
        %mul3A_655 = arith.constant 8 : i32
        %mul3A_656 = arith.muli %scan3A_467, %mul3A_655 : i32
        %add3A_657 = arith.constant 2 : i32
        %add3A_658 = arith.addi %mul3A_656, %add3A_657 : i32
        %get3A_659 = arith.constant 3 : i32
        %get3A_660 = arith.index_cast %get3A_659 : i32 to index
        %get3A_661 = arith.index_cast %add3A_658 : i32 to index
        %get3A_662 = arith.constant 16 : index
        %get3A_663 = tpu.vector_load %arg8[%get3A_660, %get3A_661, %get3A_662] {strides = array<i32>} : memref<4x104x128xf32, #tpu.memory_space<vmem>>, vector<1x1x16xf32>,
        %get3A_664 = vector.shape_cast %get3A_663 : vector<1x1x16xf32> to vector<16xf32>
        %mul3A_665 = arith.constant 8 : i32
        %mul3A_666 = arith.muli %scan3A_467, %mul3A_665 : i32
        %add3A_667 = arith.constant 2 : i32
        %add3A_668 = arith.addi %mul3A_666, %add3A_667 : i32
        %swap3A_669 = arith.constant 1 : i32
        %swap3A_670 = arith.index_cast %swap3A_669 : i32 to index
        %swap3A_671 = arith.index_cast %add3A_668 : i32 to index
        %swap3A_672 = arith.constant 16 : index
        %swap3A_673 = tpu.vector_load %arg9[%swap3A_670, %swap3A_671, %swap3A_672] {strides = array<i32>} : memref<2x104x64xf32, #tpu.memory_space<vmem>>, vector<1x1x16xf32>,
        %swap3A_674 = vector.shape_cast %swap3A_673 : vector<1x1x16xf32> to vector<16xf32>
        %swap3A_675 = vector.shape_cast %get3A_664 : vector<16xf32> to vector<1x1x16xf32>
        tpu.vector_store %arg9[%swap3A_670, %swap3A_671, %swap3A_672], %swap3A_675 {strides = array<i32>} : memref<2x104x64xf32, #tpu.memory_space<vmem>>, vector<1x1x16xf32>,
        %mul3A_676 = arith.constant 8 : i32
        %mul3A_677 = arith.muli %scan3A_467, %mul3A_676 : i32
        %add3A_678 = arith.constant 2 : i32
        %add3A_679 = arith.addi %mul3A_677, %add3A_678 : i32
        %get3A_680 = arith.constant 3 : i32
        %get3A_681 = arith.index_cast %get3A_680 : i32 to index
        %get3A_682 = arith.index_cast %add3A_679 : i32 to index
        %get3A_683 = arith.constant 32 : index
        %get3A_684 = tpu.vector_load %arg8[%get3A_681, %get3A_682, %get3A_683] {strides = array<i32>} : memref<4x104x128xf32, #tpu.memory_space<vmem>>, vector<1x1x16xf32>,
        %get3A_685 = vector.shape_cast %get3A_684 : vector<1x1x16xf32> to vector<16xf32>
        %mul3A_686 = arith.constant 8 : i32
        %mul3A_687 = arith.muli %scan3A_467, %mul3A_686 : i32
        %add3A_688 = arith.constant 2 : i32
        %add3A_689 = arith.addi %mul3A_687, %add3A_688 : i32
        %swap3A_690 = arith.constant 1 : i32
        %swap3A_691 = arith.index_cast %swap3A_690 : i32 to index
        %swap3A_692 = arith.index_cast %add3A_689 : i32 to index
        %swap3A_693 = arith.constant 32 : index
        %swap3A_694 = tpu.vector_load %arg9[%swap3A_691, %swap3A_692, %swap3A_693] {strides = array<i32>} : memref<2x104x64xf32, #tpu.memory_space<vmem>>, vector<1x1x16xf32>,
        %swap3A_695 = vector.shape_cast %swap3A_694 : vector<1x1x16xf32> to vector<16xf32>
        %swap3A_696 = vector.shape_cast %get3A_685 : vector<16xf32> to vector<1x1x16xf32>
        tpu.vector_store %arg9[%swap3A_691, %swap3A_692, %swap3A_693], %swap3A_696 {strides = array<i32>} : memref<2x104x64xf32, #tpu.memory_space<vmem>>, vector<1x1x16xf32>,
        %mul3A_697 = arith.constant 8 : i32
        %mul3A_698 = arith.muli %scan3A_467, %mul3A_697 : i32
        %add3A_699 = arith.constant 2 : i32
        %add3A_700 = arith.addi %mul3A_698, %add3A_699 : i32
        %get3A_701 = arith.constant 3 : i32
        %get3A_702 = arith.index_cast %get3A_701 : i32 to index
        %get3A_703 = arith.index_cast %add3A_700 : i32 to index
        %get3A_704 = arith.constant 48 : index
        %get3A_705 = tpu.vector_load %arg8[%get3A_702, %get3A_703, %get3A_704] {strides = array<i32>} : memref<4x104x128xf32, #tpu.memory_space<vmem>>, vector<1x1x16xf32>,
        %get3A_706 = vector.shape_cast %get3A_705 : vector<1x1x16xf32> to vector<16xf32>
        %mul3A_707 = arith.constant 8 : i32
        %mul3A_708 = arith.muli %scan3A_467, %mul3A_707 : i32
        %add3A_709 = arith.constant 2 : i32
        %add3A_710 = arith.addi %mul3A_708, %add3A_709 : i32
        %swap3A_711 = arith.constant 1 : i32
        %swap3A_712 = arith.index_cast %swap3A_711 : i32 to index
        %swap3A_713 = arith.index_cast %add3A_710 : i32 to index
        %swap3A_714 = arith.constant 48 : index
        %swap3A_715 = tpu.vector_load %arg9[%swap3A_712, %swap3A_713, %swap3A_714] {strides = array<i32>} : memref<2x104x64xf32, #tpu.memory_space<vmem>>, vector<1x1x16xf32>,
        %swap3A_716 = vector.shape_cast %swap3A_715 : vector<1x1x16xf32> to vector<16xf32>
        %swap3A_717 = vector.shape_cast %get3A_706 : vector<16xf32> to vector<1x1x16xf32>
        tpu.vector_store %arg9[%swap3A_712, %swap3A_713, %swap3A_714], %swap3A_717 {strides = array<i32>} : memref<2x104x64xf32, #tpu.memory_space<vmem>>, vector<1x1x16xf32>,
        %mul3A_718 = arith.constant 8 : i32
        %mul3A_719 = arith.muli %scan3A_467, %mul3A_718 : i32
        %add3A_720 = arith.constant 3 : i32
        %add3A_721 = arith.addi %mul3A_719, %add3A_720 : i32
        %get3A_722 = arith.constant 3 : i32
        %get3A_723 = arith.index_cast %get3A_722 : i32 to index
        %get3A_724 = arith.index_cast %add3A_721 : i32 to index
        %get3A_725 = arith.constant 0 : index
        %get3A_726 = tpu.vector_load %arg8[%get3A_723, %get3A_724, %get3A_725] {strides = array<i32>} : memref<4x104x128xf32, #tpu.memory_space<vmem>>, vector<1x1x16xf32>,
        %get3A_727 = vector.shape_cast %get3A_726 : vector<1x1x16xf32> to vector<16xf32>
        %mul3A_728 = arith.constant 8 : i32
        %mul3A_729 = arith.muli %scan3A_467, %mul3A_728 : i32
        %add3A_730 = arith.constant 3 : i32
        %add3A_731 = arith.addi %mul3A_729, %add3A_730 : i32
        %swap3A_732 = arith.constant 1 : i32
        %swap3A_733 = arith.index_cast %swap3A_732 : i32 to index
        %swap3A_734 = arith.index_cast %add3A_731 : i32 to index
        %swap3A_735 = arith.constant 0 : index
        %swap3A_736 = tpu.vector_load %arg9[%swap3A_733, %swap3A_734, %swap3A_735] {strides = array<i32>} : memref<2x104x64xf32, #tpu.memory_space<vmem>>, vector<1x1x16xf32>,
        %swap3A_737 = vector.shape_cast %swap3A_736 : vector<1x1x16xf32> to vector<16xf32>
        %swap3A_738 = vector.shape_cast %get3A_727 : vector<16xf32> to vector<1x1x16xf32>
        tpu.vector_store %arg9[%swap3A_733, %swap3A_734, %swap3A_735], %swap3A_738 {strides = array<i32>} : memref<2x104x64xf32, #tpu.memory_space<vmem>>, vector<1x1x16xf32>,
        %mul3A_739 = arith.constant 8 : i32
        %mul3A_740 = arith.muli %scan3A_467, %mul3A_739 : i32
        %add3A_741 = arith.constant 3 : i32
        %add3A_742 = arith.addi %mul3A_740, %add3A_741 : i32
        %get3A_743 = arith.constant 3 : i32
        %get3A_744 = arith.index_cast %get3A_743 : i32 to index
        %get3A_745 = arith.index_cast %add3A_742 : i32 to index
        %get3A_746 = arith.constant 16 : index
        %get3A_747 = tpu.vector_load %arg8[%get3A_744, %get3A_745, %get3A_746] {strides = array<i32>} : memref<4x104x128xf32, #tpu.memory_space<vmem>>, vector<1x1x16xf32>,
        %get3A_748 = vector.shape_cast %get3A_747 : vector<1x1x16xf32> to vector<16xf32>
        %mul3A_749 = arith.constant 8 : i32
        %mul3A_750 = arith.muli %scan3A_467, %mul3A_749 : i32
        %add3A_751 = arith.constant 3 : i32
        %add3A_752 = arith.addi %mul3A_750, %add3A_751 : i32
        %swap3A_753 = arith.constant 1 : i32
        %swap3A_754 = arith.index_cast %swap3A_753 : i32 to index
        %swap3A_755 = arith.index_cast %add3A_752 : i32 to index
        %swap3A_756 = arith.constant 16 : index
        %swap3A_757 = tpu.vector_load %arg9[%swap3A_754, %swap3A_755, %swap3A_756] {strides = array<i32>} : memref<2x104x64xf32, #tpu.memory_space<vmem>>, vector<1x1x16xf32>,
        %swap3A_758 = vector.shape_cast %swap3A_757 : vector<1x1x16xf32> to vector<16xf32>
        %swap3A_759 = vector.shape_cast %get3A_748 : vector<16xf32> to vector<1x1x16xf32>
        tpu.vector_store %arg9[%swap3A_754, %swap3A_755, %swap3A_756], %swap3A_759 {strides = array<i32>} : memref<2x104x64xf32, #tpu.memory_space<vmem>>, vector<1x1x16xf32>,
        %mul3A_760 = arith.constant 8 : i32
        %mul3A_761 = arith.muli %scan3A_467, %mul3A_760 : i32
        %add3A_762 = arith.constant 3 : i32
        %add3A_763 = arith.addi %mul3A_761, %add3A_762 : i32
        %get3A_764 = arith.constant 3 : i32
        %get3A_765 = arith.index_cast %get3A_764 : i32 to index
        %get3A_766 = arith.index_cast %add3A_763 : i32 to index
        %get3A_767 = arith.constant 32 : index
        %get3A_768 = tpu.vector_load %arg8[%get3A_765, %get3A_766, %get3A_767] {strides = array<i32>} : memref<4x104x128xf32, #tpu.memory_space<vmem>>, vector<1x1x16xf32>,
        %get3A_769 = vector.shape_cast %get3A_768 : vector<1x1x16xf32> to vector<16xf32>
        %mul3A_770 = arith.constant 8 : i32
        %mul3A_771 = arith.muli %scan3A_467, %mul3A_770 : i32
        %add3A_772 = arith.constant 3 : i32
        %add3A_773 = arith.addi %mul3A_771, %add3A_772 : i32
        %swap3A_774 = arith.constant 1 : i32
        %swap3A_775 = arith.index_cast %swap3A_774 : i32 to index
        %swap3A_776 = arith.index_cast %add3A_773 : i32 to index
        %swap3A_777 = arith.constant 32 : index
        %swap3A_778 = tpu.vector_load %arg9[%swap3A_775, %swap3A_776, %swap3A_777] {strides = array<i32>} : memref<2x104x64xf32, #tpu.memory_space<vmem>>, vector<1x1x16xf32>,
        %swap3A_779 = vector.shape_cast %swap3A_778 : vector<1x1x16xf32> to vector<16xf32>
        %swap3A_780 = vector.shape_cast %get3A_769 : vector<16xf32> to vector<1x1x16xf32>
        tpu.vector_store %arg9[%swap3A_775, %swap3A_776, %swap3A_777], %swap3A_780 {strides = array<i32>} : memref<2x104x64xf32, #tpu.memory_space<vmem>>, vector<1x1x16xf32>,
        %mul3A_781 = arith.constant 8 : i32
        %mul3A_782 = arith.muli %scan3A_467, %mul3A_781 : i32
        %add3A_783 = arith.constant 3 : i32
        %add3A_784 = arith.addi %mul3A_782, %add3A_783 : i32
        %get3A_785 = arith.constant 3 : i32
        %get3A_786 = arith.index_cast %get3A_785 : i32 to index
        %get3A_787 = arith.index_cast %add3A_784 : i32 to index
        %get3A_788 = arith.constant 48 : index
        %get3A_789 = tpu.vector_load %arg8[%get3A_786, %get3A_787, %get3A_788] {strides = array<i32>} : memref<4x104x128xf32, #tpu.memory_space<vmem>>, vector<1x1x16xf32>,
        %get3A_790 = vector.shape_cast %get3A_789 : vector<1x1x16xf32> to vector<16xf32>
        %mul3A_791 = arith.constant 8 : i32
        %mul3A_792 = arith.muli %scan3A_467, %mul3A_791 : i32
        %add3A_793 = arith.constant 3 : i32
        %add3A_794 = arith.addi %mul3A_792, %add3A_793 : i32
        %swap3A_795 = arith.constant 1 : i32
        %swap3A_796 = arith.index_cast %swap3A_795 : i32 to index
        %swap3A_797 = arith.index_cast %add3A_794 : i32 to index
        %swap3A_798 = arith.constant 48 : index
        %swap3A_799 = tpu.vector_load %arg9[%swap3A_796, %swap3A_797, %swap3A_798] {strides = array<i32>} : memref<2x104x64xf32, #tpu.memory_space<vmem>>, vector<1x1x16xf32>,
        %swap3A_800 = vector.shape_cast %swap3A_799 : vector<1x1x16xf32> to vector<16xf32>
        %swap3A_801 = vector.shape_cast %get3A_790 : vector<16xf32> to vector<1x1x16xf32>
        tpu.vector_store %arg9[%swap3A_796, %swap3A_797, %swap3A_798], %swap3A_801 {strides = array<i32>} : memref<2x104x64xf32, #tpu.memory_space<vmem>>, vector<1x1x16xf32>,
        %mul3A_802 = arith.constant 8 : i32
        %mul3A_803 = arith.muli %scan3A_467, %mul3A_802 : i32
        %add3A_804 = arith.constant 4 : i32
        %add3A_805 = arith.addi %mul3A_803, %add3A_804 : i32
        %get3A_806 = arith.constant 3 : i32
        %get3A_807 = arith.index_cast %get3A_806 : i32 to index
        %get3A_808 = arith.index_cast %add3A_805 : i32 to index
        %get3A_809 = arith.constant 0 : index
        %get3A_810 = tpu.vector_load %arg8[%get3A_807, %get3A_808, %get3A_809] {strides = array<i32>} : memref<4x104x128xf32, #tpu.memory_space<vmem>>, vector<1x1x16xf32>,
        %get3A_811 = vector.shape_cast %get3A_810 : vector<1x1x16xf32> to vector<16xf32>
        %mul3A_812 = arith.constant 8 : i32
        %mul3A_813 = arith.muli %scan3A_467, %mul3A_812 : i32
        %add3A_814 = arith.constant 4 : i32
        %add3A_815 = arith.addi %mul3A_813, %add3A_814 : i32
        %swap3A_816 = arith.constant 1 : i32
        %swap3A_817 = arith.index_cast %swap3A_816 : i32 to index
        %swap3A_818 = arith.index_cast %add3A_815 : i32 to index
        %swap3A_819 = arith.constant 0 : index
        %swap3A_820 = tpu.vector_load %arg9[%swap3A_817, %swap3A_818, %swap3A_819] {strides = array<i32>} : memref<2x104x64xf32, #tpu.memory_space<vmem>>, vector<1x1x16xf32>,
        %swap3A_821 = vector.shape_cast %swap3A_820 : vector<1x1x16xf32> to vector<16xf32>
        %swap3A_822 = vector.shape_cast %get3A_811 : vector<16xf32> to vector<1x1x16xf32>
        tpu.vector_store %arg9[%swap3A_817, %swap3A_818, %swap3A_819], %swap3A_822 {strides = array<i32>} : memref<2x104x64xf32, #tpu.memory_space<vmem>>, vector<1x1x16xf32>,
        %mul3A_823 = arith.constant 8 : i32
        %mul3A_824 = arith.muli %scan3A_467, %mul3A_823 : i32
        %add3A_825 = arith.constant 4 : i32
        %add3A_826 = arith.addi %mul3A_824, %add3A_825 : i32
        %get3A_827 = arith.constant 3 : i32
        %get3A_828 = arith.index_cast %get3A_827 : i32 to index
        %get3A_829 = arith.index_cast %add3A_826 : i32 to index
        %get3A_830 = arith.constant 16 : index
        %get3A_831 = tpu.vector_load %arg8[%get3A_828, %get3A_829, %get3A_830] {strides = array<i32>} : memref<4x104x128xf32, #tpu.memory_space<vmem>>, vector<1x1x16xf32>,
        %get3A_832 = vector.shape_cast %get3A_831 : vector<1x1x16xf32> to vector<16xf32>
        %mul3A_833 = arith.constant 8 : i32
        %mul3A_834 = arith.muli %scan3A_467, %mul3A_833 : i32
        %add3A_835 = arith.constant 4 : i32
        %add3A_836 = arith.addi %mul3A_834, %add3A_835 : i32
        %swap3A_837 = arith.constant 1 : i32
        %swap3A_838 = arith.index_cast %swap3A_837 : i32 to index
        %swap3A_839 = arith.index_cast %add3A_836 : i32 to index
        %swap3A_840 = arith.constant 16 : index
        %swap3A_841 = tpu.vector_load %arg9[%swap3A_838, %swap3A_839, %swap3A_840] {strides = array<i32>} : memref<2x104x64xf32, #tpu.memory_space<vmem>>, vector<1x1x16xf32>,
        %swap3A_842 = vector.shape_cast %swap3A_841 : vector<1x1x16xf32> to vector<16xf32>
        %swap3A_843 = vector.shape_cast %get3A_832 : vector<16xf32> to vector<1x1x16xf32>
        tpu.vector_store %arg9[%swap3A_838, %swap3A_839, %swap3A_840], %swap3A_843 {strides = array<i32>} : memref<2x104x64xf32, #tpu.memory_space<vmem>>, vector<1x1x16xf32>,
        %mul3A_844 = arith.constant 8 : i32
        %mul3A_845 = arith.muli %scan3A_467, %mul3A_844 : i32
        %add3A_846 = arith.constant 4 : i32
        %add3A_847 = arith.addi %mul3A_845, %add3A_846 : i32
        %get3A_848 = arith.constant 3 : i32
        %get3A_849 = arith.index_cast %get3A_848 : i32 to index
        %get3A_850 = arith.index_cast %add3A_847 : i32 to index
        %get3A_851 = arith.constant 32 : index
        %get3A_852 = tpu.vector_load %arg8[%get3A_849, %get3A_850, %get3A_851] {strides = array<i32>} : memref<4x104x128xf32, #tpu.memory_space<vmem>>, vector<1x1x16xf32>,
        %get3A_853 = vector.shape_cast %get3A_852 : vector<1x1x16xf32> to vector<16xf32>
        %mul3A_854 = arith.constant 8 : i32
        %mul3A_855 = arith.muli %scan3A_467, %mul3A_854 : i32
        %add3A_856 = arith.constant 4 : i32
        %add3A_857 = arith.addi %mul3A_855, %add3A_856 : i32
        %swap3A_858 = arith.constant 1 : i32
        %swap3A_859 = arith.index_cast %swap3A_858 : i32 to index
        %swap3A_860 = arith.index_cast %add3A_857 : i32 to index
        %swap3A_861 = arith.constant 32 : index
        %swap3A_862 = tpu.vector_load %arg9[%swap3A_859, %swap3A_860, %swap3A_861] {strides = array<i32>} : memref<2x104x64xf32, #tpu.memory_space<vmem>>, vector<1x1x16xf32>,
        %swap3A_863 = vector.shape_cast %swap3A_862 : vector<1x1x16xf32> to vector<16xf32>
        %swap3A_864 = vector.shape_cast %get3A_853 : vector<16xf32> to vector<1x1x16xf32>
        tpu.vector_store %arg9[%swap3A_859, %swap3A_860, %swap3A_861], %swap3A_864 {strides = array<i32>} : memref<2x104x64xf32, #tpu.memory_space<vmem>>, vector<1x1x16xf32>,
        %mul3A_865 = arith.constant 8 : i32
        %mul3A_866 = arith.muli %scan3A_467, %mul3A_865 : i32
        %add3A_867 = arith.constant 4 : i32
        %add3A_868 = arith.addi %mul3A_866, %add3A_867 : i32
        %get3A_869 = arith.constant 3 : i32
        %get3A_870 = arith.index_cast %get3A_869 : i32 to index
        %get3A_871 = arith.index_cast %add3A_868 : i32 to index
        %get3A_872 = arith.constant 48 : index
        %get3A_873 = tpu.vector_load %arg8[%get3A_870, %get3A_871, %get3A_872] {strides = array<i32>} : memref<4x104x128xf32, #tpu.memory_space<vmem>>, vector<1x1x16xf32>,
        %get3A_874 = vector.shape_cast %get3A_873 : vector<1x1x16xf32> to vector<16xf32>
        %mul3A_875 = arith.constant 8 : i32
        %mul3A_876 = arith.muli %scan3A_467, %mul3A_875 : i32
        %add3A_877 = arith.constant 4 : i32
        %add3A_878 = arith.addi %mul3A_876, %add3A_877 : i32
        %swap3A_879 = arith.constant 1 : i32
        %swap3A_880 = arith.index_cast %swap3A_879 : i32 to index
        %swap3A_881 = arith.index_cast %add3A_878 : i32 to index
        %swap3A_882 = arith.constant 48 : index
        %swap3A_883 = tpu.vector_load %arg9[%swap3A_880, %swap3A_881, %swap3A_882] {strides = array<i32>} : memref<2x104x64xf32, #tpu.memory_space<vmem>>, vector<1x1x16xf32>,
        %swap3A_884 = vector.shape_cast %swap3A_883 : vector<1x1x16xf32> to vector<16xf32>
        %swap3A_885 = vector.shape_cast %get3A_874 : vector<16xf32> to vector<1x1x16xf32>
        tpu.vector_store %arg9[%swap3A_880, %swap3A_881, %swap3A_882], %swap3A_885 {strides = array<i32>} : memref<2x104x64xf32, #tpu.memory_space<vmem>>, vector<1x1x16xf32>,
        %mul3A_886 = arith.constant 8 : i32
        %mul3A_887 = arith.muli %scan3A_467, %mul3A_886 : i32
        %add3A_888 = arith.constant 5 : i32
        %add3A_889 = arith.addi %mul3A_887, %add3A_888 : i32
        %get3A_890 = arith.constant 3 : i32
        %get3A_891 = arith.index_cast %get3A_890 : i32 to index
        %get3A_892 = arith.index_cast %add3A_889 : i32 to index
        %get3A_893 = arith.constant 0 : index
        %get3A_894 = tpu.vector_load %arg8[%get3A_891, %get3A_892, %get3A_893] {strides = array<i32>} : memref<4x104x128xf32, #tpu.memory_space<vmem>>, vector<1x1x16xf32>,
        %get3A_895 = vector.shape_cast %get3A_894 : vector<1x1x16xf32> to vector<16xf32>
        %mul3A_896 = arith.constant 8 : i32
        %mul3A_897 = arith.muli %scan3A_467, %mul3A_896 : i32
        %add3A_898 = arith.constant 5 : i32
        %add3A_899 = arith.addi %mul3A_897, %add3A_898 : i32
        %swap3A_900 = arith.constant 1 : i32
        %swap3A_901 = arith.index_cast %swap3A_900 : i32 to index
        %swap3A_902 = arith.index_cast %add3A_899 : i32 to index
        %swap3A_903 = arith.constant 0 : index
        %swap3A_904 = tpu.vector_load %arg9[%swap3A_901, %swap3A_902, %swap3A_903] {strides = array<i32>} : memref<2x104x64xf32, #tpu.memory_space<vmem>>, vector<1x1x16xf32>,
        %swap3A_905 = vector.shape_cast %swap3A_904 : vector<1x1x16xf32> to vector<16xf32>
        %swap3A_906 = vector.shape_cast %get3A_895 : vector<16xf32> to vector<1x1x16xf32>
        tpu.vector_store %arg9[%swap3A_901, %swap3A_902, %swap3A_903], %swap3A_906 {strides = array<i32>} : memref<2x104x64xf32, #tpu.memory_space<vmem>>, vector<1x1x16xf32>,
        %mul3A_907 = arith.constant 8 : i32
        %mul3A_908 = arith.muli %scan3A_467, %mul3A_907 : i32
        %add3A_909 = arith.constant 5 : i32
        %add3A_910 = arith.addi %mul3A_908, %add3A_909 : i32
        %get3A_911 = arith.constant 3 : i32
        %get3A_912 = arith.index_cast %get3A_911 : i32 to index
        %get3A_913 = arith.index_cast %add3A_910 : i32 to index
        %get3A_914 = arith.constant 16 : index
        %get3A_915 = tpu.vector_load %arg8[%get3A_912, %get3A_913, %get3A_914] {strides = array<i32>} : memref<4x104x128xf32, #tpu.memory_space<vmem>>, vector<1x1x16xf32>,
        %get3A_916 = vector.shape_cast %get3A_915 : vector<1x1x16xf32> to vector<16xf32>
        %mul3A_917 = arith.constant 8 : i32
        %mul3A_918 = arith.muli %scan3A_467, %mul3A_917 : i32
        %add3A_919 = arith.constant 5 : i32
        %add3A_920 = arith.addi %mul3A_918, %add3A_919 : i32
        %swap3A_921 = arith.constant 1 : i32
        %swap3A_922 = arith.index_cast %swap3A_921 : i32 to index
        %swap3A_923 = arith.index_cast %add3A_920 : i32 to index
        %swap3A_924 = arith.constant 16 : index
        %swap3A_925 = tpu.vector_load %arg9[%swap3A_922, %swap3A_923, %swap3A_924] {strides = array<i32>} : memref<2x104x64xf32, #tpu.memory_space<vmem>>, vector<1x1x16xf32>,
        %swap3A_926 = vector.shape_cast %swap3A_925 : vector<1x1x16xf32> to vector<16xf32>
        %swap3A_927 = vector.shape_cast %get3A_916 : vector<16xf32> to vector<1x1x16xf32>
        tpu.vector_store %arg9[%swap3A_922, %swap3A_923, %swap3A_924], %swap3A_927 {strides = array<i32>} : memref<2x104x64xf32, #tpu.memory_space<vmem>>, vector<1x1x16xf32>,
        %mul3A_928 = arith.constant 8 : i32
        %mul3A_929 = arith.muli %scan3A_467, %mul3A_928 : i32
        %add3A_930 = arith.constant 5 : i32
        %add3A_931 = arith.addi %mul3A_929, %add3A_930 : i32
        %get3A_932 = arith.constant 3 : i32
        %get3A_933 = arith.index_cast %get3A_932 : i32 to index
        %get3A_934 = arith.index_cast %add3A_931 : i32 to index
        %get3A_935 = arith.constant 32 : index
        %get3A_936 = tpu.vector_load %arg8[%get3A_933, %get3A_934, %get3A_935] {strides = array<i32>} : memref<4x104x128xf32, #tpu.memory_space<vmem>>, vector<1x1x16xf32>,
        %get3A_937 = vector.shape_cast %get3A_936 : vector<1x1x16xf32> to vector<16xf32>
        %mul3A_938 = arith.constant 8 : i32
        %mul3A_939 = arith.muli %scan3A_467, %mul3A_938 : i32
        %add3A_940 = arith.constant 5 : i32
        %add3A_941 = arith.addi %mul3A_939, %add3A_940 : i32
        %swap3A_942 = arith.constant 1 : i32
        %swap3A_943 = arith.index_cast %swap3A_942 : i32 to index
        %swap3A_944 = arith.index_cast %add3A_941 : i32 to index
        %swap3A_945 = arith.constant 32 : index
        %swap3A_946 = tpu.vector_load %arg9[%swap3A_943, %swap3A_944, %swap3A_945] {strides = array<i32>} : memref<2x104x64xf32, #tpu.memory_space<vmem>>, vector<1x1x16xf32>,
        %swap3A_947 = vector.shape_cast %swap3A_946 : vector<1x1x16xf32> to vector<16xf32>
        %swap3A_948 = vector.shape_cast %get3A_937 : vector<16xf32> to vector<1x1x16xf32>
        tpu.vector_store %arg9[%swap3A_943, %swap3A_944, %swap3A_945], %swap3A_948 {strides = array<i32>} : memref<2x104x64xf32, #tpu.memory_space<vmem>>, vector<1x1x16xf32>,
        %mul3A_949 = arith.constant 8 : i32
        %mul3A_950 = arith.muli %scan3A_467, %mul3A_949 : i32
        %add3A_951 = arith.constant 5 : i32
        %add3A_952 = arith.addi %mul3A_950, %add3A_951 : i32
        %get3A_953 = arith.constant 3 : i32
        %get3A_954 = arith.index_cast %get3A_953 : i32 to index
        %get3A_955 = arith.index_cast %add3A_952 : i32 to index
        %get3A_956 = arith.constant 48 : index
        %get3A_957 = tpu.vector_load %arg8[%get3A_954, %get3A_955, %get3A_956] {strides = array<i32>} : memref<4x104x128xf32, #tpu.memory_space<vmem>>, vector<1x1x16xf32>,
        %get3A_958 = vector.shape_cast %get3A_957 : vector<1x1x16xf32> to vector<16xf32>
        %mul3A_959 = arith.constant 8 : i32
        %mul3A_960 = arith.muli %scan3A_467, %mul3A_959 : i32
        %add3A_961 = arith.constant 5 : i32
        %add3A_962 = arith.addi %mul3A_960, %add3A_961 : i32
        %swap3A_963 = arith.constant 1 : i32
        %swap3A_964 = arith.index_cast %swap3A_963 : i32 to index
        %swap3A_965 = arith.index_cast %add3A_962 : i32 to index
        %swap3A_966 = arith.constant 48 : index
        %swap3A_967 = tpu.vector_load %arg9[%swap3A_964, %swap3A_965, %swap3A_966] {strides = array<i32>} : memref<2x104x64xf32, #tpu.memory_space<vmem>>, vector<1x1x16xf32>,
        %swap3A_968 = vector.shape_cast %swap3A_967 : vector<1x1x16xf32> to vector<16xf32>
        %swap3A_969 = vector.shape_cast %get3A_958 : vector<16xf32> to vector<1x1x16xf32>
        tpu.vector_store %arg9[%swap3A_964, %swap3A_965, %swap3A_966], %swap3A_969 {strides = array<i32>} : memref<2x104x64xf32, #tpu.memory_space<vmem>>, vector<1x1x16xf32>,
        %mul3A_970 = arith.constant 8 : i32
        %mul3A_971 = arith.muli %scan3A_467, %mul3A_970 : i32
        %add3A_972 = arith.constant 6 : i32
        %add3A_973 = arith.addi %mul3A_971, %add3A_972 : i32
        %get3A_974 = arith.constant 3 : i32
        %get3A_975 = arith.index_cast %get3A_974 : i32 to index
        %get3A_976 = arith.index_cast %add3A_973 : i32 to index
        %get3A_977 = arith.constant 0 : index
        %get3A_978 = tpu.vector_load %arg8[%get3A_975, %get3A_976, %get3A_977] {strides = array<i32>} : memref<4x104x128xf32, #tpu.memory_space<vmem>>, vector<1x1x16xf32>,
        %get3A_979 = vector.shape_cast %get3A_978 : vector<1x1x16xf32> to vector<16xf32>
        %mul3A_980 = arith.constant 8 : i32
        %mul3A_981 = arith.muli %scan3A_467, %mul3A_980 : i32
        %add3A_982 = arith.constant 6 : i32
        %add3A_983 = arith.addi %mul3A_981, %add3A_982 : i32
        %swap3A_984 = arith.constant 1 : i32
        %swap3A_985 = arith.index_cast %swap3A_984 : i32 to index
        %swap3A_986 = arith.index_cast %add3A_983 : i32 to index
        %swap3A_987 = arith.constant 0 : index
        %swap3A_988 = tpu.vector_load %arg9[%swap3A_985, %swap3A_986, %swap3A_987] {strides = array<i32>} : memref<2x104x64xf32, #tpu.memory_space<vmem>>, vector<1x1x16xf32>,
        %swap3A_989 = vector.shape_cast %swap3A_988 : vector<1x1x16xf32> to vector<16xf32>
        %swap3A_990 = vector.shape_cast %get3A_979 : vector<16xf32> to vector<1x1x16xf32>
        tpu.vector_store %arg9[%swap3A_985, %swap3A_986, %swap3A_987], %swap3A_990 {strides = array<i32>} : memref<2x104x64xf32, #tpu.memory_space<vmem>>, vector<1x1x16xf32>,
        %mul3A_991 = arith.constant 8 : i32
        %mul3A_992 = arith.muli %scan3A_467, %mul3A_991 : i32
        %add3A_993 = arith.constant 6 : i32
        %add3A_994 = arith.addi %mul3A_992, %add3A_993 : i32
        %get3A_995 = arith.constant 3 : i32
        %get3A_996 = arith.index_cast %get3A_995 : i32 to index
        %get3A_997 = arith.index_cast %add3A_994 : i32 to index
        %get3A_998 = arith.constant 16 : index
        %get3A_999 = tpu.vector_load %arg8[%get3A_996, %get3A_997, %get3A_998] {strides = array<i32>} : memref<4x104x128xf32, #tpu.memory_space<vmem>>, vector<1x1x16xf32>,
        %get3A_1000 = vector.shape_cast %get3A_999 : vector<1x1x16xf32> to vector<16xf32>
        %mul3A_1001 = arith.constant 8 : i32
        %mul3A_1002 = arith.muli %scan3A_467, %mul3A_1001 : i32
        %add3A_1003 = arith.constant 6 : i32
        %add3A_1004 = arith.addi %mul3A_1002, %add3A_1003 : i32
        %swap3A_1005 = arith.constant 1 : i32
        %swap3A_1006 = arith.index_cast %swap3A_1005 : i32 to index
        %swap3A_1007 = arith.index_cast %add3A_1004 : i32 to index
        %swap3A_1008 = arith.constant 16 : index
        %swap3A_1009 = tpu.vector_load %arg9[%swap3A_1006, %swap3A_1007, %swap3A_1008] {strides = array<i32>} : memref<2x104x64xf32, #tpu.memory_space<vmem>>, vector<1x1x16xf32>,
        %swap3A_1010 = vector.shape_cast %swap3A_1009 : vector<1x1x16xf32> to vector<16xf32>
        %swap3A_1011 = vector.shape_cast %get3A_1000 : vector<16xf32> to vector<1x1x16xf32>
        tpu.vector_store %arg9[%swap3A_1006, %swap3A_1007, %swap3A_1008], %swap3A_1011 {strides = array<i32>} : memref<2x104x64xf32, #tpu.memory_space<vmem>>, vector<1x1x16xf32>,
        %mul3A_1012 = arith.constant 8 : i32
        %mul3A_1013 = arith.muli %scan3A_467, %mul3A_1012 : i32
        %add3A_1014 = arith.constant 6 : i32
        %add3A_1015 = arith.addi %mul3A_1013, %add3A_1014 : i32
        %get3A_1016 = arith.constant 3 : i32
        %get3A_1017 = arith.index_cast %get3A_1016 : i32 to index
        %get3A_1018 = arith.index_cast %add3A_1015 : i32 to index
        %get3A_1019 = arith.constant 32 : index
        %get3A_1020 = tpu.vector_load %arg8[%get3A_1017, %get3A_1018, %get3A_1019] {strides = array<i32>} : memref<4x104x128xf32, #tpu.memory_space<vmem>>, vector<1x1x16xf32>,
        %get3A_1021 = vector.shape_cast %get3A_1020 : vector<1x1x16xf32> to vector<16xf32>
        %mul3A_1022 = arith.constant 8 : i32
        %mul3A_1023 = arith.muli %scan3A_467, %mul3A_1022 : i32
        %add3A_1024 = arith.constant 6 : i32
        %add3A_1025 = arith.addi %mul3A_1023, %add3A_1024 : i32
        %swap3A_1026 = arith.constant 1 : i32
        %swap3A_1027 = arith.index_cast %swap3A_1026 : i32 to index
        %swap3A_1028 = arith.index_cast %add3A_1025 : i32 to index
        %swap3A_1029 = arith.constant 32 : index
        %swap3A_1030 = tpu.vector_load %arg9[%swap3A_1027, %swap3A_1028, %swap3A_1029] {strides = array<i32>} : memref<2x104x64xf32, #tpu.memory_space<vmem>>, vector<1x1x16xf32>,
        %swap3A_1031 = vector.shape_cast %swap3A_1030 : vector<1x1x16xf32> to vector<16xf32>
        %swap3A_1032 = vector.shape_cast %get3A_1021 : vector<16xf32> to vector<1x1x16xf32>
        tpu.vector_store %arg9[%swap3A_1027, %swap3A_1028, %swap3A_1029], %swap3A_1032 {strides = array<i32>} : memref<2x104x64xf32, #tpu.memory_space<vmem>>, vector<1x1x16xf32>,
        %mul3A_1033 = arith.constant 8 : i32
        %mul3A_1034 = arith.muli %scan3A_467, %mul3A_1033 : i32
        %add3A_1035 = arith.constant 6 : i32
        %add3A_1036 = arith.addi %mul3A_1034, %add3A_1035 : i32
        %get3A_1037 = arith.constant 3 : i32
        %get3A_1038 = arith.index_cast %get3A_1037 : i32 to index
        %get3A_1039 = arith.index_cast %add3A_1036 : i32 to index
        %get3A_1040 = arith.constant 48 : index
        %get3A_1041 = tpu.vector_load %arg8[%get3A_1038, %get3A_1039, %get3A_1040] {strides = array<i32>} : memref<4x104x128xf32, #tpu.memory_space<vmem>>, vector<1x1x16xf32>,
        %get3A_1042 = vector.shape_cast %get3A_1041 : vector<1x1x16xf32> to vector<16xf32>
        %mul3A_1043 = arith.constant 8 : i32
        %mul3A_1044 = arith.muli %scan3A_467, %mul3A_1043 : i32
        %add3A_1045 = arith.constant 6 : i32
        %add3A_1046 = arith.addi %mul3A_1044, %add3A_1045 : i32
        %swap3A_1047 = arith.constant 1 : i32
        %swap3A_1048 = arith.index_cast %swap3A_1047 : i32 to index
        %swap3A_1049 = arith.index_cast %add3A_1046 : i32 to index
        %swap3A_1050 = arith.constant 48 : index
        %swap3A_1051 = tpu.vector_load %arg9[%swap3A_1048, %swap3A_1049, %swap3A_1050] {strides = array<i32>} : memref<2x104x64xf32, #tpu.memory_space<vmem>>, vector<1x1x16xf32>,
        %swap3A_1052 = vector.shape_cast %swap3A_1051 : vector<1x1x16xf32> to vector<16xf32>
        %swap3A_1053 = vector.shape_cast %get3A_1042 : vector<16xf32> to vector<1x1x16xf32>
        tpu.vector_store %arg9[%swap3A_1048, %swap3A_1049, %swap3A_1050], %swap3A_1053 {strides = array<i32>} : memref<2x104x64xf32, #tpu.memory_space<vmem>>, vector<1x1x16xf32>,
        %mul3A_1054 = arith.constant 8 : i32
        %mul3A_1055 = arith.muli %scan3A_467, %mul3A_1054 : i32
        %add3A_1056 = arith.constant 7 : i32
        %add3A_1057 = arith.addi %mul3A_1055, %add3A_1056 : i32
        %get3A_1058 = arith.constant 3 : i32
        %get3A_1059 = arith.index_cast %get3A_1058 : i32 to index
        %get3A_1060 = arith.index_cast %add3A_1057 : i32 to index
        %get3A_1061 = arith.constant 0 : index
        %get3A_1062 = tpu.vector_load %arg8[%get3A_1059, %get3A_1060, %get3A_1061] {strides = array<i32>} : memref<4x104x128xf32, #tpu.memory_space<vmem>>, vector<1x1x16xf32>,
        %get3A_1063 = vector.shape_cast %get3A_1062 : vector<1x1x16xf32> to vector<16xf32>
        %mul3A_1064 = arith.constant 8 : i32
        %mul3A_1065 = arith.muli %scan3A_467, %mul3A_1064 : i32
        %add3A_1066 = arith.constant 7 : i32
        %add3A_1067 = arith.addi %mul3A_1065, %add3A_1066 : i32
        %swap3A_1068 = arith.constant 1 : i32
        %swap3A_1069 = arith.index_cast %swap3A_1068 : i32 to index
        %swap3A_1070 = arith.index_cast %add3A_1067 : i32 to index
        %swap3A_1071 = arith.constant 0 : index
        %swap3A_1072 = tpu.vector_load %arg9[%swap3A_1069, %swap3A_1070, %swap3A_1071] {strides = array<i32>} : memref<2x104x64xf32, #tpu.memory_space<vmem>>, vector<1x1x16xf32>,
        %swap3A_1073 = vector.shape_cast %swap3A_1072 : vector<1x1x16xf32> to vector<16xf32>
        %swap3A_1074 = vector.shape_cast %get3A_1063 : vector<16xf32> to vector<1x1x16xf32>
        tpu.vector_store %arg9[%swap3A_1069, %swap3A_1070, %swap3A_1071], %swap3A_1074 {strides = array<i32>} : memref<2x104x64xf32, #tpu.memory_space<vmem>>, vector<1x1x16xf32>,
        %mul3A_1075 = arith.constant 8 : i32
        %mul3A_1076 = arith.muli %scan3A_467, %mul3A_1075 : i32
        %add3A_1077 = arith.constant 7 : i32
        %add3A_1078 = arith.addi %mul3A_1076, %add3A_1077 : i32
        %get3A_1079 = arith.constant 3 : i32
        %get3A_1080 = arith.index_cast %get3A_1079 : i32 to index
        %get3A_1081 = arith.index_cast %add3A_1078 : i32 to index
        %get3A_1082 = arith.constant 16 : index
        %get3A_1083 = tpu.vector_load %arg8[%get3A_1080, %get3A_1081, %get3A_1082] {strides = array<i32>} : memref<4x104x128xf32, #tpu.memory_space<vmem>>, vector<1x1x16xf32>,
        %get3A_1084 = vector.shape_cast %get3A_1083 : vector<1x1x16xf32> to vector<16xf32>
        %mul3A_1085 = arith.constant 8 : i32
        %mul3A_1086 = arith.muli %scan3A_467, %mul3A_1085 : i32
        %add3A_1087 = arith.constant 7 : i32
        %add3A_1088 = arith.addi %mul3A_1086, %add3A_1087 : i32
        %swap3A_1089 = arith.constant 1 : i32
        %swap3A_1090 = arith.index_cast %swap3A_1089 : i32 to index
        %swap3A_1091 = arith.index_cast %add3A_1088 : i32 to index
        %swap3A_1092 = arith.constant 16 : index
        %swap3A_1093 = tpu.vector_load %arg9[%swap3A_1090, %swap3A_1091, %swap3A_1092] {strides = array<i32>} : memref<2x104x64xf32, #tpu.memory_space<vmem>>, vector<1x1x16xf32>,
        %swap3A_1094 = vector.shape_cast %swap3A_1093 : vector<1x1x16xf32> to vector<16xf32>
        %swap3A_1095 = vector.shape_cast %get3A_1084 : vector<16xf32> to vector<1x1x16xf32>
        tpu.vector_store %arg9[%swap3A_1090, %swap3A_1091, %swap3A_1092], %swap3A_1095 {strides = array<i32>} : memref<2x104x64xf32, #tpu.memory_space<vmem>>, vector<1x1x16xf32>,
        %mul3A_1096 = arith.constant 8 : i32
        %mul3A_1097 = arith.muli %scan3A_467, %mul3A_1096 : i32
        %add3A_1098 = arith.constant 7 : i32
        %add3A_1099 = arith.addi %mul3A_1097, %add3A_1098 : i32
        %get3A_1100 = arith.constant 3 : i32
        %get3A_1101 = arith.index_cast %get3A_1100 : i32 to index
        %get3A_1102 = arith.index_cast %add3A_1099 : i32 to index
        %get3A_1103 = arith.constant 32 : index
        %get3A_1104 = tpu.vector_load %arg8[%get3A_1101, %get3A_1102, %get3A_1103] {strides = array<i32>} : memref<4x104x128xf32, #tpu.memory_space<vmem>>, vector<1x1x16xf32>,
        %get3A_1105 = vector.shape_cast %get3A_1104 : vector<1x1x16xf32> to vector<16xf32>
        %mul3A_1106 = arith.constant 8 : i32
        %mul3A_1107 = arith.muli %scan3A_467, %mul3A_1106 : i32
        %add3A_1108 = arith.constant 7 : i32
        %add3A_1109 = arith.addi %mul3A_1107, %add3A_1108 : i32
        %swap3A_1110 = arith.constant 1 : i32
        %swap3A_1111 = arith.index_cast %swap3A_1110 : i32 to index
        %swap3A_1112 = arith.index_cast %add3A_1109 : i32 to index
        %swap3A_1113 = arith.constant 32 : index
        %swap3A_1114 = tpu.vector_load %arg9[%swap3A_1111, %swap3A_1112, %swap3A_1113] {strides = array<i32>} : memref<2x104x64xf32, #tpu.memory_space<vmem>>, vector<1x1x16xf32>,
        %swap3A_1115 = vector.shape_cast %swap3A_1114 : vector<1x1x16xf32> to vector<16xf32>
        %swap3A_1116 = vector.shape_cast %get3A_1105 : vector<16xf32> to vector<1x1x16xf32>
        tpu.vector_store %arg9[%swap3A_1111, %swap3A_1112, %swap3A_1113], %swap3A_1116 {strides = array<i32>} : memref<2x104x64xf32, #tpu.memory_space<vmem>>, vector<1x1x16xf32>,
        %mul3A_1117 = arith.constant 8 : i32
        %mul3A_1118 = arith.muli %scan3A_467, %mul3A_1117 : i32
        %add3A_1119 = arith.constant 7 : i32
        %add3A_1120 = arith.addi %mul3A_1118, %add3A_1119 : i32
        %get3A_1121 = arith.constant 3 : i32
        %get3A_1122 = arith.index_cast %get3A_1121 : i32 to index
        %get3A_1123 = arith.index_cast %add3A_1120 : i32 to index
        %get3A_1124 = arith.constant 48 : index
        %get3A_1125 = tpu.vector_load %arg8[%get3A_1122, %get3A_1123, %get3A_1124] {strides = array<i32>} : memref<4x104x128xf32, #tpu.memory_space<vmem>>, vector<1x1x16xf32>,
        %get3A_1126 = vector.shape_cast %get3A_1125 : vector<1x1x16xf32> to vector<16xf32>
        %mul3A_1127 = arith.constant 8 : i32
        %mul3A_1128 = arith.muli %scan3A_467, %mul3A_1127 : i32
        %add3A_1129 = arith.constant 7 : i32
        %add3A_1130 = arith.addi %mul3A_1128, %add3A_1129 : i32
        %swap3A_1131 = arith.constant 1 : i32
        %swap3A_1132 = arith.index_cast %swap3A_1131 : i32 to index
        %swap3A_1133 = arith.index_cast %add3A_1130 : i32 to index
        %swap3A_1134 = arith.constant 48 : index
        %swap3A_1135 = tpu.vector_load %arg9[%swap3A_1132, %swap3A_1133, %swap3A_1134] {strides = array<i32>} : memref<2x104x64xf32, #tpu.memory_space<vmem>>, vector<1x1x16xf32>,
        %swap3A_1136 = vector.shape_cast %swap3A_1135 : vector<1x1x16xf32> to vector<16xf32>
        %swap3A_1137 = vector.shape_cast %get3A_1126 : vector<16xf32> to vector<1x1x16xf32>
        tpu.vector_store %arg9[%swap3A_1132, %swap3A_1133, %swap3A_1134], %swap3A_1137 {strides = array<i32>} : memref<2x104x64xf32, #tpu.memory_space<vmem>>, vector<1x1x16xf32>,
      }
      %scan3A_417 = arith.constant 13 : i32
      %add3A_418 = arith.constant 4 : i32
      %add3A_419 = arith.addi %add3A_389, %add3A_418 : i32
      %lt3A_420 = arith.constant 256 : i32
      %lt3A_421 = arith.cmpi slt, %add3A_419, %lt3A_420 : i32
      %convert_element_type3A_422 = arith.extui %lt3A_421 : i1 to i32
      %cond3A_423 = arith.constant 0 : i32
      %cond3A_424 = arith.cmpi ne, %convert_element_type3A_422, %cond3A_423 : i32
      scf.if %cond3A_424 {
        %dma_start3A_467 = arith.constant 3 : i32
        %dma_start3A_468 = arith.constant 0 : i32
        %dma_start3A_469 = arith.constant 0 : i32
        %dma_start3A_470 = tpu.memref_slice %arg8[%dma_start3A_467, %dma_start3A_468, %dma_start3A_469] : memref<4x104x128xf32, #tpu.memory_space<vmem>> -> memref<1x104x128xf32, #tpu.memory_space<vmem>>
        %dma_start3A_471 = tpu.memref_squeeze %dma_start3A_470 : memref<1x104x128xf32, #tpu.memory_space<vmem>> -> memref<104x128xf32, #tpu.memory_space<vmem>>
        %dma_start3A_472 = arith.constant 96 : i32
        %dma_start3A_473 = arith.constant 0 : i32
        %dma_start3A_474 = tpu.memref_slice %arg6[%dma_start3A_472, %dma_start3A_473] : memref<200x128xf32, #tpu.memory_space<vmem_shared>> -> memref<104x128xf32, #tpu.memory_space<vmem_shared>>
        %dma_start3A_475 = arith.constant 0 : i32
        %dma_start3A_476 = arith.constant 0 : i32
        %dma_start3A_477 = tpu.memref_slice %arg8[%dma_start3A_467, %dma_start3A_475, %dma_start3A_476] : memref<4x104x128xf32, #tpu.memory_space<vmem>> -> memref<1x104x128xf32, #tpu.memory_space<vmem>>
        %dma_start3A_478 = tpu.memref_squeeze %dma_start3A_477 : memref<1x104x128xf32, #tpu.memory_space<vmem>> -> memref<104x128xf32, #tpu.memory_space<vmem>>
        %dma_start3A_479 = arith.constant 96 : i32
        %dma_start3A_480 = arith.constant 0 : i32
        %dma_start3A_481 = tpu.memref_slice %arg6[%dma_start3A_479, %dma_start3A_480] : memref<200x128xf32, #tpu.memory_space<vmem_shared>> -> memref<104x128xf32, #tpu.memory_space<vmem_shared>>
        tpu.enqueue_dma source(%dma_start3A_481 : memref<104x128xf32, #tpu.memory_space<vmem_shared>>) target(%dma_start3A_478 : memref<104x128xf32, #tpu.memory_space<vmem>>) target_semaphore(%arg13 : memref<!tpu.dma_semaphore, #tpu.memory_space<semaphore_mem>>)
      } else {
      }
      %jit3A_425 = arith.constant 2 : i32
      %div3A_426 = arith.divsi %add3A_389, %jit3A_425 : i32
      %sign3A_427 = arith.constant 0 : i32
      %sign3A_428 = arith.cmpi sgt, %add3A_389, %sign3A_427 : i32
      %sign3A_429 = arith.extui %sign3A_428 : i1 to i32
      %sign3A_430 = arith.constant 0 : i32
      %sign3A_431 = arith.cmpi slt, %add3A_389, %sign3A_430 : i32
      %sign3A_432 = arith.extui %sign3A_431 : i1 to i32
      %sign3A_433 = arith.subi %sign3A_429, %sign3A_432 : i32
      %sign3A_434 = arith.constant 0 : i32
      %sign3A_435 = arith.cmpi sgt, %jit3A_425, %sign3A_434 : i32
      %sign3A_436 = arith.extui %sign3A_435 : i1 to i32
      %sign3A_437 = arith.constant 0 : i32
      %sign3A_438 = arith.cmpi slt, %jit3A_425, %sign3A_437 : i32
      %sign3A_439 = arith.extui %sign3A_438 : i1 to i32
      %sign3A_440 = arith.subi %sign3A_436, %sign3A_439 : i32
      %ne3A_441 = arith.cmpi ne, %sign3A_433, %sign3A_440 : i32
      %rem3A_442 = arith.remsi %add3A_389, %jit3A_425 : i32
      %ne3A_443 = arith.constant 0 : i32
      %ne3A_444 = arith.cmpi ne, %rem3A_442, %ne3A_443 : i32
      %and3A_445 = arith.andi %ne3A_441, %ne3A_444 : i1
      %sub3A_446 = arith.constant 1 : i32
      %sub3A_447 = arith.subi %div3A_426, %sub3A_446 : i32
      %select_n3A_448 = arith.select %and3A_445, %sub3A_447, %div3A_426 : i32
      %add3A_449 = arith.addi %mul3A_2, %select_n3A_448 : i32
      %dma_start3A_450 = arith.constant 1 : i32
      %dma_start3A_451 = arith.constant 0 : i32
      %dma_start3A_452 = arith.constant 0 : i32
      %dma_start3A_453 = tpu.memref_slice %arg9[%dma_start3A_450, %dma_start3A_451, %dma_start3A_452] : memref<2x104x64xf32, #tpu.memory_space<vmem>> -> memref<1x104x64xf32, #tpu.memory_space<vmem>>
      %dma_start3A_454 = tpu.memref_squeeze %dma_start3A_453 : memref<1x104x64xf32, #tpu.memory_space<vmem>> -> memref<104x64xf32, #tpu.memory_space<vmem>>
      %dma_start3A_455 = arith.constant 96 : i32
      %dma_start3A_456 = arith.constant 0 : i32
      %dma_start3A_457 = tpu.memref_slice %arg5[%add3A_449, %dma_start3A_455, %dma_start3A_456] : memref<4096x200x64xf32, #tpu.memory_space<hbm>> -> memref<1x104x64xf32, #tpu.memory_space<hbm>>
      %dma_start3A_458 = tpu.memref_squeeze %dma_start3A_457 : memref<1x104x64xf32, #tpu.memory_space<hbm>> -> memref<104x64xf32, #tpu.memory_space<hbm>>
      %dma_start3A_459 = arith.constant 96 : i32
      %dma_start3A_460 = arith.constant 0 : i32
      %dma_start3A_461 = tpu.memref_slice %arg5[%add3A_449, %dma_start3A_459, %dma_start3A_460] : memref<4096x200x64xf32, #tpu.memory_space<hbm>> -> memref<1x104x64xf32, #tpu.memory_space<hbm>>
      %dma_start3A_462 = tpu.memref_squeeze %dma_start3A_461 : memref<1x104x64xf32, #tpu.memory_space<hbm>> -> memref<104x64xf32, #tpu.memory_space<hbm>>
      %dma_start3A_463 = arith.constant 0 : i32
      %dma_start3A_464 = arith.constant 0 : i32
      %dma_start3A_465 = tpu.memref_slice %arg9[%dma_start3A_450, %dma_start3A_463, %dma_start3A_464] : memref<2x104x64xf32, #tpu.memory_space<vmem>> -> memref<1x104x64xf32, #tpu.memory_space<vmem>>
      %dma_start3A_466 = tpu.memref_squeeze %dma_start3A_465 : memref<1x104x64xf32, #tpu.memory_space<vmem>> -> memref<104x64xf32, #tpu.memory_space<vmem>>
      tpu.enqueue_dma source(%dma_start3A_466 : memref<104x64xf32, #tpu.memory_space<vmem>>) target(%dma_start3A_462 : memref<104x64xf32, #tpu.memory_space<hbm>>) target_semaphore(%arg19 : memref<!tpu.dma_semaphore, #tpu.memory_space<semaphore_mem>>)
    }
    %scan3A_119 = arith.constant 64 : i32
    %add3A_120 = arith.constant 127 : i32
    %add3A_121 = arith.addi %mul3A_2, %add3A_120 : i32
    %dma_wait3A_122 = arith.constant 0 : i32
    %dma_wait3A_123 = arith.constant 0 : i32
    %dma_wait3A_124 = arith.constant 0 : i32
    %dma_wait3A_125 = tpu.memref_slice %arg9[%dma_wait3A_122, %dma_wait3A_123, %dma_wait3A_124] : memref<2x104x64xf32, #tpu.memory_space<vmem>> -> memref<1x96x64xf32, #tpu.memory_space<vmem>>
    %dma_wait3A_126 = tpu.memref_squeeze %dma_wait3A_125 : memref<1x96x64xf32, #tpu.memory_space<vmem>> -> memref<96x64xf32, #tpu.memory_space<vmem>>
    %dma_wait3A_127 = arith.constant 0 : i32
    %dma_wait3A_128 = arith.constant 0 : i32
    %dma_wait3A_129 = tpu.memref_slice %arg5[%add3A_121, %dma_wait3A_127, %dma_wait3A_128] : memref<4096x200x64xf32, #tpu.memory_space<hbm>> -> memref<1x96x64xf32, #tpu.memory_space<hbm>>
    %dma_wait3A_130 = tpu.memref_squeeze %dma_wait3A_129 : memref<1x96x64xf32, #tpu.memory_space<hbm>> -> memref<96x64xf32, #tpu.memory_space<hbm>>
    %dma_wait3A_131 = arith.constant 0 : i32
    %dma_wait3A_132 = arith.constant 0 : i32
    %dma_wait3A_133 = tpu.memref_slice %arg5[%add3A_121, %dma_wait3A_131, %dma_wait3A_132] : memref<4096x200x64xf32, #tpu.memory_space<hbm>> -> memref<1x96x64xf32, #tpu.memory_space<hbm>>
    %dma_wait3A_134 = tpu.memref_squeeze %dma_wait3A_133 : memref<1x96x64xf32, #tpu.memory_space<hbm>> -> memref<96x64xf32, #tpu.memory_space<hbm>>
    %dma_wait3A_135 = arith.constant 0 : i32
    %dma_wait3A_136 = arith.constant 0 : i32
    %dma_wait3A_137 = tpu.memref_slice %arg9[%dma_wait3A_122, %dma_wait3A_135, %dma_wait3A_136] : memref<2x104x64xf32, #tpu.memory_space<vmem>> -> memref<1x96x64xf32, #tpu.memory_space<vmem>>
    %dma_wait3A_138 = tpu.memref_squeeze %dma_wait3A_137 : memref<1x96x64xf32, #tpu.memory_space<vmem>> -> memref<96x64xf32, #tpu.memory_space<vmem>>
    tpu.wait_dma2 semaphore(%arg18 : memref<!tpu.dma_semaphore, #tpu.memory_space<semaphore_mem>>) src(%dma_wait3A_138 : memref<96x64xf32, #tpu.memory_space<vmem>>) dst(%dma_wait3A_134 : memref<96x64xf32, #tpu.memory_space<hbm>>)
    %add3A_139 = arith.constant 127 : i32
    %add3A_140 = arith.addi %mul3A_2, %add3A_139 : i32
    %dma_wait3A_141 = arith.constant 1 : i32
    %dma_wait3A_142 = arith.constant 0 : i32
    %dma_wait3A_143 = arith.constant 0 : i32
    %dma_wait3A_144 = tpu.memref_slice %arg9[%dma_wait3A_141, %dma_wait3A_142, %dma_wait3A_143] : memref<2x104x64xf32, #tpu.memory_space<vmem>> -> memref<1x104x64xf32, #tpu.memory_space<vmem>>
    %dma_wait3A_145 = tpu.memref_squeeze %dma_wait3A_144 : memref<1x104x64xf32, #tpu.memory_space<vmem>> -> memref<104x64xf32, #tpu.memory_space<vmem>>
    %dma_wait3A_146 = arith.constant 96 : i32
    %dma_wait3A_147 = arith.constant 0 : i32
    %dma_wait3A_148 = tpu.memref_slice %arg5[%add3A_140, %dma_wait3A_146, %dma_wait3A_147] : memref<4096x200x64xf32, #tpu.memory_space<hbm>> -> memref<1x104x64xf32, #tpu.memory_space<hbm>>
    %dma_wait3A_149 = tpu.memref_squeeze %dma_wait3A_148 : memref<1x104x64xf32, #tpu.memory_space<hbm>> -> memref<104x64xf32, #tpu.memory_space<hbm>>
    %dma_wait3A_150 = arith.constant 96 : i32
    %dma_wait3A_151 = arith.constant 0 : i32
    %dma_wait3A_152 = tpu.memref_slice %arg5[%add3A_140, %dma_wait3A_150, %dma_wait3A_151] : memref<4096x200x64xf32, #tpu.memory_space<hbm>> -> memref<1x104x64xf32, #tpu.memory_space<hbm>>
    %dma_wait3A_153 = tpu.memref_squeeze %dma_wait3A_152 : memref<1x104x64xf32, #tpu.memory_space<hbm>> -> memref<104x64xf32, #tpu.memory_space<hbm>>
    %dma_wait3A_154 = arith.constant 0 : i32
    %dma_wait3A_155 = arith.constant 0 : i32
    %dma_wait3A_156 = tpu.memref_slice %arg9[%dma_wait3A_141, %dma_wait3A_154, %dma_wait3A_155] : memref<2x104x64xf32, #tpu.memory_space<vmem>> -> memref<1x104x64xf32, #tpu.memory_space<vmem>>
    %dma_wait3A_157 = tpu.memref_squeeze %dma_wait3A_156 : memref<1x104x64xf32, #tpu.memory_space<vmem>> -> memref<104x64xf32, #tpu.memory_space<vmem>>
    tpu.wait_dma2 semaphore(%arg19 : memref<!tpu.dma_semaphore, #tpu.memory_space<semaphore_mem>>) src(%dma_wait3A_157 : memref<104x64xf32, #tpu.memory_space<vmem>>) dst(%dma_wait3A_153 : memref<104x64xf32, #tpu.memory_space<hbm>>)
    return
  }
}

</mosaic_0001>

<sc_bundles>
// kernel: kernel.3.cloned.1.call-start
scs
__scs_entry_jumppad:
0x0: {  	(pc) =	sbr.rel $0x88, $3  }
0x1: {  	(tag) =	ssettag $0x0;
	lr =	simm.s32 $0x1  }
0x2: {  	[smem:$0x3F9E] =	sst lr;
	_ =	strace $0xD0000000  }
0x3: {  	_ = 	snop  }
0x4: {  	_ = 	snop  }
0x5: {  	_ = 	snop  }
0x6: {  	_ = 	snop  }
0x7: {  	_ = 	snop  }
__scs_overlays_trampoline_lowered:
0x8: {  	[smem:$0x3FAD] =	sst s0  }
0x9: {  	[smem:$0x3FAE] =	sst s1  }
0xa: {  	[smem:$0x3FAF] =	sst s2  }
0xb: {  	[smem:$0x3FB0] =	sst s3  }
0xc: {  	[smem:$0x3FB1] =	sst s4  }
0xd: {  	[smem:$0x3FB2] =	sst s5  }
0xe: {  	[smem:$0x3FB3] =	sst s6  }
0xf: {  	[smem:$0x3FB4] =	sst s7  }
0x10: {  	[smem:$0x3FB5] =	sst s8  }
0x11: {  	[smem:$0x3FB6] =	sst s9;
	s0 =	simm.s32 @!p0 $0x0  }
0x12: {  	s1 =	sld [smem:$0x3F9C];
	s0 =	simm.s32 @p0 $0x1  }
0x13: {  	[smem:$0x3FB7] =	sst s0;
	s0 =	simm.s32 @!p1 $0x0  }
0x14: {  	s2 =	sld [smem:$0x3F9B];
	s0 =	simm.s32 @p1 $0x1  }
0x15: {  	[smem:$0x3FB8] =	sst s0;
	s0 =	simm.s32 @!p2 $0x0  }
0x16: {  	s3 =	sld [smem:$0x3FDB];
	s0 =	simm.s32 @p2 $0x1  }
0x17: {  	s4 =	simm.s32 $0x1BF5;
	[smem:$0x3FBA] =	sst s0  }
0x18: {  	s0 =	sld [smem:$0x3F9D];
	_ =	swait.ge [sflag:s4], $0x0  }
0x19: {  	s7 =	sld [smem:$0x3F9E]  }
0x1a: {  	s8 =	sadd.s32 $0xFFFFE003, lr  }
0x1b: {  	s9 =	sadd.s32 $0xFFFFFEF7, lr;
	s5 =	simm.s32 $0xFFFFFFFF;
	p2 =	slt.u32 s8, $0xFFFFF086  }
0x1c: {  	p1 =	slt.u32 s9, $0xF7A;
	s5 =	simm.s32 @!p2 $0x0  }
0x1d: {  	s5 =	simm.s32 @p1 $0x1;
	p0 =	seq.s32 s7, s2  }
0x1e: {  	s7 =	smul.u32 @!p0 $0xF7A, s2;
	p2 =	seq.s32 @!p0 s5, $0x0  }
0x1f: {  	s9 =	smul.u32 $0xF7A, s1;
	s8 =	simm.s32 @!p0 $0x1BF5;
	p2 =	por !p2, p0  }
0x20: {  	[sflag:s8] =	ssyncset.s32 @!p0 $0xFFFFF086;
	s6 =	sadd.s32 @!p0 s3, s7;
	s7 =	simm.s32 @!p0 $0x108  }
0x21: {  	s3 =	sadd.s32 s3, s9;
	s6 =	sadd.s32 @!p0 $0x88, s6;
	s7 =	simm.s32 @p2 $0x1082  }
0x22: {  	[simem:s7], [sflag:s8] =	dma.local @!p0 [hbm:s6], $0xF7A  }
0x23: {  	s9 =	sor.u32 $0xD0000000, s2;
	s6 =	simm.s32 $0x108;
	_ =	swait.ge @!p0 [sflag:s8], $0x0  }
0x24: {  	s3 =	sadd.s32 $0x88, s3;
	s6 =	simm.s32 @!p1 $0x1082;
	[sflag:s4] =	ssyncset.s32 $0xFFFFF086  }
0x25: {  	[simem:s6], [sflag:s4] =	dma.local [hbm:s3], $0xF7A  }
0x26: {  	[smem:$0x3F9E] =	sst s1;
	(tag) =	ssettag s2;
	_ =	strace s9  }
0x27: {  	s1 =	sld [smem:$0x3FAE]  }
0x28: {  	s2 =	sld [smem:$0x3FAF]  }
0x29: {  	s4 =	sld [smem:$0x3FB1]  }
0x2a: {  	p0 =	seq.s32 s5, $0x0;
	s5 =	sld [smem:$0x3FB2]  }
0x2b: {  	s6 =	sld [smem:$0x3FB3]  }
0x2c: {  	s7 =	sld [smem:$0x3FB4]  }
0x2d: {  	s3 =	simm.s32 $0x108;
	s8 =	sld [smem:$0x3FB5]  }
0x2e: {  	s3 =	simm.s32 @!p0 $0x1082;
	s9 =	sld [smem:$0x3FB6]  }
0x2f: {  	lr =	sadd.s32 s0, s3;
	s0 =	sld [smem:$0x3FAD]  }
0x30: {  	s3 =	sld [smem:$0x3FB0]  }
0x31: {  	[smem:$0x3FB9] =	sst s10  }
0x32: {  	s10 =	sld [smem:$0x3FB7];
	_ =	sdelay $0x3  }
0x33: {  	p0 =	seq.s32 s10, $0x1;
	s10 =	sld [smem:$0x3FB9];
	_ =	sdelay $0x3  }
0x34: {  	[smem:$0x3FB9] =	sst s10  }
0x35: {  	s10 =	sld [smem:$0x3FB8];
	_ =	sdelay $0x3  }
0x36: {  	p1 =	seq.s32 s10, $0x1;
	s10 =	sld [smem:$0x3FB9];
	_ =	sdelay $0x3  }
0x37: {  	[smem:$0x3FB9] =	sst s10  }
0x38: {  	s10 =	sld [smem:$0x3FBA]  }
0x39: {  	_ = 	snop;
	(pc) =	sbr.ind lr, $3  }
0x3a: {  	_ = 	snop  }
0x3b: {  	_ = 	snop  }
0x3c: {  	p2 =	seq.s32 s10, $0x1;
	s10 =	sld [smem:$0x3FB9]  }
0x3d: {  	_ =	shalt  }
0x3e: {  	_ =	shalt  }
0x3f: {  	_ =	shalt  }
0x40: {  	_ =	shalt  }
0x41: {  	_ =	shalt  }
0x42: {  	_ =	shalt  }
0x43: {  	_ =	shalt  }
0x44: {  	_ =	shalt  }
0x45: {  	_ =	shalt  }
0x46: {  	_ =	shalt  }
0x47: {  	_ =	shalt  }
0x48: {  	_ =	shalt  }
0x49: {  	_ =	shalt  }
0x4a: {  	_ =	shalt  }
0x4b: {  	_ =	shalt  }
0x4c: {  	_ =	shalt  }
0x4d: {  	_ =	shalt  }
0x4e: {  	_ =	shalt  }
0x4f: {  	_ =	shalt  }
0x50: {  	_ =	shalt  }
0x51: {  	_ =	shalt  }
0x52: {  	_ =	shalt  }
0x53: {  	_ =	shalt  }
0x54: {  	_ =	shalt  }
0x55: {  	_ =	shalt  }
0x56: {  	_ =	shalt  }
0x57: {  	_ =	shalt  }
0x58: {  	_ =	shalt  }
0x59: {  	_ =	shalt  }
0x5a: {  	_ =	shalt  }
0x5b: {  	_ =	shalt  }
0x5c: {  	_ =	shalt  }
0x5d: {  	_ =	shalt  }
0x5e: {  	_ =	shalt  }
0x5f: {  	_ =	shalt  }
0x60: {  	_ =	shalt  }
0x61: {  	_ =	shalt  }
0x62: {  	_ =	shalt  }
0x63: {  	_ =	shalt  }
0x64: {  	_ =	shalt  }
0x65: {  	_ =	shalt  }
0x66: {  	_ =	shalt  }
0x67: {  	_ =	shalt  }
0x68: {  	_ =	shalt  }
0x69: {  	_ =	shalt  }
0x6a: {  	_ =	shalt  }
0x6b: {  	_ =	shalt  }
0x6c: {  	_ =	shalt  }
0x6d: {  	_ =	shalt  }
0x6e: {  	_ =	shalt  }
0x6f: {  	_ =	shalt  }
0x70: {  	_ =	shalt  }
0x71: {  	_ =	shalt  }
0x72: {  	_ =	shalt  }
0x73: {  	_ =	shalt  }
0x74: {  	_ =	shalt  }
0x75: {  	_ =	shalt  }
0x76: {  	_ =	shalt  }
0x77: {  	_ =	shalt  }
0x78: {  	_ =	shalt  }
0x79: {  	_ =	shalt  }
0x7a: {  	_ =	shalt  }
0x7b: {  	_ =	shalt  }
0x7c: {  	_ =	shalt  }
0x7d: {  	_ =	shalt  }
0x7e: {  	_ =	shalt  }
0x7f: {  	_ =	shalt  }
0x80: {  	_ =	shalt  }
0x81: {  	_ =	shalt  }
0x82: {  	_ =	shalt  }
0x83: {  	_ =	shalt  }
0x84: {  	_ =	shalt  }
0x85: {  	_ =	shalt  }
0x86: {  	_ =	shalt  }
0x87: {  	_ =	shalt  }
.Lfunc_end0:
.L_simem_size_0:
called_computation_lowered:
.L_overlay_start_0:
0x88: {  	s2 =	sld [smem:$0x3FD9]  }
0x89: {  	s3 =	sld [smem:$0x3FFE];
	_ =	sdelay $0x1  }
0x8a: {  	s1 =	srdreg.scid  }
0x8b: {  	s0 =	sand.u32 $0x1, s1  }
0x8c: {  	s16 =	sshll.u32 s0, $0xA;
	s2 =	sadd.s32 s3, s2  }
0x8d: {  	s2 =	sadd.s32 s2, s16  }
0x8e: {  	[smem:$0x3FC5] =	sst s2  }
0x8f: {  	_ = 	snop  }
0x90: {  	(tm) =	ssettm $0x1  }
0x91: {  	s17 =	sld [smem:$0x3FFB];
	_ =	sdelay $0x3  }
0x92: {  	_ =	strace s17  }
0x93: {  	s2 =	sld [smem:$0x3FFC];
	_ =	sdelay $0x3  }
0x94: {  	_ =	strace s2  }
0x95: {  	s2 =	sld [smem:$0x3FFD];
	_ =	sdelay $0x3  }
0x96: {  	_ =	strace s2  }
0x97: {  	_ =	strace $0x8FFFFFFF  }
0x98: {  	s18 =	sld [smem:$0x3FDB];
	_ =	sdelay $0x1  }
0x99: {  	s19 =	simm.s32 $_scs_section_size  }
0x9a: {  	s4 =	simm.s32 $_size__tile_overlayer_lowered;
	s5 =	simm.s32 $_tile_overlayer_lowered  }
0x9b: {  	s22 =	simm.s32 $0x1BFF;
	s21 =	sshll.u32 s5, $0x1;
	s2 =	sadd.s32 s19, s18  }
0x9c: {  	s6 =	simm.s32 $0x0;
	s20 =	sshll.u32 s4, $0x1;
	s4 =	sadd.s32 s21, s2  }
0x9d: {  	[timem:s6], [sflag:s22] =	dma.local [hbm:s4], s20  }
0x9e: {  	_ =	swait.ge [sflag:s22], s20  }
0x9f: {  	s3 =	ssub.s32 $0x0, s20;
	[sflag:s22] =	ssyncset.done $0x0  }
0xa0: {  	[sflag:s22] =	ssyncadd.s32 s3;
	_ =	sdelay $0x1  }
0xa1: {  	s23 =	simm.s32 $0x1B8B  }
0xa2: {  	_ =	swait.ge [sflag:s23], $0x1  }
0xa3: {  	[sflag:s23] =	ssyncset.done $0x0  }
0xa4: {  	s25 =	simm.s32 $0x1B8E;
	s24 =	sld [smem:$0x3FFE];
	[sflag:s23] =	ssyncadd.s32 $0xFFFFFFFF  }
0xa5: {  	s26 =	simm.s32 $execute0_lowered;
	[smem:$0x3FD2] =	sst s25  }
0xa6: {  	s4 =	sshll.u32 s26, $0x1;
	_ =	strace $0x80000046;
	[dreg:$0x1] =	wrdreg $0xFFFFFFFF  }
0xa7: {  	s28 =	simm.s32 $_size_execute0_lowered;
	s2 =	sadd.s32 s2, s4;
	[dreg:$0x0] =	wrdreg $0x0  }
0xa8: {  	s4 =	sshll.u32 s28, $0x1;
	[dreg:$0x2] =	wrdreg s2  }
0xa9: {  	[dreg:$0x3] =	wrdreg s4  }
0xaa: {  	[dreg:$0x4] =	wrdreg $0xC0  }
0xab: {  	_ =	task [dreg:s6], $0x5FFFF  }
0xac: {  	[dreg:$0x1] =	wrdreg $0xFFFFFFFF  }
0xad: {  	[dreg:$0x0] =	wrdreg $0x60  }
0xae: {  	[dreg:$0x2] =	wrdreg s24  }
0xaf: {  	[dreg:$0x3] =	wrdreg $0x0  }
0xb0: {  	[dreg:$0x4] =	wrdreg $0x9  }
0xb1: {  	_ =	task.clear_ibuf [dreg:s6], $0x5FFFF;
	_ =	strace $0x90000046  }
0xb2: {  	s29 =	simm.s32 $0x9;
	_ =	strace $0x80000048  }
0xb3: {  	_ =	swait.ge [sflag:s29], $0x1  }
0xb4: {  	[sflag:s29] =	ssyncadd.s32 $0xFFFFFFFF  }
0xb5: {  	_ =	strace $0x90000048  }
0xb6: {  	_ =	sfence  }
0xb7: {  	s30 =	sld [smem:$0x0];
	_ =	sdelay $0x2  }
0xb8: {  	s31 =	sshll.u32 s1, $0xD;
	s1 =	sshrl.u32 s1, $0x2  }
0xb9: {  	s3 =	sand.u32 $0x4000, s31;
	s1 =	sadd.s32 s1, s30  }
0xba: {  	s0 =	sor.u32 s3, s0;
	s1 =	sshll.u32 s1, $0x11  }
0xbb: {  	s0 =	sor.u32 s1, s0  }
0xbc: {  	s0 =	sadd.s32 $0x8F2B, s0  }
0xbd: {  	[sflag:s0] =	ssyncadd.remote.s32 $0x1  }
0xbe: {  	_ =	sfence.sel $0xFFFF  }
0xbf: {  	[dreg:$0x0] =	wrdreg $0xFFFFFFFF;
	(pc) =	sbr.abs _section_cstart, $3  }
0xc0: {  	[dreg:$0x1] =	wrdreg $0xFFFFFFFF  }
0xc1: {  	_ =	task.clear_ibuf [dreg:s6], $0x2FFFF;
	_ =	strace $0x9FFFFFFF  }
0xc2: {  	(tm) =	ssettm $0x7FFFFFFF  }
0xc3: {  	_ =	shalt  }
tec
execute0_lowered:
.L_overlay_start_1:
0x0: {  	(tag) =	ssettag $0x1  }
0x1: {  	s0 =	srdreg.scid;
	s5 =	rddreg [dreg:$0x0]  }
0x2: {  	s4 =	stileid.u32;
	s1 =	rddreg [dreg:$0x1];
	s16 =	simm.s32 $0xD240  }
0x3: {  	s17 =	simm.s32 $0x10640;
	s19 =	simm.s32 $0x60;
	s20 =	simm.s32 $0x2  }
0x4: {  	s21 =	simm.s32 $0x68;
	s23 =	simm.s32 $0x3;
	s24 =	simm.s32 $0x5  }
0x5: {  	s25 =	simm.s32 $0x13A40;
	s28 =	simm.s32 $0x6;
	s29 =	simm.s32 $0x7  }
0x6: {  	s30 =	simm.s32 $0x9;
	s31 =	simm.s32 $0x8;
	s22 =	simm.s32 $0x16E40  }
0x7: {  	s12 =	simm.s32 $0x0;
	s0 =	sand.u32 $0x1, s0;
	s2 =	sshll.u32 s4, $0x1  }
0x8: {  	s10 =	sadd.s32 $0x19400, s5;
	p0 =	sne.s32 s4, $0x0;
	s6 =	sor.u32 s0, s2  }
0x9: {  	s2 =	simm.s32 $0x0;
	s0 =	ssub.s32 $0x2, s0;
	s3 =	smul.u32 $0xC80, s6  }
0xa: {  	[smem:$0x7FF] =	sst s2;
	s8 =	sshrl.u32 s0, $0x1;
	s9 =	smul.u32 $0x64000, s6  }
0xb: {  	s6 =	sshll.u32 s6, $0x7;
	_ =	strace $0x80000047;
	[dreg:$0x3] =	wrdreg s10  }
0xc: {  	s0 =	ssub.s32 s0, s8;
	s8 =	sadd.s32 $0x3000, s1;
	s7 =	sadd.s32 s3, s5  }
0xd: {  	s3 =	sadd.s32 $0x1A200, s5;
	s5 =	sadd.s32 $0x1A0C00, s5;
	s0 =	smax.u32 s0, $0x1  }
0xe: {  	s7 =	sadd.s32 $0x400, s7;
	s26 =	sadd.s32 s9, s5;
	[dreg:$0x5] =	wrdreg s0  }
0xf: {  	s0 =	sshrl.u32 @!p0 s1, $0x3;
	[dreg:$0x4] =	wrdreg s7;
	s9 =	sadd.s32 $0x63380, s26  }
0x10: {  	[dreg:$0x6] =	wrdreg s0;
	s26 =	simm.s32 $0x4;
	s0 =	simm.s32 $0xA  }
.LBB2_1:
0x11: {  	s7 =	rddreg [dreg:$0x3]  }
0x12: {  	s4 =	simm.s32 @!p0 $0x1C0B;
	s10 =	rddreg [dreg:$0x6]  }
0x13: {  	[spmem:s10], [sflag:s4] =	dma.local @!p0 [hbm:s7], $0xC80  }
0x14: {  	s4 =	simm.s32 @!p0 $0xB  }
0x15: {  	_ =	swait.ge @!p0 [sflag:s4], $0xC80  }
0x16: {  	[sflag:s4] =	ssyncset.done @!p0 $0x0  }
0x17: {  	[sflag:s4] =	ssyncadd.s32 @!p0 $0xFFFFF380  }
0x18: {  	[bflag:$0x0] =	sbarrier.arrive $0xFFFF  }
0x19: {  	s13 =	simm.s32 $0xB;
	s10 =	simm.s32 $0x640;
	s7 =	rddreg [dreg:$0x4]  }
0x1a: {  	[tilespmem:s10], [sflag:$0xB] =	stream.linear.gather [hbm4b:s7+s2], $0x6400, $0x38;
	[tilespmem:$0x1A240] =	vst v63  }
0x1b: {  	_ =	swait.ge [sflag:s13], $0x6400  }
0x1c: {  	[sflag:s13] =	ssyncset.done $0x0  }
0x1d: {  	s14 =	simm.s32 $0x6A40;
	[sflag:s13] =	ssyncadd.s32 $0xFFFF9C00  }
0x1e: {  	[tilespmem:s14], [sflag:$0x1] =	stream.linear.gather [spmem:s1], $0x3000, $0x38;
	[tilespmem:$0x1A240] =	vst v63  }
0x1f: {  	s15 =	simm.s32 $0x9E40  }
0x20: {  	[tilespmem:s15], [sflag:$0x2] =	stream.linear.gather [spmem:s8], $0x3400, $0x38;
	[tilespmem:$0x1A240] =	vst v63  }
0x21: {  	_ = 	snop  }
0x22: {  	[tilespmem:s16], [sflag:$0x3] =	stream.linear.gather [spmem:s1], $0x3000, $0x38;
	[tilespmem:$0x1A240] =	vst v63  }
0x23: {  	s11 =	simm.s32 $0x1  }
0x24: {  	[tilespmem:s17], [sflag:$0x4] =	stream.linear.gather [spmem:s8], $0x3400, $0x38;
	[tilespmem:$0x1A240] =	vst v63  }
0x25: {  	_ =	swait.ge [sflag:s11], $0x3000  }
0x26: {  	[sflag:s11] =	ssyncset.done $0x0  }
0x27: {  	[sflag:s11] =	ssyncadd.s32 $0xFFFFD000  }
0x28: {  	[tilespmem:s14], [sflag:$0x5] =	stream.indirect.gather.add.f32 [hbm:s3], $0x80, s10, s19, $0xb8;
	[tilespmem:$0x1A240] =	vst v63  }
0x29: {  	_ =	swait.ge [sflag:s20], $0x3400  }
0x2a: {  	[sflag:s20] =	ssyncset.done $0x0  }
0x2b: {  	s18 =	simm.s32 $0x6A0;
	s14 =	simm.s32 $0x0;
	[sflag:s20] =	ssyncadd.s32 $0xFFFFCC00  }
0x2c: {  	[tilespmem:s15], [sflag:$0x6] =	stream.indirect.gather.add.f32 [hbm:s3], $0x80, s18, s21, $0xb8;
	[tilespmem:$0x1A240] =	vst v63  }
.LBB2_2:
0x2d: {  	s15 =	sshllo.u32 s14, $0x1  }
0x2e: {  	s4 =	smul.u32 $0x320, s15  }
0x2f: {  	_ =	swait.ge [sflag:s23], $0x3000  }
0x30: {  	[sflag:s23] =	ssyncset.done $0x0;
	s7 =	sshra.s32 s4, $0x2  }
0x31: {  	[sflag:s23] =	ssyncadd.s32 $0xFFFFD000;
	s4 =	sadd.s32 $0x640, s7  }
0x32: {  	[tilespmem:s16], [sflag:$0x7] =	stream.indirect.gather.add.f32 [hbm:s3], $0x80, s4, s19, $0xb8;
	[tilespmem:$0x1A240] =	vst v63  }
0x33: {  	_ =	swait.ge [sflag:s24], $0x3000  }
0x34: {  	p2 =	seq.s32 s14, $0x0;
	[sflag:s24] =	ssyncset.done $0x0  }
0x35: {  	s4 =	simm.s32 @!p2 $0x9;
	[sflag:s24] =	ssyncadd.s32 $0xFFFFD000  }
0x36: {  	_ =	swait.ge @!p2 [sflag:s4], $0x3000  }
0x37: {  	[sflag:s4] =	ssyncset.done @!p2 $0x0  }
0x38: {  	s11 =	simm.s32 $0x0;
	[sflag:s4] =	ssyncadd.s32 @!p2 $0xFFFFD000  }
0x39: {  	v0 =	vld [tilespmem:s11+$0x6DF0]  }
0x3a: {  	v1 =	vld [tilespmem:s11+$0x6A40]  }
0x3b: {  	v2 =	vld [tilespmem:s11+$0x6A50]  }
0x3c: {  	v3 =	vld [tilespmem:s11+$0x6A60]  }
0x3d: {  	v4 =	vld [tilespmem:s11+$0x6A70]  }
0x3e: {  	v5 =	vld [tilespmem:s11+$0x6AC0];
	[tilespmem:s11+$0x13DF0] =	vst v0  }
0x3f: {  	[tilespmem:s11+$0x13A40] =	vst v1;
	v0 =	vld [tilespmem:s11+$0x6AD0]  }
0x40: {  	[tilespmem:s11+$0x13A50] =	vst v2;
	v1 =	vld [tilespmem:s11+$0x6AE0]  }
0x41: {  	[tilespmem:s11+$0x13A60] =	vst v3;
	v2 =	vld [tilespmem:s11+$0x6AF0]  }
0x42: {  	[tilespmem:s11+$0x13A70] =	vst v4;
	v3 =	vld [tilespmem:s11+$0x6B40]  }
0x43: {  	[tilespmem:s11+$0x13AC0] =	vst v5;
	v4 =	vld [tilespmem:s11+$0x6B50]  }
0x44: {  	v5 =	vld [tilespmem:s11+$0x6D50];
	[tilespmem:s11+$0x13AD0] =	vst v0  }
0x45: {  	v0 =	vld [tilespmem:s11+$0x6B60];
	[tilespmem:s11+$0x13AE0] =	vst v1  }
0x46: {  	v1 =	vld [tilespmem:s11+$0x6B70];
	[tilespmem:s11+$0x13AF0] =	vst v2  }
0x47: {  	v2 =	vld [tilespmem:s11+$0x6BC0];
	[tilespmem:s11+$0x13B40] =	vst v3  }
0x48: {  	v3 =	vld [tilespmem:s11+$0x6BD0];
	[tilespmem:s11+$0x13B50] =	vst v4  }
0x49: {  	v4 =	vld [tilespmem:s11+$0x6BE0];
	[tilespmem:s11+$0x13D50] =	vst v5  }
0x4a: {  	[tilespmem:s11+$0x13B60] =	vst v0;
	v0 =	vld [tilespmem:s11+$0x6BF0]  }
0x4b: {  	[tilespmem:s11+$0x13B70] =	vst v1;
	v1 =	vld [tilespmem:s11+$0x6C40]  }
0x4c: {  	[tilespmem:s11+$0x13BC0] =	vst v2;
	v2 =	vld [tilespmem:s11+$0x6C50]  }
0x4d: {  	[tilespmem:s11+$0x13BD0] =	vst v3;
	v3 =	vld [tilespmem:s11+$0x6C60]  }
0x4e: {  	[tilespmem:s11+$0x13BE0] =	vst v4;
	v4 =	vld [tilespmem:s11+$0x6C70]  }
0x4f: {  	[tilespmem:s11+$0x13BF0] =	vst v0;
	v0 =	vld [tilespmem:s11+$0x6CC0]  }
0x50: {  	[tilespmem:s11+$0x13C40] =	vst v1;
	v1 =	vld [tilespmem:s11+$0x6CD0]  }
0x51: {  	[tilespmem:s11+$0x13C50] =	vst v2;
	v2 =	vld [tilespmem:s11+$0x6CE0]  }
0x52: {  	[tilespmem:s11+$0x13C60] =	vst v3;
	v3 =	vld [tilespmem:s11+$0x6CF0]  }
0x53: {  	[tilespmem:s11+$0x13C70] =	vst v4;
	v4 =	vld [tilespmem:s11+$0x6D40]  }
0x54: {  	[tilespmem:s11+$0x13CC0] =	vst v0;
	v0 =	vld [tilespmem:s11+$0x6D60]  }
0x55: {  	[tilespmem:s11+$0x13CD0] =	vst v1;
	v1 =	vld [tilespmem:s11+$0x6D70]  }
0x56: {  	[tilespmem:s11+$0x13CE0] =	vst v2;
	v2 =	vld [tilespmem:s11+$0x6DC0]  }
0x57: {  	s10 =	sshll.u32 s14, $0x2;
	[tilespmem:s11+$0x13CF0] =	vst v3;
	v3 =	vld [tilespmem:s11+$0x6DD0]  }
0x58: {  	s18 =	simm.s32 $0x400;
	s13 =	simm.s32 $0x2000;
	s4 =	sshll.u32 s14, $0x1;
	[tilespmem:s11+$0x13D40] =	vst v4;
	v4 =	vld [tilespmem:s11+$0x6DE0]  }
.LBB2_3:
0x59: {  	p1 =	sne.s32 s13, $0xB000;
	v5 =	vld [tilespmem:s18+$0x6DF0];
	[tilespmem:s11+$0x13D60] =	vst v0  }
0x5a: {  	v0 =	vld [tilespmem:s18+$0x6A40];
	[tilespmem:s11+$0x13D70] =	vst v1  }
0x5b: {  	v1 =	vld [tilespmem:s18+$0x6A50];
	[tilespmem:s11+$0x13DC0] =	vst v2  }
0x5c: {  	v2 =	vld [tilespmem:s18+$0x6A60];
	[tilespmem:s11+$0x13DD0] =	vst v3  }
0x5d: {  	v3 =	vld [tilespmem:s18+$0x6A70];
	[tilespmem:s11+$0x13DE0] =	vst v4;
	s11 =	smov.u32 s18  }
0x5e: {  	v4 =	vld [tilespmem:s11+$0x6AC0];
	[tilespmem:s11+$0x13DF0] =	vst v5  }
0x5f: {  	[tilespmem:s11+$0x13A40] =	vst v0;
	v0 =	vld [tilespmem:s11+$0x6AD0]  }
0x60: {  	[tilespmem:s11+$0x13A50] =	vst v1;
	v1 =	vld [tilespmem:s11+$0x6AE0]  }
0x61: {  	[tilespmem:s11+$0x13A60] =	vst v2;
	v2 =	vld [tilespmem:s11+$0x6AF0]  }
0x62: {  	[tilespmem:s11+$0x13A70] =	vst v3;
	v3 =	vld [tilespmem:s11+$0x6B40]  }
0x63: {  	[tilespmem:s11+$0x13AC0] =	vst v4;
	v4 =	vld [tilespmem:s11+$0x6B50]  }
0x64: {  	[tilespmem:s11+$0x13AD0] =	vst v0;
	v0 =	vld [tilespmem:s11+$0x6B60]  }
0x65: {  	[tilespmem:s11+$0x13AE0] =	vst v1;
	v1 =	vld [tilespmem:s11+$0x6B70]  }
0x66: {  	[tilespmem:s11+$0x13AF0] =	vst v2;
	v2 =	vld [tilespmem:s11+$0x6BC0]  }
0x67: {  	[tilespmem:s11+$0x13B40] =	vst v3;
	v3 =	vld [tilespmem:s11+$0x6BD0]  }
0x68: {  	[tilespmem:s11+$0x13B50] =	vst v4;
	v4 =	vld [tilespmem:s11+$0x6BE0]  }
0x69: {  	[tilespmem:s11+$0x13B60] =	vst v0;
	v0 =	vld [tilespmem:s11+$0x6BF0]  }
0x6a: {  	[tilespmem:s11+$0x13B70] =	vst v1;
	v1 =	vld [tilespmem:s11+$0x6C40]  }
0x6b: {  	[tilespmem:s11+$0x13BC0] =	vst v2;
	v2 =	vld [tilespmem:s11+$0x6C50]  }
0x6c: {  	[tilespmem:s11+$0x13BD0] =	vst v3;
	v3 =	vld [tilespmem:s11+$0x6C60]  }
0x6d: {  	[tilespmem:s11+$0x13BE0] =	vst v4;
	v4 =	vld [tilespmem:s11+$0x6C70]  }
0x6e: {  	[tilespmem:s11+$0x13BF0] =	vst v0;
	v0 =	vld [tilespmem:s11+$0x6CC0]  }
0x6f: {  	[tilespmem:s11+$0x13C40] =	vst v1;
	v1 =	vld [tilespmem:s11+$0x6CD0]  }
0x70: {  	[tilespmem:s11+$0x13C50] =	vst v2;
	v2 =	vld [tilespmem:s11+$0x6CE0]  }
0x71: {  	[tilespmem:s11+$0x13C60] =	vst v3;
	v3 =	vld [tilespmem:s11+$0x6CF0]  }
0x72: {  	[tilespmem:s11+$0x13C70] =	vst v4;
	v4 =	vld [tilespmem:s11+$0x6D40]  }
0x73: {  	[tilespmem:s11+$0x13CC0] =	vst v0;
	v5 =	vld [tilespmem:s11+$0x6D50]  }
.Ltmp0:
0x74: {  	[tilespmem:s11+$0x13CD0] =	vst v1;
	v0 =	vld [tilespmem:s11+$0x6D60];
	(pc) =	sbr.rel @p1 .LBB2_3-.Ltmp0, $4  }
0x75: {  	[tilespmem:s11+$0x13CE0] =	vst v2;
	v1 =	vld [tilespmem:s11+$0x6D70]  }
0x76: {  	[tilespmem:s11+$0x13CF0] =	vst v3;
	v2 =	vld [tilespmem:s11+$0x6DC0]  }
0x77: {  	[tilespmem:s11+$0x13D40] =	vst v4;
	v3 =	vld [tilespmem:s11+$0x6DD0]  }
0x78: {  	s18 =	sshra.s32 s13, $0x2;
	s13 =	sadd.s32 $0x1000, s13;
	[tilespmem:s11+$0x13D50] =	vst v5;
	v4 =	vld [tilespmem:s11+$0x6DE0]  }
0x79: {  	v5 =	vld [tilespmem:s18+$0x6DF0];
	[tilespmem:s11+$0x13D60] =	vst v0  }
0x7a: {  	v0 =	vld [tilespmem:s18+$0x6A40];
	[tilespmem:s11+$0x13D70] =	vst v1  }
0x7b: {  	v1 =	vld [tilespmem:s18+$0x6A50];
	[tilespmem:s11+$0x13DC0] =	vst v2  }
0x7c: {  	v2 =	vld [tilespmem:s18+$0x6A60];
	[tilespmem:s11+$0x13DD0] =	vst v3  }
0x7d: {  	v3 =	vld [tilespmem:s18+$0x6A70];
	[tilespmem:s11+$0x13DE0] =	vst v4  }
0x7e: {  	v4 =	vld [tilespmem:s18+$0x6AC0];
	[tilespmem:s18+$0x13DF0] =	vst v5  }
0x7f: {  	[tilespmem:s18+$0x13A40] =	vst v0;
	v0 =	vld [tilespmem:s18+$0x6AD0]  }
0x80: {  	[tilespmem:s18+$0x13A50] =	vst v1;
	v1 =	vld [tilespmem:s18+$0x6AE0]  }
0x81: {  	[tilespmem:s18+$0x13A60] =	vst v2;
	v2 =	vld [tilespmem:s18+$0x6AF0]  }
0x82: {  	[tilespmem:s18+$0x13A70] =	vst v3;
	v3 =	vld [tilespmem:s18+$0x6B40]  }
0x83: {  	[tilespmem:s18+$0x13AC0] =	vst v4;
	v4 =	vld [tilespmem:s18+$0x6B50]  }
0x84: {  	[tilespmem:s18+$0x13AD0] =	vst v0;
	v0 =	vld [tilespmem:s18+$0x6B60]  }
0x85: {  	[tilespmem:s18+$0x13AE0] =	vst v1;
	v1 =	vld [tilespmem:s18+$0x6B70]  }
0x86: {  	[tilespmem:s18+$0x13AF0] =	vst v2;
	v2 =	vld [tilespmem:s18+$0x6BC0]  }
0x87: {  	[tilespmem:s18+$0x13B40] =	vst v3;
	v3 =	vld [tilespmem:s18+$0x6BD0]  }
0x88: {  	[tilespmem:s18+$0x13B50] =	vst v4;
	v4 =	vld [tilespmem:s18+$0x6BE0]  }
0x89: {  	[tilespmem:s18+$0x13B60] =	vst v0;
	v0 =	vld [tilespmem:s18+$0x6BF0]  }
0x8a: {  	[tilespmem:s18+$0x13B70] =	vst v1;
	v1 =	vld [tilespmem:s18+$0x6C40]  }
0x8b: {  	[tilespmem:s18+$0x13BC0] =	vst v2;
	v2 =	vld [tilespmem:s18+$0x6C50]  }
0x8c: {  	[tilespmem:s18+$0x13BD0] =	vst v3;
	v3 =	vld [tilespmem:s18+$0x6C60]  }
0x8d: {  	[tilespmem:s18+$0x13BE0] =	vst v4;
	v4 =	vld [tilespmem:s18+$0x6C70]  }
0x8e: {  	[tilespmem:s18+$0x13BF0] =	vst v0;
	v0 =	vld [tilespmem:s18+$0x6CC0]  }
0x8f: {  	[tilespmem:s18+$0x13C40] =	vst v1;
	v1 =	vld [tilespmem:s18+$0x6CD0]  }
0x90: {  	[tilespmem:s18+$0x13C50] =	vst v2;
	v2 =	vld [tilespmem:s18+$0x6CE0]  }
0x91: {  	[tilespmem:s18+$0x13C60] =	vst v3;
	v3 =	vld [tilespmem:s18+$0x6CF0]  }
0x92: {  	[tilespmem:s18+$0x13C70] =	vst v4;
	v4 =	vld [tilespmem:s18+$0x6D40]  }
0x93: {  	[tilespmem:s18+$0x13CC0] =	vst v0;
	v0 =	vld [tilespmem:s18+$0x6D50]  }
0x94: {  	[tilespmem:s18+$0x13CD0] =	vst v1;
	v1 =	vld [tilespmem:s18+$0x6D60]  }
0x95: {  	[tilespmem:s18+$0x13CE0] =	vst v2;
	v2 =	vld [tilespmem:s18+$0x6D70]  }
0x96: {  	[tilespmem:s18+$0x13CF0] =	vst v3;
	v3 =	vld [tilespmem:s18+$0x6DC0]  }
0x97: {  	[tilespmem:s18+$0x13D40] =	vst v4;
	v4 =	vld [tilespmem:s18+$0x6DD0]  }
0x98: {  	[tilespmem:s18+$0x13D50] =	vst v0;
	v0 =	vld [tilespmem:s18+$0x6DE0]  }
0x99: {  	[tilespmem:s18+$0x13D60] =	vst v1  }
0x9a: {  	[tilespmem:s18+$0x13D70] =	vst v2  }
0x9b: {  	[tilespmem:s18+$0x13DC0] =	vst v3  }
0x9c: {  	p1 =	seq.s32 s14, $0x3F;
	s4 =	sadd.s32 s6, s4;
	[tilespmem:s18+$0x13DD0] =	vst v4  }
0x9d: {  	s13 =	smul.u32 $0xC80, s4;
	s11 =	simm.s32 @!p1 $0x6A40;
	[tilespmem:s18+$0x13DE0] =	vst v0  }
0x9e: {  	[tilespmem:s11], [sflag:$0x1] =	stream.linear.gather @!p1 [spmem:s1], $0x3000, $0x38;
	[tilespmem:$0x1A240] =	vst v63  }
0x9f: {  	s18 =	sadd.s32 s5, s13  }
0xa0: {  	[hbm4b:s18+s2] =	stream.linear.scatter [tilespmem:s25], [sflag:$0x9], $0x3000, $0x38;
	[tilespmem:$0x1A240] =	vst v63  }
0xa1: {  	_ =	swait.ge [sflag:s26], $0x3400  }
0xa2: {  	[sflag:s26] =	ssyncset.done $0x0  }
0xa3: {  	s7 =	sadd.s32 $0x6A0, s7;
	[sflag:s26] =	ssyncadd.s32 $0xFFFFCC00  }
0xa4: {  	[tilespmem:s17], [sflag:$0x8] =	stream.indirect.gather.add.f32 [hbm:s3], $0x80, s7, s21, $0xb8;
	[tilespmem:$0x1A240] =	vst v63  }
0xa5: {  	_ =	swait.ge [sflag:s28], $0x3400  }
0xa6: {  	[sflag:s28] =	ssyncset.done $0x0  }
0xa7: {  	s7 =	simm.s32 @!p2 $0xA;
	[sflag:s28] =	ssyncadd.s32 $0xFFFFCC00  }
0xa8: {  	_ =	swait.ge @!p2 [sflag:s7], $0x3400  }
0xa9: {  	[sflag:s7] =	ssyncset.done @!p2 $0x0  }
0xaa: {  	s11 =	simm.s32 $0x0;
	[sflag:s7] =	ssyncadd.s32 @!p2 $0xFFFFCC00  }
0xab: {  	v0 =	vld [tilespmem:s11+$0xA1F0]  }
0xac: {  	v1 =	vld [tilespmem:s11+$0x9E40]  }
0xad: {  	v2 =	vld [tilespmem:s11+$0x9E50]  }
0xae: {  	v3 =	vld [tilespmem:s11+$0x9E60]  }
0xaf: {  	v4 =	vld [tilespmem:s11+$0x9E70]  }
0xb0: {  	v5 =	vld [tilespmem:s11+$0x9EC0];
	[tilespmem:s11+$0x171F0] =	vst v0  }
0xb1: {  	[tilespmem:s11+$0x16E40] =	vst v1;
	v0 =	vld [tilespmem:s11+$0x9ED0]  }
0xb2: {  	[tilespmem:s11+$0x16E50] =	vst v2;
	v1 =	vld [tilespmem:s11+$0x9EE0]  }
0xb3: {  	[tilespmem:s11+$0x16E60] =	vst v3;
	v2 =	vld [tilespmem:s11+$0x9EF0]  }
0xb4: {  	[tilespmem:s11+$0x16E70] =	vst v4;
	v3 =	vld [tilespmem:s11+$0x9F40]  }
0xb5: {  	[tilespmem:s11+$0x16EC0] =	vst v5;
	v4 =	vld [tilespmem:s11+$0x9F50]  }
0xb6: {  	v5 =	vld [tilespmem:s11+$0xA150];
	[tilespmem:s11+$0x16ED0] =	vst v0  }
0xb7: {  	v0 =	vld [tilespmem:s11+$0x9F60];
	[tilespmem:s11+$0x16EE0] =	vst v1  }
0xb8: {  	v1 =	vld [tilespmem:s11+$0x9F70];
	[tilespmem:s11+$0x16EF0] =	vst v2  }
0xb9: {  	v2 =	vld [tilespmem:s11+$0x9FC0];
	[tilespmem:s11+$0x16F40] =	vst v3  }
0xba: {  	v3 =	vld [tilespmem:s11+$0x9FD0];
	[tilespmem:s11+$0x16F50] =	vst v4  }
0xbb: {  	v4 =	vld [tilespmem:s11+$0x9FE0];
	[tilespmem:s11+$0x17150] =	vst v5  }
0xbc: {  	[tilespmem:s11+$0x16F60] =	vst v0;
	v0 =	vld [tilespmem:s11+$0x9FF0]  }
0xbd: {  	[tilespmem:s11+$0x16F70] =	vst v1;
	v1 =	vld [tilespmem:s11+$0xA040]  }
0xbe: {  	[tilespmem:s11+$0x16FC0] =	vst v2;
	v2 =	vld [tilespmem:s11+$0xA050]  }
0xbf: {  	[tilespmem:s11+$0x16FD0] =	vst v3;
	v3 =	vld [tilespmem:s11+$0xA060]  }
0xc0: {  	[tilespmem:s11+$0x16FE0] =	vst v4;
	v4 =	vld [tilespmem:s11+$0xA070]  }
0xc1: {  	[tilespmem:s11+$0x16FF0] =	vst v0;
	v0 =	vld [tilespmem:s11+$0xA0C0]  }
0xc2: {  	[tilespmem:s11+$0x17040] =	vst v1;
	v1 =	vld [tilespmem:s11+$0xA0D0]  }
0xc3: {  	[tilespmem:s11+$0x17050] =	vst v2;
	v2 =	vld [tilespmem:s11+$0xA0E0]  }
0xc4: {  	[tilespmem:s11+$0x17060] =	vst v3;
	v3 =	vld [tilespmem:s11+$0xA0F0]  }
0xc5: {  	[tilespmem:s11+$0x17070] =	vst v4;
	v4 =	vld [tilespmem:s11+$0xA140]  }
0xc6: {  	[tilespmem:s11+$0x170C0] =	vst v0;
	v0 =	vld [tilespmem:s11+$0xA160]  }
0xc7: {  	[tilespmem:s11+$0x170D0] =	vst v1;
	v1 =	vld [tilespmem:s11+$0xA170]  }
0xc8: {  	[tilespmem:s11+$0x170E0] =	vst v2;
	v2 =	vld [tilespmem:s11+$0xA1C0]  }
0xc9: {  	[tilespmem:s11+$0x170F0] =	vst v3;
	v3 =	vld [tilespmem:s11+$0xA1D0]  }
0xca: {  	s13 =	simm.s32 $0x400;
	s7 =	sadd.s32 $0x4, s10;
	s10 =	simm.s32 $0x2000;
	[tilespmem:s11+$0x17140] =	vst v4;
	v4 =	vld [tilespmem:s11+$0xA1E0]  }
.LBB2_5:
0xcb: {  	p2 =	sne.s32 s10, $0xC000;
	v5 =	vld [tilespmem:s13+$0xA1F0];
	[tilespmem:s11+$0x17160] =	vst v0  }
0xcc: {  	v0 =	vld [tilespmem:s13+$0x9E40];
	[tilespmem:s11+$0x17170] =	vst v1  }
0xcd: {  	v1 =	vld [tilespmem:s13+$0x9E50];
	[tilespmem:s11+$0x171C0] =	vst v2  }
0xce: {  	v2 =	vld [tilespmem:s13+$0x9E60];
	[tilespmem:s11+$0x171D0] =	vst v3  }
0xcf: {  	v3 =	vld [tilespmem:s13+$0x9E70];
	[tilespmem:s11+$0x171E0] =	vst v4;
	s11 =	smov.u32 s13  }
0xd0: {  	v4 =	vld [tilespmem:s11+$0x9EC0];
	[tilespmem:s11+$0x171F0] =	vst v5  }
0xd1: {  	[tilespmem:s11+$0x16E40] =	vst v0;
	v0 =	vld [tilespmem:s11+$0x9ED0]  }
0xd2: {  	[tilespmem:s11+$0x16E50] =	vst v1;
	v1 =	vld [tilespmem:s11+$0x9EE0]  }
0xd3: {  	[tilespmem:s11+$0x16E60] =	vst v2;
	v2 =	vld [tilespmem:s11+$0x9EF0]  }
0xd4: {  	[tilespmem:s11+$0x16E70] =	vst v3;
	v3 =	vld [tilespmem:s11+$0x9F40]  }
0xd5: {  	[tilespmem:s11+$0x16EC0] =	vst v4;
	v4 =	vld [tilespmem:s11+$0x9F50]  }
0xd6: {  	[tilespmem:s11+$0x16ED0] =	vst v0;
	v0 =	vld [tilespmem:s11+$0x9F60]  }
0xd7: {  	[tilespmem:s11+$0x16EE0] =	vst v1;
	v1 =	vld [tilespmem:s11+$0x9F70]  }
0xd8: {  	[tilespmem:s11+$0x16EF0] =	vst v2;
	v2 =	vld [tilespmem:s11+$0x9FC0]  }
0xd9: {  	[tilespmem:s11+$0x16F40] =	vst v3;
	v3 =	vld [tilespmem:s11+$0x9FD0]  }
0xda: {  	[tilespmem:s11+$0x16F50] =	vst v4;
	v4 =	vld [tilespmem:s11+$0x9FE0]  }
0xdb: {  	[tilespmem:s11+$0x16F60] =	vst v0;
	v0 =	vld [tilespmem:s11+$0x9FF0]  }
0xdc: {  	[tilespmem:s11+$0x16F70] =	vst v1;
	v1 =	vld [tilespmem:s11+$0xA040]  }
0xdd: {  	[tilespmem:s11+$0x16FC0] =	vst v2;
	v2 =	vld [tilespmem:s11+$0xA050]  }
0xde: {  	[tilespmem:s11+$0x16FD0] =	vst v3;
	v3 =	vld [tilespmem:s11+$0xA060]  }
0xdf: {  	[tilespmem:s11+$0x16FE0] =	vst v4;
	v4 =	vld [tilespmem:s11+$0xA070]  }
0xe0: {  	[tilespmem:s11+$0x16FF0] =	vst v0;
	v0 =	vld [tilespmem:s11+$0xA0C0]  }
0xe1: {  	[tilespmem:s11+$0x17040] =	vst v1;
	v1 =	vld [tilespmem:s11+$0xA0D0]  }
0xe2: {  	[tilespmem:s11+$0x17050] =	vst v2;
	v2 =	vld [tilespmem:s11+$0xA0E0]  }
0xe3: {  	[tilespmem:s11+$0x17060] =	vst v3;
	v3 =	vld [tilespmem:s11+$0xA0F0]  }
0xe4: {  	[tilespmem:s11+$0x17070] =	vst v4;
	v4 =	vld [tilespmem:s11+$0xA140]  }
0xe5: {  	[tilespmem:s11+$0x170C0] =	vst v0;
	v5 =	vld [tilespmem:s11+$0xA150]  }
.Ltmp1:
0xe6: {  	[tilespmem:s11+$0x170D0] =	vst v1;
	v0 =	vld [tilespmem:s11+$0xA160];
	(pc) =	sbr.rel @p2 .LBB2_5-.Ltmp1, $4  }
0xe7: {  	[tilespmem:s11+$0x170E0] =	vst v2;
	v1 =	vld [tilespmem:s11+$0xA170]  }
0xe8: {  	[tilespmem:s11+$0x170F0] =	vst v3;
	v2 =	vld [tilespmem:s11+$0xA1C0]  }
0xe9: {  	[tilespmem:s11+$0x17140] =	vst v4;
	v3 =	vld [tilespmem:s11+$0xA1D0]  }
0xea: {  	s13 =	sshra.s32 s10, $0x2;
	s10 =	sadd.s32 $0x1000, s10;
	[tilespmem:s11+$0x17150] =	vst v5;
	v4 =	vld [tilespmem:s11+$0xA1E0]  }
0xeb: {  	v5 =	vld [tilespmem:s13+$0xA1F0];
	[tilespmem:s11+$0x17160] =	vst v0  }
0xec: {  	v0 =	vld [tilespmem:s13+$0x9E40];
	[tilespmem:s11+$0x17170] =	vst v1  }
0xed: {  	v1 =	vld [tilespmem:s13+$0x9E50];
	[tilespmem:s11+$0x171C0] =	vst v2  }
0xee: {  	v2 =	vld [tilespmem:s13+$0x9E60];
	[tilespmem:s11+$0x171D0] =	vst v3  }
0xef: {  	v3 =	vld [tilespmem:s13+$0x9E70];
	[tilespmem:s11+$0x171E0] =	vst v4  }
0xf0: {  	v4 =	vld [tilespmem:s13+$0x9EC0];
	[tilespmem:s13+$0x171F0] =	vst v5  }
0xf1: {  	[tilespmem:s13+$0x16E40] =	vst v0;
	v0 =	vld [tilespmem:s13+$0x9ED0]  }
0xf2: {  	[tilespmem:s13+$0x16E50] =	vst v1;
	v1 =	vld [tilespmem:s13+$0x9EE0]  }
0xf3: {  	[tilespmem:s13+$0x16E60] =	vst v2;
	v2 =	vld [tilespmem:s13+$0x9EF0]  }
0xf4: {  	[tilespmem:s13+$0x16E70] =	vst v3;
	v3 =	vld [tilespmem:s13+$0x9F40]  }
0xf5: {  	[tilespmem:s13+$0x16EC0] =	vst v4;
	v4 =	vld [tilespmem:s13+$0x9F50]  }
0xf6: {  	[tilespmem:s13+$0x16ED0] =	vst v0;
	v0 =	vld [tilespmem:s13+$0x9F60]  }
0xf7: {  	[tilespmem:s13+$0x16EE0] =	vst v1;
	v1 =	vld [tilespmem:s13+$0x9F70]  }
0xf8: {  	[tilespmem:s13+$0x16EF0] =	vst v2;
	v2 =	vld [tilespmem:s13+$0x9FC0]  }
0xf9: {  	[tilespmem:s13+$0x16F40] =	vst v3;
	v3 =	vld [tilespmem:s13+$0x9FD0]  }
0xfa: {  	[tilespmem:s13+$0x16F50] =	vst v4;
	v4 =	vld [tilespmem:s13+$0x9FE0]  }
0xfb: {  	[tilespmem:s13+$0x16F60] =	vst v0;
	v0 =	vld [tilespmem:s13+$0x9FF0]  }
0xfc: {  	[tilespmem:s13+$0x16F70] =	vst v1;
	v1 =	vld [tilespmem:s13+$0xA040]  }
0xfd: {  	[tilespmem:s13+$0x16FC0] =	vst v2;
	v2 =	vld [tilespmem:s13+$0xA050]  }
0xfe: {  	[tilespmem:s13+$0x16FD0] =	vst v3;
	v3 =	vld [tilespmem:s13+$0xA060]  }
0xff: {  	[tilespmem:s13+$0x16FE0] =	vst v4;
	v4 =	vld [tilespmem:s13+$0xA070]  }
0x100: {  	[tilespmem:s13+$0x16FF0] =	vst v0;
	v0 =	vld [tilespmem:s13+$0xA0C0]  }
0x101: {  	[tilespmem:s13+$0x17040] =	vst v1;
	v1 =	vld [tilespmem:s13+$0xA0D0]  }
0x102: {  	[tilespmem:s13+$0x17050] =	vst v2;
	v2 =	vld [tilespmem:s13+$0xA0E0]  }
0x103: {  	[tilespmem:s13+$0x17060] =	vst v3;
	v3 =	vld [tilespmem:s13+$0xA0F0]  }
0x104: {  	[tilespmem:s13+$0x17070] =	vst v4;
	v4 =	vld [tilespmem:s13+$0xA140]  }
0x105: {  	[tilespmem:s13+$0x170C0] =	vst v0;
	v0 =	vld [tilespmem:s13+$0xA150]  }
0x106: {  	[tilespmem:s13+$0x170D0] =	vst v1;
	v1 =	vld [tilespmem:s13+$0xA160]  }
0x107: {  	[tilespmem:s13+$0x170E0] =	vst v2;
	v2 =	vld [tilespmem:s13+$0xA170]  }
0x108: {  	[tilespmem:s13+$0x170F0] =	vst v3;
	v3 =	vld [tilespmem:s13+$0xA1C0]  }
0x109: {  	[tilespmem:s13+$0x17140] =	vst v4;
	v4 =	vld [tilespmem:s13+$0xA1D0]  }
0x10a: {  	[tilespmem:s13+$0x17150] =	vst v0;
	v0 =	vld [tilespmem:s13+$0xA1E0]  }
0x10b: {  	s10 =	smul.u32 @p1 $0x6400, s4;
	[tilespmem:s13+$0x17160] =	vst v1  }
0x10c: {  	s4 =	smul.u32 @!p1 $0x6400, s4;
	[tilespmem:s13+$0x17170] =	vst v2  }
0x10d: {  	s10 =	sshrl.u32 @p1 s10, $0x3;
	[tilespmem:s13+$0x171C0] =	vst v3  }
0x10e: {  	s4 =	sshrl.u32 @!p1 s4, $0x3;
	s10 =	sadd.s32 @p1 s5, s10;
	[tilespmem:s13+$0x171D0] =	vst v4  }
0x10f: {  	s10 =	sadd.s32 @p1 $0x600, s10;
	s11 =	simm.s32 @p1 $0x0;
	[tilespmem:s13+$0x171E0] =	vst v0;
	s13 =	simm.s32 @p1 $0x16E40  }
0x110: {  	[hbm4b:s10+s11] =	stream.linear.scatter @p1 [tilespmem:s13], [sflag:$0xA], $0x3400, $0x38;
	[tilespmem:$0x1A240] =	vst v63  }
0x111: {  	s4 =	sadd.s32 @!p1 s5, s4;
	s10 =	simm.s32 @!p1 $0x9E40  }
0x112: {  	[tilespmem:s10], [sflag:$0x2] =	stream.linear.gather @!p1 [spmem:s8], $0x3400, $0x38;
	[tilespmem:$0x1A240] =	vst v63  }
0x113: {  	s4 =	sadd.s32 @!p1 $0x600, s4;
	s11 =	simm.s32 @!p1 $0x16E40;
	s10 =	simm.s32 @!p1 $0x0  }
0x114: {  	[hbm4b:s4+s10] =	stream.linear.scatter @!p1 [tilespmem:s11], [sflag:$0xA], $0x3400, $0x38;
	[tilespmem:$0x1A240] =	vst v63  }
0x115: {  	s7 =	sshrl.u32 @!p1 s7, $0x1;
	s4 =	simm.s32 @!p1 $0x1  }
0x116: {  	s7 =	smul.u32 @!p1 $0x320, s7;
	_ =	swait.ge @!p1 [sflag:s4], $0x3000  }
0x117: {  	[sflag:s4] =	ssyncset.done @!p1 $0x0  }
0x118: {  	[sflag:s4] =	ssyncadd.s32 @!p1 $0xFFFFD000;
	s4 =	sshra.s32 @!p1 s7, $0x2  }
0x119: {  	s10 =	simm.s32 @!p1 $0x60;
	s11 =	simm.s32 @!p1 $0x6A40;
	s7 =	sadd.s32 @!p1 $0x640, s4  }
0x11a: {  	[tilespmem:s11], [sflag:$0x5] =	stream.indirect.gather.add.f32 @!p1 [hbm:s3], $0x80, s7, s10, $0xb8;
	[tilespmem:$0x1A240] =	vst v63  }
0x11b: {  	_ =	swait.ge [sflag:s29], $0x3000  }
0x11c: {  	[sflag:s29] =	ssyncset.done $0x0  }
0x11d: {  	[sflag:s29] =	ssyncadd.s32 $0xFFFFD000  }
0x11e: {  	_ =	swait.ge [sflag:s30], $0x3000  }
0x11f: {  	[sflag:s30] =	ssyncset.done $0x0  }
0x120: {  	s7 =	simm.s32 $0x0;
	[sflag:s30] =	ssyncadd.s32 $0xFFFFD000  }
0x121: {  	v0 =	vld [tilespmem:s7+$0xD5F0]  }
0x122: {  	v1 =	vld [tilespmem:s7+$0xD240]  }
0x123: {  	v2 =	vld [tilespmem:s7+$0xD250]  }
0x124: {  	v3 =	vld [tilespmem:s7+$0xD260]  }
0x125: {  	v4 =	vld [tilespmem:s7+$0xD270]  }
0x126: {  	v5 =	vld [tilespmem:s7+$0xD2C0];
	[tilespmem:s7+$0x13DF0] =	vst v0  }
0x127: {  	[tilespmem:s7+$0x13A40] =	vst v1;
	v0 =	vld [tilespmem:s7+$0xD2D0]  }
0x128: {  	[tilespmem:s7+$0x13A50] =	vst v2;
	v1 =	vld [tilespmem:s7+$0xD2E0]  }
0x129: {  	[tilespmem:s7+$0x13A60] =	vst v3;
	v2 =	vld [tilespmem:s7+$0xD2F0]  }
0x12a: {  	[tilespmem:s7+$0x13A70] =	vst v4;
	v3 =	vld [tilespmem:s7+$0xD340]  }
0x12b: {  	[tilespmem:s7+$0x13AC0] =	vst v5;
	v4 =	vld [tilespmem:s7+$0xD350]  }
0x12c: {  	v5 =	vld [tilespmem:s7+$0xD550];
	[tilespmem:s7+$0x13AD0] =	vst v0  }
0x12d: {  	v0 =	vld [tilespmem:s7+$0xD360];
	[tilespmem:s7+$0x13AE0] =	vst v1  }
0x12e: {  	v1 =	vld [tilespmem:s7+$0xD370];
	[tilespmem:s7+$0x13AF0] =	vst v2  }
0x12f: {  	v2 =	vld [tilespmem:s7+$0xD3C0];
	[tilespmem:s7+$0x13B40] =	vst v3  }
0x130: {  	v3 =	vld [tilespmem:s7+$0xD3D0];
	[tilespmem:s7+$0x13B50] =	vst v4  }
0x131: {  	v4 =	vld [tilespmem:s7+$0xD3E0];
	[tilespmem:s7+$0x13D50] =	vst v5  }
0x132: {  	[tilespmem:s7+$0x13B60] =	vst v0;
	v0 =	vld [tilespmem:s7+$0xD3F0]  }
0x133: {  	[tilespmem:s7+$0x13B70] =	vst v1;
	v1 =	vld [tilespmem:s7+$0xD440]  }
0x134: {  	[tilespmem:s7+$0x13BC0] =	vst v2;
	v2 =	vld [tilespmem:s7+$0xD450]  }
0x135: {  	[tilespmem:s7+$0x13BD0] =	vst v3;
	v3 =	vld [tilespmem:s7+$0xD460]  }
0x136: {  	[tilespmem:s7+$0x13BE0] =	vst v4;
	v4 =	vld [tilespmem:s7+$0xD470]  }
0x137: {  	[tilespmem:s7+$0x13BF0] =	vst v0;
	v0 =	vld [tilespmem:s7+$0xD4C0]  }
0x138: {  	[tilespmem:s7+$0x13C40] =	vst v1;
	v1 =	vld [tilespmem:s7+$0xD4D0]  }
0x139: {  	[tilespmem:s7+$0x13C50] =	vst v2;
	v2 =	vld [tilespmem:s7+$0xD4E0]  }
0x13a: {  	[tilespmem:s7+$0x13C60] =	vst v3;
	v3 =	vld [tilespmem:s7+$0xD4F0]  }
0x13b: {  	[tilespmem:s7+$0x13C70] =	vst v4;
	v4 =	vld [tilespmem:s7+$0xD540]  }
0x13c: {  	[tilespmem:s7+$0x13CC0] =	vst v0;
	v0 =	vld [tilespmem:s7+$0xD560]  }
0x13d: {  	[tilespmem:s7+$0x13CD0] =	vst v1;
	v1 =	vld [tilespmem:s7+$0xD570]  }
0x13e: {  	[tilespmem:s7+$0x13CE0] =	vst v2;
	v2 =	vld [tilespmem:s7+$0xD5C0]  }
0x13f: {  	[tilespmem:s7+$0x13CF0] =	vst v3;
	v3 =	vld [tilespmem:s7+$0xD5D0]  }
0x140: {  	s11 =	simm.s32 $0x400;
	s10 =	simm.s32 $0x2000;
	[tilespmem:s7+$0x13D40] =	vst v4;
	v4 =	vld [tilespmem:s7+$0xD5E0]  }
.LBB2_7:
0x141: {  	p2 =	sne.s32 s10, $0xB000;
	v5 =	vld [tilespmem:s11+$0xD5F0];
	[tilespmem:s7+$0x13D60] =	vst v0  }
0x142: {  	v0 =	vld [tilespmem:s11+$0xD240];
	[tilespmem:s7+$0x13D70] =	vst v1  }
0x143: {  	v1 =	vld [tilespmem:s11+$0xD250];
	[tilespmem:s7+$0x13DC0] =	vst v2  }
0x144: {  	v2 =	vld [tilespmem:s11+$0xD260];
	[tilespmem:s7+$0x13DD0] =	vst v3  }
0x145: {  	v3 =	vld [tilespmem:s11+$0xD270];
	[tilespmem:s7+$0x13DE0] =	vst v4;
	s7 =	smov.u32 s11  }
0x146: {  	v4 =	vld [tilespmem:s7+$0xD2C0];
	[tilespmem:s7+$0x13DF0] =	vst v5  }
0x147: {  	[tilespmem:s7+$0x13A40] =	vst v0;
	v0 =	vld [tilespmem:s7+$0xD2D0]  }
0x148: {  	[tilespmem:s7+$0x13A50] =	vst v1;
	v1 =	vld [tilespmem:s7+$0xD2E0]  }
0x149: {  	[tilespmem:s7+$0x13A60] =	vst v2;
	v2 =	vld [tilespmem:s7+$0xD2F0]  }
0x14a: {  	[tilespmem:s7+$0x13A70] =	vst v3;
	v3 =	vld [tilespmem:s7+$0xD340]  }
0x14b: {  	[tilespmem:s7+$0x13AC0] =	vst v4;
	v4 =	vld [tilespmem:s7+$0xD350]  }
0x14c: {  	[tilespmem:s7+$0x13AD0] =	vst v0;
	v0 =	vld [tilespmem:s7+$0xD360]  }
0x14d: {  	[tilespmem:s7+$0x13AE0] =	vst v1;
	v1 =	vld [tilespmem:s7+$0xD370]  }
0x14e: {  	[tilespmem:s7+$0x13AF0] =	vst v2;
	v2 =	vld [tilespmem:s7+$0xD3C0]  }
0x14f: {  	[tilespmem:s7+$0x13B40] =	vst v3;
	v3 =	vld [tilespmem:s7+$0xD3D0]  }
0x150: {  	[tilespmem:s7+$0x13B50] =	vst v4;
	v4 =	vld [tilespmem:s7+$0xD3E0]  }
0x151: {  	[tilespmem:s7+$0x13B60] =	vst v0;
	v0 =	vld [tilespmem:s7+$0xD3F0]  }
0x152: {  	[tilespmem:s7+$0x13B70] =	vst v1;
	v1 =	vld [tilespmem:s7+$0xD440]  }
0x153: {  	[tilespmem:s7+$0x13BC0] =	vst v2;
	v2 =	vld [tilespmem:s7+$0xD450]  }
0x154: {  	[tilespmem:s7+$0x13BD0] =	vst v3;
	v3 =	vld [tilespmem:s7+$0xD460]  }
0x155: {  	[tilespmem:s7+$0x13BE0] =	vst v4;
	v4 =	vld [tilespmem:s7+$0xD470]  }
0x156: {  	[tilespmem:s7+$0x13BF0] =	vst v0;
	v0 =	vld [tilespmem:s7+$0xD4C0]  }
0x157: {  	[tilespmem:s7+$0x13C40] =	vst v1;
	v1 =	vld [tilespmem:s7+$0xD4D0]  }
0x158: {  	[tilespmem:s7+$0x13C50] =	vst v2;
	v2 =	vld [tilespmem:s7+$0xD4E0]  }
0x159: {  	[tilespmem:s7+$0x13C60] =	vst v3;
	v3 =	vld [tilespmem:s7+$0xD4F0]  }
0x15a: {  	[tilespmem:s7+$0x13C70] =	vst v4;
	v4 =	vld [tilespmem:s7+$0xD540]  }
0x15b: {  	[tilespmem:s7+$0x13CC0] =	vst v0;
	v5 =	vld [tilespmem:s7+$0xD550]  }
.Ltmp2:
0x15c: {  	[tilespmem:s7+$0x13CD0] =	vst v1;
	v0 =	vld [tilespmem:s7+$0xD560];
	(pc) =	sbr.rel @p2 .LBB2_7-.Ltmp2, $4  }
0x15d: {  	[tilespmem:s7+$0x13CE0] =	vst v2;
	v1 =	vld [tilespmem:s7+$0xD570]  }
0x15e: {  	[tilespmem:s7+$0x13CF0] =	vst v3;
	v2 =	vld [tilespmem:s7+$0xD5C0]  }
0x15f: {  	[tilespmem:s7+$0x13D40] =	vst v4;
	v3 =	vld [tilespmem:s7+$0xD5D0]  }
0x160: {  	s11 =	sshra.s32 s10, $0x2;
	s10 =	sadd.s32 $0x1000, s10;
	[tilespmem:s7+$0x13D50] =	vst v5;
	v4 =	vld [tilespmem:s7+$0xD5E0]  }
0x161: {  	v5 =	vld [tilespmem:s11+$0xD5F0];
	[tilespmem:s7+$0x13D60] =	vst v0  }
0x162: {  	v0 =	vld [tilespmem:s11+$0xD240];
	[tilespmem:s7+$0x13D70] =	vst v1  }
0x163: {  	v1 =	vld [tilespmem:s11+$0xD250];
	[tilespmem:s7+$0x13DC0] =	vst v2  }
0x164: {  	v2 =	vld [tilespmem:s11+$0xD260];
	[tilespmem:s7+$0x13DD0] =	vst v3  }
0x165: {  	v3 =	vld [tilespmem:s11+$0xD270];
	[tilespmem:s7+$0x13DE0] =	vst v4  }
0x166: {  	v4 =	vld [tilespmem:s11+$0xD2C0];
	[tilespmem:s11+$0x13DF0] =	vst v5  }
0x167: {  	[tilespmem:s11+$0x13A40] =	vst v0;
	v0 =	vld [tilespmem:s11+$0xD2D0]  }
0x168: {  	[tilespmem:s11+$0x13A50] =	vst v1;
	v1 =	vld [tilespmem:s11+$0xD2E0]  }
0x169: {  	[tilespmem:s11+$0x13A60] =	vst v2;
	v2 =	vld [tilespmem:s11+$0xD2F0]  }
0x16a: {  	[tilespmem:s11+$0x13A70] =	vst v3;
	v3 =	vld [tilespmem:s11+$0xD340]  }
0x16b: {  	[tilespmem:s11+$0x13AC0] =	vst v4;
	v4 =	vld [tilespmem:s11+$0xD350]  }
0x16c: {  	[tilespmem:s11+$0x13AD0] =	vst v0;
	v0 =	vld [tilespmem:s11+$0xD360]  }
0x16d: {  	[tilespmem:s11+$0x13AE0] =	vst v1;
	v1 =	vld [tilespmem:s11+$0xD370]  }
0x16e: {  	[tilespmem:s11+$0x13AF0] =	vst v2;
	v2 =	vld [tilespmem:s11+$0xD3C0]  }
0x16f: {  	[tilespmem:s11+$0x13B40] =	vst v3;
	v3 =	vld [tilespmem:s11+$0xD3D0]  }
0x170: {  	[tilespmem:s11+$0x13B50] =	vst v4;
	v4 =	vld [tilespmem:s11+$0xD3E0]  }
0x171: {  	[tilespmem:s11+$0x13B60] =	vst v0;
	v0 =	vld [tilespmem:s11+$0xD3F0]  }
0x172: {  	[tilespmem:s11+$0x13B70] =	vst v1;
	v1 =	vld [tilespmem:s11+$0xD440]  }
0x173: {  	[tilespmem:s11+$0x13BC0] =	vst v2;
	v2 =	vld [tilespmem:s11+$0xD450]  }
0x174: {  	[tilespmem:s11+$0x13BD0] =	vst v3;
	v3 =	vld [tilespmem:s11+$0xD460]  }
0x175: {  	[tilespmem:s11+$0x13BE0] =	vst v4;
	v4 =	vld [tilespmem:s11+$0xD470]  }
0x176: {  	[tilespmem:s11+$0x13BF0] =	vst v0;
	v0 =	vld [tilespmem:s11+$0xD4C0]  }
0x177: {  	[tilespmem:s11+$0x13C40] =	vst v1;
	v1 =	vld [tilespmem:s11+$0xD4D0]  }
0x178: {  	[tilespmem:s11+$0x13C50] =	vst v2;
	v2 =	vld [tilespmem:s11+$0xD4E0]  }
0x179: {  	[tilespmem:s11+$0x13C60] =	vst v3;
	v3 =	vld [tilespmem:s11+$0xD4F0]  }
0x17a: {  	[tilespmem:s11+$0x13C70] =	vst v4;
	v4 =	vld [tilespmem:s11+$0xD540]  }
0x17b: {  	[tilespmem:s11+$0x13CC0] =	vst v0;
	v0 =	vld [tilespmem:s11+$0xD550]  }
0x17c: {  	[tilespmem:s11+$0x13CD0] =	vst v1;
	v1 =	vld [tilespmem:s11+$0xD560]  }
0x17d: {  	[tilespmem:s11+$0x13CE0] =	vst v2;
	v2 =	vld [tilespmem:s11+$0xD570]  }
0x17e: {  	[tilespmem:s11+$0x13CF0] =	vst v3;
	v3 =	vld [tilespmem:s11+$0xD5C0]  }
0x17f: {  	[tilespmem:s11+$0x13D40] =	vst v4;
	v4 =	vld [tilespmem:s11+$0xD5D0]  }
0x180: {  	[tilespmem:s11+$0x13D50] =	vst v0;
	v0 =	vld [tilespmem:s11+$0xD5E0]  }
0x181: {  	[tilespmem:s11+$0x13D60] =	vst v1  }
0x182: {  	[tilespmem:s11+$0x13D70] =	vst v2  }
0x183: {  	[tilespmem:s11+$0x13DC0] =	vst v3  }
0x184: {  	[tilespmem:s11+$0x13DD0] =	vst v4  }
0x185: {  	s10 =	simm.s32 @p1 $0x13A40;
	s7 =	simm.s32 @p1 $0x0;
	[tilespmem:s11+$0x13DE0] =	vst v0  }
0x186: {  	[hbm4b:s9+s7] =	stream.linear.scatter @p1 [tilespmem:s10], [sflag:$0x9], $0x3000, $0x38;
	[tilespmem:$0x1A240] =	vst v63  }
0x187: {  	s7 =	sadd.s32 @!p1 s6, s15  }
0x188: {  	s10 =	simm.s32 @!p1 $0xD240;
	s7 =	smul.u32 @!p1 $0xC80, s7  }
0x189: {  	[tilespmem:s10], [sflag:$0x3] =	stream.linear.gather @!p1 [spmem:s1], $0x3000, $0x38;
	[tilespmem:$0x1A240] =	vst v63  }
0x18a: {  	s11 =	simm.s32 @!p1 $0x13A40;
	s10 =	simm.s32 @!p1 $0x0;
	s7 =	sadd.s32 @!p1 s5, s7  }
0x18b: {  	[hbm4b:s7+s10] =	stream.linear.scatter @!p1 [tilespmem:s11], [sflag:$0x9], $0x3000, $0x38;
	[tilespmem:$0x1A240] =	vst v63  }
0x18c: {  	s7 =	simm.s32 @!p1 $0x2  }
0x18d: {  	_ =	swait.ge @!p1 [sflag:s7], $0x3400  }
0x18e: {  	s4 =	sadd.s32 @!p1 $0x6A0, s4;
	[sflag:s7] =	ssyncset.done @!p1 $0x0  }
0x18f: {  	s10 =	simm.s32 @!p1 $0x9E40;
	[sflag:s7] =	ssyncadd.s32 @!p1 $0xFFFFCC00;
	s7 =	simm.s32 @!p1 $0x68  }
0x190: {  	[tilespmem:s10], [sflag:$0x6] =	stream.indirect.gather.add.f32 @!p1 [hbm:s3], $0x80, s4, s7, $0xb8;
	[tilespmem:$0x1A240] =	vst v63  }
0x191: {  	_ =	swait.ge [sflag:s31], $0x3400  }
0x192: {  	[sflag:s31] =	ssyncset.done $0x0  }
0x193: {  	[sflag:s31] =	ssyncadd.s32 $0xFFFFCC00  }
0x194: {  	_ =	swait.ge [sflag:s0], $0x3400  }
0x195: {  	[sflag:s0] =	ssyncset.done $0x0  }
0x196: {  	s4 =	simm.s32 $0x0;
	[sflag:s0] =	ssyncadd.s32 $0xFFFFCC00  }
0x197: {  	v0 =	vld [tilespmem:s4+$0x109F0]  }
0x198: {  	v1 =	vld [tilespmem:s4+$0x10640]  }
0x199: {  	v2 =	vld [tilespmem:s4+$0x10650]  }
0x19a: {  	v3 =	vld [tilespmem:s4+$0x10660]  }
0x19b: {  	v4 =	vld [tilespmem:s4+$0x10670]  }
0x19c: {  	v5 =	vld [tilespmem:s4+$0x106C0];
	[tilespmem:s4+$0x171F0] =	vst v0  }
0x19d: {  	[tilespmem:s4+$0x16E40] =	vst v1;
	v0 =	vld [tilespmem:s4+$0x106D0]  }
0x19e: {  	[tilespmem:s4+$0x16E50] =	vst v2;
	v1 =	vld [tilespmem:s4+$0x106E0]  }
0x19f: {  	[tilespmem:s4+$0x16E60] =	vst v3;
	v2 =	vld [tilespmem:s4+$0x106F0]  }
0x1a0: {  	[tilespmem:s4+$0x16E70] =	vst v4;
	v3 =	vld [tilespmem:s4+$0x10740]  }
0x1a1: {  	[tilespmem:s4+$0x16EC0] =	vst v5;
	v4 =	vld [tilespmem:s4+$0x10750]  }
0x1a2: {  	v5 =	vld [tilespmem:s4+$0x10950];
	[tilespmem:s4+$0x16ED0] =	vst v0  }
0x1a3: {  	v0 =	vld [tilespmem:s4+$0x10760];
	[tilespmem:s4+$0x16EE0] =	vst v1  }
0x1a4: {  	v1 =	vld [tilespmem:s4+$0x10770];
	[tilespmem:s4+$0x16EF0] =	vst v2  }
0x1a5: {  	v2 =	vld [tilespmem:s4+$0x107C0];
	[tilespmem:s4+$0x16F40] =	vst v3  }
0x1a6: {  	v3 =	vld [tilespmem:s4+$0x107D0];
	[tilespmem:s4+$0x16F50] =	vst v4  }
0x1a7: {  	v4 =	vld [tilespmem:s4+$0x107E0];
	[tilespmem:s4+$0x17150] =	vst v5  }
0x1a8: {  	[tilespmem:s4+$0x16F60] =	vst v0;
	v0 =	vld [tilespmem:s4+$0x107F0]  }
0x1a9: {  	[tilespmem:s4+$0x16F70] =	vst v1;
	v1 =	vld [tilespmem:s4+$0x10840]  }
0x1aa: {  	[tilespmem:s4+$0x16FC0] =	vst v2;
	v2 =	vld [tilespmem:s4+$0x10850]  }
0x1ab: {  	[tilespmem:s4+$0x16FD0] =	vst v3;
	v3 =	vld [tilespmem:s4+$0x10860]  }
0x1ac: {  	[tilespmem:s4+$0x16FE0] =	vst v4;
	v4 =	vld [tilespmem:s4+$0x10870]  }
0x1ad: {  	[tilespmem:s4+$0x16FF0] =	vst v0;
	v0 =	vld [tilespmem:s4+$0x108C0]  }
0x1ae: {  	[tilespmem:s4+$0x17040] =	vst v1;
	v1 =	vld [tilespmem:s4+$0x108D0]  }
0x1af: {  	[tilespmem:s4+$0x17050] =	vst v2;
	v2 =	vld [tilespmem:s4+$0x108E0]  }
0x1b0: {  	[tilespmem:s4+$0x17060] =	vst v3;
	v3 =	vld [tilespmem:s4+$0x108F0]  }
0x1b1: {  	[tilespmem:s4+$0x17070] =	vst v4;
	v4 =	vld [tilespmem:s4+$0x10940]  }
0x1b2: {  	[tilespmem:s4+$0x170C0] =	vst v0;
	v0 =	vld [tilespmem:s4+$0x10960]  }
0x1b3: {  	[tilespmem:s4+$0x170D0] =	vst v1;
	v1 =	vld [tilespmem:s4+$0x10970]  }
0x1b4: {  	[tilespmem:s4+$0x170E0] =	vst v2;
	v2 =	vld [tilespmem:s4+$0x109C0]  }
0x1b5: {  	[tilespmem:s4+$0x170F0] =	vst v3;
	v3 =	vld [tilespmem:s4+$0x109D0]  }
0x1b6: {  	s10 =	simm.s32 $0x400;
	s7 =	simm.s32 $0x2000;
	[tilespmem:s4+$0x17140] =	vst v4;
	v4 =	vld [tilespmem:s4+$0x109E0]  }
.LBB2_9:
0x1b7: {  	p2 =	sne.s32 s7, $0xC000;
	v5 =	vld [tilespmem:s10+$0x109F0];
	[tilespmem:s4+$0x17160] =	vst v0  }
0x1b8: {  	v0 =	vld [tilespmem:s10+$0x10640];
	[tilespmem:s4+$0x17170] =	vst v1  }
0x1b9: {  	v1 =	vld [tilespmem:s10+$0x10650];
	[tilespmem:s4+$0x171C0] =	vst v2  }
0x1ba: {  	v2 =	vld [tilespmem:s10+$0x10660];
	[tilespmem:s4+$0x171D0] =	vst v3  }
0x1bb: {  	v3 =	vld [tilespmem:s10+$0x10670];
	[tilespmem:s4+$0x171E0] =	vst v4;
	s4 =	smov.u32 s10  }
0x1bc: {  	v4 =	vld [tilespmem:s4+$0x106C0];
	[tilespmem:s4+$0x171F0] =	vst v5  }
0x1bd: {  	[tilespmem:s4+$0x16E40] =	vst v0;
	v0 =	vld [tilespmem:s4+$0x106D0]  }
0x1be: {  	[tilespmem:s4+$0x16E50] =	vst v1;
	v1 =	vld [tilespmem:s4+$0x106E0]  }
0x1bf: {  	[tilespmem:s4+$0x16E60] =	vst v2;
	v2 =	vld [tilespmem:s4+$0x106F0]  }
0x1c0: {  	[tilespmem:s4+$0x16E70] =	vst v3;
	v3 =	vld [tilespmem:s4+$0x10740]  }
0x1c1: {  	[tilespmem:s4+$0x16EC0] =	vst v4;
	v4 =	vld [tilespmem:s4+$0x10750]  }
0x1c2: {  	[tilespmem:s4+$0x16ED0] =	vst v0;
	v0 =	vld [tilespmem:s4+$0x10760]  }
0x1c3: {  	[tilespmem:s4+$0x16EE0] =	vst v1;
	v1 =	vld [tilespmem:s4+$0x10770]  }
0x1c4: {  	[tilespmem:s4+$0x16EF0] =	vst v2;
	v2 =	vld [tilespmem:s4+$0x107C0]  }
0x1c5: {  	[tilespmem:s4+$0x16F40] =	vst v3;
	v3 =	vld [tilespmem:s4+$0x107D0]  }
0x1c6: {  	[tilespmem:s4+$0x16F50] =	vst v4;
	v4 =	vld [tilespmem:s4+$0x107E0]  }
0x1c7: {  	[tilespmem:s4+$0x16F60] =	vst v0;
	v0 =	vld [tilespmem:s4+$0x107F0]  }
0x1c8: {  	[tilespmem:s4+$0x16F70] =	vst v1;
	v1 =	vld [tilespmem:s4+$0x10840]  }
0x1c9: {  	[tilespmem:s4+$0x16FC0] =	vst v2;
	v2 =	vld [tilespmem:s4+$0x10850]  }
0x1ca: {  	[tilespmem:s4+$0x16FD0] =	vst v3;
	v3 =	vld [tilespmem:s4+$0x10860]  }
0x1cb: {  	[tilespmem:s4+$0x16FE0] =	vst v4;
	v4 =	vld [tilespmem:s4+$0x10870]  }
0x1cc: {  	[tilespmem:s4+$0x16FF0] =	vst v0;
	v0 =	vld [tilespmem:s4+$0x108C0]  }
0x1cd: {  	[tilespmem:s4+$0x17040] =	vst v1;
	v1 =	vld [tilespmem:s4+$0x108D0]  }
0x1ce: {  	[tilespmem:s4+$0x17050] =	vst v2;
	v2 =	vld [tilespmem:s4+$0x108E0]  }
0x1cf: {  	[tilespmem:s4+$0x17060] =	vst v3;
	v3 =	vld [tilespmem:s4+$0x108F0]  }
0x1d0: {  	[tilespmem:s4+$0x17070] =	vst v4;
	v4 =	vld [tilespmem:s4+$0x10940]  }
0x1d1: {  	[tilespmem:s4+$0x170C0] =	vst v0;
	v5 =	vld [tilespmem:s4+$0x10950]  }
.Ltmp3:
0x1d2: {  	[tilespmem:s4+$0x170D0] =	vst v1;
	v0 =	vld [tilespmem:s4+$0x10960];
	(pc) =	sbr.rel @p2 .LBB2_9-.Ltmp3, $4  }
0x1d3: {  	[tilespmem:s4+$0x170E0] =	vst v2;
	v1 =	vld [tilespmem:s4+$0x10970]  }
0x1d4: {  	[tilespmem:s4+$0x170F0] =	vst v3;
	v2 =	vld [tilespmem:s4+$0x109C0]  }
0x1d5: {  	[tilespmem:s4+$0x17140] =	vst v4;
	v3 =	vld [tilespmem:s4+$0x109D0]  }
0x1d6: {  	s10 =	sshra.s32 s7, $0x2;
	s7 =	sadd.s32 $0x1000, s7;
	[tilespmem:s4+$0x17150] =	vst v5;
	v4 =	vld [tilespmem:s4+$0x109E0]  }
0x1d7: {  	v5 =	vld [tilespmem:s10+$0x109F0];
	[tilespmem:s4+$0x17160] =	vst v0  }
0x1d8: {  	v0 =	vld [tilespmem:s10+$0x10640];
	[tilespmem:s4+$0x17170] =	vst v1  }
0x1d9: {  	v1 =	vld [tilespmem:s10+$0x10650];
	[tilespmem:s4+$0x171C0] =	vst v2  }
0x1da: {  	v2 =	vld [tilespmem:s10+$0x10660];
	[tilespmem:s4+$0x171D0] =	vst v3  }
0x1db: {  	v3 =	vld [tilespmem:s10+$0x10670];
	[tilespmem:s4+$0x171E0] =	vst v4  }
0x1dc: {  	v4 =	vld [tilespmem:s10+$0x106C0];
	[tilespmem:s10+$0x171F0] =	vst v5  }
0x1dd: {  	v38 =	vld [tilespmem:s10+$0x106D0];
	[tilespmem:s10+$0x16E40] =	vst v0  }
0x1de: {  	v39 =	vld [tilespmem:s10+$0x106E0];
	[tilespmem:s10+$0x16E50] =	vst v1  }
0x1df: {  	v40 =	vld [tilespmem:s10+$0x106F0];
	[tilespmem:s10+$0x16E60] =	vst v2  }
0x1e0: {  	v41 =	vld [tilespmem:s10+$0x10740];
	[tilespmem:s10+$0x16E70] =	vst v3  }
0x1e1: {  	v42 =	vld [tilespmem:s10+$0x10750];
	[tilespmem:s10+$0x16EC0] =	vst v4  }
0x1e2: {  	v43 =	vld [tilespmem:s10+$0x10760];
	[tilespmem:s10+$0x16ED0] =	vst v38  }
0x1e3: {  	v44 =	vld [tilespmem:s10+$0x10770];
	[tilespmem:s10+$0x16EE0] =	vst v39  }
0x1e4: {  	v45 =	vld [tilespmem:s10+$0x107C0];
	[tilespmem:s10+$0x16EF0] =	vst v40  }
0x1e5: {  	v46 =	vld [tilespmem:s10+$0x107D0];
	[tilespmem:s10+$0x16F40] =	vst v41  }
0x1e6: {  	v47 =	vld [tilespmem:s10+$0x107E0];
	[tilespmem:s10+$0x16F50] =	vst v42  }
0x1e7: {  	v48 =	vld [tilespmem:s10+$0x107F0];
	[tilespmem:s10+$0x16F60] =	vst v43  }
0x1e8: {  	v49 =	vld [tilespmem:s10+$0x10840];
	[tilespmem:s10+$0x16F70] =	vst v44  }
0x1e9: {  	v50 =	vld [tilespmem:s10+$0x10850];
	[tilespmem:s10+$0x16FC0] =	vst v45  }
0x1ea: {  	v51 =	vld [tilespmem:s10+$0x10860];
	[tilespmem:s10+$0x16FD0] =	vst v46  }
0x1eb: {  	v52 =	vld [tilespmem:s10+$0x10870];
	[tilespmem:s10+$0x16FE0] =	vst v47  }
0x1ec: {  	v53 =	vld [tilespmem:s10+$0x108C0];
	[tilespmem:s10+$0x16FF0] =	vst v48  }
0x1ed: {  	v54 =	vld [tilespmem:s10+$0x108D0];
	[tilespmem:s10+$0x17040] =	vst v49  }
0x1ee: {  	v55 =	vld [tilespmem:s10+$0x108E0];
	[tilespmem:s10+$0x17050] =	vst v50  }
0x1ef: {  	v56 =	vld [tilespmem:s10+$0x108F0];
	[tilespmem:s10+$0x17060] =	vst v51  }
0x1f0: {  	v57 =	vld [tilespmem:s10+$0x10940];
	[tilespmem:s10+$0x17070] =	vst v52  }
0x1f1: {  	v58 =	vld [tilespmem:s10+$0x10950];
	[tilespmem:s10+$0x170C0] =	vst v53  }
0x1f2: {  	v59 =	vld [tilespmem:s10+$0x10960];
	[tilespmem:s10+$0x170D0] =	vst v54  }
0x1f3: {  	v60 =	vld [tilespmem:s10+$0x10970];
	[tilespmem:s10+$0x170E0] =	vst v55  }
0x1f4: {  	v61 =	vld [tilespmem:s10+$0x109C0];
	[tilespmem:s10+$0x170F0] =	vst v56  }
0x1f5: {  	v62 =	vld [tilespmem:s10+$0x109D0];
	[tilespmem:s10+$0x17140] =	vst v57  }
0x1f6: {  	v63 =	vld [tilespmem:s10+$0x109E0];
	[tilespmem:s10+$0x17150] =	vst v58  }
0x1f7: {  	[tilespmem:s10+$0x17160] =	vst v59  }
0x1f8: {  	[tilespmem:s10+$0x17170] =	vst v60  }
0x1f9: {  	[tilespmem:s10+$0x171C0] =	vst v61  }
0x1fa: {  	[tilespmem:s10+$0x171D0] =	vst v62  }
0x1fb: {  	s18 =	sadd.s32 s6, s15;
	s7 =	simm.s32 @!p1 $0x10640;
	s14 =	sadd.s32 $0x1, s14;
	[tilespmem:s10+$0x171E0] =	vst v63  }
0x1fc: {  	[tilespmem:s7], [sflag:$0x4] =	stream.linear.gather @!p1 [spmem:s8], $0x3400, $0x38;
	[tilespmem:$0x1A240] =	vst v63  }
0x1fd: {  	s4 =	smul.u32 $0x6400, s18;
	p1 =	sne.s32 s14, $0x40  }
.Ltmp4:
0x1fe: {  	_ = 	snop;
	(pc) =	sbr.rel @p1 .LBB2_2-.Ltmp4, $4  }
0x1ff: {  	s4 =	sshrl.u32 s4, $0x3  }
0x200: {  	s4 =	sadd.s32 s5, s4  }
0x201: {  	s4 =	sadd.s32 $0x600, s4  }
0x202: {  	[hbm4b:s4+s2] =	stream.linear.scatter [tilespmem:s22], [sflag:$0xA], $0x3400, $0x38;
	[tilespmem:$0x1A240] =	vst v63  }
0x203: {  	_ =	swait.ge [sflag:s30], $0x3000  }
0x204: {  	[sflag:s30] =	ssyncset.done $0x0  }
0x205: {  	[sflag:s30] =	ssyncadd.s32 $0xFFFFD000  }
0x206: {  	_ =	swait.ge [sflag:s0], $0x3400  }
0x207: {  	s12 =	sadd.s32 $0x1, s12;
	s4 =	rddreg [dreg:$0x5]  }
0x208: {  	p1 =	sne.s32 s12, s4  }
.Ltmp5:
0x209: {  	_ = 	snop;
	(pc) =	sbr.rel @p1 .LBB2_1-.Ltmp5, $3  }
0x20a: {  	_ =	sdelay $0x1  }
0x20b: {  	[sflag:s0] =	ssyncset.done $0x0  }
0x20c: {  	[sflag:s0] =	ssyncadd.s32 $0xFFFFCC00  }
0x20d: {  	_ =	sfence.sel $0x180000  }
0x20e: {  	[bflag:$0x0] =	sbarrier.arrive $0xFFFF  }
0x20f: {  	_ =	strace $0x90000047  }
0x210: {  	[bflag:$0x2] =	sbarrier.arrive $0xFFFF  }
0x211: {  	s0 =	rddreg [dreg:$0x2]  }
0x212: {  	s0 =	sadd.s32 @!p0 $0x100000, s0  }
0x213: {  	[sflag:s0] =	ssyncadd.tile.s32 @!p0 $0x1;
	_ =	shalt  }
.Lfunc_end2:
_tile_overlayer_lowered:
.L_overlay_start_2:
0x214: {  	(tag) =	ssettag $0x2  }
0x215: {  	s0 =	rddreg [dreg:$0x0];
	s2 =	stileid.u32  }
0x216: {  	s1 =	rddreg [dreg:$0x1];
	p0 =	sne.s32 s2, $0x0  }
0x217: {  	s3 =	rddreg [dreg:$0x2];
	[bflag:$0x3] =	sbarrier.arrive $0xFFFF;
	s2 =	simm.s32 @!p0 $0x1C0B  }
0x218: {  	[timem:s3], [sflag:s2] =	dma.local @!p0 [hbm:s0], s1  }
0x219: {  	s0 =	simm.s32 @!p0 $0xB  }
0x21a: {  	_ =	swait.ge @!p0 [sflag:s0], s1  }
0x21b: {  	s1 =	ssub.s32 @!p0 $0x0, s1;
	[sflag:s0] =	ssyncset.done @!p0 $0x0  }
0x21c: {  	[sflag:s0] =	ssyncadd.s32 @!p0 s1  }
0x21d: {  	[bflag:$0x3] =	sbarrier.arrive $0xFFFF  }
0x21e: {  	_ =	shalt  }

</sc_bundles>
